<compile_context>
chip_gen: v7x
topology: tpu7x:2x2x1
jax: 0.10.2.dev20260603
libtpu: 0.0.44.dev20260713+nightly
codegen_flags: <defaults>
</compile_context>

<pallas_src>
import functools

import jax
import jax.numpy as jnp
from jax import lax
from jax.experimental import pallas as pl
from jax.experimental.pallas import tpu as pltpu
from jax.experimental.pallas import tpu_sc as plsc

_N = 8192
_D = 64
_K = 16
_QB = 256
_LANES = 128
_GAMMA2_INV = 0.25

_INT_MAX = 0x7FFFFFFF


def _knn_body(pos_ref, post_ref, out_ref, outn_ref, idx_ref, wts_ref):
    pid = pl.program_id(0)

    o = out_ref[...]
    nrm = jnp.sqrt(jnp.sum(o * o, axis=1, keepdims=True))
    outn_ref[...] = o / jnp.maximum(nrm, 1e-12)

    q = pos_ref[...]
    kt = post_ref[...]
    sq_q = jnp.sum(q * q, axis=1, keepdims=True)
    sq_k = jnp.sum(kt * kt, axis=0, keepdims=True)
    dot = jnp.dot(q, kt, preferred_element_type=jnp.float32)

    qidx = pid * _QB + lax.broadcasted_iota(jnp.int32, (_QB, 1), 0)
    lane = lax.broadcasted_iota(jnp.int32, (_QB, _LANES), 1)

    imax = jnp.full((_QB, _LANES), _INT_MAX, jnp.int32)
    m1, m2, m3 = imax, imax, imax
    nchunk = _N // _LANES
    for c in range(nchunk):
        sl = slice(c * _LANES, (c + 1) * _LANES)
        d2c = jnp.maximum(sq_q + sq_k[:, sl] - 2.0 * dot[:, sl], 0.0)
        kidx = jnp.int32(c * _LANES) + lane
        d2c = jnp.where(kidx == qidx, jnp.inf, d2c)
        bits = lax.bitcast_convert_type(d2c, jnp.int32)
        x = jnp.bitwise_or(jnp.bitwise_and(bits, jnp.int32(-64)), jnp.int32(c))
        n1 = jnp.minimum(m1, x)
        h1 = jnp.maximum(m1, x)
        n2 = jnp.minimum(m2, h1)
        h2 = jnp.maximum(m2, h1)
        n3 = jnp.minimum(m3, h2)
        m1, m2, m3 = n1, n2, n3

    idx_cols = []
    wts_cols = []
    big_lane = jnp.int32(_LANES)
    sent = jnp.int32(_INT_MAX)
    for _ in range(_K):
        mv = jnp.min(m1, axis=1, keepdims=True)
        win0 = m1 == mv
        wl = jnp.min(jnp.where(win0, lane, big_lane), axis=1, keepdims=True)
        win = win0 & (lane == wl)
        chunk = jnp.bitwise_and(mv, jnp.int32(63))
        kix = chunk * _LANES + wl
        d2b = jnp.bitwise_and(mv, jnp.int32(-64))
        d2f = lax.bitcast_convert_type(d2b, jnp.float32)
        w = jnp.where(d2f < 1e30, jnp.exp(-d2f * _GAMMA2_INV), 0.0)
        idx_cols.append(kix)
        wts_cols.append(w)
        m1 = jnp.where(win, m2, m1)
        m2 = jnp.where(win, m3, m2)
        m3 = jnp.where(win, sent, m3)
    idx_ref[...] = jnp.concatenate(idx_cols, axis=1)
    wts_ref[...] = jnp.concatenate(wts_cols, axis=1)


def _tc_knn(pos, post, out):
    n = pos.shape[0]
    grid = (n // _QB,)
    return pl.pallas_call(
        _knn_body,
        grid=grid,
        in_specs=[
            pl.BlockSpec((_QB, 4), lambda i: (i, 0)),
            pl.BlockSpec((4, n), lambda i: (0, 0)),
            pl.BlockSpec((_QB, _D), lambda i: (i, 0)),
        ],
        out_specs=[
            pl.BlockSpec((_QB, _D), lambda i: (i, 0)),
            pl.BlockSpec((_QB, _K), lambda i: (i, 0)),
            pl.BlockSpec((_QB, _K), lambda i: (i, 0)),
        ],
        out_shape=[
            jax.ShapeDtypeStruct((n, _D), jnp.float32),
            jax.ShapeDtypeStruct((n, _K), jnp.int32),
            jax.ShapeDtypeStruct((n, _K), jnp.float32),
        ],
    )(pos, post, out)


_NW = 32
_QW = _N // _NW
_ECH = 128
_NCH = _QW * _K // _ECH


def _sc_edge_body(outn_hbm, idx_hbm, wts_hbm, out_hbm,
                  idx_v, wts_v, src_v, rows_v, acc_v, sem):
    wid = lax.axis_index("s") * 2 + lax.axis_index("c")
    pltpu.sync_copy(idx_hbm.at[wid], idx_v)
    pltpu.sync_copy(wts_hbm.at[wid], wts_v)
    pltpu.sync_copy(outn_hbm.at[pl.ds(wid * _QW, _QW)], src_v)

    def chunk_body(j, acc):
        pltpu.async_copy(outn_hbm.at[idx_v.at[j]], rows_v, sem).wait()

        def query_body(u, acc_in):
            q = j * (_ECH // _K) + u
            wv = wts_v[j, pl.ds(u * _K, _K)]
            b = [src_v[q, pl.ds(p * 16, 16)] for p in range(4)]
            for t in range(_K):
                e = u * _K + t
                s = jnp.abs(rows_v[e, pl.ds(0, 16)] - b[0])
                for p in range(1, 4):
                    s = s + jnp.abs(rows_v[e, pl.ds(p * 16, 16)] - b[p])
                acc_in = acc_in + wv[t] * s
            return acc_in

        return lax.fori_loop(0, _ECH // _K, query_body, acc)

    acc = lax.fori_loop(0, _NCH, chunk_body, jnp.zeros((16,), jnp.float32))
    acc_v[...] = acc
    pltpu.sync_copy(acc_v, out_hbm.at[wid])


def _sc_edge_loss(outn, idx, wts):
    mesh = plsc.VectorSubcoreMesh(core_axis_name="c", subcore_axis_name="s")
    kfn = functools.partial(
        pl.kernel,
        out_type=jax.ShapeDtypeStruct((_NW, 16), jnp.float32),
        mesh=mesh,
        compiler_params=pltpu.CompilerParams(use_tc_tiling_on_sc=False),
        scratch_types=[
            pltpu.VMEM((_NCH, _ECH), jnp.int32),
            pltpu.VMEM((_NCH, _ECH), jnp.float32),
            pltpu.VMEM((_QW, _D), jnp.float32),
            pltpu.VMEM((_ECH, _D), jnp.float32),
            pltpu.VMEM((16,), jnp.float32),
            pltpu.SemaphoreType.DMA,
        ],
    )(_sc_edge_body)
    idx3 = idx.reshape(_NW, _NCH, _ECH)
    wts3 = wts.reshape(_NW, _NCH, _ECH)
    return kfn(outn, idx3, wts3)


def kernel(coord, intensity, out, target):
    pos = jnp.concatenate(
        [coord[:, 1:4], jnp.zeros((coord.shape[0], 1), jnp.float32)], axis=1)
    post = pos.T
    outn, idx, wts = _tc_knn(pos, post, out)
    partials = _sc_edge_loss(outn, idx, wts)
    n = coord.shape[0]
    return jnp.sum(partials) / jnp.float32(n * _K)

# --- scband reference (transcript-rebuilt; emitter-appended) ---
"""Pipeline reference for scband-graph-total-variation-35588099014976 (READ-ONLY COPY).

The authoritative reference and input builder live on the scoring server;
editing this copy changes nothing except your own understanding.
"""

import jax, jax.numpy as jnp
import numpy as np

N = 8192
D = 64
K = 16
GAMMA = 2.0
LOSS_WEIGHT = 1.0


def setup_inputs(seed: int = 0) -> dict:
    key = jax.random.key(seed)
    k1, k2, k3, k4 = jax.random.split(key, 4)
    coord = jax.random.uniform(k1, (N, 4), dtype=jnp.float32)
    # column 0 is the batch id; use a single batch (all zeros) so knn is global
    coord = coord.at[:, 0].set(0.0)
    intensity = jax.random.uniform(k2, (N,), dtype=jnp.float32)
    out = jax.random.normal(k3, (N, D), dtype=jnp.float32)
    target = jax.random.normal(k4, (N, D), dtype=jnp.float32)
    return {"coord": coord, "intensity": intensity, "out": out, "target": target}


def _knn_edges(pos, k):
    # brute-force knn: for each query point, find k+1 nearest (incl. self),
    # then drop the self loop (mirrors torch_cluster.knn + remove_self_loops)
    sq = jnp.sum(pos * pos, axis=1)
    d2 = sq[:, None] + sq[None, :] - 2.0 * (pos @ pos.T)
    _, nbrs = jax.lax.top_k(-d2, k + 1)  # [N, k+1], nearest first
    n = pos.shape[0]
    idx = jnp.arange(n)
    self_mask = (nbrs == idx[:, None]).astype(jnp.int32)
    # stable argsort pushes the self index to the end, keeping distance order
    order = jnp.argsort(self_mask, axis=1)
    nbr_k = jnp.take_along_axis(nbrs, order[:, :k], axis=1)
    src = jnp.repeat(idx, k)          # edges[0]: query index
    dst = nbr_k.reshape(-1)           # edges[1]: neighbor index
    return src, dst


def reference(coord, intensity, out, target) -> jnp.ndarray:
    assert out.shape[0] == coord.shape[0] == target.shape[0] == intensity.shape[0]
    # F.normalize(out): L2 normalize along dim=1 with eps=1e-12
    nrm = jnp.linalg.norm(out, axis=1, keepdims=True)
    out_n = out / jnp.clip(nrm, 1e-12)
    # knn block is under torch.no_grad()
    coord_ng = jax.lax.stop_gradient(coord)
    pos = coord_ng[:, 1:4]
    src, dst = _knn_edges(pos, K)
    p_i = pos[src]
    p_j = pos[dst]
    weight = jnp.exp(-jnp.square(jnp.linalg.norm(p_i - p_j, axis=1) / GAMMA))
    out_i = out_n[src]
    out_j = out_n[dst]
    loss = jnp.abs(out_i - out_j)
    loss = (loss * weight[:, None]).sum(axis=-1).mean()
    return loss * LOSS_WEIGHT

if __name__ == "__main__":
    import jax
    _d = setup_inputs()
    print(jax.jit(kernel)(*tuple(_d.values())))

</pallas_src>

<mosaic_0001>
#map = affine_map<(d0, d1) -> (0, 0)>
#map1 = affine_map<(d0, d1) -> (0, 0, 0)>
module attributes {stable_mosaic.version = 14 : i64} {
  func.func @_sc_edge_body(%arg0: i32, %arg1: i32, %arg2: memref<8192x64xf32, #tpu.memory_space<hbm>>, %arg3: memref<32x32x128xi32, #tpu.memory_space<hbm>>, %arg4: memref<32x32x128xf32, #tpu.memory_space<hbm>>, %arg5: memref<32x16xf32, #tpu.memory_space<hbm>>, %arg6: memref<32x128xi32, #tpu.memory_space<vmem>>, %arg7: memref<32x128xf32, #tpu.memory_space<vmem>>, %arg8: memref<256x64xf32, #tpu.memory_space<vmem>>, %arg9: memref<128x64xf32, #tpu.memory_space<vmem>>, %arg10: memref<16xf32, #tpu.memory_space<vmem>>, %arg11: memref<!tpu.dma_semaphore, #tpu.memory_space<semaphore_mem>>) attributes {dimension_semantics = [#tpu.dimension_semantics<core_parallel>, #tpu.dimension_semantics<subcore_parallel>], iteration_bounds = array<i64: 2, 16>, scalar_prefetch = 0 : i64, scratch_operands = 6 : i64, tpu.core_type = #tpu.core_type<sc_vector_subcore>, window_params = [{transform_indices = #map}, {transform_indices = #map1}, {transform_indices = #map1}, {transform_indices = #map}]} {
    %mul3A = arith.constant 2 : i32
    %mul3A_0 = arith.muli %arg1, %mul3A : i32
    %add3A = arith.addi %mul3A_0, %arg0 : i32
    "tpu.region"() ({
      %run_scoped3A = tpu.sem_alloc : memref<!tpu.dma_semaphore, #tpu.memory_space<semaphore_mem>>
      %dma_start3A = arith.constant 0 : i32
      %dma_start3A_12 = arith.constant 0 : i32
      %dma_start3A_13 = tpu.memref_slice %arg3[%add3A, %dma_start3A, %dma_start3A_12] : memref<32x32x128xi32, #tpu.memory_space<hbm>> -> memref<1x32x128xi32, #tpu.memory_space<hbm>>
      %dma_start3A_14 = tpu.memref_squeeze %dma_start3A_13 : memref<1x32x128xi32, #tpu.memory_space<hbm>> -> memref<32x128xi32, #tpu.memory_space<hbm>>
      %dma_start3A_15 = arith.constant 0 : i32
      %dma_start3A_16 = arith.constant 0 : i32
      %dma_start3A_17 = tpu.memref_slice %arg3[%add3A, %dma_start3A_15, %dma_start3A_16] : memref<32x32x128xi32, #tpu.memory_space<hbm>> -> memref<1x32x128xi32, #tpu.memory_space<hbm>>
      %dma_start3A_18 = tpu.memref_squeeze %dma_start3A_17 : memref<1x32x128xi32, #tpu.memory_space<hbm>> -> memref<32x128xi32, #tpu.memory_space<hbm>>
      tpu.enqueue_dma source(%dma_start3A_18 : memref<32x128xi32, #tpu.memory_space<hbm>>) target(%arg6 : memref<32x128xi32, #tpu.memory_space<vmem>>) target_semaphore(%run_scoped3A : memref<!tpu.dma_semaphore, #tpu.memory_space<semaphore_mem>>)
      %dma_wait3A = arith.constant 0 : i32
      %dma_wait3A_19 = arith.constant 0 : i32
      %dma_wait3A_20 = tpu.memref_slice %arg3[%add3A, %dma_wait3A, %dma_wait3A_19] : memref<32x32x128xi32, #tpu.memory_space<hbm>> -> memref<1x32x128xi32, #tpu.memory_space<hbm>>
      %dma_wait3A_21 = tpu.memref_squeeze %dma_wait3A_20 : memref<1x32x128xi32, #tpu.memory_space<hbm>> -> memref<32x128xi32, #tpu.memory_space<hbm>>
      %dma_wait3A_22 = arith.constant 0 : i32
      %dma_wait3A_23 = arith.constant 0 : i32
      %dma_wait3A_24 = tpu.memref_slice %arg3[%add3A, %dma_wait3A_22, %dma_wait3A_23] : memref<32x32x128xi32, #tpu.memory_space<hbm>> -> memref<1x32x128xi32, #tpu.memory_space<hbm>>
      %dma_wait3A_25 = tpu.memref_squeeze %dma_wait3A_24 : memref<1x32x128xi32, #tpu.memory_space<hbm>> -> memref<32x128xi32, #tpu.memory_space<hbm>>
      tpu.wait_dma2 semaphore(%run_scoped3A : memref<!tpu.dma_semaphore, #tpu.memory_space<semaphore_mem>>) src(%dma_wait3A_25 : memref<32x128xi32, #tpu.memory_space<hbm>>) dst(%arg6 : memref<32x128xi32, #tpu.memory_space<vmem>>)
      tpu.yield
    }) : () -> ()
    "tpu.region"() ({
      %run_scoped3A = tpu.sem_alloc : memref<!tpu.dma_semaphore, #tpu.memory_space<semaphore_mem>>
      %dma_start3A = arith.constant 0 : i32
      %dma_start3A_12 = arith.constant 0 : i32
      %dma_start3A_13 = tpu.memref_slice %arg4[%add3A, %dma_start3A, %dma_start3A_12] : memref<32x32x128xf32, #tpu.memory_space<hbm>> -> memref<1x32x128xf32, #tpu.memory_space<hbm>>
      %dma_start3A_14 = tpu.memref_squeeze %dma_start3A_13 : memref<1x32x128xf32, #tpu.memory_space<hbm>> -> memref<32x128xf32, #tpu.memory_space<hbm>>
      %dma_start3A_15 = arith.constant 0 : i32
      %dma_start3A_16 = arith.constant 0 : i32
      %dma_start3A_17 = tpu.memref_slice %arg4[%add3A, %dma_start3A_15, %dma_start3A_16] : memref<32x32x128xf32, #tpu.memory_space<hbm>> -> memref<1x32x128xf32, #tpu.memory_space<hbm>>
      %dma_start3A_18 = tpu.memref_squeeze %dma_start3A_17 : memref<1x32x128xf32, #tpu.memory_space<hbm>> -> memref<32x128xf32, #tpu.memory_space<hbm>>
      tpu.enqueue_dma source(%dma_start3A_18 : memref<32x128xf32, #tpu.memory_space<hbm>>) target(%arg7 : memref<32x128xf32, #tpu.memory_space<vmem>>) target_semaphore(%run_scoped3A : memref<!tpu.dma_semaphore, #tpu.memory_space<semaphore_mem>>)
      %dma_wait3A = arith.constant 0 : i32
      %dma_wait3A_19 = arith.constant 0 : i32
      %dma_wait3A_20 = tpu.memref_slice %arg4[%add3A, %dma_wait3A, %dma_wait3A_19] : memref<32x32x128xf32, #tpu.memory_space<hbm>> -> memref<1x32x128xf32, #tpu.memory_space<hbm>>
      %dma_wait3A_21 = tpu.memref_squeeze %dma_wait3A_20 : memref<1x32x128xf32, #tpu.memory_space<hbm>> -> memref<32x128xf32, #tpu.memory_space<hbm>>
      %dma_wait3A_22 = arith.constant 0 : i32
      %dma_wait3A_23 = arith.constant 0 : i32
      %dma_wait3A_24 = tpu.memref_slice %arg4[%add3A, %dma_wait3A_22, %dma_wait3A_23] : memref<32x32x128xf32, #tpu.memory_space<hbm>> -> memref<1x32x128xf32, #tpu.memory_space<hbm>>
      %dma_wait3A_25 = tpu.memref_squeeze %dma_wait3A_24 : memref<1x32x128xf32, #tpu.memory_space<hbm>> -> memref<32x128xf32, #tpu.memory_space<hbm>>
      tpu.wait_dma2 semaphore(%run_scoped3A : memref<!tpu.dma_semaphore, #tpu.memory_space<semaphore_mem>>) src(%dma_wait3A_25 : memref<32x128xf32, #tpu.memory_space<hbm>>) dst(%arg7 : memref<32x128xf32, #tpu.memory_space<vmem>>)
      tpu.yield
    }) : () -> ()
    %mul3A_1 = arith.constant 256 : i32
    %mul3A_2 = arith.muli %add3A, %mul3A_1 : i32
    "tpu.region"() ({
      %run_scoped3A = tpu.sem_alloc : memref<!tpu.dma_semaphore, #tpu.memory_space<semaphore_mem>>
      %dma_start3A = arith.constant 0 : i32
      %dma_start3A_12 = tpu.memref_slice %arg2[%mul3A_2, %dma_start3A] : memref<8192x64xf32, #tpu.memory_space<hbm>> -> memref<256x64xf32, #tpu.memory_space<hbm>>
      %dma_start3A_13 = arith.constant 0 : i32
      %dma_start3A_14 = tpu.memref_slice %arg2[%mul3A_2, %dma_start3A_13] : memref<8192x64xf32, #tpu.memory_space<hbm>> -> memref<256x64xf32, #tpu.memory_space<hbm>>
      tpu.enqueue_dma source(%dma_start3A_14 : memref<256x64xf32, #tpu.memory_space<hbm>>) target(%arg8 : memref<256x64xf32, #tpu.memory_space<vmem>>) target_semaphore(%run_scoped3A : memref<!tpu.dma_semaphore, #tpu.memory_space<semaphore_mem>>)
      %dma_wait3A = arith.constant 0 : i32
      %dma_wait3A_15 = tpu.memref_slice %arg2[%mul3A_2, %dma_wait3A] : memref<8192x64xf32, #tpu.memory_space<hbm>> -> memref<256x64xf32, #tpu.memory_space<hbm>>
      %dma_wait3A_16 = arith.constant 0 : i32
      %dma_wait3A_17 = tpu.memref_slice %arg2[%mul3A_2, %dma_wait3A_16] : memref<8192x64xf32, #tpu.memory_space<hbm>> -> memref<256x64xf32, #tpu.memory_space<hbm>>
      tpu.wait_dma2 semaphore(%run_scoped3A : memref<!tpu.dma_semaphore, #tpu.memory_space<semaphore_mem>>) src(%dma_wait3A_17 : memref<256x64xf32, #tpu.memory_space<hbm>>) dst(%arg8 : memref<256x64xf32, #tpu.memory_space<vmem>>)
      tpu.yield
    }) : () -> ()
    %broadcast_in_dim3A = arith.constant 0.000000e+00 : f32
    %broadcast_in_dim3A_3 = vector.broadcast %broadcast_in_dim3A : f32 to vector<16xf32>
    %scan3A = arith.constant 0 : i32
    %scan3A_4 = arith.constant 32 : i32
    %scan3A_5 = arith.addi %scan3A, %scan3A_4 : i32
    %scan3A_6 = arith.constant 1 : i32
    %scan3A_7 = scf.for %scan3A_12 = %scan3A to %scan3A_5 step %scan3A_6 iter_args(%scan3A_13 = %broadcast_in_dim3A_3) -> (vector<16xf32>)  : i32 {
      %dma_start3A = arith.constant 0 : i32
      %dma_start3A_14 = tpu.memref_slice %arg6[%scan3A_12, %dma_start3A] : memref<32x128xi32, #tpu.memory_space<vmem>> -> memref<1x128xi32, #tpu.memory_space<vmem>>
      %dma_start3A_15 = tpu.memref_squeeze %dma_start3A_14 : memref<1x128xi32, #tpu.memory_space<vmem>> -> memref<128xi32, #tpu.memory_space<vmem>>
      %dma_start3A_16 = arith.constant 0 : i32
      %dma_start3A_17 = arith.constant 0 : i32
      %dma_start3A_18 = tpu.memref_slice %arg2[%dma_start3A_16, %dma_start3A_17] : memref<8192x64xf32, #tpu.memory_space<hbm>> -> memref<8192x64xf32, #tpu.memory_space<hbm>>
      tpu.enqueue_indirect_dma source(%dma_start3A_18 : memref<8192x64xf32, #tpu.memory_space<hbm>>) target(%arg9 : memref<128x64xf32, #tpu.memory_space<vmem>>) offsets(%dma_start3A_15 : memref<128xi32, #tpu.memory_space<vmem>>) semaphore(%arg11 : memref<!tpu.dma_semaphore, #tpu.memory_space<semaphore_mem>>)
      %dma_wait3A = arith.constant 0 : i32
      %dma_wait3A_19 = tpu.memref_slice %arg6[%scan3A_12, %dma_wait3A] : memref<32x128xi32, #tpu.memory_space<vmem>> -> memref<1x128xi32, #tpu.memory_space<vmem>>
      %dma_wait3A_20 = tpu.memref_squeeze %dma_wait3A_19 : memref<1x128xi32, #tpu.memory_space<vmem>> -> memref<128xi32, #tpu.memory_space<vmem>>
      %dma_wait3A_21 = arith.constant 0 : i32
      %dma_wait3A_22 = arith.constant 0 : i32
      %dma_wait3A_23 = tpu.memref_slice %arg2[%dma_wait3A_21, %dma_wait3A_22] : memref<8192x64xf32, #tpu.memory_space<hbm>> -> memref<8192x64xf32, #tpu.memory_space<hbm>>
      tpu.wait_indirect_dma semaphore(%arg11 : memref<!tpu.dma_semaphore, #tpu.memory_space<semaphore_mem>>) src(%dma_wait3A_23 : memref<8192x64xf32, #tpu.memory_space<hbm>>) dst(%arg9 : memref<128x64xf32, #tpu.memory_space<vmem>>)
      %scan3A_24 = arith.constant 0 : i32
      %scan3A_25 = arith.constant 8 : i32
      %scan3A_26 = arith.addi %scan3A_24, %scan3A_25 : i32
      %scan3A_27 = arith.constant 1 : i32
      %scan3A_28 = scf.for %scan3A_30 = %scan3A_24 to %scan3A_26 step %scan3A_27 iter_args(%scan3A_31 = %scan3A_13) -> (vector<16xf32>)  : i32 {
        %mul3A_32 = arith.constant 8 : i32
        %mul3A_33 = arith.muli %scan3A_12, %mul3A_32 : i32
        %add3A_34 = arith.addi %mul3A_33, %scan3A_30 : i32
        %mul3A_35 = arith.constant 16 : i32
        %mul3A_36 = arith.muli %scan3A_30, %mul3A_35 : i32
        %get3A = arith.index_cast %scan3A_12 : i32 to index
        %get3A_37 = arith.index_cast %mul3A_36 : i32 to index
        %get3A_38 = tpu.vector_load %arg7[%get3A, %get3A_37] {strides = array<i32>} : memref<32x128xf32, #tpu.memory_space<vmem>>, vector<1x16xf32>,
        %get3A_39 = vector.shape_cast %get3A_38 : vector<1x16xf32> to vector<16xf32>
        %get3A_40 = arith.index_cast %add3A_34 : i32 to index
        %get3A_41 = arith.constant 0 : index
        %get3A_42 = tpu.vector_load %arg8[%get3A_40, %get3A_41] {strides = array<i32>} : memref<256x64xf32, #tpu.memory_space<vmem>>, vector<1x16xf32>,
        %get3A_43 = vector.shape_cast %get3A_42 : vector<1x16xf32> to vector<16xf32>
        %get3A_44 = arith.index_cast %add3A_34 : i32 to index
        %get3A_45 = arith.constant 16 : index
        %get3A_46 = tpu.vector_load %arg8[%get3A_44, %get3A_45] {strides = array<i32>} : memref<256x64xf32, #tpu.memory_space<vmem>>, vector<1x16xf32>,
        %get3A_47 = vector.shape_cast %get3A_46 : vector<1x16xf32> to vector<16xf32>
        %get3A_48 = arith.index_cast %add3A_34 : i32 to index
        %get3A_49 = arith.constant 32 : index
        %get3A_50 = tpu.vector_load %arg8[%get3A_48, %get3A_49] {strides = array<i32>} : memref<256x64xf32, #tpu.memory_space<vmem>>, vector<1x16xf32>,
        %get3A_51 = vector.shape_cast %get3A_50 : vector<1x16xf32> to vector<16xf32>
        %get3A_52 = arith.index_cast %add3A_34 : i32 to index
        %get3A_53 = arith.constant 48 : index
        %get3A_54 = tpu.vector_load %arg8[%get3A_52, %get3A_53] {strides = array<i32>} : memref<256x64xf32, #tpu.memory_space<vmem>>, vector<1x16xf32>,
        %get3A_55 = vector.shape_cast %get3A_54 : vector<1x16xf32> to vector<16xf32>
        %mul3A_56 = arith.constant 16 : i32
        %mul3A_57 = arith.muli %scan3A_30, %mul3A_56 : i32
        %add3A_58 = arith.constant 0 : i32
        %add3A_59 = arith.addi %mul3A_57, %add3A_58 : i32
        %get3A_60 = arith.index_cast %add3A_59 : i32 to index
        %get3A_61 = arith.constant 0 : index
        %get3A_62 = tpu.vector_load %arg9[%get3A_60, %get3A_61] {strides = array<i32>} : memref<128x64xf32, #tpu.memory_space<vmem>>, vector<1x16xf32>,
        %get3A_63 = vector.shape_cast %get3A_62 : vector<1x16xf32> to vector<16xf32>
        %sub3A = arith.subf %get3A_63, %get3A_43 : vector<16xf32>
        %abs3A = math.absf %sub3A : vector<16xf32>
        %get3A_64 = arith.index_cast %add3A_59 : i32 to index
        %get3A_65 = arith.constant 16 : index
        %get3A_66 = tpu.vector_load %arg9[%get3A_64, %get3A_65] {strides = array<i32>} : memref<128x64xf32, #tpu.memory_space<vmem>>, vector<1x16xf32>,
        %get3A_67 = vector.shape_cast %get3A_66 : vector<1x16xf32> to vector<16xf32>
        %sub3A_68 = arith.subf %get3A_67, %get3A_47 : vector<16xf32>
        %abs3A_69 = math.absf %sub3A_68 : vector<16xf32>
        %add3A_70 = arith.addf %abs3A, %abs3A_69 : vector<16xf32>
        %get3A_71 = arith.index_cast %add3A_59 : i32 to index
        %get3A_72 = arith.constant 32 : index
        %get3A_73 = tpu.vector_load %arg9[%get3A_71, %get3A_72] {strides = array<i32>} : memref<128x64xf32, #tpu.memory_space<vmem>>, vector<1x16xf32>,
        %get3A_74 = vector.shape_cast %get3A_73 : vector<1x16xf32> to vector<16xf32>
        %sub3A_75 = arith.subf %get3A_74, %get3A_51 : vector<16xf32>
        %abs3A_76 = math.absf %sub3A_75 : vector<16xf32>
        %add3A_77 = arith.addf %add3A_70, %abs3A_76 : vector<16xf32>
        %get3A_78 = arith.index_cast %add3A_59 : i32 to index
        %get3A_79 = arith.constant 48 : index
        %get3A_80 = tpu.vector_load %arg9[%get3A_78, %get3A_79] {strides = array<i32>} : memref<128x64xf32, #tpu.memory_space<vmem>>, vector<1x16xf32>,
        %get3A_81 = vector.shape_cast %get3A_80 : vector<1x16xf32> to vector<16xf32>
        %sub3A_82 = arith.subf %get3A_81, %get3A_55 : vector<16xf32>
        %abs3A_83 = math.absf %sub3A_82 : vector<16xf32>
        %add3A_84 = arith.addf %add3A_77, %abs3A_83 : vector<16xf32>
        %slice3A = vector.extract_strided_slice %get3A_39 {offsets = [0], sizes = [1], strides = [1]} : vector<16xf32> to vector<1xf32>
        %squeeze3A = vector.extract %slice3A[0] : f32 from vector<1xf32>
        %mul3A_85 = vector.broadcast %squeeze3A : f32 to vector<16xf32>
        %mul3A_86 = arith.mulf %mul3A_85, %add3A_84 : vector<16xf32>
        %add3A_87 = arith.addf %scan3A_31, %mul3A_86 : vector<16xf32>
        %mul3A_88 = arith.constant 16 : i32
        %mul3A_89 = arith.muli %scan3A_30, %mul3A_88 : i32
        %add3A_90 = arith.constant 1 : i32
        %add3A_91 = arith.addi %mul3A_89, %add3A_90 : i32
        %get3A_92 = arith.index_cast %add3A_91 : i32 to index
        %get3A_93 = arith.constant 0 : index
        %get3A_94 = tpu.vector_load %arg9[%get3A_92, %get3A_93] {strides = array<i32>} : memref<128x64xf32, #tpu.memory_space<vmem>>, vector<1x16xf32>,
        %get3A_95 = vector.shape_cast %get3A_94 : vector<1x16xf32> to vector<16xf32>
        %sub3A_96 = arith.subf %get3A_95, %get3A_43 : vector<16xf32>
        %abs3A_97 = math.absf %sub3A_96 : vector<16xf32>
        %get3A_98 = arith.index_cast %add3A_91 : i32 to index
        %get3A_99 = arith.constant 16 : index
        %get3A_100 = tpu.vector_load %arg9[%get3A_98, %get3A_99] {strides = array<i32>} : memref<128x64xf32, #tpu.memory_space<vmem>>, vector<1x16xf32>,
        %get3A_101 = vector.shape_cast %get3A_100 : vector<1x16xf32> to vector<16xf32>
        %sub3A_102 = arith.subf %get3A_101, %get3A_47 : vector<16xf32>
        %abs3A_103 = math.absf %sub3A_102 : vector<16xf32>
        %add3A_104 = arith.addf %abs3A_97, %abs3A_103 : vector<16xf32>
        %get3A_105 = arith.index_cast %add3A_91 : i32 to index
        %get3A_106 = arith.constant 32 : index
        %get3A_107 = tpu.vector_load %arg9[%get3A_105, %get3A_106] {strides = array<i32>} : memref<128x64xf32, #tpu.memory_space<vmem>>, vector<1x16xf32>,
        %get3A_108 = vector.shape_cast %get3A_107 : vector<1x16xf32> to vector<16xf32>
        %sub3A_109 = arith.subf %get3A_108, %get3A_51 : vector<16xf32>
        %abs3A_110 = math.absf %sub3A_109 : vector<16xf32>
        %add3A_111 = arith.addf %add3A_104, %abs3A_110 : vector<16xf32>
        %get3A_112 = arith.index_cast %add3A_91 : i32 to index
        %get3A_113 = arith.constant 48 : index
        %get3A_114 = tpu.vector_load %arg9[%get3A_112, %get3A_113] {strides = array<i32>} : memref<128x64xf32, #tpu.memory_space<vmem>>, vector<1x16xf32>,
        %get3A_115 = vector.shape_cast %get3A_114 : vector<1x16xf32> to vector<16xf32>
        %sub3A_116 = arith.subf %get3A_115, %get3A_55 : vector<16xf32>
        %abs3A_117 = math.absf %sub3A_116 : vector<16xf32>
        %add3A_118 = arith.addf %add3A_111, %abs3A_117 : vector<16xf32>
        %slice3A_119 = vector.extract_strided_slice %get3A_39 {offsets = [1], sizes = [1], strides = [1]} : vector<16xf32> to vector<1xf32>
        %squeeze3A_120 = vector.extract %slice3A_119[0] : f32 from vector<1xf32>
        %mul3A_121 = vector.broadcast %squeeze3A_120 : f32 to vector<16xf32>
        %mul3A_122 = arith.mulf %mul3A_121, %add3A_118 : vector<16xf32>
        %add3A_123 = arith.addf %add3A_87, %mul3A_122 : vector<16xf32>
        %mul3A_124 = arith.constant 16 : i32
        %mul3A_125 = arith.muli %scan3A_30, %mul3A_124 : i32
        %add3A_126 = arith.constant 2 : i32
        %add3A_127 = arith.addi %mul3A_125, %add3A_126 : i32
        %get3A_128 = arith.index_cast %add3A_127 : i32 to index
        %get3A_129 = arith.constant 0 : index
        %get3A_130 = tpu.vector_load %arg9[%get3A_128, %get3A_129] {strides = array<i32>} : memref<128x64xf32, #tpu.memory_space<vmem>>, vector<1x16xf32>,
        %get3A_131 = vector.shape_cast %get3A_130 : vector<1x16xf32> to vector<16xf32>
        %sub3A_132 = arith.subf %get3A_131, %get3A_43 : vector<16xf32>
        %abs3A_133 = math.absf %sub3A_132 : vector<16xf32>
        %get3A_134 = arith.index_cast %add3A_127 : i32 to index
        %get3A_135 = arith.constant 16 : index
        %get3A_136 = tpu.vector_load %arg9[%get3A_134, %get3A_135] {strides = array<i32>} : memref<128x64xf32, #tpu.memory_space<vmem>>, vector<1x16xf32>,
        %get3A_137 = vector.shape_cast %get3A_136 : vector<1x16xf32> to vector<16xf32>
        %sub3A_138 = arith.subf %get3A_137, %get3A_47 : vector<16xf32>
        %abs3A_139 = math.absf %sub3A_138 : vector<16xf32>
        %add3A_140 = arith.addf %abs3A_133, %abs3A_139 : vector<16xf32>
        %get3A_141 = arith.index_cast %add3A_127 : i32 to index
        %get3A_142 = arith.constant 32 : index
        %get3A_143 = tpu.vector_load %arg9[%get3A_141, %get3A_142] {strides = array<i32>} : memref<128x64xf32, #tpu.memory_space<vmem>>, vector<1x16xf32>,
        %get3A_144 = vector.shape_cast %get3A_143 : vector<1x16xf32> to vector<16xf32>
        %sub3A_145 = arith.subf %get3A_144, %get3A_51 : vector<16xf32>
        %abs3A_146 = math.absf %sub3A_145 : vector<16xf32>
        %add3A_147 = arith.addf %add3A_140, %abs3A_146 : vector<16xf32>
        %get3A_148 = arith.index_cast %add3A_127 : i32 to index
        %get3A_149 = arith.constant 48 : index
        %get3A_150 = tpu.vector_load %arg9[%get3A_148, %get3A_149] {strides = array<i32>} : memref<128x64xf32, #tpu.memory_space<vmem>>, vector<1x16xf32>,
        %get3A_151 = vector.shape_cast %get3A_150 : vector<1x16xf32> to vector<16xf32>
        %sub3A_152 = arith.subf %get3A_151, %get3A_55 : vector<16xf32>
        %abs3A_153 = math.absf %sub3A_152 : vector<16xf32>
        %add3A_154 = arith.addf %add3A_147, %abs3A_153 : vector<16xf32>
        %slice3A_155 = vector.extract_strided_slice %get3A_39 {offsets = [2], sizes = [1], strides = [1]} : vector<16xf32> to vector<1xf32>
        %squeeze3A_156 = vector.extract %slice3A_155[0] : f32 from vector<1xf32>
        %mul3A_157 = vector.broadcast %squeeze3A_156 : f32 to vector<16xf32>
        %mul3A_158 = arith.mulf %mul3A_157, %add3A_154 : vector<16xf32>
        %add3A_159 = arith.addf %add3A_123, %mul3A_158 : vector<16xf32>
        %mul3A_160 = arith.constant 16 : i32
        %mul3A_161 = arith.muli %scan3A_30, %mul3A_160 : i32
        %add3A_162 = arith.constant 3 : i32
        %add3A_163 = arith.addi %mul3A_161, %add3A_162 : i32
        %get3A_164 = arith.index_cast %add3A_163 : i32 to index
        %get3A_165 = arith.constant 0 : index
        %get3A_166 = tpu.vector_load %arg9[%get3A_164, %get3A_165] {strides = array<i32>} : memref<128x64xf32, #tpu.memory_space<vmem>>, vector<1x16xf32>,
        %get3A_167 = vector.shape_cast %get3A_166 : vector<1x16xf32> to vector<16xf32>
        %sub3A_168 = arith.subf %get3A_167, %get3A_43 : vector<16xf32>
        %abs3A_169 = math.absf %sub3A_168 : vector<16xf32>
        %get3A_170 = arith.index_cast %add3A_163 : i32 to index
        %get3A_171 = arith.constant 16 : index
        %get3A_172 = tpu.vector_load %arg9[%get3A_170, %get3A_171] {strides = array<i32>} : memref<128x64xf32, #tpu.memory_space<vmem>>, vector<1x16xf32>,
        %get3A_173 = vector.shape_cast %get3A_172 : vector<1x16xf32> to vector<16xf32>
        %sub3A_174 = arith.subf %get3A_173, %get3A_47 : vector<16xf32>
        %abs3A_175 = math.absf %sub3A_174 : vector<16xf32>
        %add3A_176 = arith.addf %abs3A_169, %abs3A_175 : vector<16xf32>
        %get3A_177 = arith.index_cast %add3A_163 : i32 to index
        %get3A_178 = arith.constant 32 : index
        %get3A_179 = tpu.vector_load %arg9[%get3A_177, %get3A_178] {strides = array<i32>} : memref<128x64xf32, #tpu.memory_space<vmem>>, vector<1x16xf32>,
        %get3A_180 = vector.shape_cast %get3A_179 : vector<1x16xf32> to vector<16xf32>
        %sub3A_181 = arith.subf %get3A_180, %get3A_51 : vector<16xf32>
        %abs3A_182 = math.absf %sub3A_181 : vector<16xf32>
        %add3A_183 = arith.addf %add3A_176, %abs3A_182 : vector<16xf32>
        %get3A_184 = arith.index_cast %add3A_163 : i32 to index
        %get3A_185 = arith.constant 48 : index
        %get3A_186 = tpu.vector_load %arg9[%get3A_184, %get3A_185] {strides = array<i32>} : memref<128x64xf32, #tpu.memory_space<vmem>>, vector<1x16xf32>,
        %get3A_187 = vector.shape_cast %get3A_186 : vector<1x16xf32> to vector<16xf32>
        %sub3A_188 = arith.subf %get3A_187, %get3A_55 : vector<16xf32>
        %abs3A_189 = math.absf %sub3A_188 : vector<16xf32>
        %add3A_190 = arith.addf %add3A_183, %abs3A_189 : vector<16xf32>
        %slice3A_191 = vector.extract_strided_slice %get3A_39 {offsets = [3], sizes = [1], strides = [1]} : vector<16xf32> to vector<1xf32>
        %squeeze3A_192 = vector.extract %slice3A_191[0] : f32 from vector<1xf32>
        %mul3A_193 = vector.broadcast %squeeze3A_192 : f32 to vector<16xf32>
        %mul3A_194 = arith.mulf %mul3A_193, %add3A_190 : vector<16xf32>
        %add3A_195 = arith.addf %add3A_159, %mul3A_194 : vector<16xf32>
        %mul3A_196 = arith.constant 16 : i32
        %mul3A_197 = arith.muli %scan3A_30, %mul3A_196 : i32
        %add3A_198 = arith.constant 4 : i32
        %add3A_199 = arith.addi %mul3A_197, %add3A_198 : i32
        %get3A_200 = arith.index_cast %add3A_199 : i32 to index
        %get3A_201 = arith.constant 0 : index
        %get3A_202 = tpu.vector_load %arg9[%get3A_200, %get3A_201] {strides = array<i32>} : memref<128x64xf32, #tpu.memory_space<vmem>>, vector<1x16xf32>,
        %get3A_203 = vector.shape_cast %get3A_202 : vector<1x16xf32> to vector<16xf32>
        %sub3A_204 = arith.subf %get3A_203, %get3A_43 : vector<16xf32>
        %abs3A_205 = math.absf %sub3A_204 : vector<16xf32>
        %get3A_206 = arith.index_cast %add3A_199 : i32 to index
        %get3A_207 = arith.constant 16 : index
        %get3A_208 = tpu.vector_load %arg9[%get3A_206, %get3A_207] {strides = array<i32>} : memref<128x64xf32, #tpu.memory_space<vmem>>, vector<1x16xf32>,
        %get3A_209 = vector.shape_cast %get3A_208 : vector<1x16xf32> to vector<16xf32>
        %sub3A_210 = arith.subf %get3A_209, %get3A_47 : vector<16xf32>
        %abs3A_211 = math.absf %sub3A_210 : vector<16xf32>
        %add3A_212 = arith.addf %abs3A_205, %abs3A_211 : vector<16xf32>
        %get3A_213 = arith.index_cast %add3A_199 : i32 to index
        %get3A_214 = arith.constant 32 : index
        %get3A_215 = tpu.vector_load %arg9[%get3A_213, %get3A_214] {strides = array<i32>} : memref<128x64xf32, #tpu.memory_space<vmem>>, vector<1x16xf32>,
        %get3A_216 = vector.shape_cast %get3A_215 : vector<1x16xf32> to vector<16xf32>
        %sub3A_217 = arith.subf %get3A_216, %get3A_51 : vector<16xf32>
        %abs3A_218 = math.absf %sub3A_217 : vector<16xf32>
        %add3A_219 = arith.addf %add3A_212, %abs3A_218 : vector<16xf32>
        %get3A_220 = arith.index_cast %add3A_199 : i32 to index
        %get3A_221 = arith.constant 48 : index
        %get3A_222 = tpu.vector_load %arg9[%get3A_220, %get3A_221] {strides = array<i32>} : memref<128x64xf32, #tpu.memory_space<vmem>>, vector<1x16xf32>,
        %get3A_223 = vector.shape_cast %get3A_222 : vector<1x16xf32> to vector<16xf32>
        %sub3A_224 = arith.subf %get3A_223, %get3A_55 : vector<16xf32>
        %abs3A_225 = math.absf %sub3A_224 : vector<16xf32>
        %add3A_226 = arith.addf %add3A_219, %abs3A_225 : vector<16xf32>
        %slice3A_227 = vector.extract_strided_slice %get3A_39 {offsets = [4], sizes = [1], strides = [1]} : vector<16xf32> to vector<1xf32>
        %squeeze3A_228 = vector.extract %slice3A_227[0] : f32 from vector<1xf32>
        %mul3A_229 = vector.broadcast %squeeze3A_228 : f32 to vector<16xf32>
        %mul3A_230 = arith.mulf %mul3A_229, %add3A_226 : vector<16xf32>
        %add3A_231 = arith.addf %add3A_195, %mul3A_230 : vector<16xf32>
        %mul3A_232 = arith.constant 16 : i32
        %mul3A_233 = arith.muli %scan3A_30, %mul3A_232 : i32
        %add3A_234 = arith.constant 5 : i32
        %add3A_235 = arith.addi %mul3A_233, %add3A_234 : i32
        %get3A_236 = arith.index_cast %add3A_235 : i32 to index
        %get3A_237 = arith.constant 0 : index
        %get3A_238 = tpu.vector_load %arg9[%get3A_236, %get3A_237] {strides = array<i32>} : memref<128x64xf32, #tpu.memory_space<vmem>>, vector<1x16xf32>,
        %get3A_239 = vector.shape_cast %get3A_238 : vector<1x16xf32> to vector<16xf32>
        %sub3A_240 = arith.subf %get3A_239, %get3A_43 : vector<16xf32>
        %abs3A_241 = math.absf %sub3A_240 : vector<16xf32>
        %get3A_242 = arith.index_cast %add3A_235 : i32 to index
        %get3A_243 = arith.constant 16 : index
        %get3A_244 = tpu.vector_load %arg9[%get3A_242, %get3A_243] {strides = array<i32>} : memref<128x64xf32, #tpu.memory_space<vmem>>, vector<1x16xf32>,
        %get3A_245 = vector.shape_cast %get3A_244 : vector<1x16xf32> to vector<16xf32>
        %sub3A_246 = arith.subf %get3A_245, %get3A_47 : vector<16xf32>
        %abs3A_247 = math.absf %sub3A_246 : vector<16xf32>
        %add3A_248 = arith.addf %abs3A_241, %abs3A_247 : vector<16xf32>
        %get3A_249 = arith.index_cast %add3A_235 : i32 to index
        %get3A_250 = arith.constant 32 : index
        %get3A_251 = tpu.vector_load %arg9[%get3A_249, %get3A_250] {strides = array<i32>} : memref<128x64xf32, #tpu.memory_space<vmem>>, vector<1x16xf32>,
        %get3A_252 = vector.shape_cast %get3A_251 : vector<1x16xf32> to vector<16xf32>
        %sub3A_253 = arith.subf %get3A_252, %get3A_51 : vector<16xf32>
        %abs3A_254 = math.absf %sub3A_253 : vector<16xf32>
        %add3A_255 = arith.addf %add3A_248, %abs3A_254 : vector<16xf32>
        %get3A_256 = arith.index_cast %add3A_235 : i32 to index
        %get3A_257 = arith.constant 48 : index
        %get3A_258 = tpu.vector_load %arg9[%get3A_256, %get3A_257] {strides = array<i32>} : memref<128x64xf32, #tpu.memory_space<vmem>>, vector<1x16xf32>,
        %get3A_259 = vector.shape_cast %get3A_258 : vector<1x16xf32> to vector<16xf32>
        %sub3A_260 = arith.subf %get3A_259, %get3A_55 : vector<16xf32>
        %abs3A_261 = math.absf %sub3A_260 : vector<16xf32>
        %add3A_262 = arith.addf %add3A_255, %abs3A_261 : vector<16xf32>
        %slice3A_263 = vector.extract_strided_slice %get3A_39 {offsets = [5], sizes = [1], strides = [1]} : vector<16xf32> to vector<1xf32>
        %squeeze3A_264 = vector.extract %slice3A_263[0] : f32 from vector<1xf32>
        %mul3A_265 = vector.broadcast %squeeze3A_264 : f32 to vector<16xf32>
        %mul3A_266 = arith.mulf %mul3A_265, %add3A_262 : vector<16xf32>
        %add3A_267 = arith.addf %add3A_231, %mul3A_266 : vector<16xf32>
        %mul3A_268 = arith.constant 16 : i32
        %mul3A_269 = arith.muli %scan3A_30, %mul3A_268 : i32
        %add3A_270 = arith.constant 6 : i32
        %add3A_271 = arith.addi %mul3A_269, %add3A_270 : i32
        %get3A_272 = arith.index_cast %add3A_271 : i32 to index
        %get3A_273 = arith.constant 0 : index
        %get3A_274 = tpu.vector_load %arg9[%get3A_272, %get3A_273] {strides = array<i32>} : memref<128x64xf32, #tpu.memory_space<vmem>>, vector<1x16xf32>,
        %get3A_275 = vector.shape_cast %get3A_274 : vector<1x16xf32> to vector<16xf32>
        %sub3A_276 = arith.subf %get3A_275, %get3A_43 : vector<16xf32>
        %abs3A_277 = math.absf %sub3A_276 : vector<16xf32>
        %get3A_278 = arith.index_cast %add3A_271 : i32 to index
        %get3A_279 = arith.constant 16 : index
        %get3A_280 = tpu.vector_load %arg9[%get3A_278, %get3A_279] {strides = array<i32>} : memref<128x64xf32, #tpu.memory_space<vmem>>, vector<1x16xf32>,
        %get3A_281 = vector.shape_cast %get3A_280 : vector<1x16xf32> to vector<16xf32>
        %sub3A_282 = arith.subf %get3A_281, %get3A_47 : vector<16xf32>
        %abs3A_283 = math.absf %sub3A_282 : vector<16xf32>
        %add3A_284 = arith.addf %abs3A_277, %abs3A_283 : vector<16xf32>
        %get3A_285 = arith.index_cast %add3A_271 : i32 to index
        %get3A_286 = arith.constant 32 : index
        %get3A_287 = tpu.vector_load %arg9[%get3A_285, %get3A_286] {strides = array<i32>} : memref<128x64xf32, #tpu.memory_space<vmem>>, vector<1x16xf32>,
        %get3A_288 = vector.shape_cast %get3A_287 : vector<1x16xf32> to vector<16xf32>
        %sub3A_289 = arith.subf %get3A_288, %get3A_51 : vector<16xf32>
        %abs3A_290 = math.absf %sub3A_289 : vector<16xf32>
        %add3A_291 = arith.addf %add3A_284, %abs3A_290 : vector<16xf32>
        %get3A_292 = arith.index_cast %add3A_271 : i32 to index
        %get3A_293 = arith.constant 48 : index
        %get3A_294 = tpu.vector_load %arg9[%get3A_292, %get3A_293] {strides = array<i32>} : memref<128x64xf32, #tpu.memory_space<vmem>>, vector<1x16xf32>,
        %get3A_295 = vector.shape_cast %get3A_294 : vector<1x16xf32> to vector<16xf32>
        %sub3A_296 = arith.subf %get3A_295, %get3A_55 : vector<16xf32>
        %abs3A_297 = math.absf %sub3A_296 : vector<16xf32>
        %add3A_298 = arith.addf %add3A_291, %abs3A_297 : vector<16xf32>
        %slice3A_299 = vector.extract_strided_slice %get3A_39 {offsets = [6], sizes = [1], strides = [1]} : vector<16xf32> to vector<1xf32>
        %squeeze3A_300 = vector.extract %slice3A_299[0] : f32 from vector<1xf32>
        %mul3A_301 = vector.broadcast %squeeze3A_300 : f32 to vector<16xf32>
        %mul3A_302 = arith.mulf %mul3A_301, %add3A_298 : vector<16xf32>
        %add3A_303 = arith.addf %add3A_267, %mul3A_302 : vector<16xf32>
        %mul3A_304 = arith.constant 16 : i32
        %mul3A_305 = arith.muli %scan3A_30, %mul3A_304 : i32
        %add3A_306 = arith.constant 7 : i32
        %add3A_307 = arith.addi %mul3A_305, %add3A_306 : i32
        %get3A_308 = arith.index_cast %add3A_307 : i32 to index
        %get3A_309 = arith.constant 0 : index
        %get3A_310 = tpu.vector_load %arg9[%get3A_308, %get3A_309] {strides = array<i32>} : memref<128x64xf32, #tpu.memory_space<vmem>>, vector<1x16xf32>,
        %get3A_311 = vector.shape_cast %get3A_310 : vector<1x16xf32> to vector<16xf32>
        %sub3A_312 = arith.subf %get3A_311, %get3A_43 : vector<16xf32>
        %abs3A_313 = math.absf %sub3A_312 : vector<16xf32>
        %get3A_314 = arith.index_cast %add3A_307 : i32 to index
        %get3A_315 = arith.constant 16 : index
        %get3A_316 = tpu.vector_load %arg9[%get3A_314, %get3A_315] {strides = array<i32>} : memref<128x64xf32, #tpu.memory_space<vmem>>, vector<1x16xf32>,
        %get3A_317 = vector.shape_cast %get3A_316 : vector<1x16xf32> to vector<16xf32>
        %sub3A_318 = arith.subf %get3A_317, %get3A_47 : vector<16xf32>
        %abs3A_319 = math.absf %sub3A_318 : vector<16xf32>
        %add3A_320 = arith.addf %abs3A_313, %abs3A_319 : vector<16xf32>
        %get3A_321 = arith.index_cast %add3A_307 : i32 to index
        %get3A_322 = arith.constant 32 : index
        %get3A_323 = tpu.vector_load %arg9[%get3A_321, %get3A_322] {strides = array<i32>} : memref<128x64xf32, #tpu.memory_space<vmem>>, vector<1x16xf32>,
        %get3A_324 = vector.shape_cast %get3A_323 : vector<1x16xf32> to vector<16xf32>
        %sub3A_325 = arith.subf %get3A_324, %get3A_51 : vector<16xf32>
        %abs3A_326 = math.absf %sub3A_325 : vector<16xf32>
        %add3A_327 = arith.addf %add3A_320, %abs3A_326 : vector<16xf32>
        %get3A_328 = arith.index_cast %add3A_307 : i32 to index
        %get3A_329 = arith.constant 48 : index
        %get3A_330 = tpu.vector_load %arg9[%get3A_328, %get3A_329] {strides = array<i32>} : memref<128x64xf32, #tpu.memory_space<vmem>>, vector<1x16xf32>,
        %get3A_331 = vector.shape_cast %get3A_330 : vector<1x16xf32> to vector<16xf32>
        %sub3A_332 = arith.subf %get3A_331, %get3A_55 : vector<16xf32>
        %abs3A_333 = math.absf %sub3A_332 : vector<16xf32>
        %add3A_334 = arith.addf %add3A_327, %abs3A_333 : vector<16xf32>
        %slice3A_335 = vector.extract_strided_slice %get3A_39 {offsets = [7], sizes = [1], strides = [1]} : vector<16xf32> to vector<1xf32>
        %squeeze3A_336 = vector.extract %slice3A_335[0] : f32 from vector<1xf32>
        %mul3A_337 = vector.broadcast %squeeze3A_336 : f32 to vector<16xf32>
        %mul3A_338 = arith.mulf %mul3A_337, %add3A_334 : vector<16xf32>
        %add3A_339 = arith.addf %add3A_303, %mul3A_338 : vector<16xf32>
        %mul3A_340 = arith.constant 16 : i32
        %mul3A_341 = arith.muli %scan3A_30, %mul3A_340 : i32
        %add3A_342 = arith.constant 8 : i32
        %add3A_343 = arith.addi %mul3A_341, %add3A_342 : i32
        %get3A_344 = arith.index_cast %add3A_343 : i32 to index
        %get3A_345 = arith.constant 0 : index
        %get3A_346 = tpu.vector_load %arg9[%get3A_344, %get3A_345] {strides = array<i32>} : memref<128x64xf32, #tpu.memory_space<vmem>>, vector<1x16xf32>,
        %get3A_347 = vector.shape_cast %get3A_346 : vector<1x16xf32> to vector<16xf32>
        %sub3A_348 = arith.subf %get3A_347, %get3A_43 : vector<16xf32>
        %abs3A_349 = math.absf %sub3A_348 : vector<16xf32>
        %get3A_350 = arith.index_cast %add3A_343 : i32 to index
        %get3A_351 = arith.constant 16 : index
        %get3A_352 = tpu.vector_load %arg9[%get3A_350, %get3A_351] {strides = array<i32>} : memref<128x64xf32, #tpu.memory_space<vmem>>, vector<1x16xf32>,
        %get3A_353 = vector.shape_cast %get3A_352 : vector<1x16xf32> to vector<16xf32>
        %sub3A_354 = arith.subf %get3A_353, %get3A_47 : vector<16xf32>
        %abs3A_355 = math.absf %sub3A_354 : vector<16xf32>
        %add3A_356 = arith.addf %abs3A_349, %abs3A_355 : vector<16xf32>
        %get3A_357 = arith.index_cast %add3A_343 : i32 to index
        %get3A_358 = arith.constant 32 : index
        %get3A_359 = tpu.vector_load %arg9[%get3A_357, %get3A_358] {strides = array<i32>} : memref<128x64xf32, #tpu.memory_space<vmem>>, vector<1x16xf32>,
        %get3A_360 = vector.shape_cast %get3A_359 : vector<1x16xf32> to vector<16xf32>
        %sub3A_361 = arith.subf %get3A_360, %get3A_51 : vector<16xf32>
        %abs3A_362 = math.absf %sub3A_361 : vector<16xf32>
        %add3A_363 = arith.addf %add3A_356, %abs3A_362 : vector<16xf32>
        %get3A_364 = arith.index_cast %add3A_343 : i32 to index
        %get3A_365 = arith.constant 48 : index
        %get3A_366 = tpu.vector_load %arg9[%get3A_364, %get3A_365] {strides = array<i32>} : memref<128x64xf32, #tpu.memory_space<vmem>>, vector<1x16xf32>,
        %get3A_367 = vector.shape_cast %get3A_366 : vector<1x16xf32> to vector<16xf32>
        %sub3A_368 = arith.subf %get3A_367, %get3A_55 : vector<16xf32>
        %abs3A_369 = math.absf %sub3A_368 : vector<16xf32>
        %add3A_370 = arith.addf %add3A_363, %abs3A_369 : vector<16xf32>
        %slice3A_371 = vector.extract_strided_slice %get3A_39 {offsets = [8], sizes = [1], strides = [1]} : vector<16xf32> to vector<1xf32>
        %squeeze3A_372 = vector.extract %slice3A_371[0] : f32 from vector<1xf32>
        %mul3A_373 = vector.broadcast %squeeze3A_372 : f32 to vector<16xf32>
        %mul3A_374 = arith.mulf %mul3A_373, %add3A_370 : vector<16xf32>
        %add3A_375 = arith.addf %add3A_339, %mul3A_374 : vector<16xf32>
        %mul3A_376 = arith.constant 16 : i32
        %mul3A_377 = arith.muli %scan3A_30, %mul3A_376 : i32
        %add3A_378 = arith.constant 9 : i32
        %add3A_379 = arith.addi %mul3A_377, %add3A_378 : i32
        %get3A_380 = arith.index_cast %add3A_379 : i32 to index
        %get3A_381 = arith.constant 0 : index
        %get3A_382 = tpu.vector_load %arg9[%get3A_380, %get3A_381] {strides = array<i32>} : memref<128x64xf32, #tpu.memory_space<vmem>>, vector<1x16xf32>,
        %get3A_383 = vector.shape_cast %get3A_382 : vector<1x16xf32> to vector<16xf32>
        %sub3A_384 = arith.subf %get3A_383, %get3A_43 : vector<16xf32>
        %abs3A_385 = math.absf %sub3A_384 : vector<16xf32>
        %get3A_386 = arith.index_cast %add3A_379 : i32 to index
        %get3A_387 = arith.constant 16 : index
        %get3A_388 = tpu.vector_load %arg9[%get3A_386, %get3A_387] {strides = array<i32>} : memref<128x64xf32, #tpu.memory_space<vmem>>, vector<1x16xf32>,
        %get3A_389 = vector.shape_cast %get3A_388 : vector<1x16xf32> to vector<16xf32>
        %sub3A_390 = arith.subf %get3A_389, %get3A_47 : vector<16xf32>
        %abs3A_391 = math.absf %sub3A_390 : vector<16xf32>
        %add3A_392 = arith.addf %abs3A_385, %abs3A_391 : vector<16xf32>
        %get3A_393 = arith.index_cast %add3A_379 : i32 to index
        %get3A_394 = arith.constant 32 : index
        %get3A_395 = tpu.vector_load %arg9[%get3A_393, %get3A_394] {strides = array<i32>} : memref<128x64xf32, #tpu.memory_space<vmem>>, vector<1x16xf32>,
        %get3A_396 = vector.shape_cast %get3A_395 : vector<1x16xf32> to vector<16xf32>
        %sub3A_397 = arith.subf %get3A_396, %get3A_51 : vector<16xf32>
        %abs3A_398 = math.absf %sub3A_397 : vector<16xf32>
        %add3A_399 = arith.addf %add3A_392, %abs3A_398 : vector<16xf32>
        %get3A_400 = arith.index_cast %add3A_379 : i32 to index
        %get3A_401 = arith.constant 48 : index
        %get3A_402 = tpu.vector_load %arg9[%get3A_400, %get3A_401] {strides = array<i32>} : memref<128x64xf32, #tpu.memory_space<vmem>>, vector<1x16xf32>,
        %get3A_403 = vector.shape_cast %get3A_402 : vector<1x16xf32> to vector<16xf32>
        %sub3A_404 = arith.subf %get3A_403, %get3A_55 : vector<16xf32>
        %abs3A_405 = math.absf %sub3A_404 : vector<16xf32>
        %add3A_406 = arith.addf %add3A_399, %abs3A_405 : vector<16xf32>
        %slice3A_407 = vector.extract_strided_slice %get3A_39 {offsets = [9], sizes = [1], strides = [1]} : vector<16xf32> to vector<1xf32>
        %squeeze3A_408 = vector.extract %slice3A_407[0] : f32 from vector<1xf32>
        %mul3A_409 = vector.broadcast %squeeze3A_408 : f32 to vector<16xf32>
        %mul3A_410 = arith.mulf %mul3A_409, %add3A_406 : vector<16xf32>
        %add3A_411 = arith.addf %add3A_375, %mul3A_410 : vector<16xf32>
        %mul3A_412 = arith.constant 16 : i32
        %mul3A_413 = arith.muli %scan3A_30, %mul3A_412 : i32
        %add3A_414 = arith.constant 10 : i32
        %add3A_415 = arith.addi %mul3A_413, %add3A_414 : i32
        %get3A_416 = arith.index_cast %add3A_415 : i32 to index
        %get3A_417 = arith.constant 0 : index
        %get3A_418 = tpu.vector_load %arg9[%get3A_416, %get3A_417] {strides = array<i32>} : memref<128x64xf32, #tpu.memory_space<vmem>>, vector<1x16xf32>,
        %get3A_419 = vector.shape_cast %get3A_418 : vector<1x16xf32> to vector<16xf32>
        %sub3A_420 = arith.subf %get3A_419, %get3A_43 : vector<16xf32>
        %abs3A_421 = math.absf %sub3A_420 : vector<16xf32>
        %get3A_422 = arith.index_cast %add3A_415 : i32 to index
        %get3A_423 = arith.constant 16 : index
        %get3A_424 = tpu.vector_load %arg9[%get3A_422, %get3A_423] {strides = array<i32>} : memref<128x64xf32, #tpu.memory_space<vmem>>, vector<1x16xf32>,
        %get3A_425 = vector.shape_cast %get3A_424 : vector<1x16xf32> to vector<16xf32>
        %sub3A_426 = arith.subf %get3A_425, %get3A_47 : vector<16xf32>
        %abs3A_427 = math.absf %sub3A_426 : vector<16xf32>
        %add3A_428 = arith.addf %abs3A_421, %abs3A_427 : vector<16xf32>
        %get3A_429 = arith.index_cast %add3A_415 : i32 to index
        %get3A_430 = arith.constant 32 : index
        %get3A_431 = tpu.vector_load %arg9[%get3A_429, %get3A_430] {strides = array<i32>} : memref<128x64xf32, #tpu.memory_space<vmem>>, vector<1x16xf32>,
        %get3A_432 = vector.shape_cast %get3A_431 : vector<1x16xf32> to vector<16xf32>
        %sub3A_433 = arith.subf %get3A_432, %get3A_51 : vector<16xf32>
        %abs3A_434 = math.absf %sub3A_433 : vector<16xf32>
        %add3A_435 = arith.addf %add3A_428, %abs3A_434 : vector<16xf32>
        %get3A_436 = arith.index_cast %add3A_415 : i32 to index
        %get3A_437 = arith.constant 48 : index
        %get3A_438 = tpu.vector_load %arg9[%get3A_436, %get3A_437] {strides = array<i32>} : memref<128x64xf32, #tpu.memory_space<vmem>>, vector<1x16xf32>,
        %get3A_439 = vector.shape_cast %get3A_438 : vector<1x16xf32> to vector<16xf32>
        %sub3A_440 = arith.subf %get3A_439, %get3A_55 : vector<16xf32>
        %abs3A_441 = math.absf %sub3A_440 : vector<16xf32>
        %add3A_442 = arith.addf %add3A_435, %abs3A_441 : vector<16xf32>
        %slice3A_443 = vector.extract_strided_slice %get3A_39 {offsets = [10], sizes = [1], strides = [1]} : vector<16xf32> to vector<1xf32>
        %squeeze3A_444 = vector.extract %slice3A_443[0] : f32 from vector<1xf32>
        %mul3A_445 = vector.broadcast %squeeze3A_444 : f32 to vector<16xf32>
        %mul3A_446 = arith.mulf %mul3A_445, %add3A_442 : vector<16xf32>
        %add3A_447 = arith.addf %add3A_411, %mul3A_446 : vector<16xf32>
        %mul3A_448 = arith.constant 16 : i32
        %mul3A_449 = arith.muli %scan3A_30, %mul3A_448 : i32
        %add3A_450 = arith.constant 11 : i32
        %add3A_451 = arith.addi %mul3A_449, %add3A_450 : i32
        %get3A_452 = arith.index_cast %add3A_451 : i32 to index
        %get3A_453 = arith.constant 0 : index
        %get3A_454 = tpu.vector_load %arg9[%get3A_452, %get3A_453] {strides = array<i32>} : memref<128x64xf32, #tpu.memory_space<vmem>>, vector<1x16xf32>,
        %get3A_455 = vector.shape_cast %get3A_454 : vector<1x16xf32> to vector<16xf32>
        %sub3A_456 = arith.subf %get3A_455, %get3A_43 : vector<16xf32>
        %abs3A_457 = math.absf %sub3A_456 : vector<16xf32>
        %get3A_458 = arith.index_cast %add3A_451 : i32 to index
        %get3A_459 = arith.constant 16 : index
        %get3A_460 = tpu.vector_load %arg9[%get3A_458, %get3A_459] {strides = array<i32>} : memref<128x64xf32, #tpu.memory_space<vmem>>, vector<1x16xf32>,
        %get3A_461 = vector.shape_cast %get3A_460 : vector<1x16xf32> to vector<16xf32>
        %sub3A_462 = arith.subf %get3A_461, %get3A_47 : vector<16xf32>
        %abs3A_463 = math.absf %sub3A_462 : vector<16xf32>
        %add3A_464 = arith.addf %abs3A_457, %abs3A_463 : vector<16xf32>
        %get3A_465 = arith.index_cast %add3A_451 : i32 to index
        %get3A_466 = arith.constant 32 : index
        %get3A_467 = tpu.vector_load %arg9[%get3A_465, %get3A_466] {strides = array<i32>} : memref<128x64xf32, #tpu.memory_space<vmem>>, vector<1x16xf32>,
        %get3A_468 = vector.shape_cast %get3A_467 : vector<1x16xf32> to vector<16xf32>
        %sub3A_469 = arith.subf %get3A_468, %get3A_51 : vector<16xf32>
        %abs3A_470 = math.absf %sub3A_469 : vector<16xf32>
        %add3A_471 = arith.addf %add3A_464, %abs3A_470 : vector<16xf32>
        %get3A_472 = arith.index_cast %add3A_451 : i32 to index
        %get3A_473 = arith.constant 48 : index
        %get3A_474 = tpu.vector_load %arg9[%get3A_472, %get3A_473] {strides = array<i32>} : memref<128x64xf32, #tpu.memory_space<vmem>>, vector<1x16xf32>,
        %get3A_475 = vector.shape_cast %get3A_474 : vector<1x16xf32> to vector<16xf32>
        %sub3A_476 = arith.subf %get3A_475, %get3A_55 : vector<16xf32>
        %abs3A_477 = math.absf %sub3A_476 : vector<16xf32>
        %add3A_478 = arith.addf %add3A_471, %abs3A_477 : vector<16xf32>
        %slice3A_479 = vector.extract_strided_slice %get3A_39 {offsets = [11], sizes = [1], strides = [1]} : vector<16xf32> to vector<1xf32>
        %squeeze3A_480 = vector.extract %slice3A_479[0] : f32 from vector<1xf32>
        %mul3A_481 = vector.broadcast %squeeze3A_480 : f32 to vector<16xf32>
        %mul3A_482 = arith.mulf %mul3A_481, %add3A_478 : vector<16xf32>
        %add3A_483 = arith.addf %add3A_447, %mul3A_482 : vector<16xf32>
        %mul3A_484 = arith.constant 16 : i32
        %mul3A_485 = arith.muli %scan3A_30, %mul3A_484 : i32
        %add3A_486 = arith.constant 12 : i32
        %add3A_487 = arith.addi %mul3A_485, %add3A_486 : i32
        %get3A_488 = arith.index_cast %add3A_487 : i32 to index
        %get3A_489 = arith.constant 0 : index
        %get3A_490 = tpu.vector_load %arg9[%get3A_488, %get3A_489] {strides = array<i32>} : memref<128x64xf32, #tpu.memory_space<vmem>>, vector<1x16xf32>,
        %get3A_491 = vector.shape_cast %get3A_490 : vector<1x16xf32> to vector<16xf32>
        %sub3A_492 = arith.subf %get3A_491, %get3A_43 : vector<16xf32>
        %abs3A_493 = math.absf %sub3A_492 : vector<16xf32>
        %get3A_494 = arith.index_cast %add3A_487 : i32 to index
        %get3A_495 = arith.constant 16 : index
        %get3A_496 = tpu.vector_load %arg9[%get3A_494, %get3A_495] {strides = array<i32>} : memref<128x64xf32, #tpu.memory_space<vmem>>, vector<1x16xf32>,
        %get3A_497 = vector.shape_cast %get3A_496 : vector<1x16xf32> to vector<16xf32>
        %sub3A_498 = arith.subf %get3A_497, %get3A_47 : vector<16xf32>
        %abs3A_499 = math.absf %sub3A_498 : vector<16xf32>
        %add3A_500 = arith.addf %abs3A_493, %abs3A_499 : vector<16xf32>
        %get3A_501 = arith.index_cast %add3A_487 : i32 to index
        %get3A_502 = arith.constant 32 : index
        %get3A_503 = tpu.vector_load %arg9[%get3A_501, %get3A_502] {strides = array<i32>} : memref<128x64xf32, #tpu.memory_space<vmem>>, vector<1x16xf32>,
        %get3A_504 = vector.shape_cast %get3A_503 : vector<1x16xf32> to vector<16xf32>
        %sub3A_505 = arith.subf %get3A_504, %get3A_51 : vector<16xf32>
        %abs3A_506 = math.absf %sub3A_505 : vector<16xf32>
        %add3A_507 = arith.addf %add3A_500, %abs3A_506 : vector<16xf32>
        %get3A_508 = arith.index_cast %add3A_487 : i32 to index
        %get3A_509 = arith.constant 48 : index
        %get3A_510 = tpu.vector_load %arg9[%get3A_508, %get3A_509] {strides = array<i32>} : memref<128x64xf32, #tpu.memory_space<vmem>>, vector<1x16xf32>,
        %get3A_511 = vector.shape_cast %get3A_510 : vector<1x16xf32> to vector<16xf32>
        %sub3A_512 = arith.subf %get3A_511, %get3A_55 : vector<16xf32>
        %abs3A_513 = math.absf %sub3A_512 : vector<16xf32>
        %add3A_514 = arith.addf %add3A_507, %abs3A_513 : vector<16xf32>
        %slice3A_515 = vector.extract_strided_slice %get3A_39 {offsets = [12], sizes = [1], strides = [1]} : vector<16xf32> to vector<1xf32>
        %squeeze3A_516 = vector.extract %slice3A_515[0] : f32 from vector<1xf32>
        %mul3A_517 = vector.broadcast %squeeze3A_516 : f32 to vector<16xf32>
        %mul3A_518 = arith.mulf %mul3A_517, %add3A_514 : vector<16xf32>
        %add3A_519 = arith.addf %add3A_483, %mul3A_518 : vector<16xf32>
        %mul3A_520 = arith.constant 16 : i32
        %mul3A_521 = arith.muli %scan3A_30, %mul3A_520 : i32
        %add3A_522 = arith.constant 13 : i32
        %add3A_523 = arith.addi %mul3A_521, %add3A_522 : i32
        %get3A_524 = arith.index_cast %add3A_523 : i32 to index
        %get3A_525 = arith.constant 0 : index
        %get3A_526 = tpu.vector_load %arg9[%get3A_524, %get3A_525] {strides = array<i32>} : memref<128x64xf32, #tpu.memory_space<vmem>>, vector<1x16xf32>,
        %get3A_527 = vector.shape_cast %get3A_526 : vector<1x16xf32> to vector<16xf32>
        %sub3A_528 = arith.subf %get3A_527, %get3A_43 : vector<16xf32>
        %abs3A_529 = math.absf %sub3A_528 : vector<16xf32>
        %get3A_530 = arith.index_cast %add3A_523 : i32 to index
        %get3A_531 = arith.constant 16 : index
        %get3A_532 = tpu.vector_load %arg9[%get3A_530, %get3A_531] {strides = array<i32>} : memref<128x64xf32, #tpu.memory_space<vmem>>, vector<1x16xf32>,
        %get3A_533 = vector.shape_cast %get3A_532 : vector<1x16xf32> to vector<16xf32>
        %sub3A_534 = arith.subf %get3A_533, %get3A_47 : vector<16xf32>
        %abs3A_535 = math.absf %sub3A_534 : vector<16xf32>
        %add3A_536 = arith.addf %abs3A_529, %abs3A_535 : vector<16xf32>
        %get3A_537 = arith.index_cast %add3A_523 : i32 to index
        %get3A_538 = arith.constant 32 : index
        %get3A_539 = tpu.vector_load %arg9[%get3A_537, %get3A_538] {strides = array<i32>} : memref<128x64xf32, #tpu.memory_space<vmem>>, vector<1x16xf32>,
        %get3A_540 = vector.shape_cast %get3A_539 : vector<1x16xf32> to vector<16xf32>
        %sub3A_541 = arith.subf %get3A_540, %get3A_51 : vector<16xf32>
        %abs3A_542 = math.absf %sub3A_541 : vector<16xf32>
        %add3A_543 = arith.addf %add3A_536, %abs3A_542 : vector<16xf32>
        %get3A_544 = arith.index_cast %add3A_523 : i32 to index
        %get3A_545 = arith.constant 48 : index
        %get3A_546 = tpu.vector_load %arg9[%get3A_544, %get3A_545] {strides = array<i32>} : memref<128x64xf32, #tpu.memory_space<vmem>>, vector<1x16xf32>,
        %get3A_547 = vector.shape_cast %get3A_546 : vector<1x16xf32> to vector<16xf32>
        %sub3A_548 = arith.subf %get3A_547, %get3A_55 : vector<16xf32>
        %abs3A_549 = math.absf %sub3A_548 : vector<16xf32>
        %add3A_550 = arith.addf %add3A_543, %abs3A_549 : vector<16xf32>
        %slice3A_551 = vector.extract_strided_slice %get3A_39 {offsets = [13], sizes = [1], strides = [1]} : vector<16xf32> to vector<1xf32>
        %squeeze3A_552 = vector.extract %slice3A_551[0] : f32 from vector<1xf32>
        %mul3A_553 = vector.broadcast %squeeze3A_552 : f32 to vector<16xf32>
        %mul3A_554 = arith.mulf %mul3A_553, %add3A_550 : vector<16xf32>
        %add3A_555 = arith.addf %add3A_519, %mul3A_554 : vector<16xf32>
        %mul3A_556 = arith.constant 16 : i32
        %mul3A_557 = arith.muli %scan3A_30, %mul3A_556 : i32
        %add3A_558 = arith.constant 14 : i32
        %add3A_559 = arith.addi %mul3A_557, %add3A_558 : i32
        %get3A_560 = arith.index_cast %add3A_559 : i32 to index
        %get3A_561 = arith.constant 0 : index
        %get3A_562 = tpu.vector_load %arg9[%get3A_560, %get3A_561] {strides = array<i32>} : memref<128x64xf32, #tpu.memory_space<vmem>>, vector<1x16xf32>,
        %get3A_563 = vector.shape_cast %get3A_562 : vector<1x16xf32> to vector<16xf32>
        %sub3A_564 = arith.subf %get3A_563, %get3A_43 : vector<16xf32>
        %abs3A_565 = math.absf %sub3A_564 : vector<16xf32>
        %get3A_566 = arith.index_cast %add3A_559 : i32 to index
        %get3A_567 = arith.constant 16 : index
        %get3A_568 = tpu.vector_load %arg9[%get3A_566, %get3A_567] {strides = array<i32>} : memref<128x64xf32, #tpu.memory_space<vmem>>, vector<1x16xf32>,
        %get3A_569 = vector.shape_cast %get3A_568 : vector<1x16xf32> to vector<16xf32>
        %sub3A_570 = arith.subf %get3A_569, %get3A_47 : vector<16xf32>
        %abs3A_571 = math.absf %sub3A_570 : vector<16xf32>
        %add3A_572 = arith.addf %abs3A_565, %abs3A_571 : vector<16xf32>
        %get3A_573 = arith.index_cast %add3A_559 : i32 to index
        %get3A_574 = arith.constant 32 : index
        %get3A_575 = tpu.vector_load %arg9[%get3A_573, %get3A_574] {strides = array<i32>} : memref<128x64xf32, #tpu.memory_space<vmem>>, vector<1x16xf32>,
        %get3A_576 = vector.shape_cast %get3A_575 : vector<1x16xf32> to vector<16xf32>
        %sub3A_577 = arith.subf %get3A_576, %get3A_51 : vector<16xf32>
        %abs3A_578 = math.absf %sub3A_577 : vector<16xf32>
        %add3A_579 = arith.addf %add3A_572, %abs3A_578 : vector<16xf32>
        %get3A_580 = arith.index_cast %add3A_559 : i32 to index
        %get3A_581 = arith.constant 48 : index
        %get3A_582 = tpu.vector_load %arg9[%get3A_580, %get3A_581] {strides = array<i32>} : memref<128x64xf32, #tpu.memory_space<vmem>>, vector<1x16xf32>,
        %get3A_583 = vector.shape_cast %get3A_582 : vector<1x16xf32> to vector<16xf32>
        %sub3A_584 = arith.subf %get3A_583, %get3A_55 : vector<16xf32>
        %abs3A_585 = math.absf %sub3A_584 : vector<16xf32>
        %add3A_586 = arith.addf %add3A_579, %abs3A_585 : vector<16xf32>
        %slice3A_587 = vector.extract_strided_slice %get3A_39 {offsets = [14], sizes = [1], strides = [1]} : vector<16xf32> to vector<1xf32>
        %squeeze3A_588 = vector.extract %slice3A_587[0] : f32 from vector<1xf32>
        %mul3A_589 = vector.broadcast %squeeze3A_588 : f32 to vector<16xf32>
        %mul3A_590 = arith.mulf %mul3A_589, %add3A_586 : vector<16xf32>
        %add3A_591 = arith.addf %add3A_555, %mul3A_590 : vector<16xf32>
        %mul3A_592 = arith.constant 16 : i32
        %mul3A_593 = arith.muli %scan3A_30, %mul3A_592 : i32
        %add3A_594 = arith.constant 15 : i32
        %add3A_595 = arith.addi %mul3A_593, %add3A_594 : i32
        %get3A_596 = arith.index_cast %add3A_595 : i32 to index
        %get3A_597 = arith.constant 0 : index
        %get3A_598 = tpu.vector_load %arg9[%get3A_596, %get3A_597] {strides = array<i32>} : memref<128x64xf32, #tpu.memory_space<vmem>>, vector<1x16xf32>,
        %get3A_599 = vector.shape_cast %get3A_598 : vector<1x16xf32> to vector<16xf32>
        %sub3A_600 = arith.subf %get3A_599, %get3A_43 : vector<16xf32>
        %abs3A_601 = math.absf %sub3A_600 : vector<16xf32>
        %get3A_602 = arith.index_cast %add3A_595 : i32 to index
        %get3A_603 = arith.constant 16 : index
        %get3A_604 = tpu.vector_load %arg9[%get3A_602, %get3A_603] {strides = array<i32>} : memref<128x64xf32, #tpu.memory_space<vmem>>, vector<1x16xf32>,
        %get3A_605 = vector.shape_cast %get3A_604 : vector<1x16xf32> to vector<16xf32>
        %sub3A_606 = arith.subf %get3A_605, %get3A_47 : vector<16xf32>
        %abs3A_607 = math.absf %sub3A_606 : vector<16xf32>
        %add3A_608 = arith.addf %abs3A_601, %abs3A_607 : vector<16xf32>
        %get3A_609 = arith.index_cast %add3A_595 : i32 to index
        %get3A_610 = arith.constant 32 : index
        %get3A_611 = tpu.vector_load %arg9[%get3A_609, %get3A_610] {strides = array<i32>} : memref<128x64xf32, #tpu.memory_space<vmem>>, vector<1x16xf32>,
        %get3A_612 = vector.shape_cast %get3A_611 : vector<1x16xf32> to vector<16xf32>
        %sub3A_613 = arith.subf %get3A_612, %get3A_51 : vector<16xf32>
        %abs3A_614 = math.absf %sub3A_613 : vector<16xf32>
        %add3A_615 = arith.addf %add3A_608, %abs3A_614 : vector<16xf32>
        %get3A_616 = arith.index_cast %add3A_595 : i32 to index
        %get3A_617 = arith.constant 48 : index
        %get3A_618 = tpu.vector_load %arg9[%get3A_616, %get3A_617] {strides = array<i32>} : memref<128x64xf32, #tpu.memory_space<vmem>>, vector<1x16xf32>,
        %get3A_619 = vector.shape_cast %get3A_618 : vector<1x16xf32> to vector<16xf32>
        %sub3A_620 = arith.subf %get3A_619, %get3A_55 : vector<16xf32>
        %abs3A_621 = math.absf %sub3A_620 : vector<16xf32>
        %add3A_622 = arith.addf %add3A_615, %abs3A_621 : vector<16xf32>
        %slice3A_623 = vector.extract_strided_slice %get3A_39 {offsets = [15], sizes = [1], strides = [1]} : vector<16xf32> to vector<1xf32>
        %squeeze3A_624 = vector.extract %slice3A_623[0] : f32 from vector<1xf32>
        %mul3A_625 = vector.broadcast %squeeze3A_624 : f32 to vector<16xf32>
        %mul3A_626 = arith.mulf %mul3A_625, %add3A_622 : vector<16xf32>
        %add3A_627 = arith.addf %add3A_591, %mul3A_626 : vector<16xf32>
        scf.yield %add3A_627 : vector<16xf32>
      }
      %scan3A_29 = arith.constant 8 : i32
      scf.yield %scan3A_28 : vector<16xf32>
    }
    %scan3A_8 = arith.constant 32 : i32
    %swap3A = arith.constant 0 : index
    %swap3A_9 = tpu.vector_load %arg10[%swap3A] {strides = array<i32>} : memref<16xf32, #tpu.memory_space<vmem>>, vector<16xf32>,
    %swap3A_10 = vector.shape_cast %swap3A_9 : vector<16xf32> to vector<16xf32>
    %swap3A_11 = vector.shape_cast %scan3A_7 : vector<16xf32> to vector<16xf32>
    tpu.vector_store %arg10[%swap3A], %swap3A_11 {strides = array<i32>} : memref<16xf32, #tpu.memory_space<vmem>>, vector<16xf32>,
    "tpu.region"() ({
      %run_scoped3A = tpu.sem_alloc : memref<!tpu.dma_semaphore, #tpu.memory_space<semaphore_mem>>
      %dma_start3A = arith.constant 0 : i32
      %dma_start3A_12 = tpu.memref_slice %arg5[%add3A, %dma_start3A] : memref<32x16xf32, #tpu.memory_space<hbm>> -> memref<1x16xf32, #tpu.memory_space<hbm>>
      %dma_start3A_13 = tpu.memref_squeeze %dma_start3A_12 : memref<1x16xf32, #tpu.memory_space<hbm>> -> memref<16xf32, #tpu.memory_space<hbm>>
      %dma_start3A_14 = arith.constant 0 : i32
      %dma_start3A_15 = tpu.memref_slice %arg5[%add3A, %dma_start3A_14] : memref<32x16xf32, #tpu.memory_space<hbm>> -> memref<1x16xf32, #tpu.memory_space<hbm>>
      %dma_start3A_16 = tpu.memref_squeeze %dma_start3A_15 : memref<1x16xf32, #tpu.memory_space<hbm>> -> memref<16xf32, #tpu.memory_space<hbm>>
      tpu.enqueue_dma source(%arg10 : memref<16xf32, #tpu.memory_space<vmem>>) target(%dma_start3A_16 : memref<16xf32, #tpu.memory_space<hbm>>) target_semaphore(%run_scoped3A : memref<!tpu.dma_semaphore, #tpu.memory_space<semaphore_mem>>)
      %dma_wait3A = arith.constant 0 : i32
      %dma_wait3A_17 = tpu.memref_slice %arg5[%add3A, %dma_wait3A] : memref<32x16xf32, #tpu.memory_space<hbm>> -> memref<1x16xf32, #tpu.memory_space<hbm>>
      %dma_wait3A_18 = tpu.memref_squeeze %dma_wait3A_17 : memref<1x16xf32, #tpu.memory_space<hbm>> -> memref<16xf32, #tpu.memory_space<hbm>>
      %dma_wait3A_19 = arith.constant 0 : i32
      %dma_wait3A_20 = tpu.memref_slice %arg5[%add3A, %dma_wait3A_19] : memref<32x16xf32, #tpu.memory_space<hbm>> -> memref<1x16xf32, #tpu.memory_space<hbm>>
      %dma_wait3A_21 = tpu.memref_squeeze %dma_wait3A_20 : memref<1x16xf32, #tpu.memory_space<hbm>> -> memref<16xf32, #tpu.memory_space<hbm>>
      tpu.wait_dma2 semaphore(%run_scoped3A : memref<!tpu.dma_semaphore, #tpu.memory_space<semaphore_mem>>) src(%arg10 : memref<16xf32, #tpu.memory_space<vmem>>) dst(%dma_wait3A_21 : memref<16xf32, #tpu.memory_space<hbm>>)
      tpu.yield
    }) : () -> ()
    return
  }
}

module attributes {stable_mosaic.version = 14 : i64} {
  func.func @_knn_body(%arg0: i32, %arg1: memref<256x4xf32, #tpu.memory_space<vmem>>, %arg2: memref<4x8192xf32, #tpu.memory_space<vmem>>, %arg3: memref<256x64xf32, #tpu.memory_space<vmem>>, %arg4: memref<256x64xf32, #tpu.memory_space<vmem>>, %arg5: memref<256x16xi32, #tpu.memory_space<vmem>>, %arg6: memref<256x16xf32, #tpu.memory_space<vmem>>) attributes {dimension_semantics = [#tpu.dimension_semantics<arbitrary>], iteration_bounds = array<i64: 32>, scalar_prefetch = 0 : i64, scratch_operands = 0 : i64, tpu.core_type = #tpu.core_type<tc>, window_params = [{transform_indices = @transform_0, window_bounds = array<i64: 256, 4>}, {pipeline_mode = #tpu.pipeline_mode<synchronous>, transform_indices = @transform_1, window_bounds = array<i64: 4, 8192>}, {transform_indices = @transform_2, window_bounds = array<i64: 256, 64>}, {transform_indices = @transform_3, window_bounds = array<i64: 256, 64>}, {transform_indices = @transform_4, window_bounds = array<i64: 256, 16>}, {transform_indices = @transform_5, window_bounds = array<i64: 256, 16>}]} {
    %get3A = arith.constant 0 : index
    %get3A_0 = arith.constant 0 : index
    %get3A_1 = vector.load %arg3[%get3A, %get3A_0] : memref<256x64xf32, #tpu.memory_space<vmem>>, vector<256x64xf32>
    %mul3A = arith.mulf %get3A_1, %get3A_1 : vector<256x64xf32>
    %reduce_sum3A = arith.constant dense<0.000000e+00> : vector<256xf32>
    %reduce_sum3A_2 = vector.multi_reduction <add>, %mul3A, %reduce_sum3A [1] : vector<256x64xf32> to vector<256xf32>
    %broadcast_in_dim3A = vector.shape_cast %reduce_sum3A_2 : vector<256xf32> to vector<256x1xf32>
    %sqrt3A = math.sqrt %broadcast_in_dim3A : vector<256x1xf32>
    %max3A = arith.constant 9.99999996E-13 : f32
    %max3A_3 = vector.broadcast %max3A : f32 to vector<256x1xf32>
    %max3A_4 = arith.maximumf %sqrt3A, %max3A_3 : vector<256x1xf32>
    %div3A = vector.broadcast %max3A_4 : vector<256x1xf32> to vector<256x64xf32>
    %div3A_5 = arith.divf %get3A_1, %div3A : vector<256x64xf32>
    %swap3A = arith.constant 0 : index
    %swap3A_6 = arith.constant 0 : index
    %swap3A_7 = vector.load %arg4[%swap3A, %swap3A_6] : memref<256x64xf32, #tpu.memory_space<vmem>>, vector<256x64xf32>
    tpu.vector_store %arg4[%swap3A, %swap3A_6], %div3A_5 {strides = array<i32>} : memref<256x64xf32, #tpu.memory_space<vmem>>, vector<256x64xf32>,
    %get3A_8 = arith.constant 0 : index
    %get3A_9 = arith.constant 0 : index
    %get3A_10 = vector.load %arg1[%get3A_8, %get3A_9] : memref<256x4xf32, #tpu.memory_space<vmem>>, vector<256x4xf32>
    %get3A_11 = arith.constant 0 : index
    %get3A_12 = arith.constant 0 : index
    %get3A_13 = vector.load %arg2[%get3A_11, %get3A_12] : memref<4x8192xf32, #tpu.memory_space<vmem>>, vector<4x8192xf32>
    %mul3A_14 = arith.mulf %get3A_10, %get3A_10 : vector<256x4xf32>
    %reduce_sum3A_15 = arith.constant dense<0.000000e+00> : vector<256xf32>
    %reduce_sum3A_16 = vector.multi_reduction <add>, %mul3A_14, %reduce_sum3A_15 [1] : vector<256x4xf32> to vector<256xf32>
    %broadcast_in_dim3A_17 = vector.shape_cast %reduce_sum3A_16 : vector<256xf32> to vector<256x1xf32>
    %mul3A_18 = arith.mulf %get3A_13, %get3A_13 : vector<4x8192xf32>
    %reduce_sum3A_19 = arith.constant dense<0.000000e+00> : vector<8192xf32>
    %reduce_sum3A_20 = vector.multi_reduction <add>, %mul3A_18, %reduce_sum3A_19 [0] : vector<4x8192xf32> to vector<8192xf32>
    %broadcast_in_dim3A_21 = vector.shape_cast %reduce_sum3A_20 : vector<8192xf32> to vector<1x8192xf32>
    %dot_general3A = arith.constant dense<0.000000e+00> : vector<256x8192xf32>
    %dot_general3A_22 = tpu.matmul %get3A_10, %get3A_13, %dot_general3A {dimension_numbers = #tpu.dot_dimension_numbers<[1], [0], [0], [1], [0, 0, 1, 1], [], []>, transpose_lhs_hint = false} : vector<256x4xf32>, vector<4x8192xf32>, vector<256x8192xf32> -> vector<256x8192xf32>
    %mul3A_23 = arith.constant 256 : i32
    %mul3A_24 = arith.muli %arg0, %mul3A_23 : i32
    %iota3A = tpu.iota {dimensions = array<i32: 0>} : vector<256x1xi32>
    %add3A = vector.broadcast %mul3A_24 : i32 to vector<256x1xi32>
    %add3A_25 = arith.addi %add3A, %iota3A : vector<256x1xi32>
    %iota3A_26 = tpu.iota {dimensions = array<i32: 1>} : vector<256x128xi32>
    %broadcast_in_dim3A_27 = arith.constant 2147483647 : i32
    %broadcast_in_dim3A_28 = vector.broadcast %broadcast_in_dim3A_27 : i32 to vector<256x128xi32>
    %slice3A = vector.extract_strided_slice %broadcast_in_dim3A_21 {offsets = [0, 0], sizes = [1, 128], strides = [1, 1]} : vector<1x8192xf32> to vector<1x128xf32>
    %add3A_29 = vector.broadcast %broadcast_in_dim3A_17 : vector<256x1xf32> to vector<256x128xf32>
    %add3A_30 = vector.broadcast %slice3A : vector<1x128xf32> to vector<256x128xf32>
    %add3A_31 = arith.addf %add3A_29, %add3A_30 : vector<256x128xf32>
    %slice3A_32 = vector.extract_strided_slice %dot_general3A_22 {offsets = [0, 0], sizes = [256, 128], strides = [1, 1]} : vector<256x8192xf32> to vector<256x128xf32>
    %mul3A_33 = arith.constant 2.000000e+00 : f32
    %mul3A_34 = vector.broadcast %mul3A_33 : f32 to vector<256x128xf32>
    %mul3A_35 = arith.mulf %mul3A_34, %slice3A_32 : vector<256x128xf32>
    %sub3A = arith.subf %add3A_31, %mul3A_35 : vector<256x128xf32>
    %max3A_36 = arith.constant 0.000000e+00 : f32
    %max3A_37 = vector.broadcast %max3A_36 : f32 to vector<256x128xf32>
    %max3A_38 = arith.maximumf %sub3A, %max3A_37 : vector<256x128xf32>
    %add3A_39 = arith.constant 0 : i32
    %add3A_40 = vector.broadcast %add3A_39 : i32 to vector<256x128xi32>
    %add3A_41 = arith.addi %add3A_40, %iota3A_26 : vector<256x128xi32>
    %eq3A = vector.broadcast %add3A_25 : vector<256x1xi32> to vector<256x128xi32>
    %eq3A_42 = arith.cmpi eq, %add3A_41, %eq3A : vector<256x128xi32>
    %jit3A = arith.constant 0x7F800000 : f32
    %broadcast_in_dim3A_43 = vector.broadcast %jit3A : f32 to vector<256x128xf32>
    %select_n3A = arith.select %eq3A_42, %broadcast_in_dim3A_43, %max3A_38 : vector<256x128xi1>, vector<256x128xf32>
    %bitcast_convert_type3A = tpu.bitcast %select_n3A : vector<256x128xf32> -> vector<256x128xi32>
    %and3A = arith.constant -64 : i32
    %and3A_44 = vector.broadcast %and3A : i32 to vector<256x128xi32>
    %and3A_45 = arith.andi %bitcast_convert_type3A, %and3A_44 : vector<256x128xi32>
    %or3A = arith.constant 0 : i32
    %or3A_46 = vector.broadcast %or3A : i32 to vector<256x128xi32>
    %or3A_47 = arith.ori %and3A_45, %or3A_46 : vector<256x128xi32>
    %min3A = arith.minsi %broadcast_in_dim3A_28, %or3A_47 : vector<256x128xi32>
    %max3A_48 = arith.maxsi %broadcast_in_dim3A_28, %or3A_47 : vector<256x128xi32>
    %min3A_49 = arith.minsi %broadcast_in_dim3A_28, %max3A_48 : vector<256x128xi32>
    %max3A_50 = arith.maxsi %broadcast_in_dim3A_28, %max3A_48 : vector<256x128xi32>
    %min3A_51 = arith.minsi %broadcast_in_dim3A_28, %max3A_50 : vector<256x128xi32>
    %slice3A_52 = vector.extract_strided_slice %broadcast_in_dim3A_21 {offsets = [0, 128], sizes = [1, 128], strides = [1, 1]} : vector<1x8192xf32> to vector<1x128xf32>
    %add3A_53 = vector.broadcast %broadcast_in_dim3A_17 : vector<256x1xf32> to vector<256x128xf32>
    %add3A_54 = vector.broadcast %slice3A_52 : vector<1x128xf32> to vector<256x128xf32>
    %add3A_55 = arith.addf %add3A_53, %add3A_54 : vector<256x128xf32>
    %slice3A_56 = vector.extract_strided_slice %dot_general3A_22 {offsets = [0, 128], sizes = [256, 128], strides = [1, 1]} : vector<256x8192xf32> to vector<256x128xf32>
    %mul3A_57 = arith.constant 2.000000e+00 : f32
    %mul3A_58 = vector.broadcast %mul3A_57 : f32 to vector<256x128xf32>
    %mul3A_59 = arith.mulf %mul3A_58, %slice3A_56 : vector<256x128xf32>
    %sub3A_60 = arith.subf %add3A_55, %mul3A_59 : vector<256x128xf32>
    %max3A_61 = arith.constant 0.000000e+00 : f32
    %max3A_62 = vector.broadcast %max3A_61 : f32 to vector<256x128xf32>
    %max3A_63 = arith.maximumf %sub3A_60, %max3A_62 : vector<256x128xf32>
    %add3A_64 = arith.constant 128 : i32
    %add3A_65 = vector.broadcast %add3A_64 : i32 to vector<256x128xi32>
    %add3A_66 = arith.addi %add3A_65, %iota3A_26 : vector<256x128xi32>
    %eq3A_67 = vector.broadcast %add3A_25 : vector<256x1xi32> to vector<256x128xi32>
    %eq3A_68 = arith.cmpi eq, %add3A_66, %eq3A_67 : vector<256x128xi32>
    %jit3A_69 = arith.constant 0x7F800000 : f32
    %broadcast_in_dim3A_70 = vector.broadcast %jit3A_69 : f32 to vector<256x128xf32>
    %select_n3A_71 = arith.select %eq3A_68, %broadcast_in_dim3A_70, %max3A_63 : vector<256x128xi1>, vector<256x128xf32>
    %bitcast_convert_type3A_72 = tpu.bitcast %select_n3A_71 : vector<256x128xf32> -> vector<256x128xi32>
    %and3A_73 = arith.constant -64 : i32
    %and3A_74 = vector.broadcast %and3A_73 : i32 to vector<256x128xi32>
    %and3A_75 = arith.andi %bitcast_convert_type3A_72, %and3A_74 : vector<256x128xi32>
    %or3A_76 = arith.constant 1 : i32
    %or3A_77 = vector.broadcast %or3A_76 : i32 to vector<256x128xi32>
    %or3A_78 = arith.ori %and3A_75, %or3A_77 : vector<256x128xi32>
    %min3A_79 = arith.minsi %min3A, %or3A_78 : vector<256x128xi32>
    %max3A_80 = arith.maxsi %min3A, %or3A_78 : vector<256x128xi32>
    %min3A_81 = arith.minsi %min3A_49, %max3A_80 : vector<256x128xi32>
    %max3A_82 = arith.maxsi %min3A_49, %max3A_80 : vector<256x128xi32>
    %min3A_83 = arith.minsi %min3A_51, %max3A_82 : vector<256x128xi32>
    %slice3A_84 = vector.extract_strided_slice %broadcast_in_dim3A_21 {offsets = [0, 256], sizes = [1, 128], strides = [1, 1]} : vector<1x8192xf32> to vector<1x128xf32>
    %add3A_85 = vector.broadcast %broadcast_in_dim3A_17 : vector<256x1xf32> to vector<256x128xf32>
    %add3A_86 = vector.broadcast %slice3A_84 : vector<1x128xf32> to vector<256x128xf32>
    %add3A_87 = arith.addf %add3A_85, %add3A_86 : vector<256x128xf32>
    %slice3A_88 = vector.extract_strided_slice %dot_general3A_22 {offsets = [0, 256], sizes = [256, 128], strides = [1, 1]} : vector<256x8192xf32> to vector<256x128xf32>
    %mul3A_89 = arith.constant 2.000000e+00 : f32
    %mul3A_90 = vector.broadcast %mul3A_89 : f32 to vector<256x128xf32>
    %mul3A_91 = arith.mulf %mul3A_90, %slice3A_88 : vector<256x128xf32>
    %sub3A_92 = arith.subf %add3A_87, %mul3A_91 : vector<256x128xf32>
    %max3A_93 = arith.constant 0.000000e+00 : f32
    %max3A_94 = vector.broadcast %max3A_93 : f32 to vector<256x128xf32>
    %max3A_95 = arith.maximumf %sub3A_92, %max3A_94 : vector<256x128xf32>
    %add3A_96 = arith.constant 256 : i32
    %add3A_97 = vector.broadcast %add3A_96 : i32 to vector<256x128xi32>
    %add3A_98 = arith.addi %add3A_97, %iota3A_26 : vector<256x128xi32>
    %eq3A_99 = vector.broadcast %add3A_25 : vector<256x1xi32> to vector<256x128xi32>
    %eq3A_100 = arith.cmpi eq, %add3A_98, %eq3A_99 : vector<256x128xi32>
    %jit3A_101 = arith.constant 0x7F800000 : f32
    %broadcast_in_dim3A_102 = vector.broadcast %jit3A_101 : f32 to vector<256x128xf32>
    %select_n3A_103 = arith.select %eq3A_100, %broadcast_in_dim3A_102, %max3A_95 : vector<256x128xi1>, vector<256x128xf32>
    %bitcast_convert_type3A_104 = tpu.bitcast %select_n3A_103 : vector<256x128xf32> -> vector<256x128xi32>
    %and3A_105 = arith.constant -64 : i32
    %and3A_106 = vector.broadcast %and3A_105 : i32 to vector<256x128xi32>
    %and3A_107 = arith.andi %bitcast_convert_type3A_104, %and3A_106 : vector<256x128xi32>
    %or3A_108 = arith.constant 2 : i32
    %or3A_109 = vector.broadcast %or3A_108 : i32 to vector<256x128xi32>
    %or3A_110 = arith.ori %and3A_107, %or3A_109 : vector<256x128xi32>
    %min3A_111 = arith.minsi %min3A_79, %or3A_110 : vector<256x128xi32>
    %max3A_112 = arith.maxsi %min3A_79, %or3A_110 : vector<256x128xi32>
    %min3A_113 = arith.minsi %min3A_81, %max3A_112 : vector<256x128xi32>
    %max3A_114 = arith.maxsi %min3A_81, %max3A_112 : vector<256x128xi32>
    %min3A_115 = arith.minsi %min3A_83, %max3A_114 : vector<256x128xi32>
    %slice3A_116 = vector.extract_strided_slice %broadcast_in_dim3A_21 {offsets = [0, 384], sizes = [1, 128], strides = [1, 1]} : vector<1x8192xf32> to vector<1x128xf32>
    %add3A_117 = vector.broadcast %broadcast_in_dim3A_17 : vector<256x1xf32> to vector<256x128xf32>
    %add3A_118 = vector.broadcast %slice3A_116 : vector<1x128xf32> to vector<256x128xf32>
    %add3A_119 = arith.addf %add3A_117, %add3A_118 : vector<256x128xf32>
    %slice3A_120 = vector.extract_strided_slice %dot_general3A_22 {offsets = [0, 384], sizes = [256, 128], strides = [1, 1]} : vector<256x8192xf32> to vector<256x128xf32>
    %mul3A_121 = arith.constant 2.000000e+00 : f32
    %mul3A_122 = vector.broadcast %mul3A_121 : f32 to vector<256x128xf32>
    %mul3A_123 = arith.mulf %mul3A_122, %slice3A_120 : vector<256x128xf32>
    %sub3A_124 = arith.subf %add3A_119, %mul3A_123 : vector<256x128xf32>
    %max3A_125 = arith.constant 0.000000e+00 : f32
    %max3A_126 = vector.broadcast %max3A_125 : f32 to vector<256x128xf32>
    %max3A_127 = arith.maximumf %sub3A_124, %max3A_126 : vector<256x128xf32>
    %add3A_128 = arith.constant 384 : i32
    %add3A_129 = vector.broadcast %add3A_128 : i32 to vector<256x128xi32>
    %add3A_130 = arith.addi %add3A_129, %iota3A_26 : vector<256x128xi32>
    %eq3A_131 = vector.broadcast %add3A_25 : vector<256x1xi32> to vector<256x128xi32>
    %eq3A_132 = arith.cmpi eq, %add3A_130, %eq3A_131 : vector<256x128xi32>
    %jit3A_133 = arith.constant 0x7F800000 : f32
    %broadcast_in_dim3A_134 = vector.broadcast %jit3A_133 : f32 to vector<256x128xf32>
    %select_n3A_135 = arith.select %eq3A_132, %broadcast_in_dim3A_134, %max3A_127 : vector<256x128xi1>, vector<256x128xf32>
    %bitcast_convert_type3A_136 = tpu.bitcast %select_n3A_135 : vector<256x128xf32> -> vector<256x128xi32>
    %and3A_137 = arith.constant -64 : i32
    %and3A_138 = vector.broadcast %and3A_137 : i32 to vector<256x128xi32>
    %and3A_139 = arith.andi %bitcast_convert_type3A_136, %and3A_138 : vector<256x128xi32>
    %or3A_140 = arith.constant 3 : i32
    %or3A_141 = vector.broadcast %or3A_140 : i32 to vector<256x128xi32>
    %or3A_142 = arith.ori %and3A_139, %or3A_141 : vector<256x128xi32>
    %min3A_143 = arith.minsi %min3A_111, %or3A_142 : vector<256x128xi32>
    %max3A_144 = arith.maxsi %min3A_111, %or3A_142 : vector<256x128xi32>
    %min3A_145 = arith.minsi %min3A_113, %max3A_144 : vector<256x128xi32>
    %max3A_146 = arith.maxsi %min3A_113, %max3A_144 : vector<256x128xi32>
    %min3A_147 = arith.minsi %min3A_115, %max3A_146 : vector<256x128xi32>
    %slice3A_148 = vector.extract_strided_slice %broadcast_in_dim3A_21 {offsets = [0, 512], sizes = [1, 128], strides = [1, 1]} : vector<1x8192xf32> to vector<1x128xf32>
    %add3A_149 = vector.broadcast %broadcast_in_dim3A_17 : vector<256x1xf32> to vector<256x128xf32>
    %add3A_150 = vector.broadcast %slice3A_148 : vector<1x128xf32> to vector<256x128xf32>
    %add3A_151 = arith.addf %add3A_149, %add3A_150 : vector<256x128xf32>
    %slice3A_152 = vector.extract_strided_slice %dot_general3A_22 {offsets = [0, 512], sizes = [256, 128], strides = [1, 1]} : vector<256x8192xf32> to vector<256x128xf32>
    %mul3A_153 = arith.constant 2.000000e+00 : f32
    %mul3A_154 = vector.broadcast %mul3A_153 : f32 to vector<256x128xf32>
    %mul3A_155 = arith.mulf %mul3A_154, %slice3A_152 : vector<256x128xf32>
    %sub3A_156 = arith.subf %add3A_151, %mul3A_155 : vector<256x128xf32>
    %max3A_157 = arith.constant 0.000000e+00 : f32
    %max3A_158 = vector.broadcast %max3A_157 : f32 to vector<256x128xf32>
    %max3A_159 = arith.maximumf %sub3A_156, %max3A_158 : vector<256x128xf32>
    %add3A_160 = arith.constant 512 : i32
    %add3A_161 = vector.broadcast %add3A_160 : i32 to vector<256x128xi32>
    %add3A_162 = arith.addi %add3A_161, %iota3A_26 : vector<256x128xi32>
    %eq3A_163 = vector.broadcast %add3A_25 : vector<256x1xi32> to vector<256x128xi32>
    %eq3A_164 = arith.cmpi eq, %add3A_162, %eq3A_163 : vector<256x128xi32>
    %jit3A_165 = arith.constant 0x7F800000 : f32
    %broadcast_in_dim3A_166 = vector.broadcast %jit3A_165 : f32 to vector<256x128xf32>
    %select_n3A_167 = arith.select %eq3A_164, %broadcast_in_dim3A_166, %max3A_159 : vector<256x128xi1>, vector<256x128xf32>
    %bitcast_convert_type3A_168 = tpu.bitcast %select_n3A_167 : vector<256x128xf32> -> vector<256x128xi32>
    %and3A_169 = arith.constant -64 : i32
    %and3A_170 = vector.broadcast %and3A_169 : i32 to vector<256x128xi32>
    %and3A_171 = arith.andi %bitcast_convert_type3A_168, %and3A_170 : vector<256x128xi32>
    %or3A_172 = arith.constant 4 : i32
    %or3A_173 = vector.broadcast %or3A_172 : i32 to vector<256x128xi32>
    %or3A_174 = arith.ori %and3A_171, %or3A_173 : vector<256x128xi32>
    %min3A_175 = arith.minsi %min3A_143, %or3A_174 : vector<256x128xi32>
    %max3A_176 = arith.maxsi %min3A_143, %or3A_174 : vector<256x128xi32>
    %min3A_177 = arith.minsi %min3A_145, %max3A_176 : vector<256x128xi32>
    %max3A_178 = arith.maxsi %min3A_145, %max3A_176 : vector<256x128xi32>
    %min3A_179 = arith.minsi %min3A_147, %max3A_178 : vector<256x128xi32>
    %slice3A_180 = vector.extract_strided_slice %broadcast_in_dim3A_21 {offsets = [0, 640], sizes = [1, 128], strides = [1, 1]} : vector<1x8192xf32> to vector<1x128xf32>
    %add3A_181 = vector.broadcast %broadcast_in_dim3A_17 : vector<256x1xf32> to vector<256x128xf32>
    %add3A_182 = vector.broadcast %slice3A_180 : vector<1x128xf32> to vector<256x128xf32>
    %add3A_183 = arith.addf %add3A_181, %add3A_182 : vector<256x128xf32>
    %slice3A_184 = vector.extract_strided_slice %dot_general3A_22 {offsets = [0, 640], sizes = [256, 128], strides = [1, 1]} : vector<256x8192xf32> to vector<256x128xf32>
    %mul3A_185 = arith.constant 2.000000e+00 : f32
    %mul3A_186 = vector.broadcast %mul3A_185 : f32 to vector<256x128xf32>
    %mul3A_187 = arith.mulf %mul3A_186, %slice3A_184 : vector<256x128xf32>
    %sub3A_188 = arith.subf %add3A_183, %mul3A_187 : vector<256x128xf32>
    %max3A_189 = arith.constant 0.000000e+00 : f32
    %max3A_190 = vector.broadcast %max3A_189 : f32 to vector<256x128xf32>
    %max3A_191 = arith.maximumf %sub3A_188, %max3A_190 : vector<256x128xf32>
    %add3A_192 = arith.constant 640 : i32
    %add3A_193 = vector.broadcast %add3A_192 : i32 to vector<256x128xi32>
    %add3A_194 = arith.addi %add3A_193, %iota3A_26 : vector<256x128xi32>
    %eq3A_195 = vector.broadcast %add3A_25 : vector<256x1xi32> to vector<256x128xi32>
    %eq3A_196 = arith.cmpi eq, %add3A_194, %eq3A_195 : vector<256x128xi32>
    %jit3A_197 = arith.constant 0x7F800000 : f32
    %broadcast_in_dim3A_198 = vector.broadcast %jit3A_197 : f32 to vector<256x128xf32>
    %select_n3A_199 = arith.select %eq3A_196, %broadcast_in_dim3A_198, %max3A_191 : vector<256x128xi1>, vector<256x128xf32>
    %bitcast_convert_type3A_200 = tpu.bitcast %select_n3A_199 : vector<256x128xf32> -> vector<256x128xi32>
    %and3A_201 = arith.constant -64 : i32
    %and3A_202 = vector.broadcast %and3A_201 : i32 to vector<256x128xi32>
    %and3A_203 = arith.andi %bitcast_convert_type3A_200, %and3A_202 : vector<256x128xi32>
    %or3A_204 = arith.constant 5 : i32
    %or3A_205 = vector.broadcast %or3A_204 : i32 to vector<256x128xi32>
    %or3A_206 = arith.ori %and3A_203, %or3A_205 : vector<256x128xi32>
    %min3A_207 = arith.minsi %min3A_175, %or3A_206 : vector<256x128xi32>
    %max3A_208 = arith.maxsi %min3A_175, %or3A_206 : vector<256x128xi32>
    %min3A_209 = arith.minsi %min3A_177, %max3A_208 : vector<256x128xi32>
    %max3A_210 = arith.maxsi %min3A_177, %max3A_208 : vector<256x128xi32>
    %min3A_211 = arith.minsi %min3A_179, %max3A_210 : vector<256x128xi32>
    %slice3A_212 = vector.extract_strided_slice %broadcast_in_dim3A_21 {offsets = [0, 768], sizes = [1, 128], strides = [1, 1]} : vector<1x8192xf32> to vector<1x128xf32>
    %add3A_213 = vector.broadcast %broadcast_in_dim3A_17 : vector<256x1xf32> to vector<256x128xf32>
    %add3A_214 = vector.broadcast %slice3A_212 : vector<1x128xf32> to vector<256x128xf32>
    %add3A_215 = arith.addf %add3A_213, %add3A_214 : vector<256x128xf32>
    %slice3A_216 = vector.extract_strided_slice %dot_general3A_22 {offsets = [0, 768], sizes = [256, 128], strides = [1, 1]} : vector<256x8192xf32> to vector<256x128xf32>
    %mul3A_217 = arith.constant 2.000000e+00 : f32
    %mul3A_218 = vector.broadcast %mul3A_217 : f32 to vector<256x128xf32>
    %mul3A_219 = arith.mulf %mul3A_218, %slice3A_216 : vector<256x128xf32>
    %sub3A_220 = arith.subf %add3A_215, %mul3A_219 : vector<256x128xf32>
    %max3A_221 = arith.constant 0.000000e+00 : f32
    %max3A_222 = vector.broadcast %max3A_221 : f32 to vector<256x128xf32>
    %max3A_223 = arith.maximumf %sub3A_220, %max3A_222 : vector<256x128xf32>
    %add3A_224 = arith.constant 768 : i32
    %add3A_225 = vector.broadcast %add3A_224 : i32 to vector<256x128xi32>
    %add3A_226 = arith.addi %add3A_225, %iota3A_26 : vector<256x128xi32>
    %eq3A_227 = vector.broadcast %add3A_25 : vector<256x1xi32> to vector<256x128xi32>
    %eq3A_228 = arith.cmpi eq, %add3A_226, %eq3A_227 : vector<256x128xi32>
    %jit3A_229 = arith.constant 0x7F800000 : f32
    %broadcast_in_dim3A_230 = vector.broadcast %jit3A_229 : f32 to vector<256x128xf32>
    %select_n3A_231 = arith.select %eq3A_228, %broadcast_in_dim3A_230, %max3A_223 : vector<256x128xi1>, vector<256x128xf32>
    %bitcast_convert_type3A_232 = tpu.bitcast %select_n3A_231 : vector<256x128xf32> -> vector<256x128xi32>
    %and3A_233 = arith.constant -64 : i32
    %and3A_234 = vector.broadcast %and3A_233 : i32 to vector<256x128xi32>
    %and3A_235 = arith.andi %bitcast_convert_type3A_232, %and3A_234 : vector<256x128xi32>
    %or3A_236 = arith.constant 6 : i32
    %or3A_237 = vector.broadcast %or3A_236 : i32 to vector<256x128xi32>
    %or3A_238 = arith.ori %and3A_235, %or3A_237 : vector<256x128xi32>
    %min3A_239 = arith.minsi %min3A_207, %or3A_238 : vector<256x128xi32>
    %max3A_240 = arith.maxsi %min3A_207, %or3A_238 : vector<256x128xi32>
    %min3A_241 = arith.minsi %min3A_209, %max3A_240 : vector<256x128xi32>
    %max3A_242 = arith.maxsi %min3A_209, %max3A_240 : vector<256x128xi32>
    %min3A_243 = arith.minsi %min3A_211, %max3A_242 : vector<256x128xi32>
    %slice3A_244 = vector.extract_strided_slice %broadcast_in_dim3A_21 {offsets = [0, 896], sizes = [1, 128], strides = [1, 1]} : vector<1x8192xf32> to vector<1x128xf32>
    %add3A_245 = vector.broadcast %broadcast_in_dim3A_17 : vector<256x1xf32> to vector<256x128xf32>
    %add3A_246 = vector.broadcast %slice3A_244 : vector<1x128xf32> to vector<256x128xf32>
    %add3A_247 = arith.addf %add3A_245, %add3A_246 : vector<256x128xf32>
    %slice3A_248 = vector.extract_strided_slice %dot_general3A_22 {offsets = [0, 896], sizes = [256, 128], strides = [1, 1]} : vector<256x8192xf32> to vector<256x128xf32>
    %mul3A_249 = arith.constant 2.000000e+00 : f32
    %mul3A_250 = vector.broadcast %mul3A_249 : f32 to vector<256x128xf32>
    %mul3A_251 = arith.mulf %mul3A_250, %slice3A_248 : vector<256x128xf32>
    %sub3A_252 = arith.subf %add3A_247, %mul3A_251 : vector<256x128xf32>
    %max3A_253 = arith.constant 0.000000e+00 : f32
    %max3A_254 = vector.broadcast %max3A_253 : f32 to vector<256x128xf32>
    %max3A_255 = arith.maximumf %sub3A_252, %max3A_254 : vector<256x128xf32>
    %add3A_256 = arith.constant 896 : i32
    %add3A_257 = vector.broadcast %add3A_256 : i32 to vector<256x128xi32>
    %add3A_258 = arith.addi %add3A_257, %iota3A_26 : vector<256x128xi32>
    %eq3A_259 = vector.broadcast %add3A_25 : vector<256x1xi32> to vector<256x128xi32>
    %eq3A_260 = arith.cmpi eq, %add3A_258, %eq3A_259 : vector<256x128xi32>
    %jit3A_261 = arith.constant 0x7F800000 : f32
    %broadcast_in_dim3A_262 = vector.broadcast %jit3A_261 : f32 to vector<256x128xf32>
    %select_n3A_263 = arith.select %eq3A_260, %broadcast_in_dim3A_262, %max3A_255 : vector<256x128xi1>, vector<256x128xf32>
    %bitcast_convert_type3A_264 = tpu.bitcast %select_n3A_263 : vector<256x128xf32> -> vector<256x128xi32>
    %and3A_265 = arith.constant -64 : i32
    %and3A_266 = vector.broadcast %and3A_265 : i32 to vector<256x128xi32>
    %and3A_267 = arith.andi %bitcast_convert_type3A_264, %and3A_266 : vector<256x128xi32>
    %or3A_268 = arith.constant 7 : i32
    %or3A_269 = vector.broadcast %or3A_268 : i32 to vector<256x128xi32>
    %or3A_270 = arith.ori %and3A_267, %or3A_269 : vector<256x128xi32>
    %min3A_271 = arith.minsi %min3A_239, %or3A_270 : vector<256x128xi32>
    %max3A_272 = arith.maxsi %min3A_239, %or3A_270 : vector<256x128xi32>
    %min3A_273 = arith.minsi %min3A_241, %max3A_272 : vector<256x128xi32>
    %max3A_274 = arith.maxsi %min3A_241, %max3A_272 : vector<256x128xi32>
    %min3A_275 = arith.minsi %min3A_243, %max3A_274 : vector<256x128xi32>
    %slice3A_276 = vector.extract_strided_slice %broadcast_in_dim3A_21 {offsets = [0, 1024], sizes = [1, 128], strides = [1, 1]} : vector<1x8192xf32> to vector<1x128xf32>
    %add3A_277 = vector.broadcast %broadcast_in_dim3A_17 : vector<256x1xf32> to vector<256x128xf32>
    %add3A_278 = vector.broadcast %slice3A_276 : vector<1x128xf32> to vector<256x128xf32>
    %add3A_279 = arith.addf %add3A_277, %add3A_278 : vector<256x128xf32>
    %slice3A_280 = vector.extract_strided_slice %dot_general3A_22 {offsets = [0, 1024], sizes = [256, 128], strides = [1, 1]} : vector<256x8192xf32> to vector<256x128xf32>
    %mul3A_281 = arith.constant 2.000000e+00 : f32
    %mul3A_282 = vector.broadcast %mul3A_281 : f32 to vector<256x128xf32>
    %mul3A_283 = arith.mulf %mul3A_282, %slice3A_280 : vector<256x128xf32>
    %sub3A_284 = arith.subf %add3A_279, %mul3A_283 : vector<256x128xf32>
    %max3A_285 = arith.constant 0.000000e+00 : f32
    %max3A_286 = vector.broadcast %max3A_285 : f32 to vector<256x128xf32>
    %max3A_287 = arith.maximumf %sub3A_284, %max3A_286 : vector<256x128xf32>
    %add3A_288 = arith.constant 1024 : i32
    %add3A_289 = vector.broadcast %add3A_288 : i32 to vector<256x128xi32>
    %add3A_290 = arith.addi %add3A_289, %iota3A_26 : vector<256x128xi32>
    %eq3A_291 = vector.broadcast %add3A_25 : vector<256x1xi32> to vector<256x128xi32>
    %eq3A_292 = arith.cmpi eq, %add3A_290, %eq3A_291 : vector<256x128xi32>
    %jit3A_293 = arith.constant 0x7F800000 : f32
    %broadcast_in_dim3A_294 = vector.broadcast %jit3A_293 : f32 to vector<256x128xf32>
    %select_n3A_295 = arith.select %eq3A_292, %broadcast_in_dim3A_294, %max3A_287 : vector<256x128xi1>, vector<256x128xf32>
    %bitcast_convert_type3A_296 = tpu.bitcast %select_n3A_295 : vector<256x128xf32> -> vector<256x128xi32>
    %and3A_297 = arith.constant -64 : i32
    %and3A_298 = vector.broadcast %and3A_297 : i32 to vector<256x128xi32>
    %and3A_299 = arith.andi %bitcast_convert_type3A_296, %and3A_298 : vector<256x128xi32>
    %or3A_300 = arith.constant 8 : i32
    %or3A_301 = vector.broadcast %or3A_300 : i32 to vector<256x128xi32>
    %or3A_302 = arith.ori %and3A_299, %or3A_301 : vector<256x128xi32>
    %min3A_303 = arith.minsi %min3A_271, %or3A_302 : vector<256x128xi32>
    %max3A_304 = arith.maxsi %min3A_271, %or3A_302 : vector<256x128xi32>
    %min3A_305 = arith.minsi %min3A_273, %max3A_304 : vector<256x128xi32>
    %max3A_306 = arith.maxsi %min3A_273, %max3A_304 : vector<256x128xi32>
    %min3A_307 = arith.minsi %min3A_275, %max3A_306 : vector<256x128xi32>
    %slice3A_308 = vector.extract_strided_slice %broadcast_in_dim3A_21 {offsets = [0, 1152], sizes = [1, 128], strides = [1, 1]} : vector<1x8192xf32> to vector<1x128xf32>
    %add3A_309 = vector.broadcast %broadcast_in_dim3A_17 : vector<256x1xf32> to vector<256x128xf32>
    %add3A_310 = vector.broadcast %slice3A_308 : vector<1x128xf32> to vector<256x128xf32>
    %add3A_311 = arith.addf %add3A_309, %add3A_310 : vector<256x128xf32>
    %slice3A_312 = vector.extract_strided_slice %dot_general3A_22 {offsets = [0, 1152], sizes = [256, 128], strides = [1, 1]} : vector<256x8192xf32> to vector<256x128xf32>
    %mul3A_313 = arith.constant 2.000000e+00 : f32
    %mul3A_314 = vector.broadcast %mul3A_313 : f32 to vector<256x128xf32>
    %mul3A_315 = arith.mulf %mul3A_314, %slice3A_312 : vector<256x128xf32>
    %sub3A_316 = arith.subf %add3A_311, %mul3A_315 : vector<256x128xf32>
    %max3A_317 = arith.constant 0.000000e+00 : f32
    %max3A_318 = vector.broadcast %max3A_317 : f32 to vector<256x128xf32>
    %max3A_319 = arith.maximumf %sub3A_316, %max3A_318 : vector<256x128xf32>
    %add3A_320 = arith.constant 1152 : i32
    %add3A_321 = vector.broadcast %add3A_320 : i32 to vector<256x128xi32>
    %add3A_322 = arith.addi %add3A_321, %iota3A_26 : vector<256x128xi32>
    %eq3A_323 = vector.broadcast %add3A_25 : vector<256x1xi32> to vector<256x128xi32>
    %eq3A_324 = arith.cmpi eq, %add3A_322, %eq3A_323 : vector<256x128xi32>
    %jit3A_325 = arith.constant 0x7F800000 : f32
    %broadcast_in_dim3A_326 = vector.broadcast %jit3A_325 : f32 to vector<256x128xf32>
    %select_n3A_327 = arith.select %eq3A_324, %broadcast_in_dim3A_326, %max3A_319 : vector<256x128xi1>, vector<256x128xf32>
    %bitcast_convert_type3A_328 = tpu.bitcast %select_n3A_327 : vector<256x128xf32> -> vector<256x128xi32>
    %and3A_329 = arith.constant -64 : i32
    %and3A_330 = vector.broadcast %and3A_329 : i32 to vector<256x128xi32>
    %and3A_331 = arith.andi %bitcast_convert_type3A_328, %and3A_330 : vector<256x128xi32>
    %or3A_332 = arith.constant 9 : i32
    %or3A_333 = vector.broadcast %or3A_332 : i32 to vector<256x128xi32>
    %or3A_334 = arith.ori %and3A_331, %or3A_333 : vector<256x128xi32>
    %min3A_335 = arith.minsi %min3A_303, %or3A_334 : vector<256x128xi32>
    %max3A_336 = arith.maxsi %min3A_303, %or3A_334 : vector<256x128xi32>
    %min3A_337 = arith.minsi %min3A_305, %max3A_336 : vector<256x128xi32>
    %max3A_338 = arith.maxsi %min3A_305, %max3A_336 : vector<256x128xi32>
    %min3A_339 = arith.minsi %min3A_307, %max3A_338 : vector<256x128xi32>
    %slice3A_340 = vector.extract_strided_slice %broadcast_in_dim3A_21 {offsets = [0, 1280], sizes = [1, 128], strides = [1, 1]} : vector<1x8192xf32> to vector<1x128xf32>
    %add3A_341 = vector.broadcast %broadcast_in_dim3A_17 : vector<256x1xf32> to vector<256x128xf32>
    %add3A_342 = vector.broadcast %slice3A_340 : vector<1x128xf32> to vector<256x128xf32>
    %add3A_343 = arith.addf %add3A_341, %add3A_342 : vector<256x128xf32>
    %slice3A_344 = vector.extract_strided_slice %dot_general3A_22 {offsets = [0, 1280], sizes = [256, 128], strides = [1, 1]} : vector<256x8192xf32> to vector<256x128xf32>
    %mul3A_345 = arith.constant 2.000000e+00 : f32
    %mul3A_346 = vector.broadcast %mul3A_345 : f32 to vector<256x128xf32>
    %mul3A_347 = arith.mulf %mul3A_346, %slice3A_344 : vector<256x128xf32>
    %sub3A_348 = arith.subf %add3A_343, %mul3A_347 : vector<256x128xf32>
    %max3A_349 = arith.constant 0.000000e+00 : f32
    %max3A_350 = vector.broadcast %max3A_349 : f32 to vector<256x128xf32>
    %max3A_351 = arith.maximumf %sub3A_348, %max3A_350 : vector<256x128xf32>
    %add3A_352 = arith.constant 1280 : i32
    %add3A_353 = vector.broadcast %add3A_352 : i32 to vector<256x128xi32>
    %add3A_354 = arith.addi %add3A_353, %iota3A_26 : vector<256x128xi32>
    %eq3A_355 = vector.broadcast %add3A_25 : vector<256x1xi32> to vector<256x128xi32>
    %eq3A_356 = arith.cmpi eq, %add3A_354, %eq3A_355 : vector<256x128xi32>
    %jit3A_357 = arith.constant 0x7F800000 : f32
    %broadcast_in_dim3A_358 = vector.broadcast %jit3A_357 : f32 to vector<256x128xf32>
    %select_n3A_359 = arith.select %eq3A_356, %broadcast_in_dim3A_358, %max3A_351 : vector<256x128xi1>, vector<256x128xf32>
    %bitcast_convert_type3A_360 = tpu.bitcast %select_n3A_359 : vector<256x128xf32> -> vector<256x128xi32>
    %and3A_361 = arith.constant -64 : i32
    %and3A_362 = vector.broadcast %and3A_361 : i32 to vector<256x128xi32>
    %and3A_363 = arith.andi %bitcast_convert_type3A_360, %and3A_362 : vector<256x128xi32>
    %or3A_364 = arith.constant 10 : i32
    %or3A_365 = vector.broadcast %or3A_364 : i32 to vector<256x128xi32>
    %or3A_366 = arith.ori %and3A_363, %or3A_365 : vector<256x128xi32>
    %min3A_367 = arith.minsi %min3A_335, %or3A_366 : vector<256x128xi32>
    %max3A_368 = arith.maxsi %min3A_335, %or3A_366 : vector<256x128xi32>
    %min3A_369 = arith.minsi %min3A_337, %max3A_368 : vector<256x128xi32>
    %max3A_370 = arith.maxsi %min3A_337, %max3A_368 : vector<256x128xi32>
    %min3A_371 = arith.minsi %min3A_339, %max3A_370 : vector<256x128xi32>
    %slice3A_372 = vector.extract_strided_slice %broadcast_in_dim3A_21 {offsets = [0, 1408], sizes = [1, 128], strides = [1, 1]} : vector<1x8192xf32> to vector<1x128xf32>
    %add3A_373 = vector.broadcast %broadcast_in_dim3A_17 : vector<256x1xf32> to vector<256x128xf32>
    %add3A_374 = vector.broadcast %slice3A_372 : vector<1x128xf32> to vector<256x128xf32>
    %add3A_375 = arith.addf %add3A_373, %add3A_374 : vector<256x128xf32>
    %slice3A_376 = vector.extract_strided_slice %dot_general3A_22 {offsets = [0, 1408], sizes = [256, 128], strides = [1, 1]} : vector<256x8192xf32> to vector<256x128xf32>
    %mul3A_377 = arith.constant 2.000000e+00 : f32
    %mul3A_378 = vector.broadcast %mul3A_377 : f32 to vector<256x128xf32>
    %mul3A_379 = arith.mulf %mul3A_378, %slice3A_376 : vector<256x128xf32>
    %sub3A_380 = arith.subf %add3A_375, %mul3A_379 : vector<256x128xf32>
    %max3A_381 = arith.constant 0.000000e+00 : f32
    %max3A_382 = vector.broadcast %max3A_381 : f32 to vector<256x128xf32>
    %max3A_383 = arith.maximumf %sub3A_380, %max3A_382 : vector<256x128xf32>
    %add3A_384 = arith.constant 1408 : i32
    %add3A_385 = vector.broadcast %add3A_384 : i32 to vector<256x128xi32>
    %add3A_386 = arith.addi %add3A_385, %iota3A_26 : vector<256x128xi32>
    %eq3A_387 = vector.broadcast %add3A_25 : vector<256x1xi32> to vector<256x128xi32>
    %eq3A_388 = arith.cmpi eq, %add3A_386, %eq3A_387 : vector<256x128xi32>
    %jit3A_389 = arith.constant 0x7F800000 : f32
    %broadcast_in_dim3A_390 = vector.broadcast %jit3A_389 : f32 to vector<256x128xf32>
    %select_n3A_391 = arith.select %eq3A_388, %broadcast_in_dim3A_390, %max3A_383 : vector<256x128xi1>, vector<256x128xf32>
    %bitcast_convert_type3A_392 = tpu.bitcast %select_n3A_391 : vector<256x128xf32> -> vector<256x128xi32>
    %and3A_393 = arith.constant -64 : i32
    %and3A_394 = vector.broadcast %and3A_393 : i32 to vector<256x128xi32>
    %and3A_395 = arith.andi %bitcast_convert_type3A_392, %and3A_394 : vector<256x128xi32>
    %or3A_396 = arith.constant 11 : i32
    %or3A_397 = vector.broadcast %or3A_396 : i32 to vector<256x128xi32>
    %or3A_398 = arith.ori %and3A_395, %or3A_397 : vector<256x128xi32>
    %min3A_399 = arith.minsi %min3A_367, %or3A_398 : vector<256x128xi32>
    %max3A_400 = arith.maxsi %min3A_367, %or3A_398 : vector<256x128xi32>
    %min3A_401 = arith.minsi %min3A_369, %max3A_400 : vector<256x128xi32>
    %max3A_402 = arith.maxsi %min3A_369, %max3A_400 : vector<256x128xi32>
    %min3A_403 = arith.minsi %min3A_371, %max3A_402 : vector<256x128xi32>
    %slice3A_404 = vector.extract_strided_slice %broadcast_in_dim3A_21 {offsets = [0, 1536], sizes = [1, 128], strides = [1, 1]} : vector<1x8192xf32> to vector<1x128xf32>
    %add3A_405 = vector.broadcast %broadcast_in_dim3A_17 : vector<256x1xf32> to vector<256x128xf32>
    %add3A_406 = vector.broadcast %slice3A_404 : vector<1x128xf32> to vector<256x128xf32>
    %add3A_407 = arith.addf %add3A_405, %add3A_406 : vector<256x128xf32>
    %slice3A_408 = vector.extract_strided_slice %dot_general3A_22 {offsets = [0, 1536], sizes = [256, 128], strides = [1, 1]} : vector<256x8192xf32> to vector<256x128xf32>
    %mul3A_409 = arith.constant 2.000000e+00 : f32
    %mul3A_410 = vector.broadcast %mul3A_409 : f32 to vector<256x128xf32>
    %mul3A_411 = arith.mulf %mul3A_410, %slice3A_408 : vector<256x128xf32>
    %sub3A_412 = arith.subf %add3A_407, %mul3A_411 : vector<256x128xf32>
    %max3A_413 = arith.constant 0.000000e+00 : f32
    %max3A_414 = vector.broadcast %max3A_413 : f32 to vector<256x128xf32>
    %max3A_415 = arith.maximumf %sub3A_412, %max3A_414 : vector<256x128xf32>
    %add3A_416 = arith.constant 1536 : i32
    %add3A_417 = vector.broadcast %add3A_416 : i32 to vector<256x128xi32>
    %add3A_418 = arith.addi %add3A_417, %iota3A_26 : vector<256x128xi32>
    %eq3A_419 = vector.broadcast %add3A_25 : vector<256x1xi32> to vector<256x128xi32>
    %eq3A_420 = arith.cmpi eq, %add3A_418, %eq3A_419 : vector<256x128xi32>
    %jit3A_421 = arith.constant 0x7F800000 : f32
    %broadcast_in_dim3A_422 = vector.broadcast %jit3A_421 : f32 to vector<256x128xf32>
    %select_n3A_423 = arith.select %eq3A_420, %broadcast_in_dim3A_422, %max3A_415 : vector<256x128xi1>, vector<256x128xf32>
    %bitcast_convert_type3A_424 = tpu.bitcast %select_n3A_423 : vector<256x128xf32> -> vector<256x128xi32>
    %and3A_425 = arith.constant -64 : i32
    %and3A_426 = vector.broadcast %and3A_425 : i32 to vector<256x128xi32>
    %and3A_427 = arith.andi %bitcast_convert_type3A_424, %and3A_426 : vector<256x128xi32>
    %or3A_428 = arith.constant 12 : i32
    %or3A_429 = vector.broadcast %or3A_428 : i32 to vector<256x128xi32>
    %or3A_430 = arith.ori %and3A_427, %or3A_429 : vector<256x128xi32>
    %min3A_431 = arith.minsi %min3A_399, %or3A_430 : vector<256x128xi32>
    %max3A_432 = arith.maxsi %min3A_399, %or3A_430 : vector<256x128xi32>
    %min3A_433 = arith.minsi %min3A_401, %max3A_432 : vector<256x128xi32>
    %max3A_434 = arith.maxsi %min3A_401, %max3A_432 : vector<256x128xi32>
    %min3A_435 = arith.minsi %min3A_403, %max3A_434 : vector<256x128xi32>
    %slice3A_436 = vector.extract_strided_slice %broadcast_in_dim3A_21 {offsets = [0, 1664], sizes = [1, 128], strides = [1, 1]} : vector<1x8192xf32> to vector<1x128xf32>
    %add3A_437 = vector.broadcast %broadcast_in_dim3A_17 : vector<256x1xf32> to vector<256x128xf32>
    %add3A_438 = vector.broadcast %slice3A_436 : vector<1x128xf32> to vector<256x128xf32>
    %add3A_439 = arith.addf %add3A_437, %add3A_438 : vector<256x128xf32>
    %slice3A_440 = vector.extract_strided_slice %dot_general3A_22 {offsets = [0, 1664], sizes = [256, 128], strides = [1, 1]} : vector<256x8192xf32> to vector<256x128xf32>
    %mul3A_441 = arith.constant 2.000000e+00 : f32
    %mul3A_442 = vector.broadcast %mul3A_441 : f32 to vector<256x128xf32>
    %mul3A_443 = arith.mulf %mul3A_442, %slice3A_440 : vector<256x128xf32>
    %sub3A_444 = arith.subf %add3A_439, %mul3A_443 : vector<256x128xf32>
    %max3A_445 = arith.constant 0.000000e+00 : f32
    %max3A_446 = vector.broadcast %max3A_445 : f32 to vector<256x128xf32>
    %max3A_447 = arith.maximumf %sub3A_444, %max3A_446 : vector<256x128xf32>
    %add3A_448 = arith.constant 1664 : i32
    %add3A_449 = vector.broadcast %add3A_448 : i32 to vector<256x128xi32>
    %add3A_450 = arith.addi %add3A_449, %iota3A_26 : vector<256x128xi32>
    %eq3A_451 = vector.broadcast %add3A_25 : vector<256x1xi32> to vector<256x128xi32>
    %eq3A_452 = arith.cmpi eq, %add3A_450, %eq3A_451 : vector<256x128xi32>
    %jit3A_453 = arith.constant 0x7F800000 : f32
    %broadcast_in_dim3A_454 = vector.broadcast %jit3A_453 : f32 to vector<256x128xf32>
    %select_n3A_455 = arith.select %eq3A_452, %broadcast_in_dim3A_454, %max3A_447 : vector<256x128xi1>, vector<256x128xf32>
    %bitcast_convert_type3A_456 = tpu.bitcast %select_n3A_455 : vector<256x128xf32> -> vector<256x128xi32>
    %and3A_457 = arith.constant -64 : i32
    %and3A_458 = vector.broadcast %and3A_457 : i32 to vector<256x128xi32>
    %and3A_459 = arith.andi %bitcast_convert_type3A_456, %and3A_458 : vector<256x128xi32>
    %or3A_460 = arith.constant 13 : i32
    %or3A_461 = vector.broadcast %or3A_460 : i32 to vector<256x128xi32>
    %or3A_462 = arith.ori %and3A_459, %or3A_461 : vector<256x128xi32>
    %min3A_463 = arith.minsi %min3A_431, %or3A_462 : vector<256x128xi32>
    %max3A_464 = arith.maxsi %min3A_431, %or3A_462 : vector<256x128xi32>
    %min3A_465 = arith.minsi %min3A_433, %max3A_464 : vector<256x128xi32>
    %max3A_466 = arith.maxsi %min3A_433, %max3A_464 : vector<256x128xi32>
    %min3A_467 = arith.minsi %min3A_435, %max3A_466 : vector<256x128xi32>
    %slice3A_468 = vector.extract_strided_slice %broadcast_in_dim3A_21 {offsets = [0, 1792], sizes = [1, 128], strides = [1, 1]} : vector<1x8192xf32> to vector<1x128xf32>
    %add3A_469 = vector.broadcast %broadcast_in_dim3A_17 : vector<256x1xf32> to vector<256x128xf32>
    %add3A_470 = vector.broadcast %slice3A_468 : vector<1x128xf32> to vector<256x128xf32>
    %add3A_471 = arith.addf %add3A_469, %add3A_470 : vector<256x128xf32>
    %slice3A_472 = vector.extract_strided_slice %dot_general3A_22 {offsets = [0, 1792], sizes = [256, 128], strides = [1, 1]} : vector<256x8192xf32> to vector<256x128xf32>
    %mul3A_473 = arith.constant 2.000000e+00 : f32
    %mul3A_474 = vector.broadcast %mul3A_473 : f32 to vector<256x128xf32>
    %mul3A_475 = arith.mulf %mul3A_474, %slice3A_472 : vector<256x128xf32>
    %sub3A_476 = arith.subf %add3A_471, %mul3A_475 : vector<256x128xf32>
    %max3A_477 = arith.constant 0.000000e+00 : f32
    %max3A_478 = vector.broadcast %max3A_477 : f32 to vector<256x128xf32>
    %max3A_479 = arith.maximumf %sub3A_476, %max3A_478 : vector<256x128xf32>
    %add3A_480 = arith.constant 1792 : i32
    %add3A_481 = vector.broadcast %add3A_480 : i32 to vector<256x128xi32>
    %add3A_482 = arith.addi %add3A_481, %iota3A_26 : vector<256x128xi32>
    %eq3A_483 = vector.broadcast %add3A_25 : vector<256x1xi32> to vector<256x128xi32>
    %eq3A_484 = arith.cmpi eq, %add3A_482, %eq3A_483 : vector<256x128xi32>
    %jit3A_485 = arith.constant 0x7F800000 : f32
    %broadcast_in_dim3A_486 = vector.broadcast %jit3A_485 : f32 to vector<256x128xf32>
    %select_n3A_487 = arith.select %eq3A_484, %broadcast_in_dim3A_486, %max3A_479 : vector<256x128xi1>, vector<256x128xf32>
    %bitcast_convert_type3A_488 = tpu.bitcast %select_n3A_487 : vector<256x128xf32> -> vector<256x128xi32>
    %and3A_489 = arith.constant -64 : i32
    %and3A_490 = vector.broadcast %and3A_489 : i32 to vector<256x128xi32>
    %and3A_491 = arith.andi %bitcast_convert_type3A_488, %and3A_490 : vector<256x128xi32>
    %or3A_492 = arith.constant 14 : i32
    %or3A_493 = vector.broadcast %or3A_492 : i32 to vector<256x128xi32>
    %or3A_494 = arith.ori %and3A_491, %or3A_493 : vector<256x128xi32>
    %min3A_495 = arith.minsi %min3A_463, %or3A_494 : vector<256x128xi32>
    %max3A_496 = arith.maxsi %min3A_463, %or3A_494 : vector<256x128xi32>
    %min3A_497 = arith.minsi %min3A_465, %max3A_496 : vector<256x128xi32>
    %max3A_498 = arith.maxsi %min3A_465, %max3A_496 : vector<256x128xi32>
    %min3A_499 = arith.minsi %min3A_467, %max3A_498 : vector<256x128xi32>
    %slice3A_500 = vector.extract_strided_slice %broadcast_in_dim3A_21 {offsets = [0, 1920], sizes = [1, 128], strides = [1, 1]} : vector<1x8192xf32> to vector<1x128xf32>
    %add3A_501 = vector.broadcast %broadcast_in_dim3A_17 : vector<256x1xf32> to vector<256x128xf32>
    %add3A_502 = vector.broadcast %slice3A_500 : vector<1x128xf32> to vector<256x128xf32>
    %add3A_503 = arith.addf %add3A_501, %add3A_502 : vector<256x128xf32>
    %slice3A_504 = vector.extract_strided_slice %dot_general3A_22 {offsets = [0, 1920], sizes = [256, 128], strides = [1, 1]} : vector<256x8192xf32> to vector<256x128xf32>
    %mul3A_505 = arith.constant 2.000000e+00 : f32
    %mul3A_506 = vector.broadcast %mul3A_505 : f32 to vector<256x128xf32>
    %mul3A_507 = arith.mulf %mul3A_506, %slice3A_504 : vector<256x128xf32>
    %sub3A_508 = arith.subf %add3A_503, %mul3A_507 : vector<256x128xf32>
    %max3A_509 = arith.constant 0.000000e+00 : f32
    %max3A_510 = vector.broadcast %max3A_509 : f32 to vector<256x128xf32>
    %max3A_511 = arith.maximumf %sub3A_508, %max3A_510 : vector<256x128xf32>
    %add3A_512 = arith.constant 1920 : i32
    %add3A_513 = vector.broadcast %add3A_512 : i32 to vector<256x128xi32>
    %add3A_514 = arith.addi %add3A_513, %iota3A_26 : vector<256x128xi32>
    %eq3A_515 = vector.broadcast %add3A_25 : vector<256x1xi32> to vector<256x128xi32>
    %eq3A_516 = arith.cmpi eq, %add3A_514, %eq3A_515 : vector<256x128xi32>
    %jit3A_517 = arith.constant 0x7F800000 : f32
    %broadcast_in_dim3A_518 = vector.broadcast %jit3A_517 : f32 to vector<256x128xf32>
    %select_n3A_519 = arith.select %eq3A_516, %broadcast_in_dim3A_518, %max3A_511 : vector<256x128xi1>, vector<256x128xf32>
    %bitcast_convert_type3A_520 = tpu.bitcast %select_n3A_519 : vector<256x128xf32> -> vector<256x128xi32>
    %and3A_521 = arith.constant -64 : i32
    %and3A_522 = vector.broadcast %and3A_521 : i32 to vector<256x128xi32>
    %and3A_523 = arith.andi %bitcast_convert_type3A_520, %and3A_522 : vector<256x128xi32>
    %or3A_524 = arith.constant 15 : i32
    %or3A_525 = vector.broadcast %or3A_524 : i32 to vector<256x128xi32>
    %or3A_526 = arith.ori %and3A_523, %or3A_525 : vector<256x128xi32>
    %min3A_527 = arith.minsi %min3A_495, %or3A_526 : vector<256x128xi32>
    %max3A_528 = arith.maxsi %min3A_495, %or3A_526 : vector<256x128xi32>
    %min3A_529 = arith.minsi %min3A_497, %max3A_528 : vector<256x128xi32>
    %max3A_530 = arith.maxsi %min3A_497, %max3A_528 : vector<256x128xi32>
    %min3A_531 = arith.minsi %min3A_499, %max3A_530 : vector<256x128xi32>
    %slice3A_532 = vector.extract_strided_slice %broadcast_in_dim3A_21 {offsets = [0, 2048], sizes = [1, 128], strides = [1, 1]} : vector<1x8192xf32> to vector<1x128xf32>
    %add3A_533 = vector.broadcast %broadcast_in_dim3A_17 : vector<256x1xf32> to vector<256x128xf32>
    %add3A_534 = vector.broadcast %slice3A_532 : vector<1x128xf32> to vector<256x128xf32>
    %add3A_535 = arith.addf %add3A_533, %add3A_534 : vector<256x128xf32>
    %slice3A_536 = vector.extract_strided_slice %dot_general3A_22 {offsets = [0, 2048], sizes = [256, 128], strides = [1, 1]} : vector<256x8192xf32> to vector<256x128xf32>
    %mul3A_537 = arith.constant 2.000000e+00 : f32
    %mul3A_538 = vector.broadcast %mul3A_537 : f32 to vector<256x128xf32>
    %mul3A_539 = arith.mulf %mul3A_538, %slice3A_536 : vector<256x128xf32>
    %sub3A_540 = arith.subf %add3A_535, %mul3A_539 : vector<256x128xf32>
    %max3A_541 = arith.constant 0.000000e+00 : f32
    %max3A_542 = vector.broadcast %max3A_541 : f32 to vector<256x128xf32>
    %max3A_543 = arith.maximumf %sub3A_540, %max3A_542 : vector<256x128xf32>
    %add3A_544 = arith.constant 2048 : i32
    %add3A_545 = vector.broadcast %add3A_544 : i32 to vector<256x128xi32>
    %add3A_546 = arith.addi %add3A_545, %iota3A_26 : vector<256x128xi32>
    %eq3A_547 = vector.broadcast %add3A_25 : vector<256x1xi32> to vector<256x128xi32>
    %eq3A_548 = arith.cmpi eq, %add3A_546, %eq3A_547 : vector<256x128xi32>
    %jit3A_549 = arith.constant 0x7F800000 : f32
    %broadcast_in_dim3A_550 = vector.broadcast %jit3A_549 : f32 to vector<256x128xf32>
    %select_n3A_551 = arith.select %eq3A_548, %broadcast_in_dim3A_550, %max3A_543 : vector<256x128xi1>, vector<256x128xf32>
    %bitcast_convert_type3A_552 = tpu.bitcast %select_n3A_551 : vector<256x128xf32> -> vector<256x128xi32>
    %and3A_553 = arith.constant -64 : i32
    %and3A_554 = vector.broadcast %and3A_553 : i32 to vector<256x128xi32>
    %and3A_555 = arith.andi %bitcast_convert_type3A_552, %and3A_554 : vector<256x128xi32>
    %or3A_556 = arith.constant 16 : i32
    %or3A_557 = vector.broadcast %or3A_556 : i32 to vector<256x128xi32>
    %or3A_558 = arith.ori %and3A_555, %or3A_557 : vector<256x128xi32>
    %min3A_559 = arith.minsi %min3A_527, %or3A_558 : vector<256x128xi32>
    %max3A_560 = arith.maxsi %min3A_527, %or3A_558 : vector<256x128xi32>
    %min3A_561 = arith.minsi %min3A_529, %max3A_560 : vector<256x128xi32>
    %max3A_562 = arith.maxsi %min3A_529, %max3A_560 : vector<256x128xi32>
    %min3A_563 = arith.minsi %min3A_531, %max3A_562 : vector<256x128xi32>
    %slice3A_564 = vector.extract_strided_slice %broadcast_in_dim3A_21 {offsets = [0, 2176], sizes = [1, 128], strides = [1, 1]} : vector<1x8192xf32> to vector<1x128xf32>
    %add3A_565 = vector.broadcast %broadcast_in_dim3A_17 : vector<256x1xf32> to vector<256x128xf32>
    %add3A_566 = vector.broadcast %slice3A_564 : vector<1x128xf32> to vector<256x128xf32>
    %add3A_567 = arith.addf %add3A_565, %add3A_566 : vector<256x128xf32>
    %slice3A_568 = vector.extract_strided_slice %dot_general3A_22 {offsets = [0, 2176], sizes = [256, 128], strides = [1, 1]} : vector<256x8192xf32> to vector<256x128xf32>
    %mul3A_569 = arith.constant 2.000000e+00 : f32
    %mul3A_570 = vector.broadcast %mul3A_569 : f32 to vector<256x128xf32>
    %mul3A_571 = arith.mulf %mul3A_570, %slice3A_568 : vector<256x128xf32>
    %sub3A_572 = arith.subf %add3A_567, %mul3A_571 : vector<256x128xf32>
    %max3A_573 = arith.constant 0.000000e+00 : f32
    %max3A_574 = vector.broadcast %max3A_573 : f32 to vector<256x128xf32>
    %max3A_575 = arith.maximumf %sub3A_572, %max3A_574 : vector<256x128xf32>
    %add3A_576 = arith.constant 2176 : i32
    %add3A_577 = vector.broadcast %add3A_576 : i32 to vector<256x128xi32>
    %add3A_578 = arith.addi %add3A_577, %iota3A_26 : vector<256x128xi32>
    %eq3A_579 = vector.broadcast %add3A_25 : vector<256x1xi32> to vector<256x128xi32>
    %eq3A_580 = arith.cmpi eq, %add3A_578, %eq3A_579 : vector<256x128xi32>
    %jit3A_581 = arith.constant 0x7F800000 : f32
    %broadcast_in_dim3A_582 = vector.broadcast %jit3A_581 : f32 to vector<256x128xf32>
    %select_n3A_583 = arith.select %eq3A_580, %broadcast_in_dim3A_582, %max3A_575 : vector<256x128xi1>, vector<256x128xf32>
    %bitcast_convert_type3A_584 = tpu.bitcast %select_n3A_583 : vector<256x128xf32> -> vector<256x128xi32>
    %and3A_585 = arith.constant -64 : i32
    %and3A_586 = vector.broadcast %and3A_585 : i32 to vector<256x128xi32>
    %and3A_587 = arith.andi %bitcast_convert_type3A_584, %and3A_586 : vector<256x128xi32>
    %or3A_588 = arith.constant 17 : i32
    %or3A_589 = vector.broadcast %or3A_588 : i32 to vector<256x128xi32>
    %or3A_590 = arith.ori %and3A_587, %or3A_589 : vector<256x128xi32>
    %min3A_591 = arith.minsi %min3A_559, %or3A_590 : vector<256x128xi32>
    %max3A_592 = arith.maxsi %min3A_559, %or3A_590 : vector<256x128xi32>
    %min3A_593 = arith.minsi %min3A_561, %max3A_592 : vector<256x128xi32>
    %max3A_594 = arith.maxsi %min3A_561, %max3A_592 : vector<256x128xi32>
    %min3A_595 = arith.minsi %min3A_563, %max3A_594 : vector<256x128xi32>
    %slice3A_596 = vector.extract_strided_slice %broadcast_in_dim3A_21 {offsets = [0, 2304], sizes = [1, 128], strides = [1, 1]} : vector<1x8192xf32> to vector<1x128xf32>
    %add3A_597 = vector.broadcast %broadcast_in_dim3A_17 : vector<256x1xf32> to vector<256x128xf32>
    %add3A_598 = vector.broadcast %slice3A_596 : vector<1x128xf32> to vector<256x128xf32>
    %add3A_599 = arith.addf %add3A_597, %add3A_598 : vector<256x128xf32>
    %slice3A_600 = vector.extract_strided_slice %dot_general3A_22 {offsets = [0, 2304], sizes = [256, 128], strides = [1, 1]} : vector<256x8192xf32> to vector<256x128xf32>
    %mul3A_601 = arith.constant 2.000000e+00 : f32
    %mul3A_602 = vector.broadcast %mul3A_601 : f32 to vector<256x128xf32>
    %mul3A_603 = arith.mulf %mul3A_602, %slice3A_600 : vector<256x128xf32>
    %sub3A_604 = arith.subf %add3A_599, %mul3A_603 : vector<256x128xf32>
    %max3A_605 = arith.constant 0.000000e+00 : f32
    %max3A_606 = vector.broadcast %max3A_605 : f32 to vector<256x128xf32>
    %max3A_607 = arith.maximumf %sub3A_604, %max3A_606 : vector<256x128xf32>
    %add3A_608 = arith.constant 2304 : i32
    %add3A_609 = vector.broadcast %add3A_608 : i32 to vector<256x128xi32>
    %add3A_610 = arith.addi %add3A_609, %iota3A_26 : vector<256x128xi32>
    %eq3A_611 = vector.broadcast %add3A_25 : vector<256x1xi32> to vector<256x128xi32>
    %eq3A_612 = arith.cmpi eq, %add3A_610, %eq3A_611 : vector<256x128xi32>
    %jit3A_613 = arith.constant 0x7F800000 : f32
    %broadcast_in_dim3A_614 = vector.broadcast %jit3A_613 : f32 to vector<256x128xf32>
    %select_n3A_615 = arith.select %eq3A_612, %broadcast_in_dim3A_614, %max3A_607 : vector<256x128xi1>, vector<256x128xf32>
    %bitcast_convert_type3A_616 = tpu.bitcast %select_n3A_615 : vector<256x128xf32> -> vector<256x128xi32>
    %and3A_617 = arith.constant -64 : i32
    %and3A_618 = vector.broadcast %and3A_617 : i32 to vector<256x128xi32>
    %and3A_619 = arith.andi %bitcast_convert_type3A_616, %and3A_618 : vector<256x128xi32>
    %or3A_620 = arith.constant 18 : i32
    %or3A_621 = vector.broadcast %or3A_620 : i32 to vector<256x128xi32>
    %or3A_622 = arith.ori %and3A_619, %or3A_621 : vector<256x128xi32>
    %min3A_623 = arith.minsi %min3A_591, %or3A_622 : vector<256x128xi32>
    %max3A_624 = arith.maxsi %min3A_591, %or3A_622 : vector<256x128xi32>
    %min3A_625 = arith.minsi %min3A_593, %max3A_624 : vector<256x128xi32>
    %max3A_626 = arith.maxsi %min3A_593, %max3A_624 : vector<256x128xi32>
    %min3A_627 = arith.minsi %min3A_595, %max3A_626 : vector<256x128xi32>
    %slice3A_628 = vector.extract_strided_slice %broadcast_in_dim3A_21 {offsets = [0, 2432], sizes = [1, 128], strides = [1, 1]} : vector<1x8192xf32> to vector<1x128xf32>
    %add3A_629 = vector.broadcast %broadcast_in_dim3A_17 : vector<256x1xf32> to vector<256x128xf32>
    %add3A_630 = vector.broadcast %slice3A_628 : vector<1x128xf32> to vector<256x128xf32>
    %add3A_631 = arith.addf %add3A_629, %add3A_630 : vector<256x128xf32>
    %slice3A_632 = vector.extract_strided_slice %dot_general3A_22 {offsets = [0, 2432], sizes = [256, 128], strides = [1, 1]} : vector<256x8192xf32> to vector<256x128xf32>
    %mul3A_633 = arith.constant 2.000000e+00 : f32
    %mul3A_634 = vector.broadcast %mul3A_633 : f32 to vector<256x128xf32>
    %mul3A_635 = arith.mulf %mul3A_634, %slice3A_632 : vector<256x128xf32>
    %sub3A_636 = arith.subf %add3A_631, %mul3A_635 : vector<256x128xf32>
    %max3A_637 = arith.constant 0.000000e+00 : f32
    %max3A_638 = vector.broadcast %max3A_637 : f32 to vector<256x128xf32>
    %max3A_639 = arith.maximumf %sub3A_636, %max3A_638 : vector<256x128xf32>
    %add3A_640 = arith.constant 2432 : i32
    %add3A_641 = vector.broadcast %add3A_640 : i32 to vector<256x128xi32>
    %add3A_642 = arith.addi %add3A_641, %iota3A_26 : vector<256x128xi32>
    %eq3A_643 = vector.broadcast %add3A_25 : vector<256x1xi32> to vector<256x128xi32>
    %eq3A_644 = arith.cmpi eq, %add3A_642, %eq3A_643 : vector<256x128xi32>
    %jit3A_645 = arith.constant 0x7F800000 : f32
    %broadcast_in_dim3A_646 = vector.broadcast %jit3A_645 : f32 to vector<256x128xf32>
    %select_n3A_647 = arith.select %eq3A_644, %broadcast_in_dim3A_646, %max3A_639 : vector<256x128xi1>, vector<256x128xf32>
    %bitcast_convert_type3A_648 = tpu.bitcast %select_n3A_647 : vector<256x128xf32> -> vector<256x128xi32>
    %and3A_649 = arith.constant -64 : i32
    %and3A_650 = vector.broadcast %and3A_649 : i32 to vector<256x128xi32>
    %and3A_651 = arith.andi %bitcast_convert_type3A_648, %and3A_650 : vector<256x128xi32>
    %or3A_652 = arith.constant 19 : i32
    %or3A_653 = vector.broadcast %or3A_652 : i32 to vector<256x128xi32>
    %or3A_654 = arith.ori %and3A_651, %or3A_653 : vector<256x128xi32>
    %min3A_655 = arith.minsi %min3A_623, %or3A_654 : vector<256x128xi32>
    %max3A_656 = arith.maxsi %min3A_623, %or3A_654 : vector<256x128xi32>
    %min3A_657 = arith.minsi %min3A_625, %max3A_656 : vector<256x128xi32>
    %max3A_658 = arith.maxsi %min3A_625, %max3A_656 : vector<256x128xi32>
    %min3A_659 = arith.minsi %min3A_627, %max3A_658 : vector<256x128xi32>
    %slice3A_660 = vector.extract_strided_slice %broadcast_in_dim3A_21 {offsets = [0, 2560], sizes = [1, 128], strides = [1, 1]} : vector<1x8192xf32> to vector<1x128xf32>
    %add3A_661 = vector.broadcast %broadcast_in_dim3A_17 : vector<256x1xf32> to vector<256x128xf32>
    %add3A_662 = vector.broadcast %slice3A_660 : vector<1x128xf32> to vector<256x128xf32>
    %add3A_663 = arith.addf %add3A_661, %add3A_662 : vector<256x128xf32>
    %slice3A_664 = vector.extract_strided_slice %dot_general3A_22 {offsets = [0, 2560], sizes = [256, 128], strides = [1, 1]} : vector<256x8192xf32> to vector<256x128xf32>
    %mul3A_665 = arith.constant 2.000000e+00 : f32
    %mul3A_666 = vector.broadcast %mul3A_665 : f32 to vector<256x128xf32>
    %mul3A_667 = arith.mulf %mul3A_666, %slice3A_664 : vector<256x128xf32>
    %sub3A_668 = arith.subf %add3A_663, %mul3A_667 : vector<256x128xf32>
    %max3A_669 = arith.constant 0.000000e+00 : f32
    %max3A_670 = vector.broadcast %max3A_669 : f32 to vector<256x128xf32>
    %max3A_671 = arith.maximumf %sub3A_668, %max3A_670 : vector<256x128xf32>
    %add3A_672 = arith.constant 2560 : i32
    %add3A_673 = vector.broadcast %add3A_672 : i32 to vector<256x128xi32>
    %add3A_674 = arith.addi %add3A_673, %iota3A_26 : vector<256x128xi32>
    %eq3A_675 = vector.broadcast %add3A_25 : vector<256x1xi32> to vector<256x128xi32>
    %eq3A_676 = arith.cmpi eq, %add3A_674, %eq3A_675 : vector<256x128xi32>
    %jit3A_677 = arith.constant 0x7F800000 : f32
    %broadcast_in_dim3A_678 = vector.broadcast %jit3A_677 : f32 to vector<256x128xf32>
    %select_n3A_679 = arith.select %eq3A_676, %broadcast_in_dim3A_678, %max3A_671 : vector<256x128xi1>, vector<256x128xf32>
    %bitcast_convert_type3A_680 = tpu.bitcast %select_n3A_679 : vector<256x128xf32> -> vector<256x128xi32>
    %and3A_681 = arith.constant -64 : i32
    %and3A_682 = vector.broadcast %and3A_681 : i32 to vector<256x128xi32>
    %and3A_683 = arith.andi %bitcast_convert_type3A_680, %and3A_682 : vector<256x128xi32>
    %or3A_684 = arith.constant 20 : i32
    %or3A_685 = vector.broadcast %or3A_684 : i32 to vector<256x128xi32>
    %or3A_686 = arith.ori %and3A_683, %or3A_685 : vector<256x128xi32>
    %min3A_687 = arith.minsi %min3A_655, %or3A_686 : vector<256x128xi32>
    %max3A_688 = arith.maxsi %min3A_655, %or3A_686 : vector<256x128xi32>
    %min3A_689 = arith.minsi %min3A_657, %max3A_688 : vector<256x128xi32>
    %max3A_690 = arith.maxsi %min3A_657, %max3A_688 : vector<256x128xi32>
    %min3A_691 = arith.minsi %min3A_659, %max3A_690 : vector<256x128xi32>
    %slice3A_692 = vector.extract_strided_slice %broadcast_in_dim3A_21 {offsets = [0, 2688], sizes = [1, 128], strides = [1, 1]} : vector<1x8192xf32> to vector<1x128xf32>
    %add3A_693 = vector.broadcast %broadcast_in_dim3A_17 : vector<256x1xf32> to vector<256x128xf32>
    %add3A_694 = vector.broadcast %slice3A_692 : vector<1x128xf32> to vector<256x128xf32>
    %add3A_695 = arith.addf %add3A_693, %add3A_694 : vector<256x128xf32>
    %slice3A_696 = vector.extract_strided_slice %dot_general3A_22 {offsets = [0, 2688], sizes = [256, 128], strides = [1, 1]} : vector<256x8192xf32> to vector<256x128xf32>
    %mul3A_697 = arith.constant 2.000000e+00 : f32
    %mul3A_698 = vector.broadcast %mul3A_697 : f32 to vector<256x128xf32>
    %mul3A_699 = arith.mulf %mul3A_698, %slice3A_696 : vector<256x128xf32>
    %sub3A_700 = arith.subf %add3A_695, %mul3A_699 : vector<256x128xf32>
    %max3A_701 = arith.constant 0.000000e+00 : f32
    %max3A_702 = vector.broadcast %max3A_701 : f32 to vector<256x128xf32>
    %max3A_703 = arith.maximumf %sub3A_700, %max3A_702 : vector<256x128xf32>
    %add3A_704 = arith.constant 2688 : i32
    %add3A_705 = vector.broadcast %add3A_704 : i32 to vector<256x128xi32>
    %add3A_706 = arith.addi %add3A_705, %iota3A_26 : vector<256x128xi32>
    %eq3A_707 = vector.broadcast %add3A_25 : vector<256x1xi32> to vector<256x128xi32>
    %eq3A_708 = arith.cmpi eq, %add3A_706, %eq3A_707 : vector<256x128xi32>
    %jit3A_709 = arith.constant 0x7F800000 : f32
    %broadcast_in_dim3A_710 = vector.broadcast %jit3A_709 : f32 to vector<256x128xf32>
    %select_n3A_711 = arith.select %eq3A_708, %broadcast_in_dim3A_710, %max3A_703 : vector<256x128xi1>, vector<256x128xf32>
    %bitcast_convert_type3A_712 = tpu.bitcast %select_n3A_711 : vector<256x128xf32> -> vector<256x128xi32>
    %and3A_713 = arith.constant -64 : i32
    %and3A_714 = vector.broadcast %and3A_713 : i32 to vector<256x128xi32>
    %and3A_715 = arith.andi %bitcast_convert_type3A_712, %and3A_714 : vector<256x128xi32>
    %or3A_716 = arith.constant 21 : i32
    %or3A_717 = vector.broadcast %or3A_716 : i32 to vector<256x128xi32>
    %or3A_718 = arith.ori %and3A_715, %or3A_717 : vector<256x128xi32>
    %min3A_719 = arith.minsi %min3A_687, %or3A_718 : vector<256x128xi32>
    %max3A_720 = arith.maxsi %min3A_687, %or3A_718 : vector<256x128xi32>
    %min3A_721 = arith.minsi %min3A_689, %max3A_720 : vector<256x128xi32>
    %max3A_722 = arith.maxsi %min3A_689, %max3A_720 : vector<256x128xi32>
    %min3A_723 = arith.minsi %min3A_691, %max3A_722 : vector<256x128xi32>
    %slice3A_724 = vector.extract_strided_slice %broadcast_in_dim3A_21 {offsets = [0, 2816], sizes = [1, 128], strides = [1, 1]} : vector<1x8192xf32> to vector<1x128xf32>
    %add3A_725 = vector.broadcast %broadcast_in_dim3A_17 : vector<256x1xf32> to vector<256x128xf32>
    %add3A_726 = vector.broadcast %slice3A_724 : vector<1x128xf32> to vector<256x128xf32>
    %add3A_727 = arith.addf %add3A_725, %add3A_726 : vector<256x128xf32>
    %slice3A_728 = vector.extract_strided_slice %dot_general3A_22 {offsets = [0, 2816], sizes = [256, 128], strides = [1, 1]} : vector<256x8192xf32> to vector<256x128xf32>
    %mul3A_729 = arith.constant 2.000000e+00 : f32
    %mul3A_730 = vector.broadcast %mul3A_729 : f32 to vector<256x128xf32>
    %mul3A_731 = arith.mulf %mul3A_730, %slice3A_728 : vector<256x128xf32>
    %sub3A_732 = arith.subf %add3A_727, %mul3A_731 : vector<256x128xf32>
    %max3A_733 = arith.constant 0.000000e+00 : f32
    %max3A_734 = vector.broadcast %max3A_733 : f32 to vector<256x128xf32>
    %max3A_735 = arith.maximumf %sub3A_732, %max3A_734 : vector<256x128xf32>
    %add3A_736 = arith.constant 2816 : i32
    %add3A_737 = vector.broadcast %add3A_736 : i32 to vector<256x128xi32>
    %add3A_738 = arith.addi %add3A_737, %iota3A_26 : vector<256x128xi32>
    %eq3A_739 = vector.broadcast %add3A_25 : vector<256x1xi32> to vector<256x128xi32>
    %eq3A_740 = arith.cmpi eq, %add3A_738, %eq3A_739 : vector<256x128xi32>
    %jit3A_741 = arith.constant 0x7F800000 : f32
    %broadcast_in_dim3A_742 = vector.broadcast %jit3A_741 : f32 to vector<256x128xf32>
    %select_n3A_743 = arith.select %eq3A_740, %broadcast_in_dim3A_742, %max3A_735 : vector<256x128xi1>, vector<256x128xf32>
    %bitcast_convert_type3A_744 = tpu.bitcast %select_n3A_743 : vector<256x128xf32> -> vector<256x128xi32>
    %and3A_745 = arith.constant -64 : i32
    %and3A_746 = vector.broadcast %and3A_745 : i32 to vector<256x128xi32>
    %and3A_747 = arith.andi %bitcast_convert_type3A_744, %and3A_746 : vector<256x128xi32>
    %or3A_748 = arith.constant 22 : i32
    %or3A_749 = vector.broadcast %or3A_748 : i32 to vector<256x128xi32>
    %or3A_750 = arith.ori %and3A_747, %or3A_749 : vector<256x128xi32>
    %min3A_751 = arith.minsi %min3A_719, %or3A_750 : vector<256x128xi32>
    %max3A_752 = arith.maxsi %min3A_719, %or3A_750 : vector<256x128xi32>
    %min3A_753 = arith.minsi %min3A_721, %max3A_752 : vector<256x128xi32>
    %max3A_754 = arith.maxsi %min3A_721, %max3A_752 : vector<256x128xi32>
    %min3A_755 = arith.minsi %min3A_723, %max3A_754 : vector<256x128xi32>
    %slice3A_756 = vector.extract_strided_slice %broadcast_in_dim3A_21 {offsets = [0, 2944], sizes = [1, 128], strides = [1, 1]} : vector<1x8192xf32> to vector<1x128xf32>
    %add3A_757 = vector.broadcast %broadcast_in_dim3A_17 : vector<256x1xf32> to vector<256x128xf32>
    %add3A_758 = vector.broadcast %slice3A_756 : vector<1x128xf32> to vector<256x128xf32>
    %add3A_759 = arith.addf %add3A_757, %add3A_758 : vector<256x128xf32>
    %slice3A_760 = vector.extract_strided_slice %dot_general3A_22 {offsets = [0, 2944], sizes = [256, 128], strides = [1, 1]} : vector<256x8192xf32> to vector<256x128xf32>
    %mul3A_761 = arith.constant 2.000000e+00 : f32
    %mul3A_762 = vector.broadcast %mul3A_761 : f32 to vector<256x128xf32>
    %mul3A_763 = arith.mulf %mul3A_762, %slice3A_760 : vector<256x128xf32>
    %sub3A_764 = arith.subf %add3A_759, %mul3A_763 : vector<256x128xf32>
    %max3A_765 = arith.constant 0.000000e+00 : f32
    %max3A_766 = vector.broadcast %max3A_765 : f32 to vector<256x128xf32>
    %max3A_767 = arith.maximumf %sub3A_764, %max3A_766 : vector<256x128xf32>
    %add3A_768 = arith.constant 2944 : i32
    %add3A_769 = vector.broadcast %add3A_768 : i32 to vector<256x128xi32>
    %add3A_770 = arith.addi %add3A_769, %iota3A_26 : vector<256x128xi32>
    %eq3A_771 = vector.broadcast %add3A_25 : vector<256x1xi32> to vector<256x128xi32>
    %eq3A_772 = arith.cmpi eq, %add3A_770, %eq3A_771 : vector<256x128xi32>
    %jit3A_773 = arith.constant 0x7F800000 : f32
    %broadcast_in_dim3A_774 = vector.broadcast %jit3A_773 : f32 to vector<256x128xf32>
    %select_n3A_775 = arith.select %eq3A_772, %broadcast_in_dim3A_774, %max3A_767 : vector<256x128xi1>, vector<256x128xf32>
    %bitcast_convert_type3A_776 = tpu.bitcast %select_n3A_775 : vector<256x128xf32> -> vector<256x128xi32>
    %and3A_777 = arith.constant -64 : i32
    %and3A_778 = vector.broadcast %and3A_777 : i32 to vector<256x128xi32>
    %and3A_779 = arith.andi %bitcast_convert_type3A_776, %and3A_778 : vector<256x128xi32>
    %or3A_780 = arith.constant 23 : i32
    %or3A_781 = vector.broadcast %or3A_780 : i32 to vector<256x128xi32>
    %or3A_782 = arith.ori %and3A_779, %or3A_781 : vector<256x128xi32>
    %min3A_783 = arith.minsi %min3A_751, %or3A_782 : vector<256x128xi32>
    %max3A_784 = arith.maxsi %min3A_751, %or3A_782 : vector<256x128xi32>
    %min3A_785 = arith.minsi %min3A_753, %max3A_784 : vector<256x128xi32>
    %max3A_786 = arith.maxsi %min3A_753, %max3A_784 : vector<256x128xi32>
    %min3A_787 = arith.minsi %min3A_755, %max3A_786 : vector<256x128xi32>
    %slice3A_788 = vector.extract_strided_slice %broadcast_in_dim3A_21 {offsets = [0, 3072], sizes = [1, 128], strides = [1, 1]} : vector<1x8192xf32> to vector<1x128xf32>
    %add3A_789 = vector.broadcast %broadcast_in_dim3A_17 : vector<256x1xf32> to vector<256x128xf32>
    %add3A_790 = vector.broadcast %slice3A_788 : vector<1x128xf32> to vector<256x128xf32>
    %add3A_791 = arith.addf %add3A_789, %add3A_790 : vector<256x128xf32>
    %slice3A_792 = vector.extract_strided_slice %dot_general3A_22 {offsets = [0, 3072], sizes = [256, 128], strides = [1, 1]} : vector<256x8192xf32> to vector<256x128xf32>
    %mul3A_793 = arith.constant 2.000000e+00 : f32
    %mul3A_794 = vector.broadcast %mul3A_793 : f32 to vector<256x128xf32>
    %mul3A_795 = arith.mulf %mul3A_794, %slice3A_792 : vector<256x128xf32>
    %sub3A_796 = arith.subf %add3A_791, %mul3A_795 : vector<256x128xf32>
    %max3A_797 = arith.constant 0.000000e+00 : f32
    %max3A_798 = vector.broadcast %max3A_797 : f32 to vector<256x128xf32>
    %max3A_799 = arith.maximumf %sub3A_796, %max3A_798 : vector<256x128xf32>
    %add3A_800 = arith.constant 3072 : i32
    %add3A_801 = vector.broadcast %add3A_800 : i32 to vector<256x128xi32>
    %add3A_802 = arith.addi %add3A_801, %iota3A_26 : vector<256x128xi32>
    %eq3A_803 = vector.broadcast %add3A_25 : vector<256x1xi32> to vector<256x128xi32>
    %eq3A_804 = arith.cmpi eq, %add3A_802, %eq3A_803 : vector<256x128xi32>
    %jit3A_805 = arith.constant 0x7F800000 : f32
    %broadcast_in_dim3A_806 = vector.broadcast %jit3A_805 : f32 to vector<256x128xf32>
    %select_n3A_807 = arith.select %eq3A_804, %broadcast_in_dim3A_806, %max3A_799 : vector<256x128xi1>, vector<256x128xf32>
    %bitcast_convert_type3A_808 = tpu.bitcast %select_n3A_807 : vector<256x128xf32> -> vector<256x128xi32>
    %and3A_809 = arith.constant -64 : i32
    %and3A_810 = vector.broadcast %and3A_809 : i32 to vector<256x128xi32>
    %and3A_811 = arith.andi %bitcast_convert_type3A_808, %and3A_810 : vector<256x128xi32>
    %or3A_812 = arith.constant 24 : i32
    %or3A_813 = vector.broadcast %or3A_812 : i32 to vector<256x128xi32>
    %or3A_814 = arith.ori %and3A_811, %or3A_813 : vector<256x128xi32>
    %min3A_815 = arith.minsi %min3A_783, %or3A_814 : vector<256x128xi32>
    %max3A_816 = arith.maxsi %min3A_783, %or3A_814 : vector<256x128xi32>
    %min3A_817 = arith.minsi %min3A_785, %max3A_816 : vector<256x128xi32>
    %max3A_818 = arith.maxsi %min3A_785, %max3A_816 : vector<256x128xi32>
    %min3A_819 = arith.minsi %min3A_787, %max3A_818 : vector<256x128xi32>
    %slice3A_820 = vector.extract_strided_slice %broadcast_in_dim3A_21 {offsets = [0, 3200], sizes = [1, 128], strides = [1, 1]} : vector<1x8192xf32> to vector<1x128xf32>
    %add3A_821 = vector.broadcast %broadcast_in_dim3A_17 : vector<256x1xf32> to vector<256x128xf32>
    %add3A_822 = vector.broadcast %slice3A_820 : vector<1x128xf32> to vector<256x128xf32>
    %add3A_823 = arith.addf %add3A_821, %add3A_822 : vector<256x128xf32>
    %slice3A_824 = vector.extract_strided_slice %dot_general3A_22 {offsets = [0, 3200], sizes = [256, 128], strides = [1, 1]} : vector<256x8192xf32> to vector<256x128xf32>
    %mul3A_825 = arith.constant 2.000000e+00 : f32
    %mul3A_826 = vector.broadcast %mul3A_825 : f32 to vector<256x128xf32>
    %mul3A_827 = arith.mulf %mul3A_826, %slice3A_824 : vector<256x128xf32>
    %sub3A_828 = arith.subf %add3A_823, %mul3A_827 : vector<256x128xf32>
    %max3A_829 = arith.constant 0.000000e+00 : f32
    %max3A_830 = vector.broadcast %max3A_829 : f32 to vector<256x128xf32>
    %max3A_831 = arith.maximumf %sub3A_828, %max3A_830 : vector<256x128xf32>
    %add3A_832 = arith.constant 3200 : i32
    %add3A_833 = vector.broadcast %add3A_832 : i32 to vector<256x128xi32>
    %add3A_834 = arith.addi %add3A_833, %iota3A_26 : vector<256x128xi32>
    %eq3A_835 = vector.broadcast %add3A_25 : vector<256x1xi32> to vector<256x128xi32>
    %eq3A_836 = arith.cmpi eq, %add3A_834, %eq3A_835 : vector<256x128xi32>
    %jit3A_837 = arith.constant 0x7F800000 : f32
    %broadcast_in_dim3A_838 = vector.broadcast %jit3A_837 : f32 to vector<256x128xf32>
    %select_n3A_839 = arith.select %eq3A_836, %broadcast_in_dim3A_838, %max3A_831 : vector<256x128xi1>, vector<256x128xf32>
    %bitcast_convert_type3A_840 = tpu.bitcast %select_n3A_839 : vector<256x128xf32> -> vector<256x128xi32>
    %and3A_841 = arith.constant -64 : i32
    %and3A_842 = vector.broadcast %and3A_841 : i32 to vector<256x128xi32>
    %and3A_843 = arith.andi %bitcast_convert_type3A_840, %and3A_842 : vector<256x128xi32>
    %or3A_844 = arith.constant 25 : i32
    %or3A_845 = vector.broadcast %or3A_844 : i32 to vector<256x128xi32>
    %or3A_846 = arith.ori %and3A_843, %or3A_845 : vector<256x128xi32>
    %min3A_847 = arith.minsi %min3A_815, %or3A_846 : vector<256x128xi32>
    %max3A_848 = arith.maxsi %min3A_815, %or3A_846 : vector<256x128xi32>
    %min3A_849 = arith.minsi %min3A_817, %max3A_848 : vector<256x128xi32>
    %max3A_850 = arith.maxsi %min3A_817, %max3A_848 : vector<256x128xi32>
    %min3A_851 = arith.minsi %min3A_819, %max3A_850 : vector<256x128xi32>
    %slice3A_852 = vector.extract_strided_slice %broadcast_in_dim3A_21 {offsets = [0, 3328], sizes = [1, 128], strides = [1, 1]} : vector<1x8192xf32> to vector<1x128xf32>
    %add3A_853 = vector.broadcast %broadcast_in_dim3A_17 : vector<256x1xf32> to vector<256x128xf32>
    %add3A_854 = vector.broadcast %slice3A_852 : vector<1x128xf32> to vector<256x128xf32>
    %add3A_855 = arith.addf %add3A_853, %add3A_854 : vector<256x128xf32>
    %slice3A_856 = vector.extract_strided_slice %dot_general3A_22 {offsets = [0, 3328], sizes = [256, 128], strides = [1, 1]} : vector<256x8192xf32> to vector<256x128xf32>
    %mul3A_857 = arith.constant 2.000000e+00 : f32
    %mul3A_858 = vector.broadcast %mul3A_857 : f32 to vector<256x128xf32>
    %mul3A_859 = arith.mulf %mul3A_858, %slice3A_856 : vector<256x128xf32>
    %sub3A_860 = arith.subf %add3A_855, %mul3A_859 : vector<256x128xf32>
    %max3A_861 = arith.constant 0.000000e+00 : f32
    %max3A_862 = vector.broadcast %max3A_861 : f32 to vector<256x128xf32>
    %max3A_863 = arith.maximumf %sub3A_860, %max3A_862 : vector<256x128xf32>
    %add3A_864 = arith.constant 3328 : i32
    %add3A_865 = vector.broadcast %add3A_864 : i32 to vector<256x128xi32>
    %add3A_866 = arith.addi %add3A_865, %iota3A_26 : vector<256x128xi32>
    %eq3A_867 = vector.broadcast %add3A_25 : vector<256x1xi32> to vector<256x128xi32>
    %eq3A_868 = arith.cmpi eq, %add3A_866, %eq3A_867 : vector<256x128xi32>
    %jit3A_869 = arith.constant 0x7F800000 : f32
    %broadcast_in_dim3A_870 = vector.broadcast %jit3A_869 : f32 to vector<256x128xf32>
    %select_n3A_871 = arith.select %eq3A_868, %broadcast_in_dim3A_870, %max3A_863 : vector<256x128xi1>, vector<256x128xf32>
    %bitcast_convert_type3A_872 = tpu.bitcast %select_n3A_871 : vector<256x128xf32> -> vector<256x128xi32>
    %and3A_873 = arith.constant -64 : i32
    %and3A_874 = vector.broadcast %and3A_873 : i32 to vector<256x128xi32>
    %and3A_875 = arith.andi %bitcast_convert_type3A_872, %and3A_874 : vector<256x128xi32>
    %or3A_876 = arith.constant 26 : i32
    %or3A_877 = vector.broadcast %or3A_876 : i32 to vector<256x128xi32>
    %or3A_878 = arith.ori %and3A_875, %or3A_877 : vector<256x128xi32>
    %min3A_879 = arith.minsi %min3A_847, %or3A_878 : vector<256x128xi32>
    %max3A_880 = arith.maxsi %min3A_847, %or3A_878 : vector<256x128xi32>
    %min3A_881 = arith.minsi %min3A_849, %max3A_880 : vector<256x128xi32>
    %max3A_882 = arith.maxsi %min3A_849, %max3A_880 : vector<256x128xi32>
    %min3A_883 = arith.minsi %min3A_851, %max3A_882 : vector<256x128xi32>
    %slice3A_884 = vector.extract_strided_slice %broadcast_in_dim3A_21 {offsets = [0, 3456], sizes = [1, 128], strides = [1, 1]} : vector<1x8192xf32> to vector<1x128xf32>
    %add3A_885 = vector.broadcast %broadcast_in_dim3A_17 : vector<256x1xf32> to vector<256x128xf32>
    %add3A_886 = vector.broadcast %slice3A_884 : vector<1x128xf32> to vector<256x128xf32>
    %add3A_887 = arith.addf %add3A_885, %add3A_886 : vector<256x128xf32>
    %slice3A_888 = vector.extract_strided_slice %dot_general3A_22 {offsets = [0, 3456], sizes = [256, 128], strides = [1, 1]} : vector<256x8192xf32> to vector<256x128xf32>
    %mul3A_889 = arith.constant 2.000000e+00 : f32
    %mul3A_890 = vector.broadcast %mul3A_889 : f32 to vector<256x128xf32>
    %mul3A_891 = arith.mulf %mul3A_890, %slice3A_888 : vector<256x128xf32>
    %sub3A_892 = arith.subf %add3A_887, %mul3A_891 : vector<256x128xf32>
    %max3A_893 = arith.constant 0.000000e+00 : f32
    %max3A_894 = vector.broadcast %max3A_893 : f32 to vector<256x128xf32>
    %max3A_895 = arith.maximumf %sub3A_892, %max3A_894 : vector<256x128xf32>
    %add3A_896 = arith.constant 3456 : i32
    %add3A_897 = vector.broadcast %add3A_896 : i32 to vector<256x128xi32>
    %add3A_898 = arith.addi %add3A_897, %iota3A_26 : vector<256x128xi32>
    %eq3A_899 = vector.broadcast %add3A_25 : vector<256x1xi32> to vector<256x128xi32>
    %eq3A_900 = arith.cmpi eq, %add3A_898, %eq3A_899 : vector<256x128xi32>
    %jit3A_901 = arith.constant 0x7F800000 : f32
    %broadcast_in_dim3A_902 = vector.broadcast %jit3A_901 : f32 to vector<256x128xf32>
    %select_n3A_903 = arith.select %eq3A_900, %broadcast_in_dim3A_902, %max3A_895 : vector<256x128xi1>, vector<256x128xf32>
    %bitcast_convert_type3A_904 = tpu.bitcast %select_n3A_903 : vector<256x128xf32> -> vector<256x128xi32>
    %and3A_905 = arith.constant -64 : i32
    %and3A_906 = vector.broadcast %and3A_905 : i32 to vector<256x128xi32>
    %and3A_907 = arith.andi %bitcast_convert_type3A_904, %and3A_906 : vector<256x128xi32>
    %or3A_908 = arith.constant 27 : i32
    %or3A_909 = vector.broadcast %or3A_908 : i32 to vector<256x128xi32>
    %or3A_910 = arith.ori %and3A_907, %or3A_909 : vector<256x128xi32>
    %min3A_911 = arith.minsi %min3A_879, %or3A_910 : vector<256x128xi32>
    %max3A_912 = arith.maxsi %min3A_879, %or3A_910 : vector<256x128xi32>
    %min3A_913 = arith.minsi %min3A_881, %max3A_912 : vector<256x128xi32>
    %max3A_914 = arith.maxsi %min3A_881, %max3A_912 : vector<256x128xi32>
    %min3A_915 = arith.minsi %min3A_883, %max3A_914 : vector<256x128xi32>
    %slice3A_916 = vector.extract_strided_slice %broadcast_in_dim3A_21 {offsets = [0, 3584], sizes = [1, 128], strides = [1, 1]} : vector<1x8192xf32> to vector<1x128xf32>
    %add3A_917 = vector.broadcast %broadcast_in_dim3A_17 : vector<256x1xf32> to vector<256x128xf32>
    %add3A_918 = vector.broadcast %slice3A_916 : vector<1x128xf32> to vector<256x128xf32>
    %add3A_919 = arith.addf %add3A_917, %add3A_918 : vector<256x128xf32>
    %slice3A_920 = vector.extract_strided_slice %dot_general3A_22 {offsets = [0, 3584], sizes = [256, 128], strides = [1, 1]} : vector<256x8192xf32> to vector<256x128xf32>
    %mul3A_921 = arith.constant 2.000000e+00 : f32
    %mul3A_922 = vector.broadcast %mul3A_921 : f32 to vector<256x128xf32>
    %mul3A_923 = arith.mulf %mul3A_922, %slice3A_920 : vector<256x128xf32>
    %sub3A_924 = arith.subf %add3A_919, %mul3A_923 : vector<256x128xf32>
    %max3A_925 = arith.constant 0.000000e+00 : f32
    %max3A_926 = vector.broadcast %max3A_925 : f32 to vector<256x128xf32>
    %max3A_927 = arith.maximumf %sub3A_924, %max3A_926 : vector<256x128xf32>
    %add3A_928 = arith.constant 3584 : i32
    %add3A_929 = vector.broadcast %add3A_928 : i32 to vector<256x128xi32>
    %add3A_930 = arith.addi %add3A_929, %iota3A_26 : vector<256x128xi32>
    %eq3A_931 = vector.broadcast %add3A_25 : vector<256x1xi32> to vector<256x128xi32>
    %eq3A_932 = arith.cmpi eq, %add3A_930, %eq3A_931 : vector<256x128xi32>
    %jit3A_933 = arith.constant 0x7F800000 : f32
    %broadcast_in_dim3A_934 = vector.broadcast %jit3A_933 : f32 to vector<256x128xf32>
    %select_n3A_935 = arith.select %eq3A_932, %broadcast_in_dim3A_934, %max3A_927 : vector<256x128xi1>, vector<256x128xf32>
    %bitcast_convert_type3A_936 = tpu.bitcast %select_n3A_935 : vector<256x128xf32> -> vector<256x128xi32>
    %and3A_937 = arith.constant -64 : i32
    %and3A_938 = vector.broadcast %and3A_937 : i32 to vector<256x128xi32>
    %and3A_939 = arith.andi %bitcast_convert_type3A_936, %and3A_938 : vector<256x128xi32>
    %or3A_940 = arith.constant 28 : i32
    %or3A_941 = vector.broadcast %or3A_940 : i32 to vector<256x128xi32>
    %or3A_942 = arith.ori %and3A_939, %or3A_941 : vector<256x128xi32>
    %min3A_943 = arith.minsi %min3A_911, %or3A_942 : vector<256x128xi32>
    %max3A_944 = arith.maxsi %min3A_911, %or3A_942 : vector<256x128xi32>
    %min3A_945 = arith.minsi %min3A_913, %max3A_944 : vector<256x128xi32>
    %max3A_946 = arith.maxsi %min3A_913, %max3A_944 : vector<256x128xi32>
    %min3A_947 = arith.minsi %min3A_915, %max3A_946 : vector<256x128xi32>
    %slice3A_948 = vector.extract_strided_slice %broadcast_in_dim3A_21 {offsets = [0, 3712], sizes = [1, 128], strides = [1, 1]} : vector<1x8192xf32> to vector<1x128xf32>
    %add3A_949 = vector.broadcast %broadcast_in_dim3A_17 : vector<256x1xf32> to vector<256x128xf32>
    %add3A_950 = vector.broadcast %slice3A_948 : vector<1x128xf32> to vector<256x128xf32>
    %add3A_951 = arith.addf %add3A_949, %add3A_950 : vector<256x128xf32>
    %slice3A_952 = vector.extract_strided_slice %dot_general3A_22 {offsets = [0, 3712], sizes = [256, 128], strides = [1, 1]} : vector<256x8192xf32> to vector<256x128xf32>
    %mul3A_953 = arith.constant 2.000000e+00 : f32
    %mul3A_954 = vector.broadcast %mul3A_953 : f32 to vector<256x128xf32>
    %mul3A_955 = arith.mulf %mul3A_954, %slice3A_952 : vector<256x128xf32>
    %sub3A_956 = arith.subf %add3A_951, %mul3A_955 : vector<256x128xf32>
    %max3A_957 = arith.constant 0.000000e+00 : f32
    %max3A_958 = vector.broadcast %max3A_957 : f32 to vector<256x128xf32>
    %max3A_959 = arith.maximumf %sub3A_956, %max3A_958 : vector<256x128xf32>
    %add3A_960 = arith.constant 3712 : i32
    %add3A_961 = vector.broadcast %add3A_960 : i32 to vector<256x128xi32>
    %add3A_962 = arith.addi %add3A_961, %iota3A_26 : vector<256x128xi32>
    %eq3A_963 = vector.broadcast %add3A_25 : vector<256x1xi32> to vector<256x128xi32>
    %eq3A_964 = arith.cmpi eq, %add3A_962, %eq3A_963 : vector<256x128xi32>
    %jit3A_965 = arith.constant 0x7F800000 : f32
    %broadcast_in_dim3A_966 = vector.broadcast %jit3A_965 : f32 to vector<256x128xf32>
    %select_n3A_967 = arith.select %eq3A_964, %broadcast_in_dim3A_966, %max3A_959 : vector<256x128xi1>, vector<256x128xf32>
    %bitcast_convert_type3A_968 = tpu.bitcast %select_n3A_967 : vector<256x128xf32> -> vector<256x128xi32>
    %and3A_969 = arith.constant -64 : i32
    %and3A_970 = vector.broadcast %and3A_969 : i32 to vector<256x128xi32>
    %and3A_971 = arith.andi %bitcast_convert_type3A_968, %and3A_970 : vector<256x128xi32>
    %or3A_972 = arith.constant 29 : i32
    %or3A_973 = vector.broadcast %or3A_972 : i32 to vector<256x128xi32>
    %or3A_974 = arith.ori %and3A_971, %or3A_973 : vector<256x128xi32>
    %min3A_975 = arith.minsi %min3A_943, %or3A_974 : vector<256x128xi32>
    %max3A_976 = arith.maxsi %min3A_943, %or3A_974 : vector<256x128xi32>
    %min3A_977 = arith.minsi %min3A_945, %max3A_976 : vector<256x128xi32>
    %max3A_978 = arith.maxsi %min3A_945, %max3A_976 : vector<256x128xi32>
    %min3A_979 = arith.minsi %min3A_947, %max3A_978 : vector<256x128xi32>
    %slice3A_980 = vector.extract_strided_slice %broadcast_in_dim3A_21 {offsets = [0, 3840], sizes = [1, 128], strides = [1, 1]} : vector<1x8192xf32> to vector<1x128xf32>
    %add3A_981 = vector.broadcast %broadcast_in_dim3A_17 : vector<256x1xf32> to vector<256x128xf32>
    %add3A_982 = vector.broadcast %slice3A_980 : vector<1x128xf32> to vector<256x128xf32>
    %add3A_983 = arith.addf %add3A_981, %add3A_982 : vector<256x128xf32>
    %slice3A_984 = vector.extract_strided_slice %dot_general3A_22 {offsets = [0, 3840], sizes = [256, 128], strides = [1, 1]} : vector<256x8192xf32> to vector<256x128xf32>
    %mul3A_985 = arith.constant 2.000000e+00 : f32
    %mul3A_986 = vector.broadcast %mul3A_985 : f32 to vector<256x128xf32>
    %mul3A_987 = arith.mulf %mul3A_986, %slice3A_984 : vector<256x128xf32>
    %sub3A_988 = arith.subf %add3A_983, %mul3A_987 : vector<256x128xf32>
    %max3A_989 = arith.constant 0.000000e+00 : f32
    %max3A_990 = vector.broadcast %max3A_989 : f32 to vector<256x128xf32>
    %max3A_991 = arith.maximumf %sub3A_988, %max3A_990 : vector<256x128xf32>
    %add3A_992 = arith.constant 3840 : i32
    %add3A_993 = vector.broadcast %add3A_992 : i32 to vector<256x128xi32>
    %add3A_994 = arith.addi %add3A_993, %iota3A_26 : vector<256x128xi32>
    %eq3A_995 = vector.broadcast %add3A_25 : vector<256x1xi32> to vector<256x128xi32>
    %eq3A_996 = arith.cmpi eq, %add3A_994, %eq3A_995 : vector<256x128xi32>
    %jit3A_997 = arith.constant 0x7F800000 : f32
    %broadcast_in_dim3A_998 = vector.broadcast %jit3A_997 : f32 to vector<256x128xf32>
    %select_n3A_999 = arith.select %eq3A_996, %broadcast_in_dim3A_998, %max3A_991 : vector<256x128xi1>, vector<256x128xf32>
    %bitcast_convert_type3A_1000 = tpu.bitcast %select_n3A_999 : vector<256x128xf32> -> vector<256x128xi32>
    %and3A_1001 = arith.constant -64 : i32
    %and3A_1002 = vector.broadcast %and3A_1001 : i32 to vector<256x128xi32>
    %and3A_1003 = arith.andi %bitcast_convert_type3A_1000, %and3A_1002 : vector<256x128xi32>
    %or3A_1004 = arith.constant 30 : i32
    %or3A_1005 = vector.broadcast %or3A_1004 : i32 to vector<256x128xi32>
    %or3A_1006 = arith.ori %and3A_1003, %or3A_1005 : vector<256x128xi32>
    %min3A_1007 = arith.minsi %min3A_975, %or3A_1006 : vector<256x128xi32>
    %max3A_1008 = arith.maxsi %min3A_975, %or3A_1006 : vector<256x128xi32>
    %min3A_1009 = arith.minsi %min3A_977, %max3A_1008 : vector<256x128xi32>
    %max3A_1010 = arith.maxsi %min3A_977, %max3A_1008 : vector<256x128xi32>
    %min3A_1011 = arith.minsi %min3A_979, %max3A_1010 : vector<256x128xi32>
    %slice3A_1012 = vector.extract_strided_slice %broadcast_in_dim3A_21 {offsets = [0, 3968], sizes = [1, 128], strides = [1, 1]} : vector<1x8192xf32> to vector<1x128xf32>
    %add3A_1013 = vector.broadcast %broadcast_in_dim3A_17 : vector<256x1xf32> to vector<256x128xf32>
    %add3A_1014 = vector.broadcast %slice3A_1012 : vector<1x128xf32> to vector<256x128xf32>
    %add3A_1015 = arith.addf %add3A_1013, %add3A_1014 : vector<256x128xf32>
    %slice3A_1016 = vector.extract_strided_slice %dot_general3A_22 {offsets = [0, 3968], sizes = [256, 128], strides = [1, 1]} : vector<256x8192xf32> to vector<256x128xf32>
    %mul3A_1017 = arith.constant 2.000000e+00 : f32
    %mul3A_1018 = vector.broadcast %mul3A_1017 : f32 to vector<256x128xf32>
    %mul3A_1019 = arith.mulf %mul3A_1018, %slice3A_1016 : vector<256x128xf32>
    %sub3A_1020 = arith.subf %add3A_1015, %mul3A_1019 : vector<256x128xf32>
    %max3A_1021 = arith.constant 0.000000e+00 : f32
    %max3A_1022 = vector.broadcast %max3A_1021 : f32 to vector<256x128xf32>
    %max3A_1023 = arith.maximumf %sub3A_1020, %max3A_1022 : vector<256x128xf32>
    %add3A_1024 = arith.constant 3968 : i32
    %add3A_1025 = vector.broadcast %add3A_1024 : i32 to vector<256x128xi32>
    %add3A_1026 = arith.addi %add3A_1025, %iota3A_26 : vector<256x128xi32>
    %eq3A_1027 = vector.broadcast %add3A_25 : vector<256x1xi32> to vector<256x128xi32>
    %eq3A_1028 = arith.cmpi eq, %add3A_1026, %eq3A_1027 : vector<256x128xi32>
    %jit3A_1029 = arith.constant 0x7F800000 : f32
    %broadcast_in_dim3A_1030 = vector.broadcast %jit3A_1029 : f32 to vector<256x128xf32>
    %select_n3A_1031 = arith.select %eq3A_1028, %broadcast_in_dim3A_1030, %max3A_1023 : vector<256x128xi1>, vector<256x128xf32>
    %bitcast_convert_type3A_1032 = tpu.bitcast %select_n3A_1031 : vector<256x128xf32> -> vector<256x128xi32>
    %and3A_1033 = arith.constant -64 : i32
    %and3A_1034 = vector.broadcast %and3A_1033 : i32 to vector<256x128xi32>
    %and3A_1035 = arith.andi %bitcast_convert_type3A_1032, %and3A_1034 : vector<256x128xi32>
    %or3A_1036 = arith.constant 31 : i32
    %or3A_1037 = vector.broadcast %or3A_1036 : i32 to vector<256x128xi32>
    %or3A_1038 = arith.ori %and3A_1035, %or3A_1037 : vector<256x128xi32>
    %min3A_1039 = arith.minsi %min3A_1007, %or3A_1038 : vector<256x128xi32>
    %max3A_1040 = arith.maxsi %min3A_1007, %or3A_1038 : vector<256x128xi32>
    %min3A_1041 = arith.minsi %min3A_1009, %max3A_1040 : vector<256x128xi32>
    %max3A_1042 = arith.maxsi %min3A_1009, %max3A_1040 : vector<256x128xi32>
    %min3A_1043 = arith.minsi %min3A_1011, %max3A_1042 : vector<256x128xi32>
    %slice3A_1044 = vector.extract_strided_slice %broadcast_in_dim3A_21 {offsets = [0, 4096], sizes = [1, 128], strides = [1, 1]} : vector<1x8192xf32> to vector<1x128xf32>
    %add3A_1045 = vector.broadcast %broadcast_in_dim3A_17 : vector<256x1xf32> to vector<256x128xf32>
    %add3A_1046 = vector.broadcast %slice3A_1044 : vector<1x128xf32> to vector<256x128xf32>
    %add3A_1047 = arith.addf %add3A_1045, %add3A_1046 : vector<256x128xf32>
    %slice3A_1048 = vector.extract_strided_slice %dot_general3A_22 {offsets = [0, 4096], sizes = [256, 128], strides = [1, 1]} : vector<256x8192xf32> to vector<256x128xf32>
    %mul3A_1049 = arith.constant 2.000000e+00 : f32
    %mul3A_1050 = vector.broadcast %mul3A_1049 : f32 to vector<256x128xf32>
    %mul3A_1051 = arith.mulf %mul3A_1050, %slice3A_1048 : vector<256x128xf32>
    %sub3A_1052 = arith.subf %add3A_1047, %mul3A_1051 : vector<256x128xf32>
    %max3A_1053 = arith.constant 0.000000e+00 : f32
    %max3A_1054 = vector.broadcast %max3A_1053 : f32 to vector<256x128xf32>
    %max3A_1055 = arith.maximumf %sub3A_1052, %max3A_1054 : vector<256x128xf32>
    %add3A_1056 = arith.constant 4096 : i32
    %add3A_1057 = vector.broadcast %add3A_1056 : i32 to vector<256x128xi32>
    %add3A_1058 = arith.addi %add3A_1057, %iota3A_26 : vector<256x128xi32>
    %eq3A_1059 = vector.broadcast %add3A_25 : vector<256x1xi32> to vector<256x128xi32>
    %eq3A_1060 = arith.cmpi eq, %add3A_1058, %eq3A_1059 : vector<256x128xi32>
    %jit3A_1061 = arith.constant 0x7F800000 : f32
    %broadcast_in_dim3A_1062 = vector.broadcast %jit3A_1061 : f32 to vector<256x128xf32>
    %select_n3A_1063 = arith.select %eq3A_1060, %broadcast_in_dim3A_1062, %max3A_1055 : vector<256x128xi1>, vector<256x128xf32>
    %bitcast_convert_type3A_1064 = tpu.bitcast %select_n3A_1063 : vector<256x128xf32> -> vector<256x128xi32>
    %and3A_1065 = arith.constant -64 : i32
    %and3A_1066 = vector.broadcast %and3A_1065 : i32 to vector<256x128xi32>
    %and3A_1067 = arith.andi %bitcast_convert_type3A_1064, %and3A_1066 : vector<256x128xi32>
    %or3A_1068 = arith.constant 32 : i32
    %or3A_1069 = vector.broadcast %or3A_1068 : i32 to vector<256x128xi32>
    %or3A_1070 = arith.ori %and3A_1067, %or3A_1069 : vector<256x128xi32>
    %min3A_1071 = arith.minsi %min3A_1039, %or3A_1070 : vector<256x128xi32>
    %max3A_1072 = arith.maxsi %min3A_1039, %or3A_1070 : vector<256x128xi32>
    %min3A_1073 = arith.minsi %min3A_1041, %max3A_1072 : vector<256x128xi32>
    %max3A_1074 = arith.maxsi %min3A_1041, %max3A_1072 : vector<256x128xi32>
    %min3A_1075 = arith.minsi %min3A_1043, %max3A_1074 : vector<256x128xi32>
    %slice3A_1076 = vector.extract_strided_slice %broadcast_in_dim3A_21 {offsets = [0, 4224], sizes = [1, 128], strides = [1, 1]} : vector<1x8192xf32> to vector<1x128xf32>
    %add3A_1077 = vector.broadcast %broadcast_in_dim3A_17 : vector<256x1xf32> to vector<256x128xf32>
    %add3A_1078 = vector.broadcast %slice3A_1076 : vector<1x128xf32> to vector<256x128xf32>
    %add3A_1079 = arith.addf %add3A_1077, %add3A_1078 : vector<256x128xf32>
    %slice3A_1080 = vector.extract_strided_slice %dot_general3A_22 {offsets = [0, 4224], sizes = [256, 128], strides = [1, 1]} : vector<256x8192xf32> to vector<256x128xf32>
    %mul3A_1081 = arith.constant 2.000000e+00 : f32
    %mul3A_1082 = vector.broadcast %mul3A_1081 : f32 to vector<256x128xf32>
    %mul3A_1083 = arith.mulf %mul3A_1082, %slice3A_1080 : vector<256x128xf32>
    %sub3A_1084 = arith.subf %add3A_1079, %mul3A_1083 : vector<256x128xf32>
    %max3A_1085 = arith.constant 0.000000e+00 : f32
    %max3A_1086 = vector.broadcast %max3A_1085 : f32 to vector<256x128xf32>
    %max3A_1087 = arith.maximumf %sub3A_1084, %max3A_1086 : vector<256x128xf32>
    %add3A_1088 = arith.constant 4224 : i32
    %add3A_1089 = vector.broadcast %add3A_1088 : i32 to vector<256x128xi32>
    %add3A_1090 = arith.addi %add3A_1089, %iota3A_26 : vector<256x128xi32>
    %eq3A_1091 = vector.broadcast %add3A_25 : vector<256x1xi32> to vector<256x128xi32>
    %eq3A_1092 = arith.cmpi eq, %add3A_1090, %eq3A_1091 : vector<256x128xi32>
    %jit3A_1093 = arith.constant 0x7F800000 : f32
    %broadcast_in_dim3A_1094 = vector.broadcast %jit3A_1093 : f32 to vector<256x128xf32>
    %select_n3A_1095 = arith.select %eq3A_1092, %broadcast_in_dim3A_1094, %max3A_1087 : vector<256x128xi1>, vector<256x128xf32>
    %bitcast_convert_type3A_1096 = tpu.bitcast %select_n3A_1095 : vector<256x128xf32> -> vector<256x128xi32>
    %and3A_1097 = arith.constant -64 : i32
    %and3A_1098 = vector.broadcast %and3A_1097 : i32 to vector<256x128xi32>
    %and3A_1099 = arith.andi %bitcast_convert_type3A_1096, %and3A_1098 : vector<256x128xi32>
    %or3A_1100 = arith.constant 33 : i32
    %or3A_1101 = vector.broadcast %or3A_1100 : i32 to vector<256x128xi32>
    %or3A_1102 = arith.ori %and3A_1099, %or3A_1101 : vector<256x128xi32>
    %min3A_1103 = arith.minsi %min3A_1071, %or3A_1102 : vector<256x128xi32>
    %max3A_1104 = arith.maxsi %min3A_1071, %or3A_1102 : vector<256x128xi32>
    %min3A_1105 = arith.minsi %min3A_1073, %max3A_1104 : vector<256x128xi32>
    %max3A_1106 = arith.maxsi %min3A_1073, %max3A_1104 : vector<256x128xi32>
    %min3A_1107 = arith.minsi %min3A_1075, %max3A_1106 : vector<256x128xi32>
    %slice3A_1108 = vector.extract_strided_slice %broadcast_in_dim3A_21 {offsets = [0, 4352], sizes = [1, 128], strides = [1, 1]} : vector<1x8192xf32> to vector<1x128xf32>
    %add3A_1109 = vector.broadcast %broadcast_in_dim3A_17 : vector<256x1xf32> to vector<256x128xf32>
    %add3A_1110 = vector.broadcast %slice3A_1108 : vector<1x128xf32> to vector<256x128xf32>
    %add3A_1111 = arith.addf %add3A_1109, %add3A_1110 : vector<256x128xf32>
    %slice3A_1112 = vector.extract_strided_slice %dot_general3A_22 {offsets = [0, 4352], sizes = [256, 128], strides = [1, 1]} : vector<256x8192xf32> to vector<256x128xf32>
    %mul3A_1113 = arith.constant 2.000000e+00 : f32
    %mul3A_1114 = vector.broadcast %mul3A_1113 : f32 to vector<256x128xf32>
    %mul3A_1115 = arith.mulf %mul3A_1114, %slice3A_1112 : vector<256x128xf32>
    %sub3A_1116 = arith.subf %add3A_1111, %mul3A_1115 : vector<256x128xf32>
    %max3A_1117 = arith.constant 0.000000e+00 : f32
    %max3A_1118 = vector.broadcast %max3A_1117 : f32 to vector<256x128xf32>
    %max3A_1119 = arith.maximumf %sub3A_1116, %max3A_1118 : vector<256x128xf32>
    %add3A_1120 = arith.constant 4352 : i32
    %add3A_1121 = vector.broadcast %add3A_1120 : i32 to vector<256x128xi32>
    %add3A_1122 = arith.addi %add3A_1121, %iota3A_26 : vector<256x128xi32>
    %eq3A_1123 = vector.broadcast %add3A_25 : vector<256x1xi32> to vector<256x128xi32>
    %eq3A_1124 = arith.cmpi eq, %add3A_1122, %eq3A_1123 : vector<256x128xi32>
    %jit3A_1125 = arith.constant 0x7F800000 : f32
    %broadcast_in_dim3A_1126 = vector.broadcast %jit3A_1125 : f32 to vector<256x128xf32>
    %select_n3A_1127 = arith.select %eq3A_1124, %broadcast_in_dim3A_1126, %max3A_1119 : vector<256x128xi1>, vector<256x128xf32>
    %bitcast_convert_type3A_1128 = tpu.bitcast %select_n3A_1127 : vector<256x128xf32> -> vector<256x128xi32>
    %and3A_1129 = arith.constant -64 : i32
    %and3A_1130 = vector.broadcast %and3A_1129 : i32 to vector<256x128xi32>
    %and3A_1131 = arith.andi %bitcast_convert_type3A_1128, %and3A_1130 : vector<256x128xi32>
    %or3A_1132 = arith.constant 34 : i32
    %or3A_1133 = vector.broadcast %or3A_1132 : i32 to vector<256x128xi32>
    %or3A_1134 = arith.ori %and3A_1131, %or3A_1133 : vector<256x128xi32>
    %min3A_1135 = arith.minsi %min3A_1103, %or3A_1134 : vector<256x128xi32>
    %max3A_1136 = arith.maxsi %min3A_1103, %or3A_1134 : vector<256x128xi32>
    %min3A_1137 = arith.minsi %min3A_1105, %max3A_1136 : vector<256x128xi32>
    %max3A_1138 = arith.maxsi %min3A_1105, %max3A_1136 : vector<256x128xi32>
    %min3A_1139 = arith.minsi %min3A_1107, %max3A_1138 : vector<256x128xi32>
    %slice3A_1140 = vector.extract_strided_slice %broadcast_in_dim3A_21 {offsets = [0, 4480], sizes = [1, 128], strides = [1, 1]} : vector<1x8192xf32> to vector<1x128xf32>
    %add3A_1141 = vector.broadcast %broadcast_in_dim3A_17 : vector<256x1xf32> to vector<256x128xf32>
    %add3A_1142 = vector.broadcast %slice3A_1140 : vector<1x128xf32> to vector<256x128xf32>
    %add3A_1143 = arith.addf %add3A_1141, %add3A_1142 : vector<256x128xf32>
    %slice3A_1144 = vector.extract_strided_slice %dot_general3A_22 {offsets = [0, 4480], sizes = [256, 128], strides = [1, 1]} : vector<256x8192xf32> to vector<256x128xf32>
    %mul3A_1145 = arith.constant 2.000000e+00 : f32
    %mul3A_1146 = vector.broadcast %mul3A_1145 : f32 to vector<256x128xf32>
    %mul3A_1147 = arith.mulf %mul3A_1146, %slice3A_1144 : vector<256x128xf32>
    %sub3A_1148 = arith.subf %add3A_1143, %mul3A_1147 : vector<256x128xf32>
    %max3A_1149 = arith.constant 0.000000e+00 : f32
    %max3A_1150 = vector.broadcast %max3A_1149 : f32 to vector<256x128xf32>
    %max3A_1151 = arith.maximumf %sub3A_1148, %max3A_1150 : vector<256x128xf32>
    %add3A_1152 = arith.constant 4480 : i32
    %add3A_1153 = vector.broadcast %add3A_1152 : i32 to vector<256x128xi32>
    %add3A_1154 = arith.addi %add3A_1153, %iota3A_26 : vector<256x128xi32>
    %eq3A_1155 = vector.broadcast %add3A_25 : vector<256x1xi32> to vector<256x128xi32>
    %eq3A_1156 = arith.cmpi eq, %add3A_1154, %eq3A_1155 : vector<256x128xi32>
    %jit3A_1157 = arith.constant 0x7F800000 : f32
    %broadcast_in_dim3A_1158 = vector.broadcast %jit3A_1157 : f32 to vector<256x128xf32>
    %select_n3A_1159 = arith.select %eq3A_1156, %broadcast_in_dim3A_1158, %max3A_1151 : vector<256x128xi1>, vector<256x128xf32>
    %bitcast_convert_type3A_1160 = tpu.bitcast %select_n3A_1159 : vector<256x128xf32> -> vector<256x128xi32>
    %and3A_1161 = arith.constant -64 : i32
    %and3A_1162 = vector.broadcast %and3A_1161 : i32 to vector<256x128xi32>
    %and3A_1163 = arith.andi %bitcast_convert_type3A_1160, %and3A_1162 : vector<256x128xi32>
    %or3A_1164 = arith.constant 35 : i32
    %or3A_1165 = vector.broadcast %or3A_1164 : i32 to vector<256x128xi32>
    %or3A_1166 = arith.ori %and3A_1163, %or3A_1165 : vector<256x128xi32>
    %min3A_1167 = arith.minsi %min3A_1135, %or3A_1166 : vector<256x128xi32>
    %max3A_1168 = arith.maxsi %min3A_1135, %or3A_1166 : vector<256x128xi32>
    %min3A_1169 = arith.minsi %min3A_1137, %max3A_1168 : vector<256x128xi32>
    %max3A_1170 = arith.maxsi %min3A_1137, %max3A_1168 : vector<256x128xi32>
    %min3A_1171 = arith.minsi %min3A_1139, %max3A_1170 : vector<256x128xi32>
    %slice3A_1172 = vector.extract_strided_slice %broadcast_in_dim3A_21 {offsets = [0, 4608], sizes = [1, 128], strides = [1, 1]} : vector<1x8192xf32> to vector<1x128xf32>
    %add3A_1173 = vector.broadcast %broadcast_in_dim3A_17 : vector<256x1xf32> to vector<256x128xf32>
    %add3A_1174 = vector.broadcast %slice3A_1172 : vector<1x128xf32> to vector<256x128xf32>
    %add3A_1175 = arith.addf %add3A_1173, %add3A_1174 : vector<256x128xf32>
    %slice3A_1176 = vector.extract_strided_slice %dot_general3A_22 {offsets = [0, 4608], sizes = [256, 128], strides = [1, 1]} : vector<256x8192xf32> to vector<256x128xf32>
    %mul3A_1177 = arith.constant 2.000000e+00 : f32
    %mul3A_1178 = vector.broadcast %mul3A_1177 : f32 to vector<256x128xf32>
    %mul3A_1179 = arith.mulf %mul3A_1178, %slice3A_1176 : vector<256x128xf32>
    %sub3A_1180 = arith.subf %add3A_1175, %mul3A_1179 : vector<256x128xf32>
    %max3A_1181 = arith.constant 0.000000e+00 : f32
    %max3A_1182 = vector.broadcast %max3A_1181 : f32 to vector<256x128xf32>
    %max3A_1183 = arith.maximumf %sub3A_1180, %max3A_1182 : vector<256x128xf32>
    %add3A_1184 = arith.constant 4608 : i32
    %add3A_1185 = vector.broadcast %add3A_1184 : i32 to vector<256x128xi32>
    %add3A_1186 = arith.addi %add3A_1185, %iota3A_26 : vector<256x128xi32>
    %eq3A_1187 = vector.broadcast %add3A_25 : vector<256x1xi32> to vector<256x128xi32>
    %eq3A_1188 = arith.cmpi eq, %add3A_1186, %eq3A_1187 : vector<256x128xi32>
    %jit3A_1189 = arith.constant 0x7F800000 : f32
    %broadcast_in_dim3A_1190 = vector.broadcast %jit3A_1189 : f32 to vector<256x128xf32>
    %select_n3A_1191 = arith.select %eq3A_1188, %broadcast_in_dim3A_1190, %max3A_1183 : vector<256x128xi1>, vector<256x128xf32>
    %bitcast_convert_type3A_1192 = tpu.bitcast %select_n3A_1191 : vector<256x128xf32> -> vector<256x128xi32>
    %and3A_1193 = arith.constant -64 : i32
    %and3A_1194 = vector.broadcast %and3A_1193 : i32 to vector<256x128xi32>
    %and3A_1195 = arith.andi %bitcast_convert_type3A_1192, %and3A_1194 : vector<256x128xi32>
    %or3A_1196 = arith.constant 36 : i32
    %or3A_1197 = vector.broadcast %or3A_1196 : i32 to vector<256x128xi32>
    %or3A_1198 = arith.ori %and3A_1195, %or3A_1197 : vector<256x128xi32>
    %min3A_1199 = arith.minsi %min3A_1167, %or3A_1198 : vector<256x128xi32>
    %max3A_1200 = arith.maxsi %min3A_1167, %or3A_1198 : vector<256x128xi32>
    %min3A_1201 = arith.minsi %min3A_1169, %max3A_1200 : vector<256x128xi32>
    %max3A_1202 = arith.maxsi %min3A_1169, %max3A_1200 : vector<256x128xi32>
    %min3A_1203 = arith.minsi %min3A_1171, %max3A_1202 : vector<256x128xi32>
    %slice3A_1204 = vector.extract_strided_slice %broadcast_in_dim3A_21 {offsets = [0, 4736], sizes = [1, 128], strides = [1, 1]} : vector<1x8192xf32> to vector<1x128xf32>
    %add3A_1205 = vector.broadcast %broadcast_in_dim3A_17 : vector<256x1xf32> to vector<256x128xf32>
    %add3A_1206 = vector.broadcast %slice3A_1204 : vector<1x128xf32> to vector<256x128xf32>
    %add3A_1207 = arith.addf %add3A_1205, %add3A_1206 : vector<256x128xf32>
    %slice3A_1208 = vector.extract_strided_slice %dot_general3A_22 {offsets = [0, 4736], sizes = [256, 128], strides = [1, 1]} : vector<256x8192xf32> to vector<256x128xf32>
    %mul3A_1209 = arith.constant 2.000000e+00 : f32
    %mul3A_1210 = vector.broadcast %mul3A_1209 : f32 to vector<256x128xf32>
    %mul3A_1211 = arith.mulf %mul3A_1210, %slice3A_1208 : vector<256x128xf32>
    %sub3A_1212 = arith.subf %add3A_1207, %mul3A_1211 : vector<256x128xf32>
    %max3A_1213 = arith.constant 0.000000e+00 : f32
    %max3A_1214 = vector.broadcast %max3A_1213 : f32 to vector<256x128xf32>
    %max3A_1215 = arith.maximumf %sub3A_1212, %max3A_1214 : vector<256x128xf32>
    %add3A_1216 = arith.constant 4736 : i32
    %add3A_1217 = vector.broadcast %add3A_1216 : i32 to vector<256x128xi32>
    %add3A_1218 = arith.addi %add3A_1217, %iota3A_26 : vector<256x128xi32>
    %eq3A_1219 = vector.broadcast %add3A_25 : vector<256x1xi32> to vector<256x128xi32>
    %eq3A_1220 = arith.cmpi eq, %add3A_1218, %eq3A_1219 : vector<256x128xi32>
    %jit3A_1221 = arith.constant 0x7F800000 : f32
    %broadcast_in_dim3A_1222 = vector.broadcast %jit3A_1221 : f32 to vector<256x128xf32>
    %select_n3A_1223 = arith.select %eq3A_1220, %broadcast_in_dim3A_1222, %max3A_1215 : vector<256x128xi1>, vector<256x128xf32>
    %bitcast_convert_type3A_1224 = tpu.bitcast %select_n3A_1223 : vector<256x128xf32> -> vector<256x128xi32>
    %and3A_1225 = arith.constant -64 : i32
    %and3A_1226 = vector.broadcast %and3A_1225 : i32 to vector<256x128xi32>
    %and3A_1227 = arith.andi %bitcast_convert_type3A_1224, %and3A_1226 : vector<256x128xi32>
    %or3A_1228 = arith.constant 37 : i32
    %or3A_1229 = vector.broadcast %or3A_1228 : i32 to vector<256x128xi32>
    %or3A_1230 = arith.ori %and3A_1227, %or3A_1229 : vector<256x128xi32>
    %min3A_1231 = arith.minsi %min3A_1199, %or3A_1230 : vector<256x128xi32>
    %max3A_1232 = arith.maxsi %min3A_1199, %or3A_1230 : vector<256x128xi32>
    %min3A_1233 = arith.minsi %min3A_1201, %max3A_1232 : vector<256x128xi32>
    %max3A_1234 = arith.maxsi %min3A_1201, %max3A_1232 : vector<256x128xi32>
    %min3A_1235 = arith.minsi %min3A_1203, %max3A_1234 : vector<256x128xi32>
    %slice3A_1236 = vector.extract_strided_slice %broadcast_in_dim3A_21 {offsets = [0, 4864], sizes = [1, 128], strides = [1, 1]} : vector<1x8192xf32> to vector<1x128xf32>
    %add3A_1237 = vector.broadcast %broadcast_in_dim3A_17 : vector<256x1xf32> to vector<256x128xf32>
    %add3A_1238 = vector.broadcast %slice3A_1236 : vector<1x128xf32> to vector<256x128xf32>
    %add3A_1239 = arith.addf %add3A_1237, %add3A_1238 : vector<256x128xf32>
    %slice3A_1240 = vector.extract_strided_slice %dot_general3A_22 {offsets = [0, 4864], sizes = [256, 128], strides = [1, 1]} : vector<256x8192xf32> to vector<256x128xf32>
    %mul3A_1241 = arith.constant 2.000000e+00 : f32
    %mul3A_1242 = vector.broadcast %mul3A_1241 : f32 to vector<256x128xf32>
    %mul3A_1243 = arith.mulf %mul3A_1242, %slice3A_1240 : vector<256x128xf32>
    %sub3A_1244 = arith.subf %add3A_1239, %mul3A_1243 : vector<256x128xf32>
    %max3A_1245 = arith.constant 0.000000e+00 : f32
    %max3A_1246 = vector.broadcast %max3A_1245 : f32 to vector<256x128xf32>
    %max3A_1247 = arith.maximumf %sub3A_1244, %max3A_1246 : vector<256x128xf32>
    %add3A_1248 = arith.constant 4864 : i32
    %add3A_1249 = vector.broadcast %add3A_1248 : i32 to vector<256x128xi32>
    %add3A_1250 = arith.addi %add3A_1249, %iota3A_26 : vector<256x128xi32>
    %eq3A_1251 = vector.broadcast %add3A_25 : vector<256x1xi32> to vector<256x128xi32>
    %eq3A_1252 = arith.cmpi eq, %add3A_1250, %eq3A_1251 : vector<256x128xi32>
    %jit3A_1253 = arith.constant 0x7F800000 : f32
    %broadcast_in_dim3A_1254 = vector.broadcast %jit3A_1253 : f32 to vector<256x128xf32>
    %select_n3A_1255 = arith.select %eq3A_1252, %broadcast_in_dim3A_1254, %max3A_1247 : vector<256x128xi1>, vector<256x128xf32>
    %bitcast_convert_type3A_1256 = tpu.bitcast %select_n3A_1255 : vector<256x128xf32> -> vector<256x128xi32>
    %and3A_1257 = arith.constant -64 : i32
    %and3A_1258 = vector.broadcast %and3A_1257 : i32 to vector<256x128xi32>
    %and3A_1259 = arith.andi %bitcast_convert_type3A_1256, %and3A_1258 : vector<256x128xi32>
    %or3A_1260 = arith.constant 38 : i32
    %or3A_1261 = vector.broadcast %or3A_1260 : i32 to vector<256x128xi32>
    %or3A_1262 = arith.ori %and3A_1259, %or3A_1261 : vector<256x128xi32>
    %min3A_1263 = arith.minsi %min3A_1231, %or3A_1262 : vector<256x128xi32>
    %max3A_1264 = arith.maxsi %min3A_1231, %or3A_1262 : vector<256x128xi32>
    %min3A_1265 = arith.minsi %min3A_1233, %max3A_1264 : vector<256x128xi32>
    %max3A_1266 = arith.maxsi %min3A_1233, %max3A_1264 : vector<256x128xi32>
    %min3A_1267 = arith.minsi %min3A_1235, %max3A_1266 : vector<256x128xi32>
    %slice3A_1268 = vector.extract_strided_slice %broadcast_in_dim3A_21 {offsets = [0, 4992], sizes = [1, 128], strides = [1, 1]} : vector<1x8192xf32> to vector<1x128xf32>
    %add3A_1269 = vector.broadcast %broadcast_in_dim3A_17 : vector<256x1xf32> to vector<256x128xf32>
    %add3A_1270 = vector.broadcast %slice3A_1268 : vector<1x128xf32> to vector<256x128xf32>
    %add3A_1271 = arith.addf %add3A_1269, %add3A_1270 : vector<256x128xf32>
    %slice3A_1272 = vector.extract_strided_slice %dot_general3A_22 {offsets = [0, 4992], sizes = [256, 128], strides = [1, 1]} : vector<256x8192xf32> to vector<256x128xf32>
    %mul3A_1273 = arith.constant 2.000000e+00 : f32
    %mul3A_1274 = vector.broadcast %mul3A_1273 : f32 to vector<256x128xf32>
    %mul3A_1275 = arith.mulf %mul3A_1274, %slice3A_1272 : vector<256x128xf32>
    %sub3A_1276 = arith.subf %add3A_1271, %mul3A_1275 : vector<256x128xf32>
    %max3A_1277 = arith.constant 0.000000e+00 : f32
    %max3A_1278 = vector.broadcast %max3A_1277 : f32 to vector<256x128xf32>
    %max3A_1279 = arith.maximumf %sub3A_1276, %max3A_1278 : vector<256x128xf32>
    %add3A_1280 = arith.constant 4992 : i32
    %add3A_1281 = vector.broadcast %add3A_1280 : i32 to vector<256x128xi32>
    %add3A_1282 = arith.addi %add3A_1281, %iota3A_26 : vector<256x128xi32>
    %eq3A_1283 = vector.broadcast %add3A_25 : vector<256x1xi32> to vector<256x128xi32>
    %eq3A_1284 = arith.cmpi eq, %add3A_1282, %eq3A_1283 : vector<256x128xi32>
    %jit3A_1285 = arith.constant 0x7F800000 : f32
    %broadcast_in_dim3A_1286 = vector.broadcast %jit3A_1285 : f32 to vector<256x128xf32>
    %select_n3A_1287 = arith.select %eq3A_1284, %broadcast_in_dim3A_1286, %max3A_1279 : vector<256x128xi1>, vector<256x128xf32>
    %bitcast_convert_type3A_1288 = tpu.bitcast %select_n3A_1287 : vector<256x128xf32> -> vector<256x128xi32>
    %and3A_1289 = arith.constant -64 : i32
    %and3A_1290 = vector.broadcast %and3A_1289 : i32 to vector<256x128xi32>
    %and3A_1291 = arith.andi %bitcast_convert_type3A_1288, %and3A_1290 : vector<256x128xi32>
    %or3A_1292 = arith.constant 39 : i32
    %or3A_1293 = vector.broadcast %or3A_1292 : i32 to vector<256x128xi32>
    %or3A_1294 = arith.ori %and3A_1291, %or3A_1293 : vector<256x128xi32>
    %min3A_1295 = arith.minsi %min3A_1263, %or3A_1294 : vector<256x128xi32>
    %max3A_1296 = arith.maxsi %min3A_1263, %or3A_1294 : vector<256x128xi32>
    %min3A_1297 = arith.minsi %min3A_1265, %max3A_1296 : vector<256x128xi32>
    %max3A_1298 = arith.maxsi %min3A_1265, %max3A_1296 : vector<256x128xi32>
    %min3A_1299 = arith.minsi %min3A_1267, %max3A_1298 : vector<256x128xi32>
    %slice3A_1300 = vector.extract_strided_slice %broadcast_in_dim3A_21 {offsets = [0, 5120], sizes = [1, 128], strides = [1, 1]} : vector<1x8192xf32> to vector<1x128xf32>
    %add3A_1301 = vector.broadcast %broadcast_in_dim3A_17 : vector<256x1xf32> to vector<256x128xf32>
    %add3A_1302 = vector.broadcast %slice3A_1300 : vector<1x128xf32> to vector<256x128xf32>
    %add3A_1303 = arith.addf %add3A_1301, %add3A_1302 : vector<256x128xf32>
    %slice3A_1304 = vector.extract_strided_slice %dot_general3A_22 {offsets = [0, 5120], sizes = [256, 128], strides = [1, 1]} : vector<256x8192xf32> to vector<256x128xf32>
    %mul3A_1305 = arith.constant 2.000000e+00 : f32
    %mul3A_1306 = vector.broadcast %mul3A_1305 : f32 to vector<256x128xf32>
    %mul3A_1307 = arith.mulf %mul3A_1306, %slice3A_1304 : vector<256x128xf32>
    %sub3A_1308 = arith.subf %add3A_1303, %mul3A_1307 : vector<256x128xf32>
    %max3A_1309 = arith.constant 0.000000e+00 : f32
    %max3A_1310 = vector.broadcast %max3A_1309 : f32 to vector<256x128xf32>
    %max3A_1311 = arith.maximumf %sub3A_1308, %max3A_1310 : vector<256x128xf32>
    %add3A_1312 = arith.constant 5120 : i32
    %add3A_1313 = vector.broadcast %add3A_1312 : i32 to vector<256x128xi32>
    %add3A_1314 = arith.addi %add3A_1313, %iota3A_26 : vector<256x128xi32>
    %eq3A_1315 = vector.broadcast %add3A_25 : vector<256x1xi32> to vector<256x128xi32>
    %eq3A_1316 = arith.cmpi eq, %add3A_1314, %eq3A_1315 : vector<256x128xi32>
    %jit3A_1317 = arith.constant 0x7F800000 : f32
    %broadcast_in_dim3A_1318 = vector.broadcast %jit3A_1317 : f32 to vector<256x128xf32>
    %select_n3A_1319 = arith.select %eq3A_1316, %broadcast_in_dim3A_1318, %max3A_1311 : vector<256x128xi1>, vector<256x128xf32>
    %bitcast_convert_type3A_1320 = tpu.bitcast %select_n3A_1319 : vector<256x128xf32> -> vector<256x128xi32>
    %and3A_1321 = arith.constant -64 : i32
    %and3A_1322 = vector.broadcast %and3A_1321 : i32 to vector<256x128xi32>
    %and3A_1323 = arith.andi %bitcast_convert_type3A_1320, %and3A_1322 : vector<256x128xi32>
    %or3A_1324 = arith.constant 40 : i32
    %or3A_1325 = vector.broadcast %or3A_1324 : i32 to vector<256x128xi32>
    %or3A_1326 = arith.ori %and3A_1323, %or3A_1325 : vector<256x128xi32>
    %min3A_1327 = arith.minsi %min3A_1295, %or3A_1326 : vector<256x128xi32>
    %max3A_1328 = arith.maxsi %min3A_1295, %or3A_1326 : vector<256x128xi32>
    %min3A_1329 = arith.minsi %min3A_1297, %max3A_1328 : vector<256x128xi32>
    %max3A_1330 = arith.maxsi %min3A_1297, %max3A_1328 : vector<256x128xi32>
    %min3A_1331 = arith.minsi %min3A_1299, %max3A_1330 : vector<256x128xi32>
    %slice3A_1332 = vector.extract_strided_slice %broadcast_in_dim3A_21 {offsets = [0, 5248], sizes = [1, 128], strides = [1, 1]} : vector<1x8192xf32> to vector<1x128xf32>
    %add3A_1333 = vector.broadcast %broadcast_in_dim3A_17 : vector<256x1xf32> to vector<256x128xf32>
    %add3A_1334 = vector.broadcast %slice3A_1332 : vector<1x128xf32> to vector<256x128xf32>
    %add3A_1335 = arith.addf %add3A_1333, %add3A_1334 : vector<256x128xf32>
    %slice3A_1336 = vector.extract_strided_slice %dot_general3A_22 {offsets = [0, 5248], sizes = [256, 128], strides = [1, 1]} : vector<256x8192xf32> to vector<256x128xf32>
    %mul3A_1337 = arith.constant 2.000000e+00 : f32
    %mul3A_1338 = vector.broadcast %mul3A_1337 : f32 to vector<256x128xf32>
    %mul3A_1339 = arith.mulf %mul3A_1338, %slice3A_1336 : vector<256x128xf32>
    %sub3A_1340 = arith.subf %add3A_1335, %mul3A_1339 : vector<256x128xf32>
    %max3A_1341 = arith.constant 0.000000e+00 : f32
    %max3A_1342 = vector.broadcast %max3A_1341 : f32 to vector<256x128xf32>
    %max3A_1343 = arith.maximumf %sub3A_1340, %max3A_1342 : vector<256x128xf32>
    %add3A_1344 = arith.constant 5248 : i32
    %add3A_1345 = vector.broadcast %add3A_1344 : i32 to vector<256x128xi32>
    %add3A_1346 = arith.addi %add3A_1345, %iota3A_26 : vector<256x128xi32>
    %eq3A_1347 = vector.broadcast %add3A_25 : vector<256x1xi32> to vector<256x128xi32>
    %eq3A_1348 = arith.cmpi eq, %add3A_1346, %eq3A_1347 : vector<256x128xi32>
    %jit3A_1349 = arith.constant 0x7F800000 : f32
    %broadcast_in_dim3A_1350 = vector.broadcast %jit3A_1349 : f32 to vector<256x128xf32>
    %select_n3A_1351 = arith.select %eq3A_1348, %broadcast_in_dim3A_1350, %max3A_1343 : vector<256x128xi1>, vector<256x128xf32>
    %bitcast_convert_type3A_1352 = tpu.bitcast %select_n3A_1351 : vector<256x128xf32> -> vector<256x128xi32>
    %and3A_1353 = arith.constant -64 : i32
    %and3A_1354 = vector.broadcast %and3A_1353 : i32 to vector<256x128xi32>
    %and3A_1355 = arith.andi %bitcast_convert_type3A_1352, %and3A_1354 : vector<256x128xi32>
    %or3A_1356 = arith.constant 41 : i32
    %or3A_1357 = vector.broadcast %or3A_1356 : i32 to vector<256x128xi32>
    %or3A_1358 = arith.ori %and3A_1355, %or3A_1357 : vector<256x128xi32>
    %min3A_1359 = arith.minsi %min3A_1327, %or3A_1358 : vector<256x128xi32>
    %max3A_1360 = arith.maxsi %min3A_1327, %or3A_1358 : vector<256x128xi32>
    %min3A_1361 = arith.minsi %min3A_1329, %max3A_1360 : vector<256x128xi32>
    %max3A_1362 = arith.maxsi %min3A_1329, %max3A_1360 : vector<256x128xi32>
    %min3A_1363 = arith.minsi %min3A_1331, %max3A_1362 : vector<256x128xi32>
    %slice3A_1364 = vector.extract_strided_slice %broadcast_in_dim3A_21 {offsets = [0, 5376], sizes = [1, 128], strides = [1, 1]} : vector<1x8192xf32> to vector<1x128xf32>
    %add3A_1365 = vector.broadcast %broadcast_in_dim3A_17 : vector<256x1xf32> to vector<256x128xf32>
    %add3A_1366 = vector.broadcast %slice3A_1364 : vector<1x128xf32> to vector<256x128xf32>
    %add3A_1367 = arith.addf %add3A_1365, %add3A_1366 : vector<256x128xf32>
    %slice3A_1368 = vector.extract_strided_slice %dot_general3A_22 {offsets = [0, 5376], sizes = [256, 128], strides = [1, 1]} : vector<256x8192xf32> to vector<256x128xf32>
    %mul3A_1369 = arith.constant 2.000000e+00 : f32
    %mul3A_1370 = vector.broadcast %mul3A_1369 : f32 to vector<256x128xf32>
    %mul3A_1371 = arith.mulf %mul3A_1370, %slice3A_1368 : vector<256x128xf32>
    %sub3A_1372 = arith.subf %add3A_1367, %mul3A_1371 : vector<256x128xf32>
    %max3A_1373 = arith.constant 0.000000e+00 : f32
    %max3A_1374 = vector.broadcast %max3A_1373 : f32 to vector<256x128xf32>
    %max3A_1375 = arith.maximumf %sub3A_1372, %max3A_1374 : vector<256x128xf32>
    %add3A_1376 = arith.constant 5376 : i32
    %add3A_1377 = vector.broadcast %add3A_1376 : i32 to vector<256x128xi32>
    %add3A_1378 = arith.addi %add3A_1377, %iota3A_26 : vector<256x128xi32>
    %eq3A_1379 = vector.broadcast %add3A_25 : vector<256x1xi32> to vector<256x128xi32>
    %eq3A_1380 = arith.cmpi eq, %add3A_1378, %eq3A_1379 : vector<256x128xi32>
    %jit3A_1381 = arith.constant 0x7F800000 : f32
    %broadcast_in_dim3A_1382 = vector.broadcast %jit3A_1381 : f32 to vector<256x128xf32>
    %select_n3A_1383 = arith.select %eq3A_1380, %broadcast_in_dim3A_1382, %max3A_1375 : vector<256x128xi1>, vector<256x128xf32>
    %bitcast_convert_type3A_1384 = tpu.bitcast %select_n3A_1383 : vector<256x128xf32> -> vector<256x128xi32>
    %and3A_1385 = arith.constant -64 : i32
    %and3A_1386 = vector.broadcast %and3A_1385 : i32 to vector<256x128xi32>
    %and3A_1387 = arith.andi %bitcast_convert_type3A_1384, %and3A_1386 : vector<256x128xi32>
    %or3A_1388 = arith.constant 42 : i32
    %or3A_1389 = vector.broadcast %or3A_1388 : i32 to vector<256x128xi32>
    %or3A_1390 = arith.ori %and3A_1387, %or3A_1389 : vector<256x128xi32>
    %min3A_1391 = arith.minsi %min3A_1359, %or3A_1390 : vector<256x128xi32>
    %max3A_1392 = arith.maxsi %min3A_1359, %or3A_1390 : vector<256x128xi32>
    %min3A_1393 = arith.minsi %min3A_1361, %max3A_1392 : vector<256x128xi32>
    %max3A_1394 = arith.maxsi %min3A_1361, %max3A_1392 : vector<256x128xi32>
    %min3A_1395 = arith.minsi %min3A_1363, %max3A_1394 : vector<256x128xi32>
    %slice3A_1396 = vector.extract_strided_slice %broadcast_in_dim3A_21 {offsets = [0, 5504], sizes = [1, 128], strides = [1, 1]} : vector<1x8192xf32> to vector<1x128xf32>
    %add3A_1397 = vector.broadcast %broadcast_in_dim3A_17 : vector<256x1xf32> to vector<256x128xf32>
    %add3A_1398 = vector.broadcast %slice3A_1396 : vector<1x128xf32> to vector<256x128xf32>
    %add3A_1399 = arith.addf %add3A_1397, %add3A_1398 : vector<256x128xf32>
    %slice3A_1400 = vector.extract_strided_slice %dot_general3A_22 {offsets = [0, 5504], sizes = [256, 128], strides = [1, 1]} : vector<256x8192xf32> to vector<256x128xf32>
    %mul3A_1401 = arith.constant 2.000000e+00 : f32
    %mul3A_1402 = vector.broadcast %mul3A_1401 : f32 to vector<256x128xf32>
    %mul3A_1403 = arith.mulf %mul3A_1402, %slice3A_1400 : vector<256x128xf32>
    %sub3A_1404 = arith.subf %add3A_1399, %mul3A_1403 : vector<256x128xf32>
    %max3A_1405 = arith.constant 0.000000e+00 : f32
    %max3A_1406 = vector.broadcast %max3A_1405 : f32 to vector<256x128xf32>
    %max3A_1407 = arith.maximumf %sub3A_1404, %max3A_1406 : vector<256x128xf32>
    %add3A_1408 = arith.constant 5504 : i32
    %add3A_1409 = vector.broadcast %add3A_1408 : i32 to vector<256x128xi32>
    %add3A_1410 = arith.addi %add3A_1409, %iota3A_26 : vector<256x128xi32>
    %eq3A_1411 = vector.broadcast %add3A_25 : vector<256x1xi32> to vector<256x128xi32>
    %eq3A_1412 = arith.cmpi eq, %add3A_1410, %eq3A_1411 : vector<256x128xi32>
    %jit3A_1413 = arith.constant 0x7F800000 : f32
    %broadcast_in_dim3A_1414 = vector.broadcast %jit3A_1413 : f32 to vector<256x128xf32>
    %select_n3A_1415 = arith.select %eq3A_1412, %broadcast_in_dim3A_1414, %max3A_1407 : vector<256x128xi1>, vector<256x128xf32>
    %bitcast_convert_type3A_1416 = tpu.bitcast %select_n3A_1415 : vector<256x128xf32> -> vector<256x128xi32>
    %and3A_1417 = arith.constant -64 : i32
    %and3A_1418 = vector.broadcast %and3A_1417 : i32 to vector<256x128xi32>
    %and3A_1419 = arith.andi %bitcast_convert_type3A_1416, %and3A_1418 : vector<256x128xi32>
    %or3A_1420 = arith.constant 43 : i32
    %or3A_1421 = vector.broadcast %or3A_1420 : i32 to vector<256x128xi32>
    %or3A_1422 = arith.ori %and3A_1419, %or3A_1421 : vector<256x128xi32>
    %min3A_1423 = arith.minsi %min3A_1391, %or3A_1422 : vector<256x128xi32>
    %max3A_1424 = arith.maxsi %min3A_1391, %or3A_1422 : vector<256x128xi32>
    %min3A_1425 = arith.minsi %min3A_1393, %max3A_1424 : vector<256x128xi32>
    %max3A_1426 = arith.maxsi %min3A_1393, %max3A_1424 : vector<256x128xi32>
    %min3A_1427 = arith.minsi %min3A_1395, %max3A_1426 : vector<256x128xi32>
    %slice3A_1428 = vector.extract_strided_slice %broadcast_in_dim3A_21 {offsets = [0, 5632], sizes = [1, 128], strides = [1, 1]} : vector<1x8192xf32> to vector<1x128xf32>
    %add3A_1429 = vector.broadcast %broadcast_in_dim3A_17 : vector<256x1xf32> to vector<256x128xf32>
    %add3A_1430 = vector.broadcast %slice3A_1428 : vector<1x128xf32> to vector<256x128xf32>
    %add3A_1431 = arith.addf %add3A_1429, %add3A_1430 : vector<256x128xf32>
    %slice3A_1432 = vector.extract_strided_slice %dot_general3A_22 {offsets = [0, 5632], sizes = [256, 128], strides = [1, 1]} : vector<256x8192xf32> to vector<256x128xf32>
    %mul3A_1433 = arith.constant 2.000000e+00 : f32
    %mul3A_1434 = vector.broadcast %mul3A_1433 : f32 to vector<256x128xf32>
    %mul3A_1435 = arith.mulf %mul3A_1434, %slice3A_1432 : vector<256x128xf32>
    %sub3A_1436 = arith.subf %add3A_1431, %mul3A_1435 : vector<256x128xf32>
    %max3A_1437 = arith.constant 0.000000e+00 : f32
    %max3A_1438 = vector.broadcast %max3A_1437 : f32 to vector<256x128xf32>
    %max3A_1439 = arith.maximumf %sub3A_1436, %max3A_1438 : vector<256x128xf32>
    %add3A_1440 = arith.constant 5632 : i32
    %add3A_1441 = vector.broadcast %add3A_1440 : i32 to vector<256x128xi32>
    %add3A_1442 = arith.addi %add3A_1441, %iota3A_26 : vector<256x128xi32>
    %eq3A_1443 = vector.broadcast %add3A_25 : vector<256x1xi32> to vector<256x128xi32>
    %eq3A_1444 = arith.cmpi eq, %add3A_1442, %eq3A_1443 : vector<256x128xi32>
    %jit3A_1445 = arith.constant 0x7F800000 : f32
    %broadcast_in_dim3A_1446 = vector.broadcast %jit3A_1445 : f32 to vector<256x128xf32>
    %select_n3A_1447 = arith.select %eq3A_1444, %broadcast_in_dim3A_1446, %max3A_1439 : vector<256x128xi1>, vector<256x128xf32>
    %bitcast_convert_type3A_1448 = tpu.bitcast %select_n3A_1447 : vector<256x128xf32> -> vector<256x128xi32>
    %and3A_1449 = arith.constant -64 : i32
    %and3A_1450 = vector.broadcast %and3A_1449 : i32 to vector<256x128xi32>
    %and3A_1451 = arith.andi %bitcast_convert_type3A_1448, %and3A_1450 : vector<256x128xi32>
    %or3A_1452 = arith.constant 44 : i32
    %or3A_1453 = vector.broadcast %or3A_1452 : i32 to vector<256x128xi32>
    %or3A_1454 = arith.ori %and3A_1451, %or3A_1453 : vector<256x128xi32>
    %min3A_1455 = arith.minsi %min3A_1423, %or3A_1454 : vector<256x128xi32>
    %max3A_1456 = arith.maxsi %min3A_1423, %or3A_1454 : vector<256x128xi32>
    %min3A_1457 = arith.minsi %min3A_1425, %max3A_1456 : vector<256x128xi32>
    %max3A_1458 = arith.maxsi %min3A_1425, %max3A_1456 : vector<256x128xi32>
    %min3A_1459 = arith.minsi %min3A_1427, %max3A_1458 : vector<256x128xi32>
    %slice3A_1460 = vector.extract_strided_slice %broadcast_in_dim3A_21 {offsets = [0, 5760], sizes = [1, 128], strides = [1, 1]} : vector<1x8192xf32> to vector<1x128xf32>
    %add3A_1461 = vector.broadcast %broadcast_in_dim3A_17 : vector<256x1xf32> to vector<256x128xf32>
    %add3A_1462 = vector.broadcast %slice3A_1460 : vector<1x128xf32> to vector<256x128xf32>
    %add3A_1463 = arith.addf %add3A_1461, %add3A_1462 : vector<256x128xf32>
    %slice3A_1464 = vector.extract_strided_slice %dot_general3A_22 {offsets = [0, 5760], sizes = [256, 128], strides = [1, 1]} : vector<256x8192xf32> to vector<256x128xf32>
    %mul3A_1465 = arith.constant 2.000000e+00 : f32
    %mul3A_1466 = vector.broadcast %mul3A_1465 : f32 to vector<256x128xf32>
    %mul3A_1467 = arith.mulf %mul3A_1466, %slice3A_1464 : vector<256x128xf32>
    %sub3A_1468 = arith.subf %add3A_1463, %mul3A_1467 : vector<256x128xf32>
    %max3A_1469 = arith.constant 0.000000e+00 : f32
    %max3A_1470 = vector.broadcast %max3A_1469 : f32 to vector<256x128xf32>
    %max3A_1471 = arith.maximumf %sub3A_1468, %max3A_1470 : vector<256x128xf32>
    %add3A_1472 = arith.constant 5760 : i32
    %add3A_1473 = vector.broadcast %add3A_1472 : i32 to vector<256x128xi32>
    %add3A_1474 = arith.addi %add3A_1473, %iota3A_26 : vector<256x128xi32>
    %eq3A_1475 = vector.broadcast %add3A_25 : vector<256x1xi32> to vector<256x128xi32>
    %eq3A_1476 = arith.cmpi eq, %add3A_1474, %eq3A_1475 : vector<256x128xi32>
    %jit3A_1477 = arith.constant 0x7F800000 : f32
    %broadcast_in_dim3A_1478 = vector.broadcast %jit3A_1477 : f32 to vector<256x128xf32>
    %select_n3A_1479 = arith.select %eq3A_1476, %broadcast_in_dim3A_1478, %max3A_1471 : vector<256x128xi1>, vector<256x128xf32>
    %bitcast_convert_type3A_1480 = tpu.bitcast %select_n3A_1479 : vector<256x128xf32> -> vector<256x128xi32>
    %and3A_1481 = arith.constant -64 : i32
    %and3A_1482 = vector.broadcast %and3A_1481 : i32 to vector<256x128xi32>
    %and3A_1483 = arith.andi %bitcast_convert_type3A_1480, %and3A_1482 : vector<256x128xi32>
    %or3A_1484 = arith.constant 45 : i32
    %or3A_1485 = vector.broadcast %or3A_1484 : i32 to vector<256x128xi32>
    %or3A_1486 = arith.ori %and3A_1483, %or3A_1485 : vector<256x128xi32>
    %min3A_1487 = arith.minsi %min3A_1455, %or3A_1486 : vector<256x128xi32>
    %max3A_1488 = arith.maxsi %min3A_1455, %or3A_1486 : vector<256x128xi32>
    %min3A_1489 = arith.minsi %min3A_1457, %max3A_1488 : vector<256x128xi32>
    %max3A_1490 = arith.maxsi %min3A_1457, %max3A_1488 : vector<256x128xi32>
    %min3A_1491 = arith.minsi %min3A_1459, %max3A_1490 : vector<256x128xi32>
    %slice3A_1492 = vector.extract_strided_slice %broadcast_in_dim3A_21 {offsets = [0, 5888], sizes = [1, 128], strides = [1, 1]} : vector<1x8192xf32> to vector<1x128xf32>
    %add3A_1493 = vector.broadcast %broadcast_in_dim3A_17 : vector<256x1xf32> to vector<256x128xf32>
    %add3A_1494 = vector.broadcast %slice3A_1492 : vector<1x128xf32> to vector<256x128xf32>
    %add3A_1495 = arith.addf %add3A_1493, %add3A_1494 : vector<256x128xf32>
    %slice3A_1496 = vector.extract_strided_slice %dot_general3A_22 {offsets = [0, 5888], sizes = [256, 128], strides = [1, 1]} : vector<256x8192xf32> to vector<256x128xf32>
    %mul3A_1497 = arith.constant 2.000000e+00 : f32
    %mul3A_1498 = vector.broadcast %mul3A_1497 : f32 to vector<256x128xf32>
    %mul3A_1499 = arith.mulf %mul3A_1498, %slice3A_1496 : vector<256x128xf32>
    %sub3A_1500 = arith.subf %add3A_1495, %mul3A_1499 : vector<256x128xf32>
    %max3A_1501 = arith.constant 0.000000e+00 : f32
    %max3A_1502 = vector.broadcast %max3A_1501 : f32 to vector<256x128xf32>
    %max3A_1503 = arith.maximumf %sub3A_1500, %max3A_1502 : vector<256x128xf32>
    %add3A_1504 = arith.constant 5888 : i32
    %add3A_1505 = vector.broadcast %add3A_1504 : i32 to vector<256x128xi32>
    %add3A_1506 = arith.addi %add3A_1505, %iota3A_26 : vector<256x128xi32>
    %eq3A_1507 = vector.broadcast %add3A_25 : vector<256x1xi32> to vector<256x128xi32>
    %eq3A_1508 = arith.cmpi eq, %add3A_1506, %eq3A_1507 : vector<256x128xi32>
    %jit3A_1509 = arith.constant 0x7F800000 : f32
    %broadcast_in_dim3A_1510 = vector.broadcast %jit3A_1509 : f32 to vector<256x128xf32>
    %select_n3A_1511 = arith.select %eq3A_1508, %broadcast_in_dim3A_1510, %max3A_1503 : vector<256x128xi1>, vector<256x128xf32>
    %bitcast_convert_type3A_1512 = tpu.bitcast %select_n3A_1511 : vector<256x128xf32> -> vector<256x128xi32>
    %and3A_1513 = arith.constant -64 : i32
    %and3A_1514 = vector.broadcast %and3A_1513 : i32 to vector<256x128xi32>
    %and3A_1515 = arith.andi %bitcast_convert_type3A_1512, %and3A_1514 : vector<256x128xi32>
    %or3A_1516 = arith.constant 46 : i32
    %or3A_1517 = vector.broadcast %or3A_1516 : i32 to vector<256x128xi32>
    %or3A_1518 = arith.ori %and3A_1515, %or3A_1517 : vector<256x128xi32>
    %min3A_1519 = arith.minsi %min3A_1487, %or3A_1518 : vector<256x128xi32>
    %max3A_1520 = arith.maxsi %min3A_1487, %or3A_1518 : vector<256x128xi32>
    %min3A_1521 = arith.minsi %min3A_1489, %max3A_1520 : vector<256x128xi32>
    %max3A_1522 = arith.maxsi %min3A_1489, %max3A_1520 : vector<256x128xi32>
    %min3A_1523 = arith.minsi %min3A_1491, %max3A_1522 : vector<256x128xi32>
    %slice3A_1524 = vector.extract_strided_slice %broadcast_in_dim3A_21 {offsets = [0, 6016], sizes = [1, 128], strides = [1, 1]} : vector<1x8192xf32> to vector<1x128xf32>
    %add3A_1525 = vector.broadcast %broadcast_in_dim3A_17 : vector<256x1xf32> to vector<256x128xf32>
    %add3A_1526 = vector.broadcast %slice3A_1524 : vector<1x128xf32> to vector<256x128xf32>
    %add3A_1527 = arith.addf %add3A_1525, %add3A_1526 : vector<256x128xf32>
    %slice3A_1528 = vector.extract_strided_slice %dot_general3A_22 {offsets = [0, 6016], sizes = [256, 128], strides = [1, 1]} : vector<256x8192xf32> to vector<256x128xf32>
    %mul3A_1529 = arith.constant 2.000000e+00 : f32
    %mul3A_1530 = vector.broadcast %mul3A_1529 : f32 to vector<256x128xf32>
    %mul3A_1531 = arith.mulf %mul3A_1530, %slice3A_1528 : vector<256x128xf32>
    %sub3A_1532 = arith.subf %add3A_1527, %mul3A_1531 : vector<256x128xf32>
    %max3A_1533 = arith.constant 0.000000e+00 : f32
    %max3A_1534 = vector.broadcast %max3A_1533 : f32 to vector<256x128xf32>
    %max3A_1535 = arith.maximumf %sub3A_1532, %max3A_1534 : vector<256x128xf32>
    %add3A_1536 = arith.constant 6016 : i32
    %add3A_1537 = vector.broadcast %add3A_1536 : i32 to vector<256x128xi32>
    %add3A_1538 = arith.addi %add3A_1537, %iota3A_26 : vector<256x128xi32>
    %eq3A_1539 = vector.broadcast %add3A_25 : vector<256x1xi32> to vector<256x128xi32>
    %eq3A_1540 = arith.cmpi eq, %add3A_1538, %eq3A_1539 : vector<256x128xi32>
    %jit3A_1541 = arith.constant 0x7F800000 : f32
    %broadcast_in_dim3A_1542 = vector.broadcast %jit3A_1541 : f32 to vector<256x128xf32>
    %select_n3A_1543 = arith.select %eq3A_1540, %broadcast_in_dim3A_1542, %max3A_1535 : vector<256x128xi1>, vector<256x128xf32>
    %bitcast_convert_type3A_1544 = tpu.bitcast %select_n3A_1543 : vector<256x128xf32> -> vector<256x128xi32>
    %and3A_1545 = arith.constant -64 : i32
    %and3A_1546 = vector.broadcast %and3A_1545 : i32 to vector<256x128xi32>
    %and3A_1547 = arith.andi %bitcast_convert_type3A_1544, %and3A_1546 : vector<256x128xi32>
    %or3A_1548 = arith.constant 47 : i32
    %or3A_1549 = vector.broadcast %or3A_1548 : i32 to vector<256x128xi32>
    %or3A_1550 = arith.ori %and3A_1547, %or3A_1549 : vector<256x128xi32>
    %min3A_1551 = arith.minsi %min3A_1519, %or3A_1550 : vector<256x128xi32>
    %max3A_1552 = arith.maxsi %min3A_1519, %or3A_1550 : vector<256x128xi32>
    %min3A_1553 = arith.minsi %min3A_1521, %max3A_1552 : vector<256x128xi32>
    %max3A_1554 = arith.maxsi %min3A_1521, %max3A_1552 : vector<256x128xi32>
    %min3A_1555 = arith.minsi %min3A_1523, %max3A_1554 : vector<256x128xi32>
    %slice3A_1556 = vector.extract_strided_slice %broadcast_in_dim3A_21 {offsets = [0, 6144], sizes = [1, 128], strides = [1, 1]} : vector<1x8192xf32> to vector<1x128xf32>
    %add3A_1557 = vector.broadcast %broadcast_in_dim3A_17 : vector<256x1xf32> to vector<256x128xf32>
    %add3A_1558 = vector.broadcast %slice3A_1556 : vector<1x128xf32> to vector<256x128xf32>
    %add3A_1559 = arith.addf %add3A_1557, %add3A_1558 : vector<256x128xf32>
    %slice3A_1560 = vector.extract_strided_slice %dot_general3A_22 {offsets = [0, 6144], sizes = [256, 128], strides = [1, 1]} : vector<256x8192xf32> to vector<256x128xf32>
    %mul3A_1561 = arith.constant 2.000000e+00 : f32
    %mul3A_1562 = vector.broadcast %mul3A_1561 : f32 to vector<256x128xf32>
    %mul3A_1563 = arith.mulf %mul3A_1562, %slice3A_1560 : vector<256x128xf32>
    %sub3A_1564 = arith.subf %add3A_1559, %mul3A_1563 : vector<256x128xf32>
    %max3A_1565 = arith.constant 0.000000e+00 : f32
    %max3A_1566 = vector.broadcast %max3A_1565 : f32 to vector<256x128xf32>
    %max3A_1567 = arith.maximumf %sub3A_1564, %max3A_1566 : vector<256x128xf32>
    %add3A_1568 = arith.constant 6144 : i32
    %add3A_1569 = vector.broadcast %add3A_1568 : i32 to vector<256x128xi32>
    %add3A_1570 = arith.addi %add3A_1569, %iota3A_26 : vector<256x128xi32>
    %eq3A_1571 = vector.broadcast %add3A_25 : vector<256x1xi32> to vector<256x128xi32>
    %eq3A_1572 = arith.cmpi eq, %add3A_1570, %eq3A_1571 : vector<256x128xi32>
    %jit3A_1573 = arith.constant 0x7F800000 : f32
    %broadcast_in_dim3A_1574 = vector.broadcast %jit3A_1573 : f32 to vector<256x128xf32>
    %select_n3A_1575 = arith.select %eq3A_1572, %broadcast_in_dim3A_1574, %max3A_1567 : vector<256x128xi1>, vector<256x128xf32>
    %bitcast_convert_type3A_1576 = tpu.bitcast %select_n3A_1575 : vector<256x128xf32> -> vector<256x128xi32>
    %and3A_1577 = arith.constant -64 : i32
    %and3A_1578 = vector.broadcast %and3A_1577 : i32 to vector<256x128xi32>
    %and3A_1579 = arith.andi %bitcast_convert_type3A_1576, %and3A_1578 : vector<256x128xi32>
    %or3A_1580 = arith.constant 48 : i32
    %or3A_1581 = vector.broadcast %or3A_1580 : i32 to vector<256x128xi32>
    %or3A_1582 = arith.ori %and3A_1579, %or3A_1581 : vector<256x128xi32>
    %min3A_1583 = arith.minsi %min3A_1551, %or3A_1582 : vector<256x128xi32>
    %max3A_1584 = arith.maxsi %min3A_1551, %or3A_1582 : vector<256x128xi32>
    %min3A_1585 = arith.minsi %min3A_1553, %max3A_1584 : vector<256x128xi32>
    %max3A_1586 = arith.maxsi %min3A_1553, %max3A_1584 : vector<256x128xi32>
    %min3A_1587 = arith.minsi %min3A_1555, %max3A_1586 : vector<256x128xi32>
    %slice3A_1588 = vector.extract_strided_slice %broadcast_in_dim3A_21 {offsets = [0, 6272], sizes = [1, 128], strides = [1, 1]} : vector<1x8192xf32> to vector<1x128xf32>
    %add3A_1589 = vector.broadcast %broadcast_in_dim3A_17 : vector<256x1xf32> to vector<256x128xf32>
    %add3A_1590 = vector.broadcast %slice3A_1588 : vector<1x128xf32> to vector<256x128xf32>
    %add3A_1591 = arith.addf %add3A_1589, %add3A_1590 : vector<256x128xf32>
    %slice3A_1592 = vector.extract_strided_slice %dot_general3A_22 {offsets = [0, 6272], sizes = [256, 128], strides = [1, 1]} : vector<256x8192xf32> to vector<256x128xf32>
    %mul3A_1593 = arith.constant 2.000000e+00 : f32
    %mul3A_1594 = vector.broadcast %mul3A_1593 : f32 to vector<256x128xf32>
    %mul3A_1595 = arith.mulf %mul3A_1594, %slice3A_1592 : vector<256x128xf32>
    %sub3A_1596 = arith.subf %add3A_1591, %mul3A_1595 : vector<256x128xf32>
    %max3A_1597 = arith.constant 0.000000e+00 : f32
    %max3A_1598 = vector.broadcast %max3A_1597 : f32 to vector<256x128xf32>
    %max3A_1599 = arith.maximumf %sub3A_1596, %max3A_1598 : vector<256x128xf32>
    %add3A_1600 = arith.constant 6272 : i32
    %add3A_1601 = vector.broadcast %add3A_1600 : i32 to vector<256x128xi32>
    %add3A_1602 = arith.addi %add3A_1601, %iota3A_26 : vector<256x128xi32>
    %eq3A_1603 = vector.broadcast %add3A_25 : vector<256x1xi32> to vector<256x128xi32>
    %eq3A_1604 = arith.cmpi eq, %add3A_1602, %eq3A_1603 : vector<256x128xi32>
    %jit3A_1605 = arith.constant 0x7F800000 : f32
    %broadcast_in_dim3A_1606 = vector.broadcast %jit3A_1605 : f32 to vector<256x128xf32>
    %select_n3A_1607 = arith.select %eq3A_1604, %broadcast_in_dim3A_1606, %max3A_1599 : vector<256x128xi1>, vector<256x128xf32>
    %bitcast_convert_type3A_1608 = tpu.bitcast %select_n3A_1607 : vector<256x128xf32> -> vector<256x128xi32>
    %and3A_1609 = arith.constant -64 : i32
    %and3A_1610 = vector.broadcast %and3A_1609 : i32 to vector<256x128xi32>
    %and3A_1611 = arith.andi %bitcast_convert_type3A_1608, %and3A_1610 : vector<256x128xi32>
    %or3A_1612 = arith.constant 49 : i32
    %or3A_1613 = vector.broadcast %or3A_1612 : i32 to vector<256x128xi32>
    %or3A_1614 = arith.ori %and3A_1611, %or3A_1613 : vector<256x128xi32>
    %min3A_1615 = arith.minsi %min3A_1583, %or3A_1614 : vector<256x128xi32>
    %max3A_1616 = arith.maxsi %min3A_1583, %or3A_1614 : vector<256x128xi32>
    %min3A_1617 = arith.minsi %min3A_1585, %max3A_1616 : vector<256x128xi32>
    %max3A_1618 = arith.maxsi %min3A_1585, %max3A_1616 : vector<256x128xi32>
    %min3A_1619 = arith.minsi %min3A_1587, %max3A_1618 : vector<256x128xi32>
    %slice3A_1620 = vector.extract_strided_slice %broadcast_in_dim3A_21 {offsets = [0, 6400], sizes = [1, 128], strides = [1, 1]} : vector<1x8192xf32> to vector<1x128xf32>
    %add3A_1621 = vector.broadcast %broadcast_in_dim3A_17 : vector<256x1xf32> to vector<256x128xf32>
    %add3A_1622 = vector.broadcast %slice3A_1620 : vector<1x128xf32> to vector<256x128xf32>
    %add3A_1623 = arith.addf %add3A_1621, %add3A_1622 : vector<256x128xf32>
    %slice3A_1624 = vector.extract_strided_slice %dot_general3A_22 {offsets = [0, 6400], sizes = [256, 128], strides = [1, 1]} : vector<256x8192xf32> to vector<256x128xf32>
    %mul3A_1625 = arith.constant 2.000000e+00 : f32
    %mul3A_1626 = vector.broadcast %mul3A_1625 : f32 to vector<256x128xf32>
    %mul3A_1627 = arith.mulf %mul3A_1626, %slice3A_1624 : vector<256x128xf32>
    %sub3A_1628 = arith.subf %add3A_1623, %mul3A_1627 : vector<256x128xf32>
    %max3A_1629 = arith.constant 0.000000e+00 : f32
    %max3A_1630 = vector.broadcast %max3A_1629 : f32 to vector<256x128xf32>
    %max3A_1631 = arith.maximumf %sub3A_1628, %max3A_1630 : vector<256x128xf32>
    %add3A_1632 = arith.constant 6400 : i32
    %add3A_1633 = vector.broadcast %add3A_1632 : i32 to vector<256x128xi32>
    %add3A_1634 = arith.addi %add3A_1633, %iota3A_26 : vector<256x128xi32>
    %eq3A_1635 = vector.broadcast %add3A_25 : vector<256x1xi32> to vector<256x128xi32>
    %eq3A_1636 = arith.cmpi eq, %add3A_1634, %eq3A_1635 : vector<256x128xi32>
    %jit3A_1637 = arith.constant 0x7F800000 : f32
    %broadcast_in_dim3A_1638 = vector.broadcast %jit3A_1637 : f32 to vector<256x128xf32>
    %select_n3A_1639 = arith.select %eq3A_1636, %broadcast_in_dim3A_1638, %max3A_1631 : vector<256x128xi1>, vector<256x128xf32>
    %bitcast_convert_type3A_1640 = tpu.bitcast %select_n3A_1639 : vector<256x128xf32> -> vector<256x128xi32>
    %and3A_1641 = arith.constant -64 : i32
    %and3A_1642 = vector.broadcast %and3A_1641 : i32 to vector<256x128xi32>
    %and3A_1643 = arith.andi %bitcast_convert_type3A_1640, %and3A_1642 : vector<256x128xi32>
    %or3A_1644 = arith.constant 50 : i32
    %or3A_1645 = vector.broadcast %or3A_1644 : i32 to vector<256x128xi32>
    %or3A_1646 = arith.ori %and3A_1643, %or3A_1645 : vector<256x128xi32>
    %min3A_1647 = arith.minsi %min3A_1615, %or3A_1646 : vector<256x128xi32>
    %max3A_1648 = arith.maxsi %min3A_1615, %or3A_1646 : vector<256x128xi32>
    %min3A_1649 = arith.minsi %min3A_1617, %max3A_1648 : vector<256x128xi32>
    %max3A_1650 = arith.maxsi %min3A_1617, %max3A_1648 : vector<256x128xi32>
    %min3A_1651 = arith.minsi %min3A_1619, %max3A_1650 : vector<256x128xi32>
    %slice3A_1652 = vector.extract_strided_slice %broadcast_in_dim3A_21 {offsets = [0, 6528], sizes = [1, 128], strides = [1, 1]} : vector<1x8192xf32> to vector<1x128xf32>
    %add3A_1653 = vector.broadcast %broadcast_in_dim3A_17 : vector<256x1xf32> to vector<256x128xf32>
    %add3A_1654 = vector.broadcast %slice3A_1652 : vector<1x128xf32> to vector<256x128xf32>
    %add3A_1655 = arith.addf %add3A_1653, %add3A_1654 : vector<256x128xf32>
    %slice3A_1656 = vector.extract_strided_slice %dot_general3A_22 {offsets = [0, 6528], sizes = [256, 128], strides = [1, 1]} : vector<256x8192xf32> to vector<256x128xf32>
    %mul3A_1657 = arith.constant 2.000000e+00 : f32
    %mul3A_1658 = vector.broadcast %mul3A_1657 : f32 to vector<256x128xf32>
    %mul3A_1659 = arith.mulf %mul3A_1658, %slice3A_1656 : vector<256x128xf32>
    %sub3A_1660 = arith.subf %add3A_1655, %mul3A_1659 : vector<256x128xf32>
    %max3A_1661 = arith.constant 0.000000e+00 : f32
    %max3A_1662 = vector.broadcast %max3A_1661 : f32 to vector<256x128xf32>
    %max3A_1663 = arith.maximumf %sub3A_1660, %max3A_1662 : vector<256x128xf32>
    %add3A_1664 = arith.constant 6528 : i32
    %add3A_1665 = vector.broadcast %add3A_1664 : i32 to vector<256x128xi32>
    %add3A_1666 = arith.addi %add3A_1665, %iota3A_26 : vector<256x128xi32>
    %eq3A_1667 = vector.broadcast %add3A_25 : vector<256x1xi32> to vector<256x128xi32>
    %eq3A_1668 = arith.cmpi eq, %add3A_1666, %eq3A_1667 : vector<256x128xi32>
    %jit3A_1669 = arith.constant 0x7F800000 : f32
    %broadcast_in_dim3A_1670 = vector.broadcast %jit3A_1669 : f32 to vector<256x128xf32>
    %select_n3A_1671 = arith.select %eq3A_1668, %broadcast_in_dim3A_1670, %max3A_1663 : vector<256x128xi1>, vector<256x128xf32>
    %bitcast_convert_type3A_1672 = tpu.bitcast %select_n3A_1671 : vector<256x128xf32> -> vector<256x128xi32>
    %and3A_1673 = arith.constant -64 : i32
    %and3A_1674 = vector.broadcast %and3A_1673 : i32 to vector<256x128xi32>
    %and3A_1675 = arith.andi %bitcast_convert_type3A_1672, %and3A_1674 : vector<256x128xi32>
    %or3A_1676 = arith.constant 51 : i32
    %or3A_1677 = vector.broadcast %or3A_1676 : i32 to vector<256x128xi32>
    %or3A_1678 = arith.ori %and3A_1675, %or3A_1677 : vector<256x128xi32>
    %min3A_1679 = arith.minsi %min3A_1647, %or3A_1678 : vector<256x128xi32>
    %max3A_1680 = arith.maxsi %min3A_1647, %or3A_1678 : vector<256x128xi32>
    %min3A_1681 = arith.minsi %min3A_1649, %max3A_1680 : vector<256x128xi32>
    %max3A_1682 = arith.maxsi %min3A_1649, %max3A_1680 : vector<256x128xi32>
    %min3A_1683 = arith.minsi %min3A_1651, %max3A_1682 : vector<256x128xi32>
    %slice3A_1684 = vector.extract_strided_slice %broadcast_in_dim3A_21 {offsets = [0, 6656], sizes = [1, 128], strides = [1, 1]} : vector<1x8192xf32> to vector<1x128xf32>
    %add3A_1685 = vector.broadcast %broadcast_in_dim3A_17 : vector<256x1xf32> to vector<256x128xf32>
    %add3A_1686 = vector.broadcast %slice3A_1684 : vector<1x128xf32> to vector<256x128xf32>
    %add3A_1687 = arith.addf %add3A_1685, %add3A_1686 : vector<256x128xf32>
    %slice3A_1688 = vector.extract_strided_slice %dot_general3A_22 {offsets = [0, 6656], sizes = [256, 128], strides = [1, 1]} : vector<256x8192xf32> to vector<256x128xf32>
    %mul3A_1689 = arith.constant 2.000000e+00 : f32
    %mul3A_1690 = vector.broadcast %mul3A_1689 : f32 to vector<256x128xf32>
    %mul3A_1691 = arith.mulf %mul3A_1690, %slice3A_1688 : vector<256x128xf32>
    %sub3A_1692 = arith.subf %add3A_1687, %mul3A_1691 : vector<256x128xf32>
    %max3A_1693 = arith.constant 0.000000e+00 : f32
    %max3A_1694 = vector.broadcast %max3A_1693 : f32 to vector<256x128xf32>
    %max3A_1695 = arith.maximumf %sub3A_1692, %max3A_1694 : vector<256x128xf32>
    %add3A_1696 = arith.constant 6656 : i32
    %add3A_1697 = vector.broadcast %add3A_1696 : i32 to vector<256x128xi32>
    %add3A_1698 = arith.addi %add3A_1697, %iota3A_26 : vector<256x128xi32>
    %eq3A_1699 = vector.broadcast %add3A_25 : vector<256x1xi32> to vector<256x128xi32>
    %eq3A_1700 = arith.cmpi eq, %add3A_1698, %eq3A_1699 : vector<256x128xi32>
    %jit3A_1701 = arith.constant 0x7F800000 : f32
    %broadcast_in_dim3A_1702 = vector.broadcast %jit3A_1701 : f32 to vector<256x128xf32>
    %select_n3A_1703 = arith.select %eq3A_1700, %broadcast_in_dim3A_1702, %max3A_1695 : vector<256x128xi1>, vector<256x128xf32>
    %bitcast_convert_type3A_1704 = tpu.bitcast %select_n3A_1703 : vector<256x128xf32> -> vector<256x128xi32>
    %and3A_1705 = arith.constant -64 : i32
    %and3A_1706 = vector.broadcast %and3A_1705 : i32 to vector<256x128xi32>
    %and3A_1707 = arith.andi %bitcast_convert_type3A_1704, %and3A_1706 : vector<256x128xi32>
    %or3A_1708 = arith.constant 52 : i32
    %or3A_1709 = vector.broadcast %or3A_1708 : i32 to vector<256x128xi32>
    %or3A_1710 = arith.ori %and3A_1707, %or3A_1709 : vector<256x128xi32>
    %min3A_1711 = arith.minsi %min3A_1679, %or3A_1710 : vector<256x128xi32>
    %max3A_1712 = arith.maxsi %min3A_1679, %or3A_1710 : vector<256x128xi32>
    %min3A_1713 = arith.minsi %min3A_1681, %max3A_1712 : vector<256x128xi32>
    %max3A_1714 = arith.maxsi %min3A_1681, %max3A_1712 : vector<256x128xi32>
    %min3A_1715 = arith.minsi %min3A_1683, %max3A_1714 : vector<256x128xi32>
    %slice3A_1716 = vector.extract_strided_slice %broadcast_in_dim3A_21 {offsets = [0, 6784], sizes = [1, 128], strides = [1, 1]} : vector<1x8192xf32> to vector<1x128xf32>
    %add3A_1717 = vector.broadcast %broadcast_in_dim3A_17 : vector<256x1xf32> to vector<256x128xf32>
    %add3A_1718 = vector.broadcast %slice3A_1716 : vector<1x128xf32> to vector<256x128xf32>
    %add3A_1719 = arith.addf %add3A_1717, %add3A_1718 : vector<256x128xf32>
    %slice3A_1720 = vector.extract_strided_slice %dot_general3A_22 {offsets = [0, 6784], sizes = [256, 128], strides = [1, 1]} : vector<256x8192xf32> to vector<256x128xf32>
    %mul3A_1721 = arith.constant 2.000000e+00 : f32
    %mul3A_1722 = vector.broadcast %mul3A_1721 : f32 to vector<256x128xf32>
    %mul3A_1723 = arith.mulf %mul3A_1722, %slice3A_1720 : vector<256x128xf32>
    %sub3A_1724 = arith.subf %add3A_1719, %mul3A_1723 : vector<256x128xf32>
    %max3A_1725 = arith.constant 0.000000e+00 : f32
    %max3A_1726 = vector.broadcast %max3A_1725 : f32 to vector<256x128xf32>
    %max3A_1727 = arith.maximumf %sub3A_1724, %max3A_1726 : vector<256x128xf32>
    %add3A_1728 = arith.constant 6784 : i32
    %add3A_1729 = vector.broadcast %add3A_1728 : i32 to vector<256x128xi32>
    %add3A_1730 = arith.addi %add3A_1729, %iota3A_26 : vector<256x128xi32>
    %eq3A_1731 = vector.broadcast %add3A_25 : vector<256x1xi32> to vector<256x128xi32>
    %eq3A_1732 = arith.cmpi eq, %add3A_1730, %eq3A_1731 : vector<256x128xi32>
    %jit3A_1733 = arith.constant 0x7F800000 : f32
    %broadcast_in_dim3A_1734 = vector.broadcast %jit3A_1733 : f32 to vector<256x128xf32>
    %select_n3A_1735 = arith.select %eq3A_1732, %broadcast_in_dim3A_1734, %max3A_1727 : vector<256x128xi1>, vector<256x128xf32>
    %bitcast_convert_type3A_1736 = tpu.bitcast %select_n3A_1735 : vector<256x128xf32> -> vector<256x128xi32>
    %and3A_1737 = arith.constant -64 : i32
    %and3A_1738 = vector.broadcast %and3A_1737 : i32 to vector<256x128xi32>
    %and3A_1739 = arith.andi %bitcast_convert_type3A_1736, %and3A_1738 : vector<256x128xi32>
    %or3A_1740 = arith.constant 53 : i32
    %or3A_1741 = vector.broadcast %or3A_1740 : i32 to vector<256x128xi32>
    %or3A_1742 = arith.ori %and3A_1739, %or3A_1741 : vector<256x128xi32>
    %min3A_1743 = arith.minsi %min3A_1711, %or3A_1742 : vector<256x128xi32>
    %max3A_1744 = arith.maxsi %min3A_1711, %or3A_1742 : vector<256x128xi32>
    %min3A_1745 = arith.minsi %min3A_1713, %max3A_1744 : vector<256x128xi32>
    %max3A_1746 = arith.maxsi %min3A_1713, %max3A_1744 : vector<256x128xi32>
    %min3A_1747 = arith.minsi %min3A_1715, %max3A_1746 : vector<256x128xi32>
    %slice3A_1748 = vector.extract_strided_slice %broadcast_in_dim3A_21 {offsets = [0, 6912], sizes = [1, 128], strides = [1, 1]} : vector<1x8192xf32> to vector<1x128xf32>
    %add3A_1749 = vector.broadcast %broadcast_in_dim3A_17 : vector<256x1xf32> to vector<256x128xf32>
    %add3A_1750 = vector.broadcast %slice3A_1748 : vector<1x128xf32> to vector<256x128xf32>
    %add3A_1751 = arith.addf %add3A_1749, %add3A_1750 : vector<256x128xf32>
    %slice3A_1752 = vector.extract_strided_slice %dot_general3A_22 {offsets = [0, 6912], sizes = [256, 128], strides = [1, 1]} : vector<256x8192xf32> to vector<256x128xf32>
    %mul3A_1753 = arith.constant 2.000000e+00 : f32
    %mul3A_1754 = vector.broadcast %mul3A_1753 : f32 to vector<256x128xf32>
    %mul3A_1755 = arith.mulf %mul3A_1754, %slice3A_1752 : vector<256x128xf32>
    %sub3A_1756 = arith.subf %add3A_1751, %mul3A_1755 : vector<256x128xf32>
    %max3A_1757 = arith.constant 0.000000e+00 : f32
    %max3A_1758 = vector.broadcast %max3A_1757 : f32 to vector<256x128xf32>
    %max3A_1759 = arith.maximumf %sub3A_1756, %max3A_1758 : vector<256x128xf32>
    %add3A_1760 = arith.constant 6912 : i32
    %add3A_1761 = vector.broadcast %add3A_1760 : i32 to vector<256x128xi32>
    %add3A_1762 = arith.addi %add3A_1761, %iota3A_26 : vector<256x128xi32>
    %eq3A_1763 = vector.broadcast %add3A_25 : vector<256x1xi32> to vector<256x128xi32>
    %eq3A_1764 = arith.cmpi eq, %add3A_1762, %eq3A_1763 : vector<256x128xi32>
    %jit3A_1765 = arith.constant 0x7F800000 : f32
    %broadcast_in_dim3A_1766 = vector.broadcast %jit3A_1765 : f32 to vector<256x128xf32>
    %select_n3A_1767 = arith.select %eq3A_1764, %broadcast_in_dim3A_1766, %max3A_1759 : vector<256x128xi1>, vector<256x128xf32>
    %bitcast_convert_type3A_1768 = tpu.bitcast %select_n3A_1767 : vector<256x128xf32> -> vector<256x128xi32>
    %and3A_1769 = arith.constant -64 : i32
    %and3A_1770 = vector.broadcast %and3A_1769 : i32 to vector<256x128xi32>
    %and3A_1771 = arith.andi %bitcast_convert_type3A_1768, %and3A_1770 : vector<256x128xi32>
    %or3A_1772 = arith.constant 54 : i32
    %or3A_1773 = vector.broadcast %or3A_1772 : i32 to vector<256x128xi32>
    %or3A_1774 = arith.ori %and3A_1771, %or3A_1773 : vector<256x128xi32>
    %min3A_1775 = arith.minsi %min3A_1743, %or3A_1774 : vector<256x128xi32>
    %max3A_1776 = arith.maxsi %min3A_1743, %or3A_1774 : vector<256x128xi32>
    %min3A_1777 = arith.minsi %min3A_1745, %max3A_1776 : vector<256x128xi32>
    %max3A_1778 = arith.maxsi %min3A_1745, %max3A_1776 : vector<256x128xi32>
    %min3A_1779 = arith.minsi %min3A_1747, %max3A_1778 : vector<256x128xi32>
    %slice3A_1780 = vector.extract_strided_slice %broadcast_in_dim3A_21 {offsets = [0, 7040], sizes = [1, 128], strides = [1, 1]} : vector<1x8192xf32> to vector<1x128xf32>
    %add3A_1781 = vector.broadcast %broadcast_in_dim3A_17 : vector<256x1xf32> to vector<256x128xf32>
    %add3A_1782 = vector.broadcast %slice3A_1780 : vector<1x128xf32> to vector<256x128xf32>
    %add3A_1783 = arith.addf %add3A_1781, %add3A_1782 : vector<256x128xf32>
    %slice3A_1784 = vector.extract_strided_slice %dot_general3A_22 {offsets = [0, 7040], sizes = [256, 128], strides = [1, 1]} : vector<256x8192xf32> to vector<256x128xf32>
    %mul3A_1785 = arith.constant 2.000000e+00 : f32
    %mul3A_1786 = vector.broadcast %mul3A_1785 : f32 to vector<256x128xf32>
    %mul3A_1787 = arith.mulf %mul3A_1786, %slice3A_1784 : vector<256x128xf32>
    %sub3A_1788 = arith.subf %add3A_1783, %mul3A_1787 : vector<256x128xf32>
    %max3A_1789 = arith.constant 0.000000e+00 : f32
    %max3A_1790 = vector.broadcast %max3A_1789 : f32 to vector<256x128xf32>
    %max3A_1791 = arith.maximumf %sub3A_1788, %max3A_1790 : vector<256x128xf32>
    %add3A_1792 = arith.constant 7040 : i32
    %add3A_1793 = vector.broadcast %add3A_1792 : i32 to vector<256x128xi32>
    %add3A_1794 = arith.addi %add3A_1793, %iota3A_26 : vector<256x128xi32>
    %eq3A_1795 = vector.broadcast %add3A_25 : vector<256x1xi32> to vector<256x128xi32>
    %eq3A_1796 = arith.cmpi eq, %add3A_1794, %eq3A_1795 : vector<256x128xi32>
    %jit3A_1797 = arith.constant 0x7F800000 : f32
    %broadcast_in_dim3A_1798 = vector.broadcast %jit3A_1797 : f32 to vector<256x128xf32>
    %select_n3A_1799 = arith.select %eq3A_1796, %broadcast_in_dim3A_1798, %max3A_1791 : vector<256x128xi1>, vector<256x128xf32>
    %bitcast_convert_type3A_1800 = tpu.bitcast %select_n3A_1799 : vector<256x128xf32> -> vector<256x128xi32>
    %and3A_1801 = arith.constant -64 : i32
    %and3A_1802 = vector.broadcast %and3A_1801 : i32 to vector<256x128xi32>
    %and3A_1803 = arith.andi %bitcast_convert_type3A_1800, %and3A_1802 : vector<256x128xi32>
    %or3A_1804 = arith.constant 55 : i32
    %or3A_1805 = vector.broadcast %or3A_1804 : i32 to vector<256x128xi32>
    %or3A_1806 = arith.ori %and3A_1803, %or3A_1805 : vector<256x128xi32>
    %min3A_1807 = arith.minsi %min3A_1775, %or3A_1806 : vector<256x128xi32>
    %max3A_1808 = arith.maxsi %min3A_1775, %or3A_1806 : vector<256x128xi32>
    %min3A_1809 = arith.minsi %min3A_1777, %max3A_1808 : vector<256x128xi32>
    %max3A_1810 = arith.maxsi %min3A_1777, %max3A_1808 : vector<256x128xi32>
    %min3A_1811 = arith.minsi %min3A_1779, %max3A_1810 : vector<256x128xi32>
    %slice3A_1812 = vector.extract_strided_slice %broadcast_in_dim3A_21 {offsets = [0, 7168], sizes = [1, 128], strides = [1, 1]} : vector<1x8192xf32> to vector<1x128xf32>
    %add3A_1813 = vector.broadcast %broadcast_in_dim3A_17 : vector<256x1xf32> to vector<256x128xf32>
    %add3A_1814 = vector.broadcast %slice3A_1812 : vector<1x128xf32> to vector<256x128xf32>
    %add3A_1815 = arith.addf %add3A_1813, %add3A_1814 : vector<256x128xf32>
    %slice3A_1816 = vector.extract_strided_slice %dot_general3A_22 {offsets = [0, 7168], sizes = [256, 128], strides = [1, 1]} : vector<256x8192xf32> to vector<256x128xf32>
    %mul3A_1817 = arith.constant 2.000000e+00 : f32
    %mul3A_1818 = vector.broadcast %mul3A_1817 : f32 to vector<256x128xf32>
    %mul3A_1819 = arith.mulf %mul3A_1818, %slice3A_1816 : vector<256x128xf32>
    %sub3A_1820 = arith.subf %add3A_1815, %mul3A_1819 : vector<256x128xf32>
    %max3A_1821 = arith.constant 0.000000e+00 : f32
    %max3A_1822 = vector.broadcast %max3A_1821 : f32 to vector<256x128xf32>
    %max3A_1823 = arith.maximumf %sub3A_1820, %max3A_1822 : vector<256x128xf32>
    %add3A_1824 = arith.constant 7168 : i32
    %add3A_1825 = vector.broadcast %add3A_1824 : i32 to vector<256x128xi32>
    %add3A_1826 = arith.addi %add3A_1825, %iota3A_26 : vector<256x128xi32>
    %eq3A_1827 = vector.broadcast %add3A_25 : vector<256x1xi32> to vector<256x128xi32>
    %eq3A_1828 = arith.cmpi eq, %add3A_1826, %eq3A_1827 : vector<256x128xi32>
    %jit3A_1829 = arith.constant 0x7F800000 : f32
    %broadcast_in_dim3A_1830 = vector.broadcast %jit3A_1829 : f32 to vector<256x128xf32>
    %select_n3A_1831 = arith.select %eq3A_1828, %broadcast_in_dim3A_1830, %max3A_1823 : vector<256x128xi1>, vector<256x128xf32>
    %bitcast_convert_type3A_1832 = tpu.bitcast %select_n3A_1831 : vector<256x128xf32> -> vector<256x128xi32>
    %and3A_1833 = arith.constant -64 : i32
    %and3A_1834 = vector.broadcast %and3A_1833 : i32 to vector<256x128xi32>
    %and3A_1835 = arith.andi %bitcast_convert_type3A_1832, %and3A_1834 : vector<256x128xi32>
    %or3A_1836 = arith.constant 56 : i32
    %or3A_1837 = vector.broadcast %or3A_1836 : i32 to vector<256x128xi32>
    %or3A_1838 = arith.ori %and3A_1835, %or3A_1837 : vector<256x128xi32>
    %min3A_1839 = arith.minsi %min3A_1807, %or3A_1838 : vector<256x128xi32>
    %max3A_1840 = arith.maxsi %min3A_1807, %or3A_1838 : vector<256x128xi32>
    %min3A_1841 = arith.minsi %min3A_1809, %max3A_1840 : vector<256x128xi32>
    %max3A_1842 = arith.maxsi %min3A_1809, %max3A_1840 : vector<256x128xi32>
    %min3A_1843 = arith.minsi %min3A_1811, %max3A_1842 : vector<256x128xi32>
    %slice3A_1844 = vector.extract_strided_slice %broadcast_in_dim3A_21 {offsets = [0, 7296], sizes = [1, 128], strides = [1, 1]} : vector<1x8192xf32> to vector<1x128xf32>
    %add3A_1845 = vector.broadcast %broadcast_in_dim3A_17 : vector<256x1xf32> to vector<256x128xf32>
    %add3A_1846 = vector.broadcast %slice3A_1844 : vector<1x128xf32> to vector<256x128xf32>
    %add3A_1847 = arith.addf %add3A_1845, %add3A_1846 : vector<256x128xf32>
    %slice3A_1848 = vector.extract_strided_slice %dot_general3A_22 {offsets = [0, 7296], sizes = [256, 128], strides = [1, 1]} : vector<256x8192xf32> to vector<256x128xf32>
    %mul3A_1849 = arith.constant 2.000000e+00 : f32
    %mul3A_1850 = vector.broadcast %mul3A_1849 : f32 to vector<256x128xf32>
    %mul3A_1851 = arith.mulf %mul3A_1850, %slice3A_1848 : vector<256x128xf32>
    %sub3A_1852 = arith.subf %add3A_1847, %mul3A_1851 : vector<256x128xf32>
    %max3A_1853 = arith.constant 0.000000e+00 : f32
    %max3A_1854 = vector.broadcast %max3A_1853 : f32 to vector<256x128xf32>
    %max3A_1855 = arith.maximumf %sub3A_1852, %max3A_1854 : vector<256x128xf32>
    %add3A_1856 = arith.constant 7296 : i32
    %add3A_1857 = vector.broadcast %add3A_1856 : i32 to vector<256x128xi32>
    %add3A_1858 = arith.addi %add3A_1857, %iota3A_26 : vector<256x128xi32>
    %eq3A_1859 = vector.broadcast %add3A_25 : vector<256x1xi32> to vector<256x128xi32>
    %eq3A_1860 = arith.cmpi eq, %add3A_1858, %eq3A_1859 : vector<256x128xi32>
    %jit3A_1861 = arith.constant 0x7F800000 : f32
    %broadcast_in_dim3A_1862 = vector.broadcast %jit3A_1861 : f32 to vector<256x128xf32>
    %select_n3A_1863 = arith.select %eq3A_1860, %broadcast_in_dim3A_1862, %max3A_1855 : vector<256x128xi1>, vector<256x128xf32>
    %bitcast_convert_type3A_1864 = tpu.bitcast %select_n3A_1863 : vector<256x128xf32> -> vector<256x128xi32>
    %and3A_1865 = arith.constant -64 : i32
    %and3A_1866 = vector.broadcast %and3A_1865 : i32 to vector<256x128xi32>
    %and3A_1867 = arith.andi %bitcast_convert_type3A_1864, %and3A_1866 : vector<256x128xi32>
    %or3A_1868 = arith.constant 57 : i32
    %or3A_1869 = vector.broadcast %or3A_1868 : i32 to vector<256x128xi32>
    %or3A_1870 = arith.ori %and3A_1867, %or3A_1869 : vector<256x128xi32>
    %min3A_1871 = arith.minsi %min3A_1839, %or3A_1870 : vector<256x128xi32>
    %max3A_1872 = arith.maxsi %min3A_1839, %or3A_1870 : vector<256x128xi32>
    %min3A_1873 = arith.minsi %min3A_1841, %max3A_1872 : vector<256x128xi32>
    %max3A_1874 = arith.maxsi %min3A_1841, %max3A_1872 : vector<256x128xi32>
    %min3A_1875 = arith.minsi %min3A_1843, %max3A_1874 : vector<256x128xi32>
    %slice3A_1876 = vector.extract_strided_slice %broadcast_in_dim3A_21 {offsets = [0, 7424], sizes = [1, 128], strides = [1, 1]} : vector<1x8192xf32> to vector<1x128xf32>
    %add3A_1877 = vector.broadcast %broadcast_in_dim3A_17 : vector<256x1xf32> to vector<256x128xf32>
    %add3A_1878 = vector.broadcast %slice3A_1876 : vector<1x128xf32> to vector<256x128xf32>
    %add3A_1879 = arith.addf %add3A_1877, %add3A_1878 : vector<256x128xf32>
    %slice3A_1880 = vector.extract_strided_slice %dot_general3A_22 {offsets = [0, 7424], sizes = [256, 128], strides = [1, 1]} : vector<256x8192xf32> to vector<256x128xf32>
    %mul3A_1881 = arith.constant 2.000000e+00 : f32
    %mul3A_1882 = vector.broadcast %mul3A_1881 : f32 to vector<256x128xf32>
    %mul3A_1883 = arith.mulf %mul3A_1882, %slice3A_1880 : vector<256x128xf32>
    %sub3A_1884 = arith.subf %add3A_1879, %mul3A_1883 : vector<256x128xf32>
    %max3A_1885 = arith.constant 0.000000e+00 : f32
    %max3A_1886 = vector.broadcast %max3A_1885 : f32 to vector<256x128xf32>
    %max3A_1887 = arith.maximumf %sub3A_1884, %max3A_1886 : vector<256x128xf32>
    %add3A_1888 = arith.constant 7424 : i32
    %add3A_1889 = vector.broadcast %add3A_1888 : i32 to vector<256x128xi32>
    %add3A_1890 = arith.addi %add3A_1889, %iota3A_26 : vector<256x128xi32>
    %eq3A_1891 = vector.broadcast %add3A_25 : vector<256x1xi32> to vector<256x128xi32>
    %eq3A_1892 = arith.cmpi eq, %add3A_1890, %eq3A_1891 : vector<256x128xi32>
    %jit3A_1893 = arith.constant 0x7F800000 : f32
    %broadcast_in_dim3A_1894 = vector.broadcast %jit3A_1893 : f32 to vector<256x128xf32>
    %select_n3A_1895 = arith.select %eq3A_1892, %broadcast_in_dim3A_1894, %max3A_1887 : vector<256x128xi1>, vector<256x128xf32>
    %bitcast_convert_type3A_1896 = tpu.bitcast %select_n3A_1895 : vector<256x128xf32> -> vector<256x128xi32>
    %and3A_1897 = arith.constant -64 : i32
    %and3A_1898 = vector.broadcast %and3A_1897 : i32 to vector<256x128xi32>
    %and3A_1899 = arith.andi %bitcast_convert_type3A_1896, %and3A_1898 : vector<256x128xi32>
    %or3A_1900 = arith.constant 58 : i32
    %or3A_1901 = vector.broadcast %or3A_1900 : i32 to vector<256x128xi32>
    %or3A_1902 = arith.ori %and3A_1899, %or3A_1901 : vector<256x128xi32>
    %min3A_1903 = arith.minsi %min3A_1871, %or3A_1902 : vector<256x128xi32>
    %max3A_1904 = arith.maxsi %min3A_1871, %or3A_1902 : vector<256x128xi32>
    %min3A_1905 = arith.minsi %min3A_1873, %max3A_1904 : vector<256x128xi32>
    %max3A_1906 = arith.maxsi %min3A_1873, %max3A_1904 : vector<256x128xi32>
    %min3A_1907 = arith.minsi %min3A_1875, %max3A_1906 : vector<256x128xi32>
    %slice3A_1908 = vector.extract_strided_slice %broadcast_in_dim3A_21 {offsets = [0, 7552], sizes = [1, 128], strides = [1, 1]} : vector<1x8192xf32> to vector<1x128xf32>
    %add3A_1909 = vector.broadcast %broadcast_in_dim3A_17 : vector<256x1xf32> to vector<256x128xf32>
    %add3A_1910 = vector.broadcast %slice3A_1908 : vector<1x128xf32> to vector<256x128xf32>
    %add3A_1911 = arith.addf %add3A_1909, %add3A_1910 : vector<256x128xf32>
    %slice3A_1912 = vector.extract_strided_slice %dot_general3A_22 {offsets = [0, 7552], sizes = [256, 128], strides = [1, 1]} : vector<256x8192xf32> to vector<256x128xf32>
    %mul3A_1913 = arith.constant 2.000000e+00 : f32
    %mul3A_1914 = vector.broadcast %mul3A_1913 : f32 to vector<256x128xf32>
    %mul3A_1915 = arith.mulf %mul3A_1914, %slice3A_1912 : vector<256x128xf32>
    %sub3A_1916 = arith.subf %add3A_1911, %mul3A_1915 : vector<256x128xf32>
    %max3A_1917 = arith.constant 0.000000e+00 : f32
    %max3A_1918 = vector.broadcast %max3A_1917 : f32 to vector<256x128xf32>
    %max3A_1919 = arith.maximumf %sub3A_1916, %max3A_1918 : vector<256x128xf32>
    %add3A_1920 = arith.constant 7552 : i32
    %add3A_1921 = vector.broadcast %add3A_1920 : i32 to vector<256x128xi32>
    %add3A_1922 = arith.addi %add3A_1921, %iota3A_26 : vector<256x128xi32>
    %eq3A_1923 = vector.broadcast %add3A_25 : vector<256x1xi32> to vector<256x128xi32>
    %eq3A_1924 = arith.cmpi eq, %add3A_1922, %eq3A_1923 : vector<256x128xi32>
    %jit3A_1925 = arith.constant 0x7F800000 : f32
    %broadcast_in_dim3A_1926 = vector.broadcast %jit3A_1925 : f32 to vector<256x128xf32>
    %select_n3A_1927 = arith.select %eq3A_1924, %broadcast_in_dim3A_1926, %max3A_1919 : vector<256x128xi1>, vector<256x128xf32>
    %bitcast_convert_type3A_1928 = tpu.bitcast %select_n3A_1927 : vector<256x128xf32> -> vector<256x128xi32>
    %and3A_1929 = arith.constant -64 : i32
    %and3A_1930 = vector.broadcast %and3A_1929 : i32 to vector<256x128xi32>
    %and3A_1931 = arith.andi %bitcast_convert_type3A_1928, %and3A_1930 : vector<256x128xi32>
    %or3A_1932 = arith.constant 59 : i32
    %or3A_1933 = vector.broadcast %or3A_1932 : i32 to vector<256x128xi32>
    %or3A_1934 = arith.ori %and3A_1931, %or3A_1933 : vector<256x128xi32>
    %min3A_1935 = arith.minsi %min3A_1903, %or3A_1934 : vector<256x128xi32>
    %max3A_1936 = arith.maxsi %min3A_1903, %or3A_1934 : vector<256x128xi32>
    %min3A_1937 = arith.minsi %min3A_1905, %max3A_1936 : vector<256x128xi32>
    %max3A_1938 = arith.maxsi %min3A_1905, %max3A_1936 : vector<256x128xi32>
    %min3A_1939 = arith.minsi %min3A_1907, %max3A_1938 : vector<256x128xi32>
    %slice3A_1940 = vector.extract_strided_slice %broadcast_in_dim3A_21 {offsets = [0, 7680], sizes = [1, 128], strides = [1, 1]} : vector<1x8192xf32> to vector<1x128xf32>
    %add3A_1941 = vector.broadcast %broadcast_in_dim3A_17 : vector<256x1xf32> to vector<256x128xf32>
    %add3A_1942 = vector.broadcast %slice3A_1940 : vector<1x128xf32> to vector<256x128xf32>
    %add3A_1943 = arith.addf %add3A_1941, %add3A_1942 : vector<256x128xf32>
    %slice3A_1944 = vector.extract_strided_slice %dot_general3A_22 {offsets = [0, 7680], sizes = [256, 128], strides = [1, 1]} : vector<256x8192xf32> to vector<256x128xf32>
    %mul3A_1945 = arith.constant 2.000000e+00 : f32
    %mul3A_1946 = vector.broadcast %mul3A_1945 : f32 to vector<256x128xf32>
    %mul3A_1947 = arith.mulf %mul3A_1946, %slice3A_1944 : vector<256x128xf32>
    %sub3A_1948 = arith.subf %add3A_1943, %mul3A_1947 : vector<256x128xf32>
    %max3A_1949 = arith.constant 0.000000e+00 : f32
    %max3A_1950 = vector.broadcast %max3A_1949 : f32 to vector<256x128xf32>
    %max3A_1951 = arith.maximumf %sub3A_1948, %max3A_1950 : vector<256x128xf32>
    %add3A_1952 = arith.constant 7680 : i32
    %add3A_1953 = vector.broadcast %add3A_1952 : i32 to vector<256x128xi32>
    %add3A_1954 = arith.addi %add3A_1953, %iota3A_26 : vector<256x128xi32>
    %eq3A_1955 = vector.broadcast %add3A_25 : vector<256x1xi32> to vector<256x128xi32>
    %eq3A_1956 = arith.cmpi eq, %add3A_1954, %eq3A_1955 : vector<256x128xi32>
    %jit3A_1957 = arith.constant 0x7F800000 : f32
    %broadcast_in_dim3A_1958 = vector.broadcast %jit3A_1957 : f32 to vector<256x128xf32>
    %select_n3A_1959 = arith.select %eq3A_1956, %broadcast_in_dim3A_1958, %max3A_1951 : vector<256x128xi1>, vector<256x128xf32>
    %bitcast_convert_type3A_1960 = tpu.bitcast %select_n3A_1959 : vector<256x128xf32> -> vector<256x128xi32>
    %and3A_1961 = arith.constant -64 : i32
    %and3A_1962 = vector.broadcast %and3A_1961 : i32 to vector<256x128xi32>
    %and3A_1963 = arith.andi %bitcast_convert_type3A_1960, %and3A_1962 : vector<256x128xi32>
    %or3A_1964 = arith.constant 60 : i32
    %or3A_1965 = vector.broadcast %or3A_1964 : i32 to vector<256x128xi32>
    %or3A_1966 = arith.ori %and3A_1963, %or3A_1965 : vector<256x128xi32>
    %min3A_1967 = arith.minsi %min3A_1935, %or3A_1966 : vector<256x128xi32>
    %max3A_1968 = arith.maxsi %min3A_1935, %or3A_1966 : vector<256x128xi32>
    %min3A_1969 = arith.minsi %min3A_1937, %max3A_1968 : vector<256x128xi32>
    %max3A_1970 = arith.maxsi %min3A_1937, %max3A_1968 : vector<256x128xi32>
    %min3A_1971 = arith.minsi %min3A_1939, %max3A_1970 : vector<256x128xi32>
    %slice3A_1972 = vector.extract_strided_slice %broadcast_in_dim3A_21 {offsets = [0, 7808], sizes = [1, 128], strides = [1, 1]} : vector<1x8192xf32> to vector<1x128xf32>
    %add3A_1973 = vector.broadcast %broadcast_in_dim3A_17 : vector<256x1xf32> to vector<256x128xf32>
    %add3A_1974 = vector.broadcast %slice3A_1972 : vector<1x128xf32> to vector<256x128xf32>
    %add3A_1975 = arith.addf %add3A_1973, %add3A_1974 : vector<256x128xf32>
    %slice3A_1976 = vector.extract_strided_slice %dot_general3A_22 {offsets = [0, 7808], sizes = [256, 128], strides = [1, 1]} : vector<256x8192xf32> to vector<256x128xf32>
    %mul3A_1977 = arith.constant 2.000000e+00 : f32
    %mul3A_1978 = vector.broadcast %mul3A_1977 : f32 to vector<256x128xf32>
    %mul3A_1979 = arith.mulf %mul3A_1978, %slice3A_1976 : vector<256x128xf32>
    %sub3A_1980 = arith.subf %add3A_1975, %mul3A_1979 : vector<256x128xf32>
    %max3A_1981 = arith.constant 0.000000e+00 : f32
    %max3A_1982 = vector.broadcast %max3A_1981 : f32 to vector<256x128xf32>
    %max3A_1983 = arith.maximumf %sub3A_1980, %max3A_1982 : vector<256x128xf32>
    %add3A_1984 = arith.constant 7808 : i32
    %add3A_1985 = vector.broadcast %add3A_1984 : i32 to vector<256x128xi32>
    %add3A_1986 = arith.addi %add3A_1985, %iota3A_26 : vector<256x128xi32>
    %eq3A_1987 = vector.broadcast %add3A_25 : vector<256x1xi32> to vector<256x128xi32>
    %eq3A_1988 = arith.cmpi eq, %add3A_1986, %eq3A_1987 : vector<256x128xi32>
    %jit3A_1989 = arith.constant 0x7F800000 : f32
    %broadcast_in_dim3A_1990 = vector.broadcast %jit3A_1989 : f32 to vector<256x128xf32>
    %select_n3A_1991 = arith.select %eq3A_1988, %broadcast_in_dim3A_1990, %max3A_1983 : vector<256x128xi1>, vector<256x128xf32>
    %bitcast_convert_type3A_1992 = tpu.bitcast %select_n3A_1991 : vector<256x128xf32> -> vector<256x128xi32>
    %and3A_1993 = arith.constant -64 : i32
    %and3A_1994 = vector.broadcast %and3A_1993 : i32 to vector<256x128xi32>
    %and3A_1995 = arith.andi %bitcast_convert_type3A_1992, %and3A_1994 : vector<256x128xi32>
    %or3A_1996 = arith.constant 61 : i32
    %or3A_1997 = vector.broadcast %or3A_1996 : i32 to vector<256x128xi32>
    %or3A_1998 = arith.ori %and3A_1995, %or3A_1997 : vector<256x128xi32>
    %min3A_1999 = arith.minsi %min3A_1967, %or3A_1998 : vector<256x128xi32>
    %max3A_2000 = arith.maxsi %min3A_1967, %or3A_1998 : vector<256x128xi32>
    %min3A_2001 = arith.minsi %min3A_1969, %max3A_2000 : vector<256x128xi32>
    %max3A_2002 = arith.maxsi %min3A_1969, %max3A_2000 : vector<256x128xi32>
    %min3A_2003 = arith.minsi %min3A_1971, %max3A_2002 : vector<256x128xi32>
    %slice3A_2004 = vector.extract_strided_slice %broadcast_in_dim3A_21 {offsets = [0, 7936], sizes = [1, 128], strides = [1, 1]} : vector<1x8192xf32> to vector<1x128xf32>
    %add3A_2005 = vector.broadcast %broadcast_in_dim3A_17 : vector<256x1xf32> to vector<256x128xf32>
    %add3A_2006 = vector.broadcast %slice3A_2004 : vector<1x128xf32> to vector<256x128xf32>
    %add3A_2007 = arith.addf %add3A_2005, %add3A_2006 : vector<256x128xf32>
    %slice3A_2008 = vector.extract_strided_slice %dot_general3A_22 {offsets = [0, 7936], sizes = [256, 128], strides = [1, 1]} : vector<256x8192xf32> to vector<256x128xf32>
    %mul3A_2009 = arith.constant 2.000000e+00 : f32
    %mul3A_2010 = vector.broadcast %mul3A_2009 : f32 to vector<256x128xf32>
    %mul3A_2011 = arith.mulf %mul3A_2010, %slice3A_2008 : vector<256x128xf32>
    %sub3A_2012 = arith.subf %add3A_2007, %mul3A_2011 : vector<256x128xf32>
    %max3A_2013 = arith.constant 0.000000e+00 : f32
    %max3A_2014 = vector.broadcast %max3A_2013 : f32 to vector<256x128xf32>
    %max3A_2015 = arith.maximumf %sub3A_2012, %max3A_2014 : vector<256x128xf32>
    %add3A_2016 = arith.constant 7936 : i32
    %add3A_2017 = vector.broadcast %add3A_2016 : i32 to vector<256x128xi32>
    %add3A_2018 = arith.addi %add3A_2017, %iota3A_26 : vector<256x128xi32>
    %eq3A_2019 = vector.broadcast %add3A_25 : vector<256x1xi32> to vector<256x128xi32>
    %eq3A_2020 = arith.cmpi eq, %add3A_2018, %eq3A_2019 : vector<256x128xi32>
    %jit3A_2021 = arith.constant 0x7F800000 : f32
    %broadcast_in_dim3A_2022 = vector.broadcast %jit3A_2021 : f32 to vector<256x128xf32>
    %select_n3A_2023 = arith.select %eq3A_2020, %broadcast_in_dim3A_2022, %max3A_2015 : vector<256x128xi1>, vector<256x128xf32>
    %bitcast_convert_type3A_2024 = tpu.bitcast %select_n3A_2023 : vector<256x128xf32> -> vector<256x128xi32>
    %and3A_2025 = arith.constant -64 : i32
    %and3A_2026 = vector.broadcast %and3A_2025 : i32 to vector<256x128xi32>
    %and3A_2027 = arith.andi %bitcast_convert_type3A_2024, %and3A_2026 : vector<256x128xi32>
    %or3A_2028 = arith.constant 62 : i32
    %or3A_2029 = vector.broadcast %or3A_2028 : i32 to vector<256x128xi32>
    %or3A_2030 = arith.ori %and3A_2027, %or3A_2029 : vector<256x128xi32>
    %min3A_2031 = arith.minsi %min3A_1999, %or3A_2030 : vector<256x128xi32>
    %max3A_2032 = arith.maxsi %min3A_1999, %or3A_2030 : vector<256x128xi32>
    %min3A_2033 = arith.minsi %min3A_2001, %max3A_2032 : vector<256x128xi32>
    %max3A_2034 = arith.maxsi %min3A_2001, %max3A_2032 : vector<256x128xi32>
    %min3A_2035 = arith.minsi %min3A_2003, %max3A_2034 : vector<256x128xi32>
    %slice3A_2036 = vector.extract_strided_slice %broadcast_in_dim3A_21 {offsets = [0, 8064], sizes = [1, 128], strides = [1, 1]} : vector<1x8192xf32> to vector<1x128xf32>
    %add3A_2037 = vector.broadcast %broadcast_in_dim3A_17 : vector<256x1xf32> to vector<256x128xf32>
    %add3A_2038 = vector.broadcast %slice3A_2036 : vector<1x128xf32> to vector<256x128xf32>
    %add3A_2039 = arith.addf %add3A_2037, %add3A_2038 : vector<256x128xf32>
    %slice3A_2040 = vector.extract_strided_slice %dot_general3A_22 {offsets = [0, 8064], sizes = [256, 128], strides = [1, 1]} : vector<256x8192xf32> to vector<256x128xf32>
    %mul3A_2041 = arith.constant 2.000000e+00 : f32
    %mul3A_2042 = vector.broadcast %mul3A_2041 : f32 to vector<256x128xf32>
    %mul3A_2043 = arith.mulf %mul3A_2042, %slice3A_2040 : vector<256x128xf32>
    %sub3A_2044 = arith.subf %add3A_2039, %mul3A_2043 : vector<256x128xf32>
    %max3A_2045 = arith.constant 0.000000e+00 : f32
    %max3A_2046 = vector.broadcast %max3A_2045 : f32 to vector<256x128xf32>
    %max3A_2047 = arith.maximumf %sub3A_2044, %max3A_2046 : vector<256x128xf32>
    %add3A_2048 = arith.constant 8064 : i32
    %add3A_2049 = vector.broadcast %add3A_2048 : i32 to vector<256x128xi32>
    %add3A_2050 = arith.addi %add3A_2049, %iota3A_26 : vector<256x128xi32>
    %eq3A_2051 = vector.broadcast %add3A_25 : vector<256x1xi32> to vector<256x128xi32>
    %eq3A_2052 = arith.cmpi eq, %add3A_2050, %eq3A_2051 : vector<256x128xi32>
    %jit3A_2053 = arith.constant 0x7F800000 : f32
    %broadcast_in_dim3A_2054 = vector.broadcast %jit3A_2053 : f32 to vector<256x128xf32>
    %select_n3A_2055 = arith.select %eq3A_2052, %broadcast_in_dim3A_2054, %max3A_2047 : vector<256x128xi1>, vector<256x128xf32>
    %bitcast_convert_type3A_2056 = tpu.bitcast %select_n3A_2055 : vector<256x128xf32> -> vector<256x128xi32>
    %and3A_2057 = arith.constant -64 : i32
    %and3A_2058 = vector.broadcast %and3A_2057 : i32 to vector<256x128xi32>
    %and3A_2059 = arith.andi %bitcast_convert_type3A_2056, %and3A_2058 : vector<256x128xi32>
    %or3A_2060 = arith.constant 63 : i32
    %or3A_2061 = vector.broadcast %or3A_2060 : i32 to vector<256x128xi32>
    %or3A_2062 = arith.ori %and3A_2059, %or3A_2061 : vector<256x128xi32>
    %min3A_2063 = arith.minsi %min3A_2031, %or3A_2062 : vector<256x128xi32>
    %max3A_2064 = arith.maxsi %min3A_2031, %or3A_2062 : vector<256x128xi32>
    %min3A_2065 = arith.minsi %min3A_2033, %max3A_2064 : vector<256x128xi32>
    %max3A_2066 = arith.maxsi %min3A_2033, %max3A_2064 : vector<256x128xi32>
    %min3A_2067 = arith.minsi %min3A_2035, %max3A_2066 : vector<256x128xi32>
    %reduce_min3A = arith.constant dense<2147483647> : vector<256xi32>
    %reduce_min3A_2068 = vector.multi_reduction <minsi>, %min3A_2063, %reduce_min3A [1] : vector<256x128xi32> to vector<256xi32>
    %broadcast_in_dim3A_2069 = vector.shape_cast %reduce_min3A_2068 : vector<256xi32> to vector<256x1xi32>
    %eq3A_2070 = vector.broadcast %broadcast_in_dim3A_2069 : vector<256x1xi32> to vector<256x128xi32>
    %eq3A_2071 = arith.cmpi eq, %min3A_2063, %eq3A_2070 : vector<256x128xi32>
    %jit3A_2072 = arith.constant 128 : i32
    %broadcast_in_dim3A_2073 = vector.broadcast %jit3A_2072 : i32 to vector<256x128xi32>
    %select_n3A_2074 = arith.select %eq3A_2071, %iota3A_26, %broadcast_in_dim3A_2073 : vector<256x128xi1>, vector<256x128xi32>
    %reduce_min3A_2075 = arith.constant dense<2147483647> : vector<256xi32>
    %reduce_min3A_2076 = vector.multi_reduction <minsi>, %select_n3A_2074, %reduce_min3A_2075 [1] : vector<256x128xi32> to vector<256xi32>
    %broadcast_in_dim3A_2077 = vector.shape_cast %reduce_min3A_2076 : vector<256xi32> to vector<256x1xi32>
    %eq3A_2078 = vector.broadcast %broadcast_in_dim3A_2077 : vector<256x1xi32> to vector<256x128xi32>
    %eq3A_2079 = arith.cmpi eq, %iota3A_26, %eq3A_2078 : vector<256x128xi32>
    %and3A_2080 = arith.andi %eq3A_2071, %eq3A_2079 : vector<256x128xi1>
    %and3A_2081 = arith.constant 63 : i32
    %and3A_2082 = vector.broadcast %and3A_2081 : i32 to vector<256x1xi32>
    %and3A_2083 = arith.andi %broadcast_in_dim3A_2069, %and3A_2082 : vector<256x1xi32>
    %mul3A_2084 = arith.constant 128 : i32
    %mul3A_2085 = vector.broadcast %mul3A_2084 : i32 to vector<256x1xi32>
    %mul3A_2086 = arith.muli %and3A_2083, %mul3A_2085 : vector<256x1xi32>
    %add3A_2087 = arith.addi %mul3A_2086, %broadcast_in_dim3A_2077 : vector<256x1xi32>
    %and3A_2088 = arith.constant -64 : i32
    %and3A_2089 = vector.broadcast %and3A_2088 : i32 to vector<256x1xi32>
    %and3A_2090 = arith.andi %broadcast_in_dim3A_2069, %and3A_2089 : vector<256x1xi32>
    %bitcast_convert_type3A_2091 = tpu.bitcast %and3A_2090 : vector<256x1xi32> -> vector<256x1xf32>
    %lt3A = arith.constant 1.000000e+30 : f32
    %lt3A_2092 = vector.broadcast %lt3A : f32 to vector<256x1xf32>
    %lt3A_2093 = arith.cmpf olt, %bitcast_convert_type3A_2091, %lt3A_2092 : vector<256x1xf32>
    %neg3A = arith.constant 0.000000e+00 : f32
    %neg3A_2094 = vector.broadcast %neg3A : f32 to vector<256x1xf32>
    %neg3A_2095 = arith.subf %neg3A_2094, %bitcast_convert_type3A_2091 : vector<256x1xf32>
    %mul3A_2096 = arith.constant 2.500000e-01 : f32
    %mul3A_2097 = vector.broadcast %mul3A_2096 : f32 to vector<256x1xf32>
    %mul3A_2098 = arith.mulf %neg3A_2095, %mul3A_2097 : vector<256x1xf32>
    %exp3A = math.exp %mul3A_2098 : vector<256x1xf32>
    %jit3A_2099 = arith.constant 0.000000e+00 : f32
    %broadcast_in_dim3A_2100 = vector.broadcast %jit3A_2099 : f32 to vector<256x1xf32>
    %select_n3A_2101 = arith.select %lt3A_2093, %exp3A, %broadcast_in_dim3A_2100 : vector<256x1xi1>, vector<256x1xf32>
    %select_n3A_2102 = arith.select %and3A_2080, %min3A_2065, %min3A_2063 : vector<256x128xi1>, vector<256x128xi32>
    %select_n3A_2103 = arith.select %and3A_2080, %min3A_2067, %min3A_2065 : vector<256x128xi1>, vector<256x128xi32>
    %jit3A_2104 = arith.constant 2147483647 : i32
    %broadcast_in_dim3A_2105 = vector.broadcast %jit3A_2104 : i32 to vector<256x128xi32>
    %select_n3A_2106 = arith.select %and3A_2080, %broadcast_in_dim3A_2105, %min3A_2067 : vector<256x128xi1>, vector<256x128xi32>
    %reduce_min3A_2107 = arith.constant dense<2147483647> : vector<256xi32>
    %reduce_min3A_2108 = vector.multi_reduction <minsi>, %select_n3A_2102, %reduce_min3A_2107 [1] : vector<256x128xi32> to vector<256xi32>
    %broadcast_in_dim3A_2109 = vector.shape_cast %reduce_min3A_2108 : vector<256xi32> to vector<256x1xi32>
    %eq3A_2110 = vector.broadcast %broadcast_in_dim3A_2109 : vector<256x1xi32> to vector<256x128xi32>
    %eq3A_2111 = arith.cmpi eq, %select_n3A_2102, %eq3A_2110 : vector<256x128xi32>
    %jit3A_2112 = arith.constant 128 : i32
    %broadcast_in_dim3A_2113 = vector.broadcast %jit3A_2112 : i32 to vector<256x128xi32>
    %select_n3A_2114 = arith.select %eq3A_2111, %iota3A_26, %broadcast_in_dim3A_2113 : vector<256x128xi1>, vector<256x128xi32>
    %reduce_min3A_2115 = arith.constant dense<2147483647> : vector<256xi32>
    %reduce_min3A_2116 = vector.multi_reduction <minsi>, %select_n3A_2114, %reduce_min3A_2115 [1] : vector<256x128xi32> to vector<256xi32>
    %broadcast_in_dim3A_2117 = vector.shape_cast %reduce_min3A_2116 : vector<256xi32> to vector<256x1xi32>
    %eq3A_2118 = vector.broadcast %broadcast_in_dim3A_2117 : vector<256x1xi32> to vector<256x128xi32>
    %eq3A_2119 = arith.cmpi eq, %iota3A_26, %eq3A_2118 : vector<256x128xi32>
    %and3A_2120 = arith.andi %eq3A_2111, %eq3A_2119 : vector<256x128xi1>
    %and3A_2121 = arith.constant 63 : i32
    %and3A_2122 = vector.broadcast %and3A_2121 : i32 to vector<256x1xi32>
    %and3A_2123 = arith.andi %broadcast_in_dim3A_2109, %and3A_2122 : vector<256x1xi32>
    %mul3A_2124 = arith.constant 128 : i32
    %mul3A_2125 = vector.broadcast %mul3A_2124 : i32 to vector<256x1xi32>
    %mul3A_2126 = arith.muli %and3A_2123, %mul3A_2125 : vector<256x1xi32>
    %add3A_2127 = arith.addi %mul3A_2126, %broadcast_in_dim3A_2117 : vector<256x1xi32>
    %and3A_2128 = arith.constant -64 : i32
    %and3A_2129 = vector.broadcast %and3A_2128 : i32 to vector<256x1xi32>
    %and3A_2130 = arith.andi %broadcast_in_dim3A_2109, %and3A_2129 : vector<256x1xi32>
    %bitcast_convert_type3A_2131 = tpu.bitcast %and3A_2130 : vector<256x1xi32> -> vector<256x1xf32>
    %lt3A_2132 = arith.constant 1.000000e+30 : f32
    %lt3A_2133 = vector.broadcast %lt3A_2132 : f32 to vector<256x1xf32>
    %lt3A_2134 = arith.cmpf olt, %bitcast_convert_type3A_2131, %lt3A_2133 : vector<256x1xf32>
    %neg3A_2135 = arith.constant 0.000000e+00 : f32
    %neg3A_2136 = vector.broadcast %neg3A_2135 : f32 to vector<256x1xf32>
    %neg3A_2137 = arith.subf %neg3A_2136, %bitcast_convert_type3A_2131 : vector<256x1xf32>
    %mul3A_2138 = arith.constant 2.500000e-01 : f32
    %mul3A_2139 = vector.broadcast %mul3A_2138 : f32 to vector<256x1xf32>
    %mul3A_2140 = arith.mulf %neg3A_2137, %mul3A_2139 : vector<256x1xf32>
    %exp3A_2141 = math.exp %mul3A_2140 : vector<256x1xf32>
    %jit3A_2142 = arith.constant 0.000000e+00 : f32
    %broadcast_in_dim3A_2143 = vector.broadcast %jit3A_2142 : f32 to vector<256x1xf32>
    %select_n3A_2144 = arith.select %lt3A_2134, %exp3A_2141, %broadcast_in_dim3A_2143 : vector<256x1xi1>, vector<256x1xf32>
    %select_n3A_2145 = arith.select %and3A_2120, %select_n3A_2103, %select_n3A_2102 : vector<256x128xi1>, vector<256x128xi32>
    %select_n3A_2146 = arith.select %and3A_2120, %select_n3A_2106, %select_n3A_2103 : vector<256x128xi1>, vector<256x128xi32>
    %jit3A_2147 = arith.constant 2147483647 : i32
    %broadcast_in_dim3A_2148 = vector.broadcast %jit3A_2147 : i32 to vector<256x128xi32>
    %select_n3A_2149 = arith.select %and3A_2120, %broadcast_in_dim3A_2148, %select_n3A_2106 : vector<256x128xi1>, vector<256x128xi32>
    %reduce_min3A_2150 = arith.constant dense<2147483647> : vector<256xi32>
    %reduce_min3A_2151 = vector.multi_reduction <minsi>, %select_n3A_2145, %reduce_min3A_2150 [1] : vector<256x128xi32> to vector<256xi32>
    %broadcast_in_dim3A_2152 = vector.shape_cast %reduce_min3A_2151 : vector<256xi32> to vector<256x1xi32>
    %eq3A_2153 = vector.broadcast %broadcast_in_dim3A_2152 : vector<256x1xi32> to vector<256x128xi32>
    %eq3A_2154 = arith.cmpi eq, %select_n3A_2145, %eq3A_2153 : vector<256x128xi32>
    %jit3A_2155 = arith.constant 128 : i32
    %broadcast_in_dim3A_2156 = vector.broadcast %jit3A_2155 : i32 to vector<256x128xi32>
    %select_n3A_2157 = arith.select %eq3A_2154, %iota3A_26, %broadcast_in_dim3A_2156 : vector<256x128xi1>, vector<256x128xi32>
    %reduce_min3A_2158 = arith.constant dense<2147483647> : vector<256xi32>
    %reduce_min3A_2159 = vector.multi_reduction <minsi>, %select_n3A_2157, %reduce_min3A_2158 [1] : vector<256x128xi32> to vector<256xi32>
    %broadcast_in_dim3A_2160 = vector.shape_cast %reduce_min3A_2159 : vector<256xi32> to vector<256x1xi32>
    %eq3A_2161 = vector.broadcast %broadcast_in_dim3A_2160 : vector<256x1xi32> to vector<256x128xi32>
    %eq3A_2162 = arith.cmpi eq, %iota3A_26, %eq3A_2161 : vector<256x128xi32>
    %and3A_2163 = arith.andi %eq3A_2154, %eq3A_2162 : vector<256x128xi1>
    %and3A_2164 = arith.constant 63 : i32
    %and3A_2165 = vector.broadcast %and3A_2164 : i32 to vector<256x1xi32>
    %and3A_2166 = arith.andi %broadcast_in_dim3A_2152, %and3A_2165 : vector<256x1xi32>
    %mul3A_2167 = arith.constant 128 : i32
    %mul3A_2168 = vector.broadcast %mul3A_2167 : i32 to vector<256x1xi32>
    %mul3A_2169 = arith.muli %and3A_2166, %mul3A_2168 : vector<256x1xi32>
    %add3A_2170 = arith.addi %mul3A_2169, %broadcast_in_dim3A_2160 : vector<256x1xi32>
    %and3A_2171 = arith.constant -64 : i32
    %and3A_2172 = vector.broadcast %and3A_2171 : i32 to vector<256x1xi32>
    %and3A_2173 = arith.andi %broadcast_in_dim3A_2152, %and3A_2172 : vector<256x1xi32>
    %bitcast_convert_type3A_2174 = tpu.bitcast %and3A_2173 : vector<256x1xi32> -> vector<256x1xf32>
    %lt3A_2175 = arith.constant 1.000000e+30 : f32
    %lt3A_2176 = vector.broadcast %lt3A_2175 : f32 to vector<256x1xf32>
    %lt3A_2177 = arith.cmpf olt, %bitcast_convert_type3A_2174, %lt3A_2176 : vector<256x1xf32>
    %neg3A_2178 = arith.constant 0.000000e+00 : f32
    %neg3A_2179 = vector.broadcast %neg3A_2178 : f32 to vector<256x1xf32>
    %neg3A_2180 = arith.subf %neg3A_2179, %bitcast_convert_type3A_2174 : vector<256x1xf32>
    %mul3A_2181 = arith.constant 2.500000e-01 : f32
    %mul3A_2182 = vector.broadcast %mul3A_2181 : f32 to vector<256x1xf32>
    %mul3A_2183 = arith.mulf %neg3A_2180, %mul3A_2182 : vector<256x1xf32>
    %exp3A_2184 = math.exp %mul3A_2183 : vector<256x1xf32>
    %jit3A_2185 = arith.constant 0.000000e+00 : f32
    %broadcast_in_dim3A_2186 = vector.broadcast %jit3A_2185 : f32 to vector<256x1xf32>
    %select_n3A_2187 = arith.select %lt3A_2177, %exp3A_2184, %broadcast_in_dim3A_2186 : vector<256x1xi1>, vector<256x1xf32>
    %select_n3A_2188 = arith.select %and3A_2163, %select_n3A_2146, %select_n3A_2145 : vector<256x128xi1>, vector<256x128xi32>
    %select_n3A_2189 = arith.select %and3A_2163, %select_n3A_2149, %select_n3A_2146 : vector<256x128xi1>, vector<256x128xi32>
    %jit3A_2190 = arith.constant 2147483647 : i32
    %broadcast_in_dim3A_2191 = vector.broadcast %jit3A_2190 : i32 to vector<256x128xi32>
    %select_n3A_2192 = arith.select %and3A_2163, %broadcast_in_dim3A_2191, %select_n3A_2149 : vector<256x128xi1>, vector<256x128xi32>
    %reduce_min3A_2193 = arith.constant dense<2147483647> : vector<256xi32>
    %reduce_min3A_2194 = vector.multi_reduction <minsi>, %select_n3A_2188, %reduce_min3A_2193 [1] : vector<256x128xi32> to vector<256xi32>
    %broadcast_in_dim3A_2195 = vector.shape_cast %reduce_min3A_2194 : vector<256xi32> to vector<256x1xi32>
    %eq3A_2196 = vector.broadcast %broadcast_in_dim3A_2195 : vector<256x1xi32> to vector<256x128xi32>
    %eq3A_2197 = arith.cmpi eq, %select_n3A_2188, %eq3A_2196 : vector<256x128xi32>
    %jit3A_2198 = arith.constant 128 : i32
    %broadcast_in_dim3A_2199 = vector.broadcast %jit3A_2198 : i32 to vector<256x128xi32>
    %select_n3A_2200 = arith.select %eq3A_2197, %iota3A_26, %broadcast_in_dim3A_2199 : vector<256x128xi1>, vector<256x128xi32>
    %reduce_min3A_2201 = arith.constant dense<2147483647> : vector<256xi32>
    %reduce_min3A_2202 = vector.multi_reduction <minsi>, %select_n3A_2200, %reduce_min3A_2201 [1] : vector<256x128xi32> to vector<256xi32>
    %broadcast_in_dim3A_2203 = vector.shape_cast %reduce_min3A_2202 : vector<256xi32> to vector<256x1xi32>
    %eq3A_2204 = vector.broadcast %broadcast_in_dim3A_2203 : vector<256x1xi32> to vector<256x128xi32>
    %eq3A_2205 = arith.cmpi eq, %iota3A_26, %eq3A_2204 : vector<256x128xi32>
    %and3A_2206 = arith.andi %eq3A_2197, %eq3A_2205 : vector<256x128xi1>
    %and3A_2207 = arith.constant 63 : i32
    %and3A_2208 = vector.broadcast %and3A_2207 : i32 to vector<256x1xi32>
    %and3A_2209 = arith.andi %broadcast_in_dim3A_2195, %and3A_2208 : vector<256x1xi32>
    %mul3A_2210 = arith.constant 128 : i32
    %mul3A_2211 = vector.broadcast %mul3A_2210 : i32 to vector<256x1xi32>
    %mul3A_2212 = arith.muli %and3A_2209, %mul3A_2211 : vector<256x1xi32>
    %add3A_2213 = arith.addi %mul3A_2212, %broadcast_in_dim3A_2203 : vector<256x1xi32>
    %and3A_2214 = arith.constant -64 : i32
    %and3A_2215 = vector.broadcast %and3A_2214 : i32 to vector<256x1xi32>
    %and3A_2216 = arith.andi %broadcast_in_dim3A_2195, %and3A_2215 : vector<256x1xi32>
    %bitcast_convert_type3A_2217 = tpu.bitcast %and3A_2216 : vector<256x1xi32> -> vector<256x1xf32>
    %lt3A_2218 = arith.constant 1.000000e+30 : f32
    %lt3A_2219 = vector.broadcast %lt3A_2218 : f32 to vector<256x1xf32>
    %lt3A_2220 = arith.cmpf olt, %bitcast_convert_type3A_2217, %lt3A_2219 : vector<256x1xf32>
    %neg3A_2221 = arith.constant 0.000000e+00 : f32
    %neg3A_2222 = vector.broadcast %neg3A_2221 : f32 to vector<256x1xf32>
    %neg3A_2223 = arith.subf %neg3A_2222, %bitcast_convert_type3A_2217 : vector<256x1xf32>
    %mul3A_2224 = arith.constant 2.500000e-01 : f32
    %mul3A_2225 = vector.broadcast %mul3A_2224 : f32 to vector<256x1xf32>
    %mul3A_2226 = arith.mulf %neg3A_2223, %mul3A_2225 : vector<256x1xf32>
    %exp3A_2227 = math.exp %mul3A_2226 : vector<256x1xf32>
    %jit3A_2228 = arith.constant 0.000000e+00 : f32
    %broadcast_in_dim3A_2229 = vector.broadcast %jit3A_2228 : f32 to vector<256x1xf32>
    %select_n3A_2230 = arith.select %lt3A_2220, %exp3A_2227, %broadcast_in_dim3A_2229 : vector<256x1xi1>, vector<256x1xf32>
    %select_n3A_2231 = arith.select %and3A_2206, %select_n3A_2189, %select_n3A_2188 : vector<256x128xi1>, vector<256x128xi32>
    %select_n3A_2232 = arith.select %and3A_2206, %select_n3A_2192, %select_n3A_2189 : vector<256x128xi1>, vector<256x128xi32>
    %jit3A_2233 = arith.constant 2147483647 : i32
    %broadcast_in_dim3A_2234 = vector.broadcast %jit3A_2233 : i32 to vector<256x128xi32>
    %select_n3A_2235 = arith.select %and3A_2206, %broadcast_in_dim3A_2234, %select_n3A_2192 : vector<256x128xi1>, vector<256x128xi32>
    %reduce_min3A_2236 = arith.constant dense<2147483647> : vector<256xi32>
    %reduce_min3A_2237 = vector.multi_reduction <minsi>, %select_n3A_2231, %reduce_min3A_2236 [1] : vector<256x128xi32> to vector<256xi32>
    %broadcast_in_dim3A_2238 = vector.shape_cast %reduce_min3A_2237 : vector<256xi32> to vector<256x1xi32>
    %eq3A_2239 = vector.broadcast %broadcast_in_dim3A_2238 : vector<256x1xi32> to vector<256x128xi32>
    %eq3A_2240 = arith.cmpi eq, %select_n3A_2231, %eq3A_2239 : vector<256x128xi32>
    %jit3A_2241 = arith.constant 128 : i32
    %broadcast_in_dim3A_2242 = vector.broadcast %jit3A_2241 : i32 to vector<256x128xi32>
    %select_n3A_2243 = arith.select %eq3A_2240, %iota3A_26, %broadcast_in_dim3A_2242 : vector<256x128xi1>, vector<256x128xi32>
    %reduce_min3A_2244 = arith.constant dense<2147483647> : vector<256xi32>
    %reduce_min3A_2245 = vector.multi_reduction <minsi>, %select_n3A_2243, %reduce_min3A_2244 [1] : vector<256x128xi32> to vector<256xi32>
    %broadcast_in_dim3A_2246 = vector.shape_cast %reduce_min3A_2245 : vector<256xi32> to vector<256x1xi32>
    %eq3A_2247 = vector.broadcast %broadcast_in_dim3A_2246 : vector<256x1xi32> to vector<256x128xi32>
    %eq3A_2248 = arith.cmpi eq, %iota3A_26, %eq3A_2247 : vector<256x128xi32>
    %and3A_2249 = arith.andi %eq3A_2240, %eq3A_2248 : vector<256x128xi1>
    %and3A_2250 = arith.constant 63 : i32
    %and3A_2251 = vector.broadcast %and3A_2250 : i32 to vector<256x1xi32>
    %and3A_2252 = arith.andi %broadcast_in_dim3A_2238, %and3A_2251 : vector<256x1xi32>
    %mul3A_2253 = arith.constant 128 : i32
    %mul3A_2254 = vector.broadcast %mul3A_2253 : i32 to vector<256x1xi32>
    %mul3A_2255 = arith.muli %and3A_2252, %mul3A_2254 : vector<256x1xi32>
    %add3A_2256 = arith.addi %mul3A_2255, %broadcast_in_dim3A_2246 : vector<256x1xi32>
    %and3A_2257 = arith.constant -64 : i32
    %and3A_2258 = vector.broadcast %and3A_2257 : i32 to vector<256x1xi32>
    %and3A_2259 = arith.andi %broadcast_in_dim3A_2238, %and3A_2258 : vector<256x1xi32>
    %bitcast_convert_type3A_2260 = tpu.bitcast %and3A_2259 : vector<256x1xi32> -> vector<256x1xf32>
    %lt3A_2261 = arith.constant 1.000000e+30 : f32
    %lt3A_2262 = vector.broadcast %lt3A_2261 : f32 to vector<256x1xf32>
    %lt3A_2263 = arith.cmpf olt, %bitcast_convert_type3A_2260, %lt3A_2262 : vector<256x1xf32>
    %neg3A_2264 = arith.constant 0.000000e+00 : f32
    %neg3A_2265 = vector.broadcast %neg3A_2264 : f32 to vector<256x1xf32>
    %neg3A_2266 = arith.subf %neg3A_2265, %bitcast_convert_type3A_2260 : vector<256x1xf32>
    %mul3A_2267 = arith.constant 2.500000e-01 : f32
    %mul3A_2268 = vector.broadcast %mul3A_2267 : f32 to vector<256x1xf32>
    %mul3A_2269 = arith.mulf %neg3A_2266, %mul3A_2268 : vector<256x1xf32>
    %exp3A_2270 = math.exp %mul3A_2269 : vector<256x1xf32>
    %jit3A_2271 = arith.constant 0.000000e+00 : f32
    %broadcast_in_dim3A_2272 = vector.broadcast %jit3A_2271 : f32 to vector<256x1xf32>
    %select_n3A_2273 = arith.select %lt3A_2263, %exp3A_2270, %broadcast_in_dim3A_2272 : vector<256x1xi1>, vector<256x1xf32>
    %select_n3A_2274 = arith.select %and3A_2249, %select_n3A_2232, %select_n3A_2231 : vector<256x128xi1>, vector<256x128xi32>
    %select_n3A_2275 = arith.select %and3A_2249, %select_n3A_2235, %select_n3A_2232 : vector<256x128xi1>, vector<256x128xi32>
    %jit3A_2276 = arith.constant 2147483647 : i32
    %broadcast_in_dim3A_2277 = vector.broadcast %jit3A_2276 : i32 to vector<256x128xi32>
    %select_n3A_2278 = arith.select %and3A_2249, %broadcast_in_dim3A_2277, %select_n3A_2235 : vector<256x128xi1>, vector<256x128xi32>
    %reduce_min3A_2279 = arith.constant dense<2147483647> : vector<256xi32>
    %reduce_min3A_2280 = vector.multi_reduction <minsi>, %select_n3A_2274, %reduce_min3A_2279 [1] : vector<256x128xi32> to vector<256xi32>
    %broadcast_in_dim3A_2281 = vector.shape_cast %reduce_min3A_2280 : vector<256xi32> to vector<256x1xi32>
    %eq3A_2282 = vector.broadcast %broadcast_in_dim3A_2281 : vector<256x1xi32> to vector<256x128xi32>
    %eq3A_2283 = arith.cmpi eq, %select_n3A_2274, %eq3A_2282 : vector<256x128xi32>
    %jit3A_2284 = arith.constant 128 : i32
    %broadcast_in_dim3A_2285 = vector.broadcast %jit3A_2284 : i32 to vector<256x128xi32>
    %select_n3A_2286 = arith.select %eq3A_2283, %iota3A_26, %broadcast_in_dim3A_2285 : vector<256x128xi1>, vector<256x128xi32>
    %reduce_min3A_2287 = arith.constant dense<2147483647> : vector<256xi32>
    %reduce_min3A_2288 = vector.multi_reduction <minsi>, %select_n3A_2286, %reduce_min3A_2287 [1] : vector<256x128xi32> to vector<256xi32>
    %broadcast_in_dim3A_2289 = vector.shape_cast %reduce_min3A_2288 : vector<256xi32> to vector<256x1xi32>
    %eq3A_2290 = vector.broadcast %broadcast_in_dim3A_2289 : vector<256x1xi32> to vector<256x128xi32>
    %eq3A_2291 = arith.cmpi eq, %iota3A_26, %eq3A_2290 : vector<256x128xi32>
    %and3A_2292 = arith.andi %eq3A_2283, %eq3A_2291 : vector<256x128xi1>
    %and3A_2293 = arith.constant 63 : i32
    %and3A_2294 = vector.broadcast %and3A_2293 : i32 to vector<256x1xi32>
    %and3A_2295 = arith.andi %broadcast_in_dim3A_2281, %and3A_2294 : vector<256x1xi32>
    %mul3A_2296 = arith.constant 128 : i32
    %mul3A_2297 = vector.broadcast %mul3A_2296 : i32 to vector<256x1xi32>
    %mul3A_2298 = arith.muli %and3A_2295, %mul3A_2297 : vector<256x1xi32>
    %add3A_2299 = arith.addi %mul3A_2298, %broadcast_in_dim3A_2289 : vector<256x1xi32>
    %and3A_2300 = arith.constant -64 : i32
    %and3A_2301 = vector.broadcast %and3A_2300 : i32 to vector<256x1xi32>
    %and3A_2302 = arith.andi %broadcast_in_dim3A_2281, %and3A_2301 : vector<256x1xi32>
    %bitcast_convert_type3A_2303 = tpu.bitcast %and3A_2302 : vector<256x1xi32> -> vector<256x1xf32>
    %lt3A_2304 = arith.constant 1.000000e+30 : f32
    %lt3A_2305 = vector.broadcast %lt3A_2304 : f32 to vector<256x1xf32>
    %lt3A_2306 = arith.cmpf olt, %bitcast_convert_type3A_2303, %lt3A_2305 : vector<256x1xf32>
    %neg3A_2307 = arith.constant 0.000000e+00 : f32
    %neg3A_2308 = vector.broadcast %neg3A_2307 : f32 to vector<256x1xf32>
    %neg3A_2309 = arith.subf %neg3A_2308, %bitcast_convert_type3A_2303 : vector<256x1xf32>
    %mul3A_2310 = arith.constant 2.500000e-01 : f32
    %mul3A_2311 = vector.broadcast %mul3A_2310 : f32 to vector<256x1xf32>
    %mul3A_2312 = arith.mulf %neg3A_2309, %mul3A_2311 : vector<256x1xf32>
    %exp3A_2313 = math.exp %mul3A_2312 : vector<256x1xf32>
    %jit3A_2314 = arith.constant 0.000000e+00 : f32
    %broadcast_in_dim3A_2315 = vector.broadcast %jit3A_2314 : f32 to vector<256x1xf32>
    %select_n3A_2316 = arith.select %lt3A_2306, %exp3A_2313, %broadcast_in_dim3A_2315 : vector<256x1xi1>, vector<256x1xf32>
    %select_n3A_2317 = arith.select %and3A_2292, %select_n3A_2275, %select_n3A_2274 : vector<256x128xi1>, vector<256x128xi32>
    %select_n3A_2318 = arith.select %and3A_2292, %select_n3A_2278, %select_n3A_2275 : vector<256x128xi1>, vector<256x128xi32>
    %jit3A_2319 = arith.constant 2147483647 : i32
    %broadcast_in_dim3A_2320 = vector.broadcast %jit3A_2319 : i32 to vector<256x128xi32>
    %select_n3A_2321 = arith.select %and3A_2292, %broadcast_in_dim3A_2320, %select_n3A_2278 : vector<256x128xi1>, vector<256x128xi32>
    %reduce_min3A_2322 = arith.constant dense<2147483647> : vector<256xi32>
    %reduce_min3A_2323 = vector.multi_reduction <minsi>, %select_n3A_2317, %reduce_min3A_2322 [1] : vector<256x128xi32> to vector<256xi32>
    %broadcast_in_dim3A_2324 = vector.shape_cast %reduce_min3A_2323 : vector<256xi32> to vector<256x1xi32>
    %eq3A_2325 = vector.broadcast %broadcast_in_dim3A_2324 : vector<256x1xi32> to vector<256x128xi32>
    %eq3A_2326 = arith.cmpi eq, %select_n3A_2317, %eq3A_2325 : vector<256x128xi32>
    %jit3A_2327 = arith.constant 128 : i32
    %broadcast_in_dim3A_2328 = vector.broadcast %jit3A_2327 : i32 to vector<256x128xi32>
    %select_n3A_2329 = arith.select %eq3A_2326, %iota3A_26, %broadcast_in_dim3A_2328 : vector<256x128xi1>, vector<256x128xi32>
    %reduce_min3A_2330 = arith.constant dense<2147483647> : vector<256xi32>
    %reduce_min3A_2331 = vector.multi_reduction <minsi>, %select_n3A_2329, %reduce_min3A_2330 [1] : vector<256x128xi32> to vector<256xi32>
    %broadcast_in_dim3A_2332 = vector.shape_cast %reduce_min3A_2331 : vector<256xi32> to vector<256x1xi32>
    %eq3A_2333 = vector.broadcast %broadcast_in_dim3A_2332 : vector<256x1xi32> to vector<256x128xi32>
    %eq3A_2334 = arith.cmpi eq, %iota3A_26, %eq3A_2333 : vector<256x128xi32>
    %and3A_2335 = arith.andi %eq3A_2326, %eq3A_2334 : vector<256x128xi1>
    %and3A_2336 = arith.constant 63 : i32
    %and3A_2337 = vector.broadcast %and3A_2336 : i32 to vector<256x1xi32>
    %and3A_2338 = arith.andi %broadcast_in_dim3A_2324, %and3A_2337 : vector<256x1xi32>
    %mul3A_2339 = arith.constant 128 : i32
    %mul3A_2340 = vector.broadcast %mul3A_2339 : i32 to vector<256x1xi32>
    %mul3A_2341 = arith.muli %and3A_2338, %mul3A_2340 : vector<256x1xi32>
    %add3A_2342 = arith.addi %mul3A_2341, %broadcast_in_dim3A_2332 : vector<256x1xi32>
    %and3A_2343 = arith.constant -64 : i32
    %and3A_2344 = vector.broadcast %and3A_2343 : i32 to vector<256x1xi32>
    %and3A_2345 = arith.andi %broadcast_in_dim3A_2324, %and3A_2344 : vector<256x1xi32>
    %bitcast_convert_type3A_2346 = tpu.bitcast %and3A_2345 : vector<256x1xi32> -> vector<256x1xf32>
    %lt3A_2347 = arith.constant 1.000000e+30 : f32
    %lt3A_2348 = vector.broadcast %lt3A_2347 : f32 to vector<256x1xf32>
    %lt3A_2349 = arith.cmpf olt, %bitcast_convert_type3A_2346, %lt3A_2348 : vector<256x1xf32>
    %neg3A_2350 = arith.constant 0.000000e+00 : f32
    %neg3A_2351 = vector.broadcast %neg3A_2350 : f32 to vector<256x1xf32>
    %neg3A_2352 = arith.subf %neg3A_2351, %bitcast_convert_type3A_2346 : vector<256x1xf32>
    %mul3A_2353 = arith.constant 2.500000e-01 : f32
    %mul3A_2354 = vector.broadcast %mul3A_2353 : f32 to vector<256x1xf32>
    %mul3A_2355 = arith.mulf %neg3A_2352, %mul3A_2354 : vector<256x1xf32>
    %exp3A_2356 = math.exp %mul3A_2355 : vector<256x1xf32>
    %jit3A_2357 = arith.constant 0.000000e+00 : f32
    %broadcast_in_dim3A_2358 = vector.broadcast %jit3A_2357 : f32 to vector<256x1xf32>
    %select_n3A_2359 = arith.select %lt3A_2349, %exp3A_2356, %broadcast_in_dim3A_2358 : vector<256x1xi1>, vector<256x1xf32>
    %select_n3A_2360 = arith.select %and3A_2335, %select_n3A_2318, %select_n3A_2317 : vector<256x128xi1>, vector<256x128xi32>
    %select_n3A_2361 = arith.select %and3A_2335, %select_n3A_2321, %select_n3A_2318 : vector<256x128xi1>, vector<256x128xi32>
    %jit3A_2362 = arith.constant 2147483647 : i32
    %broadcast_in_dim3A_2363 = vector.broadcast %jit3A_2362 : i32 to vector<256x128xi32>
    %select_n3A_2364 = arith.select %and3A_2335, %broadcast_in_dim3A_2363, %select_n3A_2321 : vector<256x128xi1>, vector<256x128xi32>
    %reduce_min3A_2365 = arith.constant dense<2147483647> : vector<256xi32>
    %reduce_min3A_2366 = vector.multi_reduction <minsi>, %select_n3A_2360, %reduce_min3A_2365 [1] : vector<256x128xi32> to vector<256xi32>
    %broadcast_in_dim3A_2367 = vector.shape_cast %reduce_min3A_2366 : vector<256xi32> to vector<256x1xi32>
    %eq3A_2368 = vector.broadcast %broadcast_in_dim3A_2367 : vector<256x1xi32> to vector<256x128xi32>
    %eq3A_2369 = arith.cmpi eq, %select_n3A_2360, %eq3A_2368 : vector<256x128xi32>
    %jit3A_2370 = arith.constant 128 : i32
    %broadcast_in_dim3A_2371 = vector.broadcast %jit3A_2370 : i32 to vector<256x128xi32>
    %select_n3A_2372 = arith.select %eq3A_2369, %iota3A_26, %broadcast_in_dim3A_2371 : vector<256x128xi1>, vector<256x128xi32>
    %reduce_min3A_2373 = arith.constant dense<2147483647> : vector<256xi32>
    %reduce_min3A_2374 = vector.multi_reduction <minsi>, %select_n3A_2372, %reduce_min3A_2373 [1] : vector<256x128xi32> to vector<256xi32>
    %broadcast_in_dim3A_2375 = vector.shape_cast %reduce_min3A_2374 : vector<256xi32> to vector<256x1xi32>
    %eq3A_2376 = vector.broadcast %broadcast_in_dim3A_2375 : vector<256x1xi32> to vector<256x128xi32>
    %eq3A_2377 = arith.cmpi eq, %iota3A_26, %eq3A_2376 : vector<256x128xi32>
    %and3A_2378 = arith.andi %eq3A_2369, %eq3A_2377 : vector<256x128xi1>
    %and3A_2379 = arith.constant 63 : i32
    %and3A_2380 = vector.broadcast %and3A_2379 : i32 to vector<256x1xi32>
    %and3A_2381 = arith.andi %broadcast_in_dim3A_2367, %and3A_2380 : vector<256x1xi32>
    %mul3A_2382 = arith.constant 128 : i32
    %mul3A_2383 = vector.broadcast %mul3A_2382 : i32 to vector<256x1xi32>
    %mul3A_2384 = arith.muli %and3A_2381, %mul3A_2383 : vector<256x1xi32>
    %add3A_2385 = arith.addi %mul3A_2384, %broadcast_in_dim3A_2375 : vector<256x1xi32>
    %and3A_2386 = arith.constant -64 : i32
    %and3A_2387 = vector.broadcast %and3A_2386 : i32 to vector<256x1xi32>
    %and3A_2388 = arith.andi %broadcast_in_dim3A_2367, %and3A_2387 : vector<256x1xi32>
    %bitcast_convert_type3A_2389 = tpu.bitcast %and3A_2388 : vector<256x1xi32> -> vector<256x1xf32>
    %lt3A_2390 = arith.constant 1.000000e+30 : f32
    %lt3A_2391 = vector.broadcast %lt3A_2390 : f32 to vector<256x1xf32>
    %lt3A_2392 = arith.cmpf olt, %bitcast_convert_type3A_2389, %lt3A_2391 : vector<256x1xf32>
    %neg3A_2393 = arith.constant 0.000000e+00 : f32
    %neg3A_2394 = vector.broadcast %neg3A_2393 : f32 to vector<256x1xf32>
    %neg3A_2395 = arith.subf %neg3A_2394, %bitcast_convert_type3A_2389 : vector<256x1xf32>
    %mul3A_2396 = arith.constant 2.500000e-01 : f32
    %mul3A_2397 = vector.broadcast %mul3A_2396 : f32 to vector<256x1xf32>
    %mul3A_2398 = arith.mulf %neg3A_2395, %mul3A_2397 : vector<256x1xf32>
    %exp3A_2399 = math.exp %mul3A_2398 : vector<256x1xf32>
    %jit3A_2400 = arith.constant 0.000000e+00 : f32
    %broadcast_in_dim3A_2401 = vector.broadcast %jit3A_2400 : f32 to vector<256x1xf32>
    %select_n3A_2402 = arith.select %lt3A_2392, %exp3A_2399, %broadcast_in_dim3A_2401 : vector<256x1xi1>, vector<256x1xf32>
    %select_n3A_2403 = arith.select %and3A_2378, %select_n3A_2361, %select_n3A_2360 : vector<256x128xi1>, vector<256x128xi32>
    %select_n3A_2404 = arith.select %and3A_2378, %select_n3A_2364, %select_n3A_2361 : vector<256x128xi1>, vector<256x128xi32>
    %jit3A_2405 = arith.constant 2147483647 : i32
    %broadcast_in_dim3A_2406 = vector.broadcast %jit3A_2405 : i32 to vector<256x128xi32>
    %select_n3A_2407 = arith.select %and3A_2378, %broadcast_in_dim3A_2406, %select_n3A_2364 : vector<256x128xi1>, vector<256x128xi32>
    %reduce_min3A_2408 = arith.constant dense<2147483647> : vector<256xi32>
    %reduce_min3A_2409 = vector.multi_reduction <minsi>, %select_n3A_2403, %reduce_min3A_2408 [1] : vector<256x128xi32> to vector<256xi32>
    %broadcast_in_dim3A_2410 = vector.shape_cast %reduce_min3A_2409 : vector<256xi32> to vector<256x1xi32>
    %eq3A_2411 = vector.broadcast %broadcast_in_dim3A_2410 : vector<256x1xi32> to vector<256x128xi32>
    %eq3A_2412 = arith.cmpi eq, %select_n3A_2403, %eq3A_2411 : vector<256x128xi32>
    %jit3A_2413 = arith.constant 128 : i32
    %broadcast_in_dim3A_2414 = vector.broadcast %jit3A_2413 : i32 to vector<256x128xi32>
    %select_n3A_2415 = arith.select %eq3A_2412, %iota3A_26, %broadcast_in_dim3A_2414 : vector<256x128xi1>, vector<256x128xi32>
    %reduce_min3A_2416 = arith.constant dense<2147483647> : vector<256xi32>
    %reduce_min3A_2417 = vector.multi_reduction <minsi>, %select_n3A_2415, %reduce_min3A_2416 [1] : vector<256x128xi32> to vector<256xi32>
    %broadcast_in_dim3A_2418 = vector.shape_cast %reduce_min3A_2417 : vector<256xi32> to vector<256x1xi32>
    %eq3A_2419 = vector.broadcast %broadcast_in_dim3A_2418 : vector<256x1xi32> to vector<256x128xi32>
    %eq3A_2420 = arith.cmpi eq, %iota3A_26, %eq3A_2419 : vector<256x128xi32>
    %and3A_2421 = arith.andi %eq3A_2412, %eq3A_2420 : vector<256x128xi1>
    %and3A_2422 = arith.constant 63 : i32
    %and3A_2423 = vector.broadcast %and3A_2422 : i32 to vector<256x1xi32>
    %and3A_2424 = arith.andi %broadcast_in_dim3A_2410, %and3A_2423 : vector<256x1xi32>
    %mul3A_2425 = arith.constant 128 : i32
    %mul3A_2426 = vector.broadcast %mul3A_2425 : i32 to vector<256x1xi32>
    %mul3A_2427 = arith.muli %and3A_2424, %mul3A_2426 : vector<256x1xi32>
    %add3A_2428 = arith.addi %mul3A_2427, %broadcast_in_dim3A_2418 : vector<256x1xi32>
    %and3A_2429 = arith.constant -64 : i32
    %and3A_2430 = vector.broadcast %and3A_2429 : i32 to vector<256x1xi32>
    %and3A_2431 = arith.andi %broadcast_in_dim3A_2410, %and3A_2430 : vector<256x1xi32>
    %bitcast_convert_type3A_2432 = tpu.bitcast %and3A_2431 : vector<256x1xi32> -> vector<256x1xf32>
    %lt3A_2433 = arith.constant 1.000000e+30 : f32
    %lt3A_2434 = vector.broadcast %lt3A_2433 : f32 to vector<256x1xf32>
    %lt3A_2435 = arith.cmpf olt, %bitcast_convert_type3A_2432, %lt3A_2434 : vector<256x1xf32>
    %neg3A_2436 = arith.constant 0.000000e+00 : f32
    %neg3A_2437 = vector.broadcast %neg3A_2436 : f32 to vector<256x1xf32>
    %neg3A_2438 = arith.subf %neg3A_2437, %bitcast_convert_type3A_2432 : vector<256x1xf32>
    %mul3A_2439 = arith.constant 2.500000e-01 : f32
    %mul3A_2440 = vector.broadcast %mul3A_2439 : f32 to vector<256x1xf32>
    %mul3A_2441 = arith.mulf %neg3A_2438, %mul3A_2440 : vector<256x1xf32>
    %exp3A_2442 = math.exp %mul3A_2441 : vector<256x1xf32>
    %jit3A_2443 = arith.constant 0.000000e+00 : f32
    %broadcast_in_dim3A_2444 = vector.broadcast %jit3A_2443 : f32 to vector<256x1xf32>
    %select_n3A_2445 = arith.select %lt3A_2435, %exp3A_2442, %broadcast_in_dim3A_2444 : vector<256x1xi1>, vector<256x1xf32>
    %select_n3A_2446 = arith.select %and3A_2421, %select_n3A_2404, %select_n3A_2403 : vector<256x128xi1>, vector<256x128xi32>
    %select_n3A_2447 = arith.select %and3A_2421, %select_n3A_2407, %select_n3A_2404 : vector<256x128xi1>, vector<256x128xi32>
    %jit3A_2448 = arith.constant 2147483647 : i32
    %broadcast_in_dim3A_2449 = vector.broadcast %jit3A_2448 : i32 to vector<256x128xi32>
    %select_n3A_2450 = arith.select %and3A_2421, %broadcast_in_dim3A_2449, %select_n3A_2407 : vector<256x128xi1>, vector<256x128xi32>
    %reduce_min3A_2451 = arith.constant dense<2147483647> : vector<256xi32>
    %reduce_min3A_2452 = vector.multi_reduction <minsi>, %select_n3A_2446, %reduce_min3A_2451 [1] : vector<256x128xi32> to vector<256xi32>
    %broadcast_in_dim3A_2453 = vector.shape_cast %reduce_min3A_2452 : vector<256xi32> to vector<256x1xi32>
    %eq3A_2454 = vector.broadcast %broadcast_in_dim3A_2453 : vector<256x1xi32> to vector<256x128xi32>
    %eq3A_2455 = arith.cmpi eq, %select_n3A_2446, %eq3A_2454 : vector<256x128xi32>
    %jit3A_2456 = arith.constant 128 : i32
    %broadcast_in_dim3A_2457 = vector.broadcast %jit3A_2456 : i32 to vector<256x128xi32>
    %select_n3A_2458 = arith.select %eq3A_2455, %iota3A_26, %broadcast_in_dim3A_2457 : vector<256x128xi1>, vector<256x128xi32>
    %reduce_min3A_2459 = arith.constant dense<2147483647> : vector<256xi32>
    %reduce_min3A_2460 = vector.multi_reduction <minsi>, %select_n3A_2458, %reduce_min3A_2459 [1] : vector<256x128xi32> to vector<256xi32>
    %broadcast_in_dim3A_2461 = vector.shape_cast %reduce_min3A_2460 : vector<256xi32> to vector<256x1xi32>
    %eq3A_2462 = vector.broadcast %broadcast_in_dim3A_2461 : vector<256x1xi32> to vector<256x128xi32>
    %eq3A_2463 = arith.cmpi eq, %iota3A_26, %eq3A_2462 : vector<256x128xi32>
    %and3A_2464 = arith.andi %eq3A_2455, %eq3A_2463 : vector<256x128xi1>
    %and3A_2465 = arith.constant 63 : i32
    %and3A_2466 = vector.broadcast %and3A_2465 : i32 to vector<256x1xi32>
    %and3A_2467 = arith.andi %broadcast_in_dim3A_2453, %and3A_2466 : vector<256x1xi32>
    %mul3A_2468 = arith.constant 128 : i32
    %mul3A_2469 = vector.broadcast %mul3A_2468 : i32 to vector<256x1xi32>
    %mul3A_2470 = arith.muli %and3A_2467, %mul3A_2469 : vector<256x1xi32>
    %add3A_2471 = arith.addi %mul3A_2470, %broadcast_in_dim3A_2461 : vector<256x1xi32>
    %and3A_2472 = arith.constant -64 : i32
    %and3A_2473 = vector.broadcast %and3A_2472 : i32 to vector<256x1xi32>
    %and3A_2474 = arith.andi %broadcast_in_dim3A_2453, %and3A_2473 : vector<256x1xi32>
    %bitcast_convert_type3A_2475 = tpu.bitcast %and3A_2474 : vector<256x1xi32> -> vector<256x1xf32>
    %lt3A_2476 = arith.constant 1.000000e+30 : f32
    %lt3A_2477 = vector.broadcast %lt3A_2476 : f32 to vector<256x1xf32>
    %lt3A_2478 = arith.cmpf olt, %bitcast_convert_type3A_2475, %lt3A_2477 : vector<256x1xf32>
    %neg3A_2479 = arith.constant 0.000000e+00 : f32
    %neg3A_2480 = vector.broadcast %neg3A_2479 : f32 to vector<256x1xf32>
    %neg3A_2481 = arith.subf %neg3A_2480, %bitcast_convert_type3A_2475 : vector<256x1xf32>
    %mul3A_2482 = arith.constant 2.500000e-01 : f32
    %mul3A_2483 = vector.broadcast %mul3A_2482 : f32 to vector<256x1xf32>
    %mul3A_2484 = arith.mulf %neg3A_2481, %mul3A_2483 : vector<256x1xf32>
    %exp3A_2485 = math.exp %mul3A_2484 : vector<256x1xf32>
    %jit3A_2486 = arith.constant 0.000000e+00 : f32
    %broadcast_in_dim3A_2487 = vector.broadcast %jit3A_2486 : f32 to vector<256x1xf32>
    %select_n3A_2488 = arith.select %lt3A_2478, %exp3A_2485, %broadcast_in_dim3A_2487 : vector<256x1xi1>, vector<256x1xf32>
    %select_n3A_2489 = arith.select %and3A_2464, %select_n3A_2447, %select_n3A_2446 : vector<256x128xi1>, vector<256x128xi32>
    %select_n3A_2490 = arith.select %and3A_2464, %select_n3A_2450, %select_n3A_2447 : vector<256x128xi1>, vector<256x128xi32>
    %jit3A_2491 = arith.constant 2147483647 : i32
    %broadcast_in_dim3A_2492 = vector.broadcast %jit3A_2491 : i32 to vector<256x128xi32>
    %select_n3A_2493 = arith.select %and3A_2464, %broadcast_in_dim3A_2492, %select_n3A_2450 : vector<256x128xi1>, vector<256x128xi32>
    %reduce_min3A_2494 = arith.constant dense<2147483647> : vector<256xi32>
    %reduce_min3A_2495 = vector.multi_reduction <minsi>, %select_n3A_2489, %reduce_min3A_2494 [1] : vector<256x128xi32> to vector<256xi32>
    %broadcast_in_dim3A_2496 = vector.shape_cast %reduce_min3A_2495 : vector<256xi32> to vector<256x1xi32>
    %eq3A_2497 = vector.broadcast %broadcast_in_dim3A_2496 : vector<256x1xi32> to vector<256x128xi32>
    %eq3A_2498 = arith.cmpi eq, %select_n3A_2489, %eq3A_2497 : vector<256x128xi32>
    %jit3A_2499 = arith.constant 128 : i32
    %broadcast_in_dim3A_2500 = vector.broadcast %jit3A_2499 : i32 to vector<256x128xi32>
    %select_n3A_2501 = arith.select %eq3A_2498, %iota3A_26, %broadcast_in_dim3A_2500 : vector<256x128xi1>, vector<256x128xi32>
    %reduce_min3A_2502 = arith.constant dense<2147483647> : vector<256xi32>
    %reduce_min3A_2503 = vector.multi_reduction <minsi>, %select_n3A_2501, %reduce_min3A_2502 [1] : vector<256x128xi32> to vector<256xi32>
    %broadcast_in_dim3A_2504 = vector.shape_cast %reduce_min3A_2503 : vector<256xi32> to vector<256x1xi32>
    %eq3A_2505 = vector.broadcast %broadcast_in_dim3A_2504 : vector<256x1xi32> to vector<256x128xi32>
    %eq3A_2506 = arith.cmpi eq, %iota3A_26, %eq3A_2505 : vector<256x128xi32>
    %and3A_2507 = arith.andi %eq3A_2498, %eq3A_2506 : vector<256x128xi1>
    %and3A_2508 = arith.constant 63 : i32
    %and3A_2509 = vector.broadcast %and3A_2508 : i32 to vector<256x1xi32>
    %and3A_2510 = arith.andi %broadcast_in_dim3A_2496, %and3A_2509 : vector<256x1xi32>
    %mul3A_2511 = arith.constant 128 : i32
    %mul3A_2512 = vector.broadcast %mul3A_2511 : i32 to vector<256x1xi32>
    %mul3A_2513 = arith.muli %and3A_2510, %mul3A_2512 : vector<256x1xi32>
    %add3A_2514 = arith.addi %mul3A_2513, %broadcast_in_dim3A_2504 : vector<256x1xi32>
    %and3A_2515 = arith.constant -64 : i32
    %and3A_2516 = vector.broadcast %and3A_2515 : i32 to vector<256x1xi32>
    %and3A_2517 = arith.andi %broadcast_in_dim3A_2496, %and3A_2516 : vector<256x1xi32>
    %bitcast_convert_type3A_2518 = tpu.bitcast %and3A_2517 : vector<256x1xi32> -> vector<256x1xf32>
    %lt3A_2519 = arith.constant 1.000000e+30 : f32
    %lt3A_2520 = vector.broadcast %lt3A_2519 : f32 to vector<256x1xf32>
    %lt3A_2521 = arith.cmpf olt, %bitcast_convert_type3A_2518, %lt3A_2520 : vector<256x1xf32>
    %neg3A_2522 = arith.constant 0.000000e+00 : f32
    %neg3A_2523 = vector.broadcast %neg3A_2522 : f32 to vector<256x1xf32>
    %neg3A_2524 = arith.subf %neg3A_2523, %bitcast_convert_type3A_2518 : vector<256x1xf32>
    %mul3A_2525 = arith.constant 2.500000e-01 : f32
    %mul3A_2526 = vector.broadcast %mul3A_2525 : f32 to vector<256x1xf32>
    %mul3A_2527 = arith.mulf %neg3A_2524, %mul3A_2526 : vector<256x1xf32>
    %exp3A_2528 = math.exp %mul3A_2527 : vector<256x1xf32>
    %jit3A_2529 = arith.constant 0.000000e+00 : f32
    %broadcast_in_dim3A_2530 = vector.broadcast %jit3A_2529 : f32 to vector<256x1xf32>
    %select_n3A_2531 = arith.select %lt3A_2521, %exp3A_2528, %broadcast_in_dim3A_2530 : vector<256x1xi1>, vector<256x1xf32>
    %select_n3A_2532 = arith.select %and3A_2507, %select_n3A_2490, %select_n3A_2489 : vector<256x128xi1>, vector<256x128xi32>
    %select_n3A_2533 = arith.select %and3A_2507, %select_n3A_2493, %select_n3A_2490 : vector<256x128xi1>, vector<256x128xi32>
    %jit3A_2534 = arith.constant 2147483647 : i32
    %broadcast_in_dim3A_2535 = vector.broadcast %jit3A_2534 : i32 to vector<256x128xi32>
    %select_n3A_2536 = arith.select %and3A_2507, %broadcast_in_dim3A_2535, %select_n3A_2493 : vector<256x128xi1>, vector<256x128xi32>
    %reduce_min3A_2537 = arith.constant dense<2147483647> : vector<256xi32>
    %reduce_min3A_2538 = vector.multi_reduction <minsi>, %select_n3A_2532, %reduce_min3A_2537 [1] : vector<256x128xi32> to vector<256xi32>
    %broadcast_in_dim3A_2539 = vector.shape_cast %reduce_min3A_2538 : vector<256xi32> to vector<256x1xi32>
    %eq3A_2540 = vector.broadcast %broadcast_in_dim3A_2539 : vector<256x1xi32> to vector<256x128xi32>
    %eq3A_2541 = arith.cmpi eq, %select_n3A_2532, %eq3A_2540 : vector<256x128xi32>
    %jit3A_2542 = arith.constant 128 : i32
    %broadcast_in_dim3A_2543 = vector.broadcast %jit3A_2542 : i32 to vector<256x128xi32>
    %select_n3A_2544 = arith.select %eq3A_2541, %iota3A_26, %broadcast_in_dim3A_2543 : vector<256x128xi1>, vector<256x128xi32>
    %reduce_min3A_2545 = arith.constant dense<2147483647> : vector<256xi32>
    %reduce_min3A_2546 = vector.multi_reduction <minsi>, %select_n3A_2544, %reduce_min3A_2545 [1] : vector<256x128xi32> to vector<256xi32>
    %broadcast_in_dim3A_2547 = vector.shape_cast %reduce_min3A_2546 : vector<256xi32> to vector<256x1xi32>
    %eq3A_2548 = vector.broadcast %broadcast_in_dim3A_2547 : vector<256x1xi32> to vector<256x128xi32>
    %eq3A_2549 = arith.cmpi eq, %iota3A_26, %eq3A_2548 : vector<256x128xi32>
    %and3A_2550 = arith.andi %eq3A_2541, %eq3A_2549 : vector<256x128xi1>
    %and3A_2551 = arith.constant 63 : i32
    %and3A_2552 = vector.broadcast %and3A_2551 : i32 to vector<256x1xi32>
    %and3A_2553 = arith.andi %broadcast_in_dim3A_2539, %and3A_2552 : vector<256x1xi32>
    %mul3A_2554 = arith.constant 128 : i32
    %mul3A_2555 = vector.broadcast %mul3A_2554 : i32 to vector<256x1xi32>
    %mul3A_2556 = arith.muli %and3A_2553, %mul3A_2555 : vector<256x1xi32>
    %add3A_2557 = arith.addi %mul3A_2556, %broadcast_in_dim3A_2547 : vector<256x1xi32>
    %and3A_2558 = arith.constant -64 : i32
    %and3A_2559 = vector.broadcast %and3A_2558 : i32 to vector<256x1xi32>
    %and3A_2560 = arith.andi %broadcast_in_dim3A_2539, %and3A_2559 : vector<256x1xi32>
    %bitcast_convert_type3A_2561 = tpu.bitcast %and3A_2560 : vector<256x1xi32> -> vector<256x1xf32>
    %lt3A_2562 = arith.constant 1.000000e+30 : f32
    %lt3A_2563 = vector.broadcast %lt3A_2562 : f32 to vector<256x1xf32>
    %lt3A_2564 = arith.cmpf olt, %bitcast_convert_type3A_2561, %lt3A_2563 : vector<256x1xf32>
    %neg3A_2565 = arith.constant 0.000000e+00 : f32
    %neg3A_2566 = vector.broadcast %neg3A_2565 : f32 to vector<256x1xf32>
    %neg3A_2567 = arith.subf %neg3A_2566, %bitcast_convert_type3A_2561 : vector<256x1xf32>
    %mul3A_2568 = arith.constant 2.500000e-01 : f32
    %mul3A_2569 = vector.broadcast %mul3A_2568 : f32 to vector<256x1xf32>
    %mul3A_2570 = arith.mulf %neg3A_2567, %mul3A_2569 : vector<256x1xf32>
    %exp3A_2571 = math.exp %mul3A_2570 : vector<256x1xf32>
    %jit3A_2572 = arith.constant 0.000000e+00 : f32
    %broadcast_in_dim3A_2573 = vector.broadcast %jit3A_2572 : f32 to vector<256x1xf32>
    %select_n3A_2574 = arith.select %lt3A_2564, %exp3A_2571, %broadcast_in_dim3A_2573 : vector<256x1xi1>, vector<256x1xf32>
    %select_n3A_2575 = arith.select %and3A_2550, %select_n3A_2533, %select_n3A_2532 : vector<256x128xi1>, vector<256x128xi32>
    %select_n3A_2576 = arith.select %and3A_2550, %select_n3A_2536, %select_n3A_2533 : vector<256x128xi1>, vector<256x128xi32>
    %jit3A_2577 = arith.constant 2147483647 : i32
    %broadcast_in_dim3A_2578 = vector.broadcast %jit3A_2577 : i32 to vector<256x128xi32>
    %select_n3A_2579 = arith.select %and3A_2550, %broadcast_in_dim3A_2578, %select_n3A_2536 : vector<256x128xi1>, vector<256x128xi32>
    %reduce_min3A_2580 = arith.constant dense<2147483647> : vector<256xi32>
    %reduce_min3A_2581 = vector.multi_reduction <minsi>, %select_n3A_2575, %reduce_min3A_2580 [1] : vector<256x128xi32> to vector<256xi32>
    %broadcast_in_dim3A_2582 = vector.shape_cast %reduce_min3A_2581 : vector<256xi32> to vector<256x1xi32>
    %eq3A_2583 = vector.broadcast %broadcast_in_dim3A_2582 : vector<256x1xi32> to vector<256x128xi32>
    %eq3A_2584 = arith.cmpi eq, %select_n3A_2575, %eq3A_2583 : vector<256x128xi32>
    %jit3A_2585 = arith.constant 128 : i32
    %broadcast_in_dim3A_2586 = vector.broadcast %jit3A_2585 : i32 to vector<256x128xi32>
    %select_n3A_2587 = arith.select %eq3A_2584, %iota3A_26, %broadcast_in_dim3A_2586 : vector<256x128xi1>, vector<256x128xi32>
    %reduce_min3A_2588 = arith.constant dense<2147483647> : vector<256xi32>
    %reduce_min3A_2589 = vector.multi_reduction <minsi>, %select_n3A_2587, %reduce_min3A_2588 [1] : vector<256x128xi32> to vector<256xi32>
    %broadcast_in_dim3A_2590 = vector.shape_cast %reduce_min3A_2589 : vector<256xi32> to vector<256x1xi32>
    %eq3A_2591 = vector.broadcast %broadcast_in_dim3A_2590 : vector<256x1xi32> to vector<256x128xi32>
    %eq3A_2592 = arith.cmpi eq, %iota3A_26, %eq3A_2591 : vector<256x128xi32>
    %and3A_2593 = arith.andi %eq3A_2584, %eq3A_2592 : vector<256x128xi1>
    %and3A_2594 = arith.constant 63 : i32
    %and3A_2595 = vector.broadcast %and3A_2594 : i32 to vector<256x1xi32>
    %and3A_2596 = arith.andi %broadcast_in_dim3A_2582, %and3A_2595 : vector<256x1xi32>
    %mul3A_2597 = arith.constant 128 : i32
    %mul3A_2598 = vector.broadcast %mul3A_2597 : i32 to vector<256x1xi32>
    %mul3A_2599 = arith.muli %and3A_2596, %mul3A_2598 : vector<256x1xi32>
    %add3A_2600 = arith.addi %mul3A_2599, %broadcast_in_dim3A_2590 : vector<256x1xi32>
    %and3A_2601 = arith.constant -64 : i32
    %and3A_2602 = vector.broadcast %and3A_2601 : i32 to vector<256x1xi32>
    %and3A_2603 = arith.andi %broadcast_in_dim3A_2582, %and3A_2602 : vector<256x1xi32>
    %bitcast_convert_type3A_2604 = tpu.bitcast %and3A_2603 : vector<256x1xi32> -> vector<256x1xf32>
    %lt3A_2605 = arith.constant 1.000000e+30 : f32
    %lt3A_2606 = vector.broadcast %lt3A_2605 : f32 to vector<256x1xf32>
    %lt3A_2607 = arith.cmpf olt, %bitcast_convert_type3A_2604, %lt3A_2606 : vector<256x1xf32>
    %neg3A_2608 = arith.constant 0.000000e+00 : f32
    %neg3A_2609 = vector.broadcast %neg3A_2608 : f32 to vector<256x1xf32>
    %neg3A_2610 = arith.subf %neg3A_2609, %bitcast_convert_type3A_2604 : vector<256x1xf32>
    %mul3A_2611 = arith.constant 2.500000e-01 : f32
    %mul3A_2612 = vector.broadcast %mul3A_2611 : f32 to vector<256x1xf32>
    %mul3A_2613 = arith.mulf %neg3A_2610, %mul3A_2612 : vector<256x1xf32>
    %exp3A_2614 = math.exp %mul3A_2613 : vector<256x1xf32>
    %jit3A_2615 = arith.constant 0.000000e+00 : f32
    %broadcast_in_dim3A_2616 = vector.broadcast %jit3A_2615 : f32 to vector<256x1xf32>
    %select_n3A_2617 = arith.select %lt3A_2607, %exp3A_2614, %broadcast_in_dim3A_2616 : vector<256x1xi1>, vector<256x1xf32>
    %select_n3A_2618 = arith.select %and3A_2593, %select_n3A_2576, %select_n3A_2575 : vector<256x128xi1>, vector<256x128xi32>
    %select_n3A_2619 = arith.select %and3A_2593, %select_n3A_2579, %select_n3A_2576 : vector<256x128xi1>, vector<256x128xi32>
    %jit3A_2620 = arith.constant 2147483647 : i32
    %broadcast_in_dim3A_2621 = vector.broadcast %jit3A_2620 : i32 to vector<256x128xi32>
    %select_n3A_2622 = arith.select %and3A_2593, %broadcast_in_dim3A_2621, %select_n3A_2579 : vector<256x128xi1>, vector<256x128xi32>
    %reduce_min3A_2623 = arith.constant dense<2147483647> : vector<256xi32>
    %reduce_min3A_2624 = vector.multi_reduction <minsi>, %select_n3A_2618, %reduce_min3A_2623 [1] : vector<256x128xi32> to vector<256xi32>
    %broadcast_in_dim3A_2625 = vector.shape_cast %reduce_min3A_2624 : vector<256xi32> to vector<256x1xi32>
    %eq3A_2626 = vector.broadcast %broadcast_in_dim3A_2625 : vector<256x1xi32> to vector<256x128xi32>
    %eq3A_2627 = arith.cmpi eq, %select_n3A_2618, %eq3A_2626 : vector<256x128xi32>
    %jit3A_2628 = arith.constant 128 : i32
    %broadcast_in_dim3A_2629 = vector.broadcast %jit3A_2628 : i32 to vector<256x128xi32>
    %select_n3A_2630 = arith.select %eq3A_2627, %iota3A_26, %broadcast_in_dim3A_2629 : vector<256x128xi1>, vector<256x128xi32>
    %reduce_min3A_2631 = arith.constant dense<2147483647> : vector<256xi32>
    %reduce_min3A_2632 = vector.multi_reduction <minsi>, %select_n3A_2630, %reduce_min3A_2631 [1] : vector<256x128xi32> to vector<256xi32>
    %broadcast_in_dim3A_2633 = vector.shape_cast %reduce_min3A_2632 : vector<256xi32> to vector<256x1xi32>
    %eq3A_2634 = vector.broadcast %broadcast_in_dim3A_2633 : vector<256x1xi32> to vector<256x128xi32>
    %eq3A_2635 = arith.cmpi eq, %iota3A_26, %eq3A_2634 : vector<256x128xi32>
    %and3A_2636 = arith.andi %eq3A_2627, %eq3A_2635 : vector<256x128xi1>
    %and3A_2637 = arith.constant 63 : i32
    %and3A_2638 = vector.broadcast %and3A_2637 : i32 to vector<256x1xi32>
    %and3A_2639 = arith.andi %broadcast_in_dim3A_2625, %and3A_2638 : vector<256x1xi32>
    %mul3A_2640 = arith.constant 128 : i32
    %mul3A_2641 = vector.broadcast %mul3A_2640 : i32 to vector<256x1xi32>
    %mul3A_2642 = arith.muli %and3A_2639, %mul3A_2641 : vector<256x1xi32>
    %add3A_2643 = arith.addi %mul3A_2642, %broadcast_in_dim3A_2633 : vector<256x1xi32>
    %and3A_2644 = arith.constant -64 : i32
    %and3A_2645 = vector.broadcast %and3A_2644 : i32 to vector<256x1xi32>
    %and3A_2646 = arith.andi %broadcast_in_dim3A_2625, %and3A_2645 : vector<256x1xi32>
    %bitcast_convert_type3A_2647 = tpu.bitcast %and3A_2646 : vector<256x1xi32> -> vector<256x1xf32>
    %lt3A_2648 = arith.constant 1.000000e+30 : f32
    %lt3A_2649 = vector.broadcast %lt3A_2648 : f32 to vector<256x1xf32>
    %lt3A_2650 = arith.cmpf olt, %bitcast_convert_type3A_2647, %lt3A_2649 : vector<256x1xf32>
    %neg3A_2651 = arith.constant 0.000000e+00 : f32
    %neg3A_2652 = vector.broadcast %neg3A_2651 : f32 to vector<256x1xf32>
    %neg3A_2653 = arith.subf %neg3A_2652, %bitcast_convert_type3A_2647 : vector<256x1xf32>
    %mul3A_2654 = arith.constant 2.500000e-01 : f32
    %mul3A_2655 = vector.broadcast %mul3A_2654 : f32 to vector<256x1xf32>
    %mul3A_2656 = arith.mulf %neg3A_2653, %mul3A_2655 : vector<256x1xf32>
    %exp3A_2657 = math.exp %mul3A_2656 : vector<256x1xf32>
    %jit3A_2658 = arith.constant 0.000000e+00 : f32
    %broadcast_in_dim3A_2659 = vector.broadcast %jit3A_2658 : f32 to vector<256x1xf32>
    %select_n3A_2660 = arith.select %lt3A_2650, %exp3A_2657, %broadcast_in_dim3A_2659 : vector<256x1xi1>, vector<256x1xf32>
    %select_n3A_2661 = arith.select %and3A_2636, %select_n3A_2619, %select_n3A_2618 : vector<256x128xi1>, vector<256x128xi32>
    %select_n3A_2662 = arith.select %and3A_2636, %select_n3A_2622, %select_n3A_2619 : vector<256x128xi1>, vector<256x128xi32>
    %reduce_min3A_2663 = arith.constant dense<2147483647> : vector<256xi32>
    %reduce_min3A_2664 = vector.multi_reduction <minsi>, %select_n3A_2661, %reduce_min3A_2663 [1] : vector<256x128xi32> to vector<256xi32>
    %broadcast_in_dim3A_2665 = vector.shape_cast %reduce_min3A_2664 : vector<256xi32> to vector<256x1xi32>
    %eq3A_2666 = vector.broadcast %broadcast_in_dim3A_2665 : vector<256x1xi32> to vector<256x128xi32>
    %eq3A_2667 = arith.cmpi eq, %select_n3A_2661, %eq3A_2666 : vector<256x128xi32>
    %jit3A_2668 = arith.constant 128 : i32
    %broadcast_in_dim3A_2669 = vector.broadcast %jit3A_2668 : i32 to vector<256x128xi32>
    %select_n3A_2670 = arith.select %eq3A_2667, %iota3A_26, %broadcast_in_dim3A_2669 : vector<256x128xi1>, vector<256x128xi32>
    %reduce_min3A_2671 = arith.constant dense<2147483647> : vector<256xi32>
    %reduce_min3A_2672 = vector.multi_reduction <minsi>, %select_n3A_2670, %reduce_min3A_2671 [1] : vector<256x128xi32> to vector<256xi32>
    %broadcast_in_dim3A_2673 = vector.shape_cast %reduce_min3A_2672 : vector<256xi32> to vector<256x1xi32>
    %eq3A_2674 = vector.broadcast %broadcast_in_dim3A_2673 : vector<256x1xi32> to vector<256x128xi32>
    %eq3A_2675 = arith.cmpi eq, %iota3A_26, %eq3A_2674 : vector<256x128xi32>
    %and3A_2676 = arith.andi %eq3A_2667, %eq3A_2675 : vector<256x128xi1>
    %and3A_2677 = arith.constant 63 : i32
    %and3A_2678 = vector.broadcast %and3A_2677 : i32 to vector<256x1xi32>
    %and3A_2679 = arith.andi %broadcast_in_dim3A_2665, %and3A_2678 : vector<256x1xi32>
    %mul3A_2680 = arith.constant 128 : i32
    %mul3A_2681 = vector.broadcast %mul3A_2680 : i32 to vector<256x1xi32>
    %mul3A_2682 = arith.muli %and3A_2679, %mul3A_2681 : vector<256x1xi32>
    %add3A_2683 = arith.addi %mul3A_2682, %broadcast_in_dim3A_2673 : vector<256x1xi32>
    %and3A_2684 = arith.constant -64 : i32
    %and3A_2685 = vector.broadcast %and3A_2684 : i32 to vector<256x1xi32>
    %and3A_2686 = arith.andi %broadcast_in_dim3A_2665, %and3A_2685 : vector<256x1xi32>
    %bitcast_convert_type3A_2687 = tpu.bitcast %and3A_2686 : vector<256x1xi32> -> vector<256x1xf32>
    %lt3A_2688 = arith.constant 1.000000e+30 : f32
    %lt3A_2689 = vector.broadcast %lt3A_2688 : f32 to vector<256x1xf32>
    %lt3A_2690 = arith.cmpf olt, %bitcast_convert_type3A_2687, %lt3A_2689 : vector<256x1xf32>
    %neg3A_2691 = arith.constant 0.000000e+00 : f32
    %neg3A_2692 = vector.broadcast %neg3A_2691 : f32 to vector<256x1xf32>
    %neg3A_2693 = arith.subf %neg3A_2692, %bitcast_convert_type3A_2687 : vector<256x1xf32>
    %mul3A_2694 = arith.constant 2.500000e-01 : f32
    %mul3A_2695 = vector.broadcast %mul3A_2694 : f32 to vector<256x1xf32>
    %mul3A_2696 = arith.mulf %neg3A_2693, %mul3A_2695 : vector<256x1xf32>
    %exp3A_2697 = math.exp %mul3A_2696 : vector<256x1xf32>
    %jit3A_2698 = arith.constant 0.000000e+00 : f32
    %broadcast_in_dim3A_2699 = vector.broadcast %jit3A_2698 : f32 to vector<256x1xf32>
    %select_n3A_2700 = arith.select %lt3A_2690, %exp3A_2697, %broadcast_in_dim3A_2699 : vector<256x1xi1>, vector<256x1xf32>
    %select_n3A_2701 = arith.select %and3A_2676, %select_n3A_2662, %select_n3A_2661 : vector<256x128xi1>, vector<256x128xi32>
    %reduce_min3A_2702 = arith.constant dense<2147483647> : vector<256xi32>
    %reduce_min3A_2703 = vector.multi_reduction <minsi>, %select_n3A_2701, %reduce_min3A_2702 [1] : vector<256x128xi32> to vector<256xi32>
    %broadcast_in_dim3A_2704 = vector.shape_cast %reduce_min3A_2703 : vector<256xi32> to vector<256x1xi32>
    %eq3A_2705 = vector.broadcast %broadcast_in_dim3A_2704 : vector<256x1xi32> to vector<256x128xi32>
    %eq3A_2706 = arith.cmpi eq, %select_n3A_2701, %eq3A_2705 : vector<256x128xi32>
    %jit3A_2707 = arith.constant 128 : i32
    %broadcast_in_dim3A_2708 = vector.broadcast %jit3A_2707 : i32 to vector<256x128xi32>
    %select_n3A_2709 = arith.select %eq3A_2706, %iota3A_26, %broadcast_in_dim3A_2708 : vector<256x128xi1>, vector<256x128xi32>
    %reduce_min3A_2710 = arith.constant dense<2147483647> : vector<256xi32>
    %reduce_min3A_2711 = vector.multi_reduction <minsi>, %select_n3A_2709, %reduce_min3A_2710 [1] : vector<256x128xi32> to vector<256xi32>
    %broadcast_in_dim3A_2712 = vector.shape_cast %reduce_min3A_2711 : vector<256xi32> to vector<256x1xi32>
    %and3A_2713 = arith.constant 63 : i32
    %and3A_2714 = vector.broadcast %and3A_2713 : i32 to vector<256x1xi32>
    %and3A_2715 = arith.andi %broadcast_in_dim3A_2704, %and3A_2714 : vector<256x1xi32>
    %mul3A_2716 = arith.constant 128 : i32
    %mul3A_2717 = vector.broadcast %mul3A_2716 : i32 to vector<256x1xi32>
    %mul3A_2718 = arith.muli %and3A_2715, %mul3A_2717 : vector<256x1xi32>
    %add3A_2719 = arith.addi %mul3A_2718, %broadcast_in_dim3A_2712 : vector<256x1xi32>
    %and3A_2720 = arith.constant -64 : i32
    %and3A_2721 = vector.broadcast %and3A_2720 : i32 to vector<256x1xi32>
    %and3A_2722 = arith.andi %broadcast_in_dim3A_2704, %and3A_2721 : vector<256x1xi32>
    %bitcast_convert_type3A_2723 = tpu.bitcast %and3A_2722 : vector<256x1xi32> -> vector<256x1xf32>
    %lt3A_2724 = arith.constant 1.000000e+30 : f32
    %lt3A_2725 = vector.broadcast %lt3A_2724 : f32 to vector<256x1xf32>
    %lt3A_2726 = arith.cmpf olt, %bitcast_convert_type3A_2723, %lt3A_2725 : vector<256x1xf32>
    %neg3A_2727 = arith.constant 0.000000e+00 : f32
    %neg3A_2728 = vector.broadcast %neg3A_2727 : f32 to vector<256x1xf32>
    %neg3A_2729 = arith.subf %neg3A_2728, %bitcast_convert_type3A_2723 : vector<256x1xf32>
    %mul3A_2730 = arith.constant 2.500000e-01 : f32
    %mul3A_2731 = vector.broadcast %mul3A_2730 : f32 to vector<256x1xf32>
    %mul3A_2732 = arith.mulf %neg3A_2729, %mul3A_2731 : vector<256x1xf32>
    %exp3A_2733 = math.exp %mul3A_2732 : vector<256x1xf32>
    %jit3A_2734 = arith.constant 0.000000e+00 : f32
    %broadcast_in_dim3A_2735 = vector.broadcast %jit3A_2734 : f32 to vector<256x1xf32>
    %select_n3A_2736 = arith.select %lt3A_2726, %exp3A_2733, %broadcast_in_dim3A_2735 : vector<256x1xi1>, vector<256x1xf32>
    %concatenate3A = tpu.concatenate %add3A_2087, %add3A_2127, %add3A_2170, %add3A_2213, %add3A_2256, %add3A_2299, %add3A_2342, %add3A_2385, %add3A_2428, %add3A_2471, %add3A_2514, %add3A_2557, %add3A_2600, %add3A_2643, %add3A_2683, %add3A_2719 in 1 : vector<256x1xi32>, vector<256x1xi32>, vector<256x1xi32>, vector<256x1xi32>, vector<256x1xi32>, vector<256x1xi32>, vector<256x1xi32>, vector<256x1xi32>, vector<256x1xi32>, vector<256x1xi32>, vector<256x1xi32>, vector<256x1xi32>, vector<256x1xi32>, vector<256x1xi32>, vector<256x1xi32>, vector<256x1xi32> -> vector<256x16xi32>
    %swap3A_2737 = arith.constant 0 : index
    %swap3A_2738 = arith.constant 0 : index
    %swap3A_2739 = vector.load %arg5[%swap3A_2737, %swap3A_2738] : memref<256x16xi32, #tpu.memory_space<vmem>>, vector<256x16xi32>
    tpu.vector_store %arg5[%swap3A_2737, %swap3A_2738], %concatenate3A {strides = array<i32>} : memref<256x16xi32, #tpu.memory_space<vmem>>, vector<256x16xi32>,
    %concatenate3A_2740 = tpu.concatenate %select_n3A_2101, %select_n3A_2144, %select_n3A_2187, %select_n3A_2230, %select_n3A_2273, %select_n3A_2316, %select_n3A_2359, %select_n3A_2402, %select_n3A_2445, %select_n3A_2488, %select_n3A_2531, %select_n3A_2574, %select_n3A_2617, %select_n3A_2660, %select_n3A_2700, %select_n3A_2736 in 1 : vector<256x1xf32>, vector<256x1xf32>, vector<256x1xf32>, vector<256x1xf32>, vector<256x1xf32>, vector<256x1xf32>, vector<256x1xf32>, vector<256x1xf32>, vector<256x1xf32>, vector<256x1xf32>, vector<256x1xf32>, vector<256x1xf32>, vector<256x1xf32>, vector<256x1xf32>, vector<256x1xf32>, vector<256x1xf32> -> vector<256x16xf32>
    %swap3A_2741 = arith.constant 0 : index
    %swap3A_2742 = arith.constant 0 : index
    %swap3A_2743 = vector.load %arg6[%swap3A_2741, %swap3A_2742] : memref<256x16xf32, #tpu.memory_space<vmem>>, vector<256x16xf32>
    tpu.vector_store %arg6[%swap3A_2741, %swap3A_2742], %concatenate3A_2740 {strides = array<i32>} : memref<256x16xf32, #tpu.memory_space<vmem>>, vector<256x16xf32>,
    return
  }
  func.func @transform_0(%arg0: i32) -> (i32, i32) {
    %c0_i32 = arith.constant 0 : i32
    %c0_i32_0 = arith.constant 0 : i32
    return %arg0, %c0_i32 : i32, i32
  }
  func.func @transform_1(%arg0: i32) -> (i32, i32) {
    %c0_i32 = arith.constant 0 : i32
    %c0_i32_0 = arith.constant 0 : i32
    %c0_i32_1 = arith.constant 0 : i32
    return %c0_i32, %c0_i32_0 : i32, i32
  }
  func.func @transform_2(%arg0: i32) -> (i32, i32) {
    %c0_i32 = arith.constant 0 : i32
    %c0_i32_0 = arith.constant 0 : i32
    return %arg0, %c0_i32 : i32, i32
  }
  func.func @transform_3(%arg0: i32) -> (i32, i32) {
    %c0_i32 = arith.constant 0 : i32
    %c0_i32_0 = arith.constant 0 : i32
    return %arg0, %c0_i32 : i32, i32
  }
  func.func @transform_4(%arg0: i32) -> (i32, i32) {
    %c0_i32 = arith.constant 0 : i32
    %c0_i32_0 = arith.constant 0 : i32
    return %arg0, %c0_i32 : i32, i32
  }
  func.func @transform_5(%arg0: i32) -> (i32, i32) {
    %c0_i32 = arith.constant 0 : i32
    %c0_i32_0 = arith.constant 0 : i32
    return %arg0, %c0_i32 : i32, i32
  }
}

</mosaic_0001>

<sc_bundles>
// kernel: kernel.4.cloned.1.call-start
scs
__scs_entry_jumppad:
0x0: {  	(pc) =	sbr.rel $0x88, $3  }
0x1: {  	(tag) =	ssettag $0x0;
	lr =	simm.s32 $0x1  }
0x2: {  	[smem:$0x3F9F] =	sst lr;
	_ =	strace $0xD0000000  }
0x3: {  	_ = 	snop  }
0x4: {  	_ = 	snop  }
0x5: {  	_ = 	snop  }
0x6: {  	_ = 	snop  }
0x7: {  	_ = 	snop  }
__scs_overlays_trampoline_lowered:
0x8: {  	[smem:$0x3FAE] =	sst s0  }
0x9: {  	[smem:$0x3FAF] =	sst s1  }
0xa: {  	[smem:$0x3FB0] =	sst s2  }
0xb: {  	[smem:$0x3FB1] =	sst s3  }
0xc: {  	[smem:$0x3FB2] =	sst s4  }
0xd: {  	[smem:$0x3FB3] =	sst s5  }
0xe: {  	[smem:$0x3FB4] =	sst s6  }
0xf: {  	[smem:$0x3FB5] =	sst s7  }
0x10: {  	[smem:$0x3FB6] =	sst s8  }
0x11: {  	[smem:$0x3FB7] =	sst s9;
	s0 =	simm.s32 @!p0 $0x0  }
0x12: {  	s1 =	sld [smem:$0x3F9D];
	s0 =	simm.s32 @p0 $0x1  }
0x13: {  	[smem:$0x3FB8] =	sst s0;
	s0 =	simm.s32 @!p1 $0x0  }
0x14: {  	s2 =	sld [smem:$0x3F9C];
	s0 =	simm.s32 @p1 $0x1  }
0x15: {  	[smem:$0x3FB9] =	sst s0;
	s0 =	simm.s32 @!p2 $0x0  }
0x16: {  	s3 =	sld [smem:$0x3FDB];
	s0 =	simm.s32 @p2 $0x1  }
0x17: {  	s4 =	simm.s32 $0x1BF5;
	[smem:$0x3FBB] =	sst s0  }
0x18: {  	s0 =	sld [smem:$0x3F9E];
	_ =	swait.ge [sflag:s4], $0x0  }
0x19: {  	s7 =	sld [smem:$0x3F9F]  }
0x1a: {  	s8 =	sadd.s32 $0xFFFFE003, lr  }
0x1b: {  	s9 =	sadd.s32 $0xFFFFFEF7, lr;
	s5 =	simm.s32 $0xFFFFFFFF;
	p2 =	slt.u32 s8, $0xFFFFF086  }
0x1c: {  	p1 =	slt.u32 s9, $0xF7A;
	s5 =	simm.s32 @!p2 $0x0  }
0x1d: {  	s5 =	simm.s32 @p1 $0x1;
	p0 =	seq.s32 s7, s2  }
0x1e: {  	s7 =	smul.u32 @!p0 $0xF7A, s2;
	p2 =	seq.s32 @!p0 s5, $0x0  }
0x1f: {  	s9 =	smul.u32 $0xF7A, s1;
	s8 =	simm.s32 @!p0 $0x1BF5;
	p2 =	por !p2, p0  }
0x20: {  	[sflag:s8] =	ssyncset.s32 @!p0 $0xFFFFF086;
	s6 =	sadd.s32 @!p0 s3, s7;
	s7 =	simm.s32 @!p0 $0x108  }
0x21: {  	s3 =	sadd.s32 s3, s9;
	s6 =	sadd.s32 @!p0 $0x88, s6;
	s7 =	simm.s32 @p2 $0x1082  }
0x22: {  	[simem:s7], [sflag:s8] =	dma.local @!p0 [hbm:s6], $0xF7A  }
0x23: {  	s9 =	sor.u32 $0xD0000000, s2;
	s6 =	simm.s32 $0x108;
	_ =	swait.ge @!p0 [sflag:s8], $0x0  }
0x24: {  	s3 =	sadd.s32 $0x88, s3;
	s6 =	simm.s32 @!p1 $0x1082;
	[sflag:s4] =	ssyncset.s32 $0xFFFFF086  }
0x25: {  	[simem:s6], [sflag:s4] =	dma.local [hbm:s3], $0xF7A  }
0x26: {  	[smem:$0x3F9F] =	sst s1;
	(tag) =	ssettag s2;
	_ =	strace s9  }
0x27: {  	s1 =	sld [smem:$0x3FAF]  }
0x28: {  	s2 =	sld [smem:$0x3FB0]  }
0x29: {  	s4 =	sld [smem:$0x3FB2]  }
0x2a: {  	p0 =	seq.s32 s5, $0x0;
	s5 =	sld [smem:$0x3FB3]  }
0x2b: {  	s6 =	sld [smem:$0x3FB4]  }
0x2c: {  	s7 =	sld [smem:$0x3FB5]  }
0x2d: {  	s3 =	simm.s32 $0x108;
	s8 =	sld [smem:$0x3FB6]  }
0x2e: {  	s3 =	simm.s32 @!p0 $0x1082;
	s9 =	sld [smem:$0x3FB7]  }
0x2f: {  	lr =	sadd.s32 s0, s3;
	s0 =	sld [smem:$0x3FAE]  }
0x30: {  	s3 =	sld [smem:$0x3FB1]  }
0x31: {  	[smem:$0x3FBA] =	sst s10  }
0x32: {  	s10 =	sld [smem:$0x3FB8];
	_ =	sdelay $0x3  }
0x33: {  	p0 =	seq.s32 s10, $0x1;
	s10 =	sld [smem:$0x3FBA];
	_ =	sdelay $0x3  }
0x34: {  	[smem:$0x3FBA] =	sst s10  }
0x35: {  	s10 =	sld [smem:$0x3FB9];
	_ =	sdelay $0x3  }
0x36: {  	p1 =	seq.s32 s10, $0x1;
	s10 =	sld [smem:$0x3FBA];
	_ =	sdelay $0x3  }
0x37: {  	[smem:$0x3FBA] =	sst s10  }
0x38: {  	s10 =	sld [smem:$0x3FBB]  }
0x39: {  	_ = 	snop;
	(pc) =	sbr.ind lr, $3  }
0x3a: {  	_ = 	snop  }
0x3b: {  	_ = 	snop  }
0x3c: {  	p2 =	seq.s32 s10, $0x1;
	s10 =	sld [smem:$0x3FBA]  }
0x3d: {  	_ =	shalt  }
0x3e: {  	_ =	shalt  }
0x3f: {  	_ =	shalt  }
0x40: {  	_ =	shalt  }
0x41: {  	_ =	shalt  }
0x42: {  	_ =	shalt  }
0x43: {  	_ =	shalt  }
0x44: {  	_ =	shalt  }
0x45: {  	_ =	shalt  }
0x46: {  	_ =	shalt  }
0x47: {  	_ =	shalt  }
0x48: {  	_ =	shalt  }
0x49: {  	_ =	shalt  }
0x4a: {  	_ =	shalt  }
0x4b: {  	_ =	shalt  }
0x4c: {  	_ =	shalt  }
0x4d: {  	_ =	shalt  }
0x4e: {  	_ =	shalt  }
0x4f: {  	_ =	shalt  }
0x50: {  	_ =	shalt  }
0x51: {  	_ =	shalt  }
0x52: {  	_ =	shalt  }
0x53: {  	_ =	shalt  }
0x54: {  	_ =	shalt  }
0x55: {  	_ =	shalt  }
0x56: {  	_ =	shalt  }
0x57: {  	_ =	shalt  }
0x58: {  	_ =	shalt  }
0x59: {  	_ =	shalt  }
0x5a: {  	_ =	shalt  }
0x5b: {  	_ =	shalt  }
0x5c: {  	_ =	shalt  }
0x5d: {  	_ =	shalt  }
0x5e: {  	_ =	shalt  }
0x5f: {  	_ =	shalt  }
0x60: {  	_ =	shalt  }
0x61: {  	_ =	shalt  }
0x62: {  	_ =	shalt  }
0x63: {  	_ =	shalt  }
0x64: {  	_ =	shalt  }
0x65: {  	_ =	shalt  }
0x66: {  	_ =	shalt  }
0x67: {  	_ =	shalt  }
0x68: {  	_ =	shalt  }
0x69: {  	_ =	shalt  }
0x6a: {  	_ =	shalt  }
0x6b: {  	_ =	shalt  }
0x6c: {  	_ =	shalt  }
0x6d: {  	_ =	shalt  }
0x6e: {  	_ =	shalt  }
0x6f: {  	_ =	shalt  }
0x70: {  	_ =	shalt  }
0x71: {  	_ =	shalt  }
0x72: {  	_ =	shalt  }
0x73: {  	_ =	shalt  }
0x74: {  	_ =	shalt  }
0x75: {  	_ =	shalt  }
0x76: {  	_ =	shalt  }
0x77: {  	_ =	shalt  }
0x78: {  	_ =	shalt  }
0x79: {  	_ =	shalt  }
0x7a: {  	_ =	shalt  }
0x7b: {  	_ =	shalt  }
0x7c: {  	_ =	shalt  }
0x7d: {  	_ =	shalt  }
0x7e: {  	_ =	shalt  }
0x7f: {  	_ =	shalt  }
0x80: {  	_ =	shalt  }
0x81: {  	_ =	shalt  }
0x82: {  	_ =	shalt  }
0x83: {  	_ =	shalt  }
0x84: {  	_ =	shalt  }
0x85: {  	_ =	shalt  }
0x86: {  	_ =	shalt  }
0x87: {  	_ =	shalt  }
.Lfunc_end0:
.L_simem_size_0:
called_computation_lowered:
.L_overlay_start_0:
0x88: {  	s2 =	sld [smem:$0x3FD9]  }
0x89: {  	s3 =	sld [smem:$0x3FFE];
	_ =	sdelay $0x1  }
0x8a: {  	s1 =	srdreg.scid  }
0x8b: {  	s0 =	sand.u32 $0x1, s1  }
0x8c: {  	s16 =	sshll.u32 s0, $0xA;
	s2 =	sadd.s32 s3, s2  }
0x8d: {  	s2 =	sadd.s32 s2, s16  }
0x8e: {  	[smem:$0x3FC6] =	sst s2  }
0x8f: {  	_ = 	snop  }
0x90: {  	(tm) =	ssettm $0x1  }
0x91: {  	s17 =	sld [smem:$0x3FFB];
	_ =	sdelay $0x3  }
0x92: {  	_ =	strace s17  }
0x93: {  	s2 =	sld [smem:$0x3FFC];
	_ =	sdelay $0x3  }
0x94: {  	_ =	strace s2  }
0x95: {  	s2 =	sld [smem:$0x3FFD];
	_ =	sdelay $0x3  }
0x96: {  	_ =	strace s2  }
0x97: {  	_ =	strace $0x8FFFFFFF  }
0x98: {  	s18 =	sld [smem:$0x3FDB];
	_ =	sdelay $0x1  }
0x99: {  	s19 =	simm.s32 $_scs_section_size  }
0x9a: {  	s4 =	simm.s32 $_size__tile_overlayer_lowered;
	s5 =	simm.s32 $_tile_overlayer_lowered  }
0x9b: {  	s22 =	simm.s32 $0x1BFF;
	s21 =	sshll.u32 s5, $0x1;
	s2 =	sadd.s32 s19, s18  }
0x9c: {  	s6 =	simm.s32 $0x0;
	s20 =	sshll.u32 s4, $0x1;
	s4 =	sadd.s32 s21, s2  }
0x9d: {  	[timem:s6], [sflag:s22] =	dma.local [hbm:s4], s20  }
0x9e: {  	_ =	swait.ge [sflag:s22], s20  }
0x9f: {  	s3 =	ssub.s32 $0x0, s20;
	[sflag:s22] =	ssyncset.done $0x0  }
0xa0: {  	[sflag:s22] =	ssyncadd.s32 s3;
	_ =	sdelay $0x1  }
0xa1: {  	s23 =	simm.s32 $0x1B8B  }
0xa2: {  	_ =	swait.ge [sflag:s23], $0x1  }
0xa3: {  	[sflag:s23] =	ssyncset.done $0x0  }
0xa4: {  	s25 =	simm.s32 $0x1B8E;
	s24 =	sld [smem:$0x3FFE];
	[sflag:s23] =	ssyncadd.s32 $0xFFFFFFFF  }
0xa5: {  	s26 =	simm.s32 $execute0_lowered;
	[smem:$0x3FD2] =	sst s25  }
0xa6: {  	s4 =	sshll.u32 s26, $0x1;
	_ =	strace $0x80000046;
	[dreg:$0x1] =	wrdreg $0xFFFFFFFF  }
0xa7: {  	s28 =	simm.s32 $_size_execute0_lowered;
	s2 =	sadd.s32 s2, s4;
	[dreg:$0x0] =	wrdreg $0x0  }
0xa8: {  	s4 =	sshll.u32 s28, $0x1;
	[dreg:$0x2] =	wrdreg s2  }
0xa9: {  	[dreg:$0x3] =	wrdreg s4  }
0xaa: {  	[dreg:$0x4] =	wrdreg $0xC0  }
0xab: {  	_ =	task [dreg:s6], $0x5FFFF  }
0xac: {  	[dreg:$0x1] =	wrdreg $0xFFFFFFFF  }
0xad: {  	[dreg:$0x0] =	wrdreg $0x60  }
0xae: {  	[dreg:$0x2] =	wrdreg s24  }
0xaf: {  	[dreg:$0x3] =	wrdreg $0x9  }
0xb0: {  	_ =	task.clear_ibuf [dreg:s6], $0x4FFFF;
	_ =	strace $0x90000046  }
0xb1: {  	s29 =	simm.s32 $0x9;
	_ =	strace $0x80000048  }
0xb2: {  	_ =	swait.ge [sflag:s29], $0x1  }
0xb3: {  	[sflag:s29] =	ssyncadd.s32 $0xFFFFFFFF  }
0xb4: {  	_ =	strace $0x90000048  }
0xb5: {  	_ =	sfence  }
0xb6: {  	s30 =	sld [smem:$0x0];
	_ =	sdelay $0x2  }
0xb7: {  	s31 =	sshll.u32 s1, $0xD;
	s1 =	sshrl.u32 s1, $0x2  }
0xb8: {  	s3 =	sand.u32 $0x4000, s31;
	s1 =	sadd.s32 s1, s30  }
0xb9: {  	s0 =	sor.u32 s3, s0;
	s1 =	sshll.u32 s1, $0x11  }
0xba: {  	s0 =	sor.u32 s1, s0  }
0xbb: {  	s0 =	sadd.s32 $0x8F2B, s0  }
0xbc: {  	[sflag:s0] =	ssyncadd.remote.s32 $0x1  }
0xbd: {  	_ =	sfence.sel $0xFFFF  }
0xbe: {  	[dreg:$0x0] =	wrdreg $0xFFFFFFFF;
	(pc) =	sbr.abs _section_cstart, $3  }
0xbf: {  	[dreg:$0x1] =	wrdreg $0xFFFFFFFF  }
0xc0: {  	_ =	task.clear_ibuf [dreg:s6], $0x2FFFF;
	_ =	strace $0x9FFFFFFF  }
0xc1: {  	(tm) =	ssettm $0x7FFFFFFF  }
tec
execute0_lowered:
.L_overlay_start_1:
0x0: {  	(tag) =	ssettag $0x1  }
0x1: {  	s4 =	rddreg [dreg:$0x0]  }
0x2: {  	s0 =	rddreg [dreg:$0x1];
	s2 =	simm.s32 $0x0;
	s3 =	srdreg.scid  }
0x3: {  	s1 =	stileid.u32;
	s10 =	simm.s32 $0x2000;
	s11 =	simm.s32 $0x80  }
0x4: {  	s12 =	simm.s32 $0x6000;
	s13 =	simm.s32 $0x1;
	s14 =	simm.s32 $0x8000  }
0x5: {  	s15 =	simm.s32 $0x0;
	s5 =	sand.u32 $0x1, s3;
	s31 =	sshll.u32 s1, $0x1  }
0x6: {  	[smem:$0x7FF] =	sst s2;
	s3 =	sadd.s32 $0x400, s4;
	s6 =	sor.u32 s5, s31  }
0x7: {  	_ =	strace $0x80000047;
	s5 =	ssub.s32 $0x2, s5;
	s7 =	sshll.u32 s6, $0x9  }
0x8: {  	s8 =	sshll.u32 s6, $0x1;
	s9 =	sshrl.u32 s5, $0x1;
	s6 =	sshll.u32 s6, $0xB  }
0x9: {  	s7 =	sadd.s32 s7, s4;
	s8 =	sadd.s32 s8, s4;
	s9 =	ssub.s32 s5, s9  }
0xa: {  	s6 =	sadd.s32 s3, s6;
	s4 =	sadd.s32 $0x10400, s7;
	s5 =	sadd.s32 $0x14400, s7  }
0xb: {  	s7 =	sadd.s32 $0x18400, s8;
	s8 =	smax.u32 s9, $0x1;
	s9 =	simm.s32 $0x2  }
.LBB2_1:
0xc: {  	[tilespmem:s2], [sflag:$0x2] =	stream.linear.gather [hbm4b:s4+s2], $0x1000, $0x38;
	[tilespmem:$0x8010] =	vst v63  }
0xd: {  	_ =	swait.ge [sflag:s9], $0x1000  }
0xe: {  	[sflag:s9] =	ssyncset.done $0x0  }
0xf: {  	s16 =	simm.s32 $0x1000;
	[sflag:s9] =	ssyncadd.s32 $0xFFFFF000  }
0x10: {  	[tilespmem:s16], [sflag:$0x2] =	stream.linear.gather [hbm4b:s5+s2], $0x1000, $0x38;
	[tilespmem:$0x8010] =	vst v63  }
0x11: {  	_ =	swait.ge [sflag:s9], $0x1000  }
0x12: {  	[sflag:s9] =	ssyncset.done $0x0  }
0x13: {  	[sflag:s9] =	ssyncadd.s32 $0xFFFFF000  }
0x14: {  	[tilespmem:s10], [sflag:$0x2] =	stream.linear.gather [hbm4b:s6+s2], $0x4000, $0x38;
	[tilespmem:$0x8010] =	vst v63  }
0x15: {  	_ =	swait.ge [sflag:s9], $0x4000  }
0x16: {  	[sflag:s9] =	ssyncset.done $0x0  }
0x17: {  	v0 =	vimm.f32 $0.0e+00;
	s17 =	simm.s32 $0x2020;
	s18 =	simm.s32 $0x0;
	[sflag:s9] =	ssyncadd.s32 $0xFFFFC000  }
.LBB2_2:
0x18: {  	[tilespmem:$0x1FE50] =	vst v0;
	s19 =	sshll.u32 s18, $0x7  }
0x19: {  	[tilespmem:s12], [sflag:$0x1] =	stream.indirect.gather [hbm4b:s3+s11], $0x40, s19, s11, $0xb8;
	[tilespmem:$0x8010] =	vst v63  }
0x1a: {  	_ =	swait.ge [sflag:s13], $0x2000  }
0x1b: {  	[sflag:s13] =	ssyncset.done $0x0  }
0x1c: {  	s30 =	simm.s32 $0x6200;
	[sflag:s13] =	ssyncadd.s32 $0xFFFFE000  }
0x1d: {  	v0 =	vld [tilespmem:s30+$0x1F0]  }
0x1e: {  	v1 =	vld [tilespmem:s30+$0x1B0]  }
0x1f: {  	v2 =	vld [tilespmem:s30+$0x1E0]  }
0x20: {  	v3 =	vld [tilespmem:s30+$0x170]  }
0x21: {  	v4 =	vld [tilespmem:s30+$0x1A0]  }
0x22: {  	v5 =	vld [tilespmem:s30+$0x1C0]  }
0x23: {  	v6 =	vld [tilespmem:s30+$0x1D0]  }
0x24: {  	v7 =	vld [tilespmem:s30+$0x130]  }
0x25: {  	v8 =	vld [tilespmem:s30+$0x160]  }
0x26: {  	v9 =	vld [tilespmem:s30+$0x180]  }
0x27: {  	v10 =	vld [tilespmem:s30+$0x190]  }
0x28: {  	v11 =	vld [tilespmem:s30+$0xF0]  }
0x29: {  	v12 =	vld [tilespmem:s30+$0x120]  }
0x2a: {  	v13 =	vld [tilespmem:s30+$0x140]  }
0x2b: {  	v14 =	vld [tilespmem:s30+$0x150]  }
0x2c: {  	v15 =	vld [tilespmem:s30+$0xB0]  }
0x2d: {  	v16 =	vld [tilespmem:s30+$0xE0]  }
0x2e: {  	v17 =	vld [tilespmem:s30+$0x100]  }
0x2f: {  	v18 =	vld [tilespmem:s30+$0x110]  }
0x30: {  	v19 =	vld [tilespmem:s30+$0x70]  }
0x31: {  	v20 =	vld [tilespmem:s30+$0xA0]  }
0x32: {  	v21 =	vld [tilespmem:s30+$0xC0]  }
0x33: {  	v45 =	vld [tilespmem:s30+$0xD0]  }
0x34: {  	v22 =	vld [tilespmem:s30+$0x30]  }
0x35: {  	v24 =	vld [tilespmem:s30+$0x60]  }
0x36: {  	v25 =	vld [tilespmem:s30+$0x80]  }
0x37: {  	v50 =	vld [tilespmem:s30+$0x90]  }
0x38: {  	v27 =	vld [tilespmem:s30+$0xFFFFFFF0]  }
0x39: {  	v28 =	vld [tilespmem:s30+$0x20]  }
0x3a: {  	v29 =	vld [tilespmem:s30+$0x40]  }
0x3b: {  	v56 =	vld [tilespmem:s30+$0x50]  }
0x3c: {  	v30 =	vld [tilespmem:s30+$0xFFFFFFB0]  }
0x3d: {  	v32 =	vld [tilespmem:s30+$0xFFFFFFE0]  }
0x3e: {  	v33 =	vld [tilespmem:s30+$0x0]  }
0x3f: {  	v38 =	vld [tilespmem:s17+$0x10]  }
0x40: {  	v39 =	vld [tilespmem:s17+$0x0]  }
0x41: {  	v40 =	vld [tilespmem:s17+$0xFFFFFFE0]  }
0x42: {  	v41 =	vld [tilespmem:s17+$0xFFFFFFF0]  }
0x43: {  	v58 =	vld [tilespmem:s30+$0x10]  }
0x44: {  	v35 =	vld [tilespmem:s30+$0xFFFFFF70];
	v1 =	vsub.f32 v1, v38  }
0x45: {  	v44 =	vld [tilespmem:s30+$0xFFFFFFA0];
	v0 =	vsub.f32 v0, v38;
	v43 =	vsub.f32 v2, v39  }
0x46: {  	v47 =	vld [tilespmem:s30+$0xFFFFFFD0];
	v2 =	vsub.f32 v4, v39;
	v63 =	vsub.f32 v8, v39  }
0x47: {  	v36 =	vsub.f32 v9, v40;
	v4 =	vld [tilespmem:s30+$0xFFFFFEF0];
	v52 =	vsub.f32 v10, v41  }
0x48: {  	v42 =	vsub.f32 v12, v39;
	v26 =	vsub.f32 v13, v40;
	v8 =	vld [tilespmem:s30+$0xFFFFFEB0]  }
0x49: {  	v34 =	vsub.f32 v16, v39;
	v17 =	vsub.f32 v17, v40;
	v9 =	vld [tilespmem:s30+$0xFFFFFEE0]  }
0x4a: {  	v51 =	vsub.f32 v21, v40;
	v10 =	vsub.f32 v22, v38;
	v13 =	vld [tilespmem:s30+$0xFFFFFEA0]  }
0x4b: {  	v54 =	vsub.f32 v24, v39;
	v37 =	vsub.f32 v28, v39;
	v16 =	vld [tilespmem:s30+$0xFFFFFE30];
	[tilespmem:$0x1FE60] =	vst v1  }
0x4c: {  	[tilespmem:$0x1FE70] =	vst v0;
	v1 =	vsub.f32 v3, v38;
	v3 =	vsub.f32 v6, v41;
	v6 =	vld [tilespmem:s30+$0xFFFFFF20]  }
0x4d: {  	v30 =	vsub.f32 v30, v38;
	v12 =	vsub.f32 v35, v38;
	v21 =	vld [tilespmem:s30+$0xFFFFFF50];
	[tilespmem:$0x1FF20] =	vst v2  }
0x4e: {  	v23 =	vsub.f32 v32, v39;
	v49 =	vsub.f32 v44, v39;
	v0 =	vld [tilespmem:s30+$0xFFFFFFC0];
	[tilespmem:$0x1FED0] =	vst v10  }
0x4f: {  	v22 =	vsub.f32 v14, v41;
	v2 =	vsub.f32 v5, v40;
	v10 =	vld [tilespmem:s30+$0xFFFFFF00];
	[tilespmem:$0x1FEF0] =	vst v12  }
0x50: {  	v5 =	vsub.f32 v11, v38;
	v11 =	vsub.f32 v25, v40;
	[tilespmem:$0x1FE80] =	vst v1;
	v1 =	vld [tilespmem:s30+$0xFFFFFF30]  }
0x51: {  	v25 =	vsub.f32 v18, v41;
	[tilespmem:$0x1FF30] =	vst v2;
	v61 =	vsub.f32 v6, v39;
	v6 =	vld [tilespmem:s30+$0xFFFFFE40]  }
0x52: {  	v12 =	vsub.f32 v45, v41;
	v45 =	vsub.f32 v50, v41;
	v2 =	vld [tilespmem:s30+$0xFFFFFF60];
	[tilespmem:$0x1FF60] =	vst v3  }
0x53: {  	v50 =	vsub.f32 v56, v41;
	v3 =	vsub.f32 v7, v38;
	[tilespmem:$0x1FEA0] =	vst v5;
	v7 =	vld [tilespmem:s30+$0xFFFFFF40]  }
0x54: {  	v5 =	vsub.f32 v15, v38;
	[tilespmem:$0x1FFF0] =	vst v11;
	v11 =	vsub.f32 v27, v38;
	v15 =	vld [tilespmem:s30+$0xFFFFFEC0]  }
0x55: {  	v27 =	vsub.f32 v29, v40;
	v46 =	vsub.f32 v8, v38;
	v8 =	vld [tilespmem:s30+$0xFFFFFE00];
	[tilespmem:$0x1FE90] =	vst v3  }
0x56: {  	v62 =	vsub.f32 v13, v39;
	v3 =	vld [tilespmem:s30+$0xFFFFFF80];
	[tilespmem:$0x1FEB0] =	vst v5;
	v13 =	vsub.f32 v6, v40;
	v6 =	vmov s16  }
0x57: {  	v29 =	vsub.f32 v33, v40;
	v5 =	vsub.f32 v19, v38;
	[tilespmem:$0x1FEE0] =	vst v11;
	v11 =	vld [tilespmem:s30+$0xFFFFFE70]  }
0x58: {  	v31 =	vsub.f32 v4, v38;
	v19 =	vld [tilespmem:s30+$0xFFFFFE60];
	v48 =	vsub.f32 v0, v40  }
0x59: {  	[tilespmem:$0x1FEC0] =	vst v5;
	v5 =	vsub.f32 v20, v39;
	v20 =	vld [tilespmem:s30+$0xFFFFFE80];
	v0 =	vsub.f32 v1, v38  }
0x5a: {  	s31 =	simm.s32 $0x0;
	v55 =	vsub.f32 v2, v39;
	v2 =	vld [tilespmem:s30+$0xFFFFFE20];
	v60 =	vsub.f32 v7, v40  }
0x5b: {  	v1 =	vsub.f32 v10, v40;
	v7 =	vsub.f32 v15, v40;
	[tilespmem:$0x1FF10] =	vst v6;
	v6 =	vld.idx.msk [tilespmem:v6+s31+$0x0 ss:$0x1], $0xffff  }
0x5c: {  	v24 =	vld [tilespmem:s30+$0xFFFFFE10];
	[tilespmem:$0x1FF00] =	vst v0;
	v53 =	vsub.f32 v3, v40;
	v0 =	vsub.f32 v9, v39  }
0x5d: {  	v57 =	vsub.f32 v11, v38;
	v4 =	vsub.f32 v19, v39;
	v19 =	vld [tilespmem:s30+$0xFFFFFED0]  }
0x5e: {  	v18 =	vld [tilespmem:s30+$0xFFFFFE50];
	v3 =	vsub.f32 v16, v38;
	v16 =	vsub.f32 v8, v40  }
0x5f: {  	v9 =	vld [tilespmem:s30+$0xFFFFFF90];
	v59 =	vsub.f32 v20, v40;
	v40 =	vand.u32 $0x7FFFFFFF, v5;
	v11 =	vsub.f32 v2, v39  }
0x60: {  	v15 =	vld [tilespmem:s30+$0xFFFFFF10];
	v2 =	vsub.f32 v21, v41;
	v21 =	vand.u32 $0x7FFFFFFF, v63;
	v5 =	vbroadcast v6, $0xA  }
0x61: {  	v56 =	vsub.f32 v58, v41;
	v58 =	vsub.f32 v47, v41;
	v20 =	vld [tilespmem:s30+$0xFFFFFE90];
	[tilespmem:$0x1FF40] =	vst v21  }
0x62: {  	v21 =	vand.u32 $0x7FFFFFFF, v36;
	v8 =	vsub.f32 v19, v41;
	v19 =	vld [tilespmem:$0x1FF20];
	[tilespmem:$0x1FFB0] =	vst v5;
	v5 =	vbroadcast v6, $0x9  }
0x63: {  	v32 =	vand.u32 $0x7FFFFFFF, v22;
	v33 =	vand.u32 $0x7FFFFFFF, v34;
	v34 =	vand.u32 $0x7FFFFFFF, v17;
	[tilespmem:$0x1FF50] =	vst v21  }
0x64: {  	v47 =	vand.u32 $0x7FFFFFFF, v12;
	v10 =	vsub.f32 v9, v41;
	v21 =	vld [tilespmem:$0x1FF60];
	[tilespmem:$0x1FFC0] =	vst v5;
	v5 =	vbroadcast v6, $0x8  }
0x65: {  	v39 =	vand.u32 $0x7FFFFFFF, v25;
	v9 =	vsub.f32 v15, v41;
	v15 =	vsub.f32 v18, v41  }
0x66: {  	v18 =	vsub.f32 v24, v41;
	v14 =	vsub.f32 v20, v41;
	[tilespmem:$0x1FFD0] =	vst v5;
	v5 =	vbroadcast v6, $0x7  }
0x67: {  	v41 =	vand.u32 $0x7FFFFFFF, v51;
	v20 =	vand.u32 $0x7FFFFFFF, v19;
	v19 =	vld [tilespmem:$0x1FF30];
	v36 =	vbroadcast v6, $0xF  }
0x68: {  	v51 =	vand.u32 $0x7FFFFFFF, v54;
	v28 =	vbroadcast v6, $0xD;
	v35 =	vbroadcast v6, $0xC;
	[tilespmem:$0x1FFE0] =	vst v5;
	v5 =	vld [tilespmem:$0x1FFF0]  }
0x69: {  	v21 =	vand.u32 $0x7FFFFFFF, v21;
	v38 =	vbroadcast v6, $0x6;
	v44 =	vbroadcast v6, $0x5  }
0x6a: {  	[tilespmem:$0x1FF70] =	vst v21;
	v21 =	vand.u32 $0x7FFFFFFF, v42;
	v54 =	vbroadcast v6, $0x4;
	v63 =	vbroadcast v6, $0x3  }
0x6b: {  	v12 =	vbroadcast v6, $0x1;
	v17 =	vbroadcast v6, $0x0;
	[tilespmem:$0x1FF80] =	vst v21;
	v21 =	vand.u32 $0x7FFFFFFF, v26  }
0x6c: {  	v26 =	vbroadcast v6, $0xB;
	[tilespmem:$0x1FF90] =	vst v21;
	v21 =	vand.u32 $0x7FFFFFFF, v52;
	v24 =	vand.u32 $0x7FFFFFFF, v19  }
0x6d: {  	s20 =	simm.s32 $0x40;
	s21 =	smov.u32 s17;
	s19 =	simm.s32 $0x6600;
	[tilespmem:$0x1FFA0] =	vst v21;
	v19 =	vand.u32 $0x7FFFFFFF, v43;
	v52 =	vand.u32 $0x7FFFFFFF, v5;
	v5 =	vbroadcast v6, $0x2  }
.LBB2_3:
0x6e: {  	v25 =	vand.u32 $0x7FFFFFFF, v10  }
0x6f: {  	v0 =	vand.u32 $0x7FFFFFFF, v0;
	v10 =	vand.u32 $0x7FFFFFFF, v16;
	v16 =	vand.u32 $0x7FFFFFFF, v18  }
0x70: {  	v7 =	vand.u32 $0x7FFFFFFF, v7;
	v11 =	vand.u32 $0x7FFFFFFF, v11;
	v13 =	vand.u32 $0x7FFFFFFF, v13  }
0x71: {  	v15 =	vand.u32 $0x7FFFFFFF, v15;
	v8 =	vand.u32 $0x7FFFFFFF, v8;
	v10 =	vadd.f32 v16, v10  }
0x72: {  	v3 =	vand.u32 $0x7FFFFFFF, v3;
	v16 =	vand.u32 $0x7FFFFFFF, v59;
	v7 =	vadd.f32 v8, v7  }
0x73: {  	v13 =	vadd.f32 v15, v13;
	v14 =	vand.u32 $0x7FFFFFFF, v14;
	v11 =	vadd.f32 v11, v10  }
0x74: {  	v4 =	vand.u32 $0x7FFFFFFF, v4;
	v14 =	vadd.f32 v14, v16;
	v0 =	vadd.f32 v0, v7;
	v7 =	vld [tilespmem:$0x1FE50]  }
0x75: {  	v1 =	vand.u32 $0x7FFFFFFF, v1;
	v4 =	vadd.f32 v4, v13;
	v3 =	vadd.f32 v3, v11  }
0x76: {  	v9 =	vand.u32 $0x7FFFFFFF, v9;
	v13 =	vand.u32 $0x7FFFFFFF, v62;
	v11 =	vand.u32 $0x7FFFFFFF, v57  }
0x77: {  	v13 =	vadd.f32 v13, v14;
	v11 =	vadd.f32 v11, v4;
	v8 =	vmul.f32 v3, v17  }
0x78: {  	v1 =	vadd.f32 v9, v1;
	v14 =	vand.u32 $0x7FFFFFFF, v46  }
0x79: {  	v11 =	vmul.f32 v11, v12;
	v12 =	vadd.f32 v14, v13;
	v9 =	vadd.f32 v8, v7;
	_ =	sdelay $0x1  }
0x7a: {  	v12 =	vmul.f32 v12, v5;
	v11 =	vadd.f32 v11, v9;
	v9 =	vld [tilespmem:$0x1FF00]  }
0x7b: {  	[tilespmem:$0x1FD60] =	vst v20;
	v21 =	vld [tilespmem:s19+$0x1F0];
	v20 =	vand.u32 $0x7FFFFFFF, v27;
	v43 =	vand.u32 $0x7FFFFFFF, v23;
	v27 =	vmovc v24;
	v24 =	vand.u32 $0x7FFFFFFF, v60  }
0x7c: {  	v2 =	vand.u32 $0x7FFFFFFF, v2;
	v13 =	vand.u32 $0x7FFFFFFF, v31;
	v11 =	vadd.f32 v12, v11;
	v12 =	vld [tilespmem:$0x1FEF0]  }
0x7d: {  	v23 =	vand.u32 $0x7FFFFFFF, v61;
	v2 =	vadd.f32 v2, v24;
	v0 =	vadd.f32 v13, v0  }
0x7e: {  	v55 =	vand.u32 $0x7FFFFFFF, v55;
	v53 =	vand.u32 $0x7FFFFFFF, v53;
	v1 =	vadd.f32 v23, v1  }
0x7f: {  	v2 =	vadd.f32 v55, v2;
	v0 =	vmul.f32 v0, v63;
	v13 =	vand.u32 $0x7FFFFFFF, v9  }
0x80: {  	v22 =	vld [tilespmem:s19+$0x170];
	v14 =	vadd.f32 v25, v53;
	v1 =	vadd.f32 v13, v1  }
0x81: {  	v49 =	vand.u32 $0x7FFFFFFF, v49;
	[tilespmem:$0x1FD90] =	vst v21;
	v21 =	vld [tilespmem:s19+$0x1B0];
	v0 =	vadd.f32 v0, v11;
	v12 =	vand.u32 $0x7FFFFFFF, v12  }
0x82: {  	v13 =	vadd.f32 v49, v14;
	v1 =	vmul.f32 v1, v54;
	v2 =	vadd.f32 v12, v2  }
0x83: {  	v12 =	vand.u32 $0x7FFFFFFF, v30  }
0x84: {  	v0 =	vadd.f32 v1, v0;
	v1 =	vmul.f32 v2, v44;
	v2 =	vadd.f32 v12, v13;
	v13 =	vld [tilespmem:$0x1FEE0]  }
0x85: {  	v48 =	vand.u32 $0x7FFFFFFF, v48;
	[tilespmem:$0x1FDA0] =	vst v22;
	v22 =	vand.u32 $0x7FFFFFFF, v58  }
0x86: {  	[tilespmem:$0x1FD80] =	vst v21;
	v21 =	vld [tilespmem:s19+$0x1E0];
	v14 =	vadd.f32 v22, v48;
	v0 =	vadd.f32 v1, v0;
	v1 =	vmul.f32 v2, v38;
	_ =	sdelay $0x1  }
0x87: {  	v14 =	vadd.f32 v43, v14;
	v0 =	vadd.f32 v1, v0;
	v1 =	vld [tilespmem:$0x1FFE0]  }
0x88: {  	v17 =	vand.u32 $0x7FFFFFFF, v13  }
0x89: {  	v2 =	vadd.f32 v17, v14;
	v17 =	vld [tilespmem:$0x1FED0]  }
0x8a: {  	v42 =	vand.u32 $0x7FFFFFFF, v29;
	[tilespmem:$0x1FDB0] =	vst v21;
	v21 =	vand.u32 $0x7FFFFFFF, v56  }
0x8b: {  	v61 =	vld [tilespmem:s19+$0x1C0];
	v16 =	vadd.f32 v21, v42  }
0x8c: {  	[tilespmem:$0x1FD70] =	vst v19;
	v19 =	vand.u32 $0x7FFFFFFF, v37;
	v60 =	vld [tilespmem:s19+$0x1D0];
	v1 =	vmul.f32 v2, v1  }
0x8d: {  	v37 =	vand.u32 $0x7FFFFFFF, v45;
	v45 =	vld [tilespmem:s19+$0x160];
	v19 =	vadd.f32 v19, v16  }
0x8e: {  	v17 =	vand.u32 $0x7FFFFFFF, v17;
	v0 =	vadd.f32 v1, v0;
	v1 =	vld [tilespmem:$0x1FFD0]  }
0x8f: {  	v2 =	vadd.f32 v17, v19;
	v17 =	vld [tilespmem:$0x1FEC0]  }
0x90: {  	v50 =	vand.u32 $0x7FFFFFFF, v50;
	v18 =	vld [tilespmem:s19+$0x180]  }
0x91: {  	v29 =	vld [tilespmem:s19+$0x0];
	v16 =	vadd.f32 v50, v20  }
0x92: {  	v15 =	vld [tilespmem:s19+$0xF0]  }
0x93: {  	s21 =	sadd.s32 $0x40, s21;
	v59 =	vld [tilespmem:s19+$0x120];
	v20 =	vadd.f32 v51, v16  }
0x94: {  	v24 =	vld [tilespmem:s21+$0x10];
	v1 =	vmul.f32 v2, v1;
	v17 =	vand.u32 $0x7FFFFFFF, v17  }
0x95: {  	v2 =	vadd.f32 v17, v20;
	v17 =	vld [tilespmem:$0x1FEB0]  }
0x96: {  	v0 =	vadd.f32 v1, v0;
	v1 =	vld [tilespmem:$0x1FFC0]  }
0x97: {  	v10 =	vld [tilespmem:s19+$0x190]  }
0x98: {  	v23 =	vld [tilespmem:s19+$0x50];
	v21 =	vadd.f32 v37, v52  }
0x99: {  	v62 =	vld [tilespmem:s19+$0xFFFFFF30]  }
0x9a: {  	v58 =	vld [tilespmem:s19+$0x1A0];
	v19 =	vadd.f32 v40, v21  }
0x9b: {  	v57 =	vld [tilespmem:s19+$0x140];
	v17 =	vand.u32 $0x7FFFFFFF, v17;
	v1 =	vmul.f32 v2, v1  }
0x9c: {  	v2 =	vadd.f32 v17, v19;
	v17 =	vld [tilespmem:$0x1FEA0]  }
0x9d: {  	v0 =	vadd.f32 v1, v0;
	v1 =	vld [tilespmem:$0x1FFB0]  }
0x9e: {  	v4 =	vld [tilespmem:s19+$0xB0];
	v21 =	vadd.f32 v47, v41  }
0x9f: {  	v19 =	vld [tilespmem:$0x1FF80]  }
0xa0: {  	v3 =	vld [tilespmem:s19+$0x150];
	v20 =	vadd.f32 v33, v21  }
0xa1: {  	v53 =	vld [tilespmem:s19+$0xA0];
	v17 =	vand.u32 $0x7FFFFFFF, v17  }
0xa2: {  	v21 =	vadd.f32 v39, v34;
	v1 =	vmul.f32 v2, v1;
	v2 =	vadd.f32 v17, v20;
	v17 =	vld [tilespmem:$0x1FE90]  }
0xa3: {  	v31 =	vld [tilespmem:s19+$0x10]  }
0xa4: {  	v19 =	vadd.f32 v19, v21;
	v21 =	vld [tilespmem:$0x1FF90]  }
0xa5: {  	v7 =	vld [tilespmem:s19+$0xE0]  }
0xa6: {  	v20 =	vld [tilespmem:$0x1FF40]  }
0xa7: {  	v8 =	vld [tilespmem:s19+$0x100];
	v17 =	vand.u32 $0x7FFFFFFF, v17  }
0xa8: {  	v0 =	vadd.f32 v1, v0;
	v1 =	vmul.f32 v2, v26;
	v2 =	vadd.f32 v17, v19;
	v17 =	vld [tilespmem:$0x1FE80]  }
0xa9: {  	v5 =	vld [tilespmem:s19+$0x110];
	v21 =	vadd.f32 v32, v21  }
0xaa: {  	v22 =	vld [tilespmem:$0x1FFA0]  }
0xab: {  	v21 =	vadd.f32 v20, v21;
	v20 =	vld [tilespmem:$0x1FF50]  }
0xac: {  	v63 =	vld [tilespmem:s19+$0xFFFFFF80]  }
0xad: {  	v19 =	vld [tilespmem:$0x1FD60];
	v17 =	vand.u32 $0x7FFFFFFF, v17  }
0xae: {  	v0 =	vadd.f32 v1, v0;
	v1 =	vmul.f32 v2, v35;
	v2 =	vadd.f32 v17, v21;
	v17 =	vld [tilespmem:$0x1FE60]  }
0xaf: {  	v56 =	vld [tilespmem:s19+$0x130]  }
0xb0: {  	v11 =	vld [tilespmem:s19+$0x30];
	v20 =	vadd.f32 v22, v20  }
0xb1: {  	v9 =	vld [tilespmem:s19+$0x70]  }
0xb2: {  	v42 =	vld [tilespmem:s19+$0x40];
	v25 =	vadd.f32 v19, v20  }
0xb3: {  	v6 =	vbroadcast v6, $0xE;
	v48 =	vld [tilespmem:s19+$0xC0];
	v21 =	vand.u32 $0x7FFFFFFF, v17  }
0xb4: {  	v49 =	vld [tilespmem:s19+$0xD0];
	v0 =	vadd.f32 v1, v0;
	v1 =	vmul.f32 v2, v28;
	v2 =	vadd.f32 v21, v25  }
0xb5: {  	v50 =	vld [tilespmem:s19+$0x20]  }
0xb6: {  	v0 =	vadd.f32 v1, v0;
	v1 =	vmul.f32 v2, v6;
	v6 =	vld [tilespmem:$0x1FDA0]  }
0xb7: {  	v16 =	vld [tilespmem:s19+$0xFFFFFFF0]  }
0xb8: {  	v12 =	vld [tilespmem:s19+$0x60]  }
0xb9: {  	v38 =	vld [tilespmem:s19+$0xFFFFFF70]  }
0xba: {  	v13 =	vld [tilespmem:s19+$0x80]  }
0xbb: {  	v19 =	vld [tilespmem:$0x1FF70];
	v6 =	vsub.f32 v6, v24  }
0xbc: {  	v20 =	vld [tilespmem:s21+$0x0]  }
0xbd: {  	[tilespmem:$0x1FE80] =	vst v6;
	v6 =	vld [tilespmem:$0x1FDB0]  }
0xbe: {  	v17 =	vld [tilespmem:$0x1FD70]  }
0xbf: {  	v14 =	vld [tilespmem:s19+$0x90]  }
0xc0: {  	v40 =	vld [tilespmem:s19+$0xFFFFFFC0]  }
0xc1: {  	v26 =	vadd.f32 v19, v27;
	v19 =	vld [tilespmem:s21+$0xFFFFFFE0]  }
0xc2: {  	v21 =	vld [tilespmem:$0x1FD80];
	v6 =	vsub.f32 v6, v20  }
0xc3: {  	v26 =	vadd.f32 v17, v26;
	v17 =	vld [tilespmem:s21+$0xFFFFFFF0]  }
0xc4: {  	v33 =	vld [tilespmem:s19+$0xFFFFFFB0];
	[tilespmem:$0x1FDE0] =	vst v6;
	v6 =	vsub.f32 v58, v20  }
0xc5: {  	v4 =	vsub.f32 v4, v24;
	v22 =	vld [tilespmem:$0x1FD90]  }
0xc6: {  	v41 =	vld [tilespmem:s19+$0xFFFFFFD0];
	[tilespmem:$0x1FDC0] =	vst v6;
	v6 =	vsub.f32 v61, v19  }
0xc7: {  	v34 =	vld [tilespmem:s19+$0xFFFFFFE0];
	[tilespmem:$0x1FEB0] =	vst v4;
	v21 =	vsub.f32 v21, v24  }
0xc8: {  	v39 =	vld [tilespmem:s19+$0xFFFFFFA0];
	[tilespmem:$0x1FDD0] =	vst v6;
	v6 =	vsub.f32 v60, v17  }
0xc9: {  	v30 =	vsub.f32 v33, v24;
	[tilespmem:$0x1FE60] =	vst v21;
	v21 =	vld [tilespmem:$0x1FE70]  }
0xca: {  	v4 =	vld [tilespmem:s19+$0xFFFFFEB0];
	v22 =	vsub.f32 v22, v24;
	[tilespmem:$0x1FE10] =	vst v6;
	v6 =	vsub.f32 v56, v24  }
0xcb: {  	v33 =	vld [tilespmem:s19+$0xFFFFFE80];
	v32 =	vsub.f32 v7, v20;
	v7 =	vsub.f32 v11, v24  }
0xcc: {  	v11 =	vld [tilespmem:s19+$0xFFFFFEA0];
	v0 =	vadd.f32 v1, v0;
	[tilespmem:$0x1FE90] =	vst v6;
	v6 =	vsub.f32 v15, v24  }
0xcd: {  	[tilespmem:$0x1FED0] =	vst v7;
	v7 =	vld [tilespmem:s19+$0xFFFFFF00];
	v47 =	vsub.f32 v8, v19;
	v25 =	vsub.f32 v48, v19  }
0xce: {  	v43 =	vsub.f32 v13, v19;
	v8 =	vld [tilespmem:s19+$0xFFFFFF10];
	v21 =	vand.u32 $0x7FFFFFFF, v21;
	[tilespmem:$0x1FEA0] =	vst v6;
	v6 =	vsub.f32 v10, v17  }
0xcf: {  	v13 =	vld [tilespmem:s19+$0xFFFFFED0];
	v48 =	vsub.f32 v40, v19;
	v2 =	vadd.f32 v21, v26  }
0xd0: {  	v40 =	vld [tilespmem:s19+$0xFFFFFE00];
	v3 =	vsub.f32 v3, v17;
	[tilespmem:$0x1FE30] =	vst v6;
	v6 =	vsub.f32 v57, v19  }
0xd1: {  	[tilespmem:$0x1FE70] =	vst v22;
	v51 =	vsub.f32 v5, v17;
	v5 =	vld [tilespmem:s19+$0xFFFFFEE0];
	v22 =	vsub.f32 v49, v17;
	v1 =	vmul.f32 v2, v36  }
0xd2: {  	v49 =	vsub.f32 v39, v20;
	v39 =	vld [tilespmem:s19+$0xFFFFFE20];
	[tilespmem:$0x1FE20] =	vst v6;
	v6 =	vsub.f32 v9, v24  }
0xd3: {  	[tilespmem:$0x1FE40] =	vst v3;
	v3 =	vld [tilespmem:s19+$0xFFFFFF50];
	v0 =	vadd.f32 v1, v0;
	v1 =	vsub.f32 v45, v20  }
0xd4: {  	[tilespmem:$0x1FEC0] =	vst v6;
	v6 =	vld [tilespmem:$0x1FF10]  }
0xd5: {  	v21 =	vsub.f32 v12, v20;
	v12 =	vld [tilespmem:s19+$0xFFFFFEC0];
	[tilespmem:$0x1FDF0] =	vst v1;
	v1 =	vsub.f32 v18, v19  }
0xd6: {  	v46 =	vsub.f32 v4, v24;
	v52 =	vsub.f32 v59, v20;
	v18 =	vld [tilespmem:s19+$0xFFFFFF40]  }
0xd7: {  	v42 =	vsub.f32 v42, v19;
	v29 =	vsub.f32 v29, v19;
	[tilespmem:$0x1FE00] =	vst v1;
	v1 =	vld [tilespmem:s19+$0xFFFFFEF0]  }
0xd8: {  	v59 =	vsub.f32 v33, v19;
	v36 =	vsub.f32 v53, v20;
	v15 =	vld [tilespmem:s19+$0xFFFFFF20]  }
0xd9: {  	v53 =	vsub.f32 v63, v19;
	[tilespmem:$0x1FE50] =	vst v0;
	v0 =	vld [tilespmem:s19+$0xFFFFFF90];
	v9 =	vsub.f32 v16, v24  }
0xda: {  	v58 =	vsub.f32 v41, v17;
	v56 =	vsub.f32 v31, v17;
	v16 =	vld [tilespmem:s19+$0xFFFFFE60]  }
0xdb: {  	s22 =	sshra.s32 s20, $0x2;
	v60 =	vsub.f32 v18, v19;
	v10 =	vsub.f32 v38, v24;
	[tilespmem:$0x1FEE0] =	vst v9;
	v9 =	vld [tilespmem:s19+$0xFFFFFE70]  }
0xdc: {  	v31 =	vsub.f32 v1, v24;
	v1 =	vsub.f32 v7, v19;
	v6 =	vld.idx.msk [tilespmem:v6+s22+$0x0 ss:$0x1], $0xffff  }
0xdd: {  	[tilespmem:$0x1FEF0] =	vst v10;
	v10 =	vsub.f32 v62, v24;
	v61 =	vsub.f32 v15, v20;
	v15 =	vld [tilespmem:s19+$0xFFFFFE40]  }
0xde: {  	v2 =	vld [tilespmem:s19+$0xFFFFFF60];
	v7 =	vsub.f32 v12, v19;
	v62 =	vsub.f32 v11, v20  }
0xdf: {  	v41 =	vld [tilespmem:s19+$0xFFFFFE10];
	v11 =	vsub.f32 v39, v20;
	[tilespmem:$0x1FF00] =	vst v10;
	v10 =	vsub.f32 v0, v17  }
0xe0: {  	v18 =	vld [tilespmem:s19+$0xFFFFFE50];
	v4 =	vsub.f32 v16, v20;
	v16 =	vsub.f32 v40, v19  }
0xe1: {  	v39 =	vld [tilespmem:$0x1FDF0];
	v57 =	vsub.f32 v9, v24;
	v9 =	vsub.f32 v8, v17;
	v0 =	vbroadcast v6, $0xA  }
0xe2: {  	v8 =	vsub.f32 v13, v17;
	v13 =	vsub.f32 v15, v19;
	v19 =	vld [tilespmem:$0x1FDC0]  }
0xe3: {  	v37 =	vsub.f32 v50, v20;
	v50 =	vsub.f32 v23, v17;
	v40 =	vld [tilespmem:$0x1FE00];
	[tilespmem:$0x1FFB0] =	vst v0;
	v0 =	vbroadcast v6, $0x9  }
0xe4: {  	v23 =	vsub.f32 v34, v20;
	v45 =	vsub.f32 v14, v17  }
0xe5: {  	v15 =	vsub.f32 v18, v17;
	v18 =	vsub.f32 v41, v17;
	v41 =	vld [tilespmem:$0x1FE10];
	[tilespmem:$0x1FFC0] =	vst v0;
	v0 =	vbroadcast v6, $0x8  }
0xe6: {  	v14 =	vld [tilespmem:s19+$0xFFFFFE30];
	v55 =	vsub.f32 v2, v20;
	v2 =	vsub.f32 v3, v17  }
0xe7: {  	v33 =	vand.u32 $0x7FFFFFFF, v39;
	[tilespmem:$0x1FFD0] =	vst v0;
	v0 =	vsub.f32 v5, v20;
	v20 =	vand.u32 $0x7FFFFFFF, v19;
	v19 =	vld [tilespmem:$0x1FDD0]  }
0xe8: {  	v39 =	vand.u32 $0x7FFFFFFF, v52;
	[tilespmem:$0x1FF40] =	vst v33;
	v33 =	vand.u32 $0x7FFFFFFF, v40;
	v40 =	vld [tilespmem:$0x1FE20];
	v27 =	vbroadcast v6, $0xF  }
0xe9: {  	v34 =	vld [tilespmem:s19+$0xFFFFFE90];
	[tilespmem:$0x1FF80] =	vst v39;
	v39 =	vand.u32 $0x7FFFFFFF, v51;
	v28 =	vbroadcast v6, $0xD;
	v35 =	vbroadcast v6, $0xC  }
0xea: {  	[tilespmem:$0x1FF50] =	vst v33;
	v33 =	vand.u32 $0x7FFFFFFF, v41;
	v41 =	vld [tilespmem:$0x1FE30];
	v26 =	vbroadcast v6, $0xB;
	v3 =	vbroadcast v6, $0x7  }
0xeb: {  	v52 =	vld [tilespmem:$0x1FE40];
	v51 =	vand.u32 $0x7FFFFFFF, v21;
	v38 =	vbroadcast v6, $0x6;
	v44 =	vbroadcast v6, $0x5  }
0xec: {  	p0 =	sne.s32 s20, $0x1C0;
	v54 =	vbroadcast v6, $0x4;
	[tilespmem:$0x1FFE0] =	vst v3;
	v3 =	vsub.f32 v14, v24;
	v24 =	vand.u32 $0x7FFFFFFF, v19;
	v19 =	vld [tilespmem:$0x1FDE0]  }
.Ltmp0:
0xed: {  	[tilespmem:$0x1FF70] =	vst v33;
	v63 =	vbroadcast v6, $0x3;
	v12 =	vbroadcast v6, $0x1;
	v33 =	vand.u32 $0x7FFFFFFF, v40;
	(pc) =	sbr.rel @p0 .LBB2_3-.Ltmp0, $4  }
0xee: {  	v40 =	vand.u32 $0x7FFFFFFF, v36;
	v14 =	vsub.f32 v34, v17;
	v17 =	vbroadcast v6, $0x0  }
0xef: {  	[tilespmem:$0x1FF90] =	vst v33;
	v33 =	vand.u32 $0x7FFFFFFF, v41;
	v34 =	vand.u32 $0x7FFFFFFF, v47;
	v41 =	vand.u32 $0x7FFFFFFF, v25  }
0xf0: {  	v47 =	vand.u32 $0x7FFFFFFF, v22;
	[tilespmem:$0x1FFA0] =	vst v33;
	v33 =	vand.u32 $0x7FFFFFFF, v32;
	v32 =	vand.u32 $0x7FFFFFFF, v52  }
0xf1: {  	s20 =	sadd.s32 $0x40, s20;
	s19 =	sadd.s32 $0x400, s19;
	v36 =	vmovc v27;
	v52 =	vand.u32 $0x7FFFFFFF, v43;
	v27 =	vmovc v42;
	v5 =	vbroadcast v6, $0x2;
	v19 =	vand.u32 $0x7FFFFFFF, v19  }
0xf2: {  	v16 =	vand.u32 $0x7FFFFFFF, v16;
	v18 =	vand.u32 $0x7FFFFFFF, v18  }
0xf3: {  	v16 =	vadd.f32 v18, v16  }
0xf4: {  	v11 =	vand.u32 $0x7FFFFFFF, v11;
	v13 =	vand.u32 $0x7FFFFFFF, v13;
	v15 =	vand.u32 $0x7FFFFFFF, v15  }
0xf5: {  	v43 =	vand.u32 $0x7FFFFFFF, v59;
	v14 =	vand.u32 $0x7FFFFFFF, v14;
	v11 =	vadd.f32 v11, v16  }
0xf6: {  	v3 =	vand.u32 $0x7FFFFFFF, v3;
	v7 =	vand.u32 $0x7FFFFFFF, v7;
	v13 =	vadd.f32 v15, v13  }
0xf7: {  	v4 =	vand.u32 $0x7FFFFFFF, v4;
	v8 =	vand.u32 $0x7FFFFFFF, v8;
	v3 =	vadd.f32 v3, v11;
	v11 =	vld [tilespmem:$0x1FE50]  }
0xf8: {  	v57 =	vand.u32 $0x7FFFFFFF, v57;
	v14 =	vadd.f32 v14, v43;
	v4 =	vadd.f32 v4, v13  }
0xf9: {  	v59 =	vand.u32 $0x7FFFFFFF, v62;
	v0 =	vand.u32 $0x7FFFFFFF, v0;
	v7 =	vadd.f32 v8, v7  }
0xfa: {  	v62 =	vadd.f32 v59, v14;
	v4 =	vadd.f32 v57, v4;
	v3 =	vmul.f32 v3, v17  }
0xfb: {  	v0 =	vadd.f32 v0, v7;
	v13 =	vand.u32 $0x7FFFFFFF, v46  }
0xfc: {  	v7 =	vadd.f32 v13, v62;
	v4 =	vmul.f32 v4, v12;
	v3 =	vadd.f32 v3, v11  }
0xfd: {  	v16 =	vand.u32 $0x7FFFFFFF, v31  }
0xfe: {  	v0 =	vadd.f32 v16, v0;
	v5 =	vmul.f32 v7, v5;
	v3 =	vadd.f32 v4, v3;
	_ =	sdelay $0x1  }
0xff: {  	v22 =	vld [tilespmem:$0x1FF00];
	v0 =	vmul.f32 v0, v63;
	v3 =	vadd.f32 v5, v3  }
0x100: {  	v1 =	vand.u32 $0x7FFFFFFF, v1;
	v9 =	vand.u32 $0x7FFFFFFF, v9  }
0x101: {  	v1 =	vadd.f32 v9, v1;
	v0 =	vadd.f32 v0, v3;
	v3 =	vld [tilespmem:$0x1FEF0]  }
0x102: {  	v2 =	vand.u32 $0x7FFFFFFF, v2;
	v15 =	vand.u32 $0x7FFFFFFF, v60;
	v14 =	vand.u32 $0x7FFFFFFF, v61  }
0x103: {  	v2 =	vadd.f32 v2, v15;
	v1 =	vadd.f32 v14, v1  }
0x104: {  	v21 =	vand.u32 $0x7FFFFFFF, v10;
	v17 =	vand.u32 $0x7FFFFFFF, v55;
	v5 =	vand.u32 $0x7FFFFFFF, v22  }
0x105: {  	v18 =	vand.u32 $0x7FFFFFFF, v53;
	v2 =	vadd.f32 v17, v2;
	v1 =	vadd.f32 v5, v1  }
0x106: {  	v4 =	vadd.f32 v21, v18;
	v3 =	vand.u32 $0x7FFFFFFF, v3  }
0x107: {  	v25 =	vand.u32 $0x7FFFFFFF, v49;
	v1 =	vmul.f32 v1, v54;
	v2 =	vadd.f32 v3, v2  }
0x108: {  	v4 =	vadd.f32 v25, v4  }
0x109: {  	v0 =	vadd.f32 v1, v0;
	v1 =	vand.u32 $0x7FFFFFFF, v30;
	v2 =	vmul.f32 v2, v44  }
0x10a: {  	v42 =	vand.u32 $0x7FFFFFFF, v58;
	v31 =	vand.u32 $0x7FFFFFFF, v48;
	v1 =	vadd.f32 v1, v4  }
0x10b: {  	v5 =	vadd.f32 v42, v31;
	v0 =	vadd.f32 v2, v0;
	v2 =	vld [tilespmem:$0x1FEE0]  }
0x10c: {  	v3 =	vand.u32 $0x7FFFFFFF, v23;
	v1 =	vmul.f32 v1, v38  }
0x10d: {  	v43 =	vand.u32 $0x7FFFFFFF, v29;
	v46 =	vand.u32 $0x7FFFFFFF, v56;
	v3 =	vadd.f32 v3, v5  }
0x10e: {  	v5 =	vadd.f32 v46, v43;
	v0 =	vadd.f32 v1, v0;
	v1 =	vld [tilespmem:$0x1FFE0]  }
0x10f: {  	v49 =	vand.u32 $0x7FFFFFFF, v27;
	v50 =	vand.u32 $0x7FFFFFFF, v50;
	v48 =	vand.u32 $0x7FFFFFFF, v37  }
0x110: {  	v4 =	vadd.f32 v48, v5;
	v5 =	vadd.f32 v50, v49;
	v2 =	vand.u32 $0x7FFFFFFF, v2  }
0x111: {  	v2 =	vadd.f32 v2, v3  }
0x112: {  	v5 =	vadd.f32 v51, v5;
	v51 =	vld [tilespmem:$0x1FED0]  }
0x113: {  	v1 =	vmul.f32 v2, v1;
	_ =	sdelay $0x1  }
0x114: {  	v0 =	vadd.f32 v1, v0;
	v1 =	vld [tilespmem:$0x1FFD0];
	_ =	sdelay $0x1  }
0x115: {  	v7 =	vand.u32 $0x7FFFFFFF, v51  }
0x116: {  	v2 =	vadd.f32 v7, v4  }
0x117: {  	v53 =	vld [tilespmem:$0x1FEC0]  }
0x118: {  	v1 =	vmul.f32 v2, v1  }
0x119: {  	v55 =	vld [tilespmem:$0x1FEB0]  }
0x11a: {  	v0 =	vadd.f32 v1, v0;
	v1 =	vld [tilespmem:$0x1FFC0]  }
0x11b: {  	v3 =	vand.u32 $0x7FFFFFFF, v45  }
0x11c: {  	v3 =	vadd.f32 v3, v52;
	v7 =	vand.u32 $0x7FFFFFFF, v53  }
0x11d: {  	v58 =	vld [tilespmem:$0x1FF40];
	v2 =	vadd.f32 v7, v5  }
0x11e: {  	v56 =	vld [tilespmem:$0x1FF90];
	v3 =	vadd.f32 v40, v3  }
0x11f: {  	v57 =	vld [tilespmem:$0x1FEA0];
	v7 =	vand.u32 $0x7FFFFFFF, v55;
	v1 =	vmul.f32 v2, v1  }
0x120: {  	v2 =	vadd.f32 v7, v3;
	v3 =	vld [tilespmem:$0x1FF80]  }
0x121: {  	v0 =	vadd.f32 v1, v0;
	v1 =	vld [tilespmem:$0x1FFB0]  }
0x122: {  	v59 =	vld [tilespmem:$0x1FE90];
	v52 =	vadd.f32 v47, v41;
	_ =	sdelay $0x1  }
0x123: {  	v54 =	vadd.f32 v39, v34;
	v4 =	vadd.f32 v33, v52  }
0x124: {  	v5 =	vadd.f32 v32, v56;
	v7 =	vand.u32 $0x7FFFFFFF, v57  }
0x125: {  	v3 =	vadd.f32 v3, v54;
	v1 =	vmul.f32 v2, v1;
	v2 =	vadd.f32 v7, v4  }
0x126: {  	v60 =	vld [tilespmem:$0x1FFA0];
	v4 =	vadd.f32 v58, v5;
	v5 =	vand.u32 $0x7FFFFFFF, v59  }
0x127: {  	v61 =	vld [tilespmem:$0x1FF70];
	v0 =	vadd.f32 v1, v0;
	v1 =	vmul.f32 v2, v26;
	v2 =	vadd.f32 v5, v3  }
0x128: {  	v3 =	vld [tilespmem:$0x1FF50]  }
0x129: {  	v0 =	vadd.f32 v1, v0;
	v1 =	vmul.f32 v2, v35;
	v2 =	vld [tilespmem:$0x1FE80];
	_ =	sdelay $0x1  }
0x12a: {  	v0 =	vadd.f32 v1, v0;
	v1 =	vld [tilespmem:$0x1FE60];
	_ =	sdelay $0x1  }
0x12b: {  	v63 =	vld [tilespmem:$0x1FE70];
	v3 =	vadd.f32 v60, v3  }
0x12c: {  	v5 =	vadd.f32 v61, v24;
	v2 =	vand.u32 $0x7FFFFFFF, v2  }
0x12d: {  	v3 =	vadd.f32 v20, v3;
	v2 =	vadd.f32 v2, v4  }
0x12e: {  	v62 =	vadd.f32 v19, v5;
	v1 =	vand.u32 $0x7FFFFFFF, v1  }
0x12f: {  	v2 =	vmul.f32 v2, v28;
	v1 =	vadd.f32 v1, v3;
	v3 =	vbroadcast v6, $0xE  }
0x130: {  	s18 =	sadd.s32 $0x1, s18;
	v5 =	vand.u32 $0x7FFFFFFF, v63  }
0x131: {  	p0 =	sne.s32 s18, $0x20;
	v0 =	vadd.f32 v2, v0;
	v1 =	vmul.f32 v1, v3;
	v2 =	vadd.f32 v5, v62  }
.Ltmp1:
0x132: {  	_ = 	snop;
	(pc) =	sbr.rel @p0 .LBB2_2-.Ltmp1, $3  }
0x133: {  	v0 =	vadd.f32 v1, v0;
	v1 =	vmul.f32 v2, v36;
	_ =	sdelay $0x1  }
0x134: {  	v0 =	vadd.f32 v1, v0  }
0x135: {  	s16 =	sadd.s32 $0x80, s16;
	s17 =	sadd.s32 $0x200, s17  }
0x136: {  	s15 =	sadd.s32 $0x1, s15  }
0x137: {  	p0 =	sne.s32 s15, s8  }
.Ltmp2:
0x138: {  	[tilespmem:$0x8000] =	vst v0;
	(pc) =	sbr.rel @p0 .LBB2_1-.Ltmp2, $4  }
0x139: {  	[hbm4b:s7+s2] =	stream.linear.scatter [tilespmem:s14], [sflag:$0x2], $0x10, $0x38;
	[tilespmem:$0x8010] =	vst v63  }
0x13a: {  	_ =	swait.ge [sflag:s9], $0x10  }
0x13b: {  	[sflag:s9] =	ssyncset.done $0x0  }
0x13c: {  	[sflag:s9] =	ssyncadd.s32 $0xFFFFFFF0  }
0x13d: {  	_ =	sfence.sel $0x180000  }
0x13e: {  	[bflag:$0x0] =	sbarrier.arrive $0xFFFF  }
0x13f: {  	p0 =	sne.s32 s1, $0x0;
	_ =	strace $0x90000047  }
0x140: {  	s0 =	sadd.s32 @!p0 $0x100000, s0;
	[bflag:$0x2] =	sbarrier.arrive $0xFFFF  }
0x141: {  	[sflag:s0] =	ssyncadd.tile.s32 @!p0 $0x1;
	_ =	shalt  }
.Lfunc_end2:
_tile_overlayer_lowered:
.L_overlay_start_2:
0x142: {  	(tag) =	ssettag $0x2  }
0x143: {  	s0 =	rddreg [dreg:$0x0];
	s2 =	stileid.u32  }
0x144: {  	s1 =	rddreg [dreg:$0x1];
	p0 =	sne.s32 s2, $0x0  }
0x145: {  	s3 =	rddreg [dreg:$0x2];
	[bflag:$0x3] =	sbarrier.arrive $0xFFFF;
	s2 =	simm.s32 @!p0 $0x1C02  }
0x146: {  	[timem:s3], [sflag:s2] =	dma.local @!p0 [hbm:s0], s1  }
0x147: {  	s0 =	simm.s32 @!p0 $0x2  }
0x148: {  	_ =	swait.ge @!p0 [sflag:s0], s1  }
0x149: {  	s1 =	ssub.s32 @!p0 $0x0, s1;
	[sflag:s0] =	ssyncset.done @!p0 $0x0  }
0x14a: {  	[sflag:s0] =	ssyncadd.s32 @!p0 s1  }
0x14b: {  	[bflag:$0x3] =	sbarrier.arrive $0xFFFF  }
0x14c: {  	_ =	shalt  }

</sc_bundles>
